<compile_context>
chip_gen: v7x
topology: tpu7x:2x2x1
jax: 0.10.2.dev20260603
libtpu: 0.0.44.dev20260713+nightly
codegen_flags: <defaults>
</compile_context>

<pallas_src>
import functools

import jax
import jax.numpy as jnp
from jax import lax
from jax.experimental import pallas as pl
from jax.experimental.pallas import tpu as pltpu
from jax.experimental.pallas import tpu_sc as plsc

_N = 14
_B = 32
_SEQ = 24
_E = 196
_R = _B * _N
_NEG = -1e30


def _dotT(a, b):
    return lax.dot_general(a, b, (((1,), (1,)), ((), ())),
                           preferred_element_type=jnp.float32)


def _dot0(a, b):
    return lax.dot_general(a, b, (((0,), (0,)), ((), ())),
                           preferred_element_type=jnp.float32)


def _dot(a, b):
    return lax.dot_general(a, b, (((1,), (0,)), ((), ())),
                           preferred_element_type=jnp.float32)


def _cnt_sc_body(ei_hbm, out_hbm, ei_v, cnt_v):
    cid = lax.axis_index("c")
    sid = lax.axis_index("s")

    @pl.when(jnp.logical_and(cid == 0, sid == 0))
    def _():
        pltpu.sync_copy(ei_hbm, ei_v)
        iota = lax.iota(jnp.int32, 16)
        for j in range(_N):
            cnt_v[pl.ds(16 * j, 16)] = jnp.where(iota == j, 1.0, 0.0)

        for i in range(13):
            base = 16 * i if i < 12 else 180
            lanes = range(12, 16) if i == 12 else range(16)
            sv = ei_v[0, pl.ds(base, 16)]
            dv = ei_v[1, pl.ds(base, 16)]
            for l in lanes:
                oh = jnp.where(iota == sv[l], 1.0, 0.0)
                plsc.addupdate(cnt_v.at[pl.ds(dv[l] * 16, 16)], oh)
        pltpu.sync_copy(cnt_v, out_hbm)


_cnt_sc = functools.partial(
    pl.kernel,
    out_type=jax.ShapeDtypeStruct((256,), jnp.float32),
    mesh=plsc.VectorSubcoreMesh(core_axis_name="c", subcore_axis_name="s"),
    scratch_types=[
        pltpu.VMEM((2, _E), jnp.int32),
        pltpu.VMEM((256,), jnp.float32),
    ],
)(_cnt_sc_body)


def _body(xl_ref, cnt16_ref, W1_ref, as1_ref, ad1_ref, b1_ref,
          W2T_ref, as2_ref, ad2_ref, b2_ref, A_ref, bA_ref, CT_ref,
          bC_ref, out_ref):
    f32 = jnp.float32

    cnt = cnt16_ref[0:_N, 0:_N]

    r_col = lax.broadcasted_iota(jnp.int32, (_R, 1), 0)
    c_row = lax.broadcasted_iota(jnp.int32, (1, _R), 1)
    node = r_col // _B
    prow = (node ==
            lax.broadcasted_iota(jnp.int32, (_R, _N), 1)).astype(f32)
    cnt_rows = _dot(prow, cnt)
    valid = cnt_rows > 0.0
    sb = ((r_col % _B) == (c_row % _B)).astype(f32)

    def gat_attend(hw, a_s, a_d, b):
        ad_col = _dotT(hw, a_d)
        as_col = _dotT(hw, a_s)
        as_rep = _dot(sb, prow * as_col)
        alpha = ad_col + as_rep
        alpha = jnp.where(alpha > 0.0, alpha, 0.2 * alpha)
        amax = jnp.max(jnp.where(valid, alpha, _NEG), axis=1, keepdims=True)
        e = jnp.where(valid, jnp.exp(alpha - amax), 0.0) * cnt_rows
        denom = jnp.sum(e, axis=1, keepdims=True) + 1e-16
        e_bd = _dotT(e, prow) * sb
        return _dot(e_bd, hw) / denom + b

    V = jnp.concatenate([xl_ref[d] for d in range(_N)], axis=1)
    hw1 = _dot0(V, W1_ref[:])
    out1 = gat_attend(hw1, as1_ref[:].reshape(1, 64),
                      ad1_ref[:].reshape(1, 64), b1_ref[:].reshape(1, 64))
    h1 = jnp.where(out1 > 0.0, out1, jnp.exp(jnp.minimum(out1, 0.0)) - 1.0)

    hw2 = _dotT(h1, W2T_ref[:])
    out2 = gat_attend(hw2, as2_ref[:].reshape(1, 24),
                      ad2_ref[:].reshape(1, 24), b2_ref[:].reshape(1, 24))

    t1 = jnp.concatenate([out2] * _N, axis=1)
    k1 = lax.broadcasted_iota(jnp.int32, (1, _N * _SEQ), 1) // _SEQ
    x1 = jnp.where(node == k1, t1, 0.0)
    hmid = _dot(x1, A_ref[:].reshape(_N * _SEQ, 64)) + _dot(prow, bA_ref[:])
    hmid = jnp.maximum(hmid, 0.0)

    t2 = jnp.concatenate([hmid] * _N, axis=1)
    k2 = lax.broadcasted_iota(jnp.int32, (1, _N * 64), 1) // 64
    x2 = jnp.where(node == k2, t2, 0.0)
    CbigT = jnp.concatenate([CT_ref[k] for k in range(_N)], axis=1)
    pred = _dotT(x2, CbigT) + _dot(prow, bC_ref[:])

    i448 = (c_row == r_col).astype(f32)
    predT = _dot0(pred, i448)
    M = jnp.concatenate([predT[:, d * _B:(d + 1) * _B] for d in range(_N)],
                        axis=0)
    out_ref[:] = M.reshape(_N, _SEQ, _B)


def kernel(x, edge_index, W1, a_src1, a_dst1, b1, W2, a_src2, a_dst2, b2,
           A, bA, C, bC):
    xl = jnp.transpose(x, (2, 1, 0))
    W2T = jnp.transpose(W2)
    CT = jnp.transpose(C, (0, 2, 1))
    cnt16 = _cnt_sc(edge_index).reshape(16, 16)
    Z = pl.pallas_call(
        _body,
        out_shape=jax.ShapeDtypeStruct((_N, _SEQ, _B), jnp.float32),
    )(xl, cnt16, W1, a_src1, a_dst1, b1, W2T, a_src2, a_dst2, b2,
      A, bA, CT, bC)
    return jnp.transpose(Z, (0, 2, 1))

# --- scband reference (transcript-rebuilt; emitter-appended) ---
"""Pipeline reference for scband-stgcn-mlp-60902636257629 (READ-ONLY COPY).

The authoritative reference and input builder live on the scoring server;
editing this copy changes nothing except your own understanding.
"""

import jax, jax.numpy as jnp
import numpy as np

N_NODES = 14
SEQ = 24
BATCH = 32


def _gat_conv(h, src, dst, W, a_src, a_dst, b, n_nodes):
    # GATConv (heads=1, concat=False): linear, per-edge attention logits,
    # leaky_relu(0.2), softmax over incoming edges per dst node, weighted sum.
    hw = h @ W
    alpha = hw[src] @ a_src + hw[dst] @ a_dst
    alpha = jax.nn.leaky_relu(alpha, 0.2)
    amax = jax.ops.segment_max(alpha, dst, num_segments=n_nodes)
    amax = jnp.where(jnp.isfinite(amax), amax, 0.0)
    ex = jnp.exp(alpha - amax[dst])
    denom = jax.ops.segment_sum(ex, dst, num_segments=n_nodes)
    coef = ex / (denom[dst] + 1e-16)
    out = jax.ops.segment_sum(coef[:, None] * hw[src], dst, num_segments=n_nodes)
    return out + b


def setup_inputs(seed: int = 0) -> dict:
    key = jax.random.key(seed)
    ks = jax.random.split(key, 16)
    s = 0.1
    x = jax.random.normal(ks[0], (BATCH, SEQ, N_NODES), dtype=jnp.float32)
    edge_index = jax.random.randint(ks[1], (2, 196), 0, N_NODES, dtype=jnp.int32)
    W1 = s * jax.random.normal(ks[2], (24, 64), dtype=jnp.float32)
    a_src1 = s * jax.random.normal(ks[3], (64,), dtype=jnp.float32)
    a_dst1 = s * jax.random.normal(ks[4], (64,), dtype=jnp.float32)
    b1 = jnp.zeros((64,), dtype=jnp.float32)
    W2 = s * jax.random.normal(ks[5], (64, 24), dtype=jnp.float32)
    a_src2 = s * jax.random.normal(ks[6], (24,), dtype=jnp.float32)
    a_dst2 = s * jax.random.normal(ks[7], (24,), dtype=jnp.float32)
    b2 = jnp.zeros((24,), dtype=jnp.float32)
    A = s * jax.random.normal(ks[8], (N_NODES, 24, 64), dtype=jnp.float32)
    bA = jnp.zeros((N_NODES, 64), dtype=jnp.float32)
    C = s * jax.random.normal(ks[9], (N_NODES, 64, 24), dtype=jnp.float32)
    bC = jnp.zeros((N_NODES, 24), dtype=jnp.float32)
    return {"x": x, "edge_index": edge_index, "W1": W1, "a_src1": a_src1,
            "a_dst1": a_dst1, "b1": b1, "W2": W2, "a_src2": a_src2,
            "a_dst2": a_dst2, "b2": b2, "A": A, "bA": bA, "C": C, "bC": bC}


def reference(x, edge_index, W1, a_src1, a_dst1, b1, W2, a_src2, a_dst2, b2, A, bA, C, bC):
    n = N_NODES
    loops = jnp.arange(n, dtype=edge_index.dtype)
    src = jnp.concatenate([edge_index[0], loops])
    dst = jnp.concatenate([edge_index[1], loops])

    def gat(xb):
        h1 = jax.nn.elu(_gat_conv(xb, src, dst, W1, a_src1, a_dst1, b1, n))
        return _gat_conv(h1, src, dst, W2, a_src2, a_dst2, b2, n)

    xt = jnp.transpose(x, (0, 2, 1))            # [B, N, SEQ]
    out_gat = jax.vmap(gat)(xt)                 # [B, N, 24]
    hmid = jax.nn.relu(jnp.einsum('bkd,kde->bke', out_gat, A) + bA[None])
    pred = jnp.einsum('bke,keo->bko', hmid, C) + bC[None]   # [B, N, 24]
    return jnp.transpose(pred, (1, 0, 2))       # [N, B, SEQ]

if __name__ == "__main__":
    import jax
    _d = setup_inputs()
    print(jax.jit(kernel)(*tuple(_d.values())))

</pallas_src>

<mosaic_0001>
#map = affine_map<(d0, d1) -> (0, 0)>
#map1 = affine_map<(d0, d1) -> (0)>
module attributes {stable_mosaic.version = 14 : i64} {
  func.func @_cnt_sc_body(%arg0: i32, %arg1: i32, %arg2: memref<2x196xi32, #tpu.memory_space<hbm>>, %arg3: memref<256xf32, #tpu.memory_space<hbm>>, %arg4: memref<2x196xi32, #tpu.memory_space<vmem>>, %arg5: memref<256xf32, #tpu.memory_space<vmem>>) attributes {dimension_semantics = [#tpu.dimension_semantics<core_parallel>, #tpu.dimension_semantics<subcore_parallel>], iteration_bounds = array<i64: 2, 16>, scalar_prefetch = 0 : i64, scratch_operands = 2 : i64, tpu.core_type = #tpu.core_type<sc_vector_subcore>, window_params = [{transform_indices = #map}, {transform_indices = #map1}]} {
    %eq3A = arith.constant 0 : i32
    %eq3A_0 = arith.cmpi eq, %arg0, %eq3A : i32
    %eq3A_1 = arith.constant 0 : i32
    %eq3A_2 = arith.cmpi eq, %arg1, %eq3A_1 : i32
    %and3A = arith.andi %eq3A_0, %eq3A_2 : i1
    %convert_element_type3A = arith.extui %and3A : i1 to i32
    %cond3A = arith.constant 0 : i32
    %cond3A_3 = arith.cmpi ne, %convert_element_type3A, %cond3A : i32
    scf.if %cond3A_3 {
      "tpu.region"() ({
        %run_scoped3A = tpu.sem_alloc : memref<!tpu.dma_semaphore, #tpu.memory_space<semaphore_mem>>
        tpu.enqueue_dma source(%arg2 : memref<2x196xi32, #tpu.memory_space<hbm>>) target(%arg4 : memref<2x196xi32, #tpu.memory_space<vmem>>) target_semaphore(%run_scoped3A : memref<!tpu.dma_semaphore, #tpu.memory_space<semaphore_mem>>)
        tpu.wait_dma2 semaphore(%run_scoped3A : memref<!tpu.dma_semaphore, #tpu.memory_space<semaphore_mem>>) src(%arg2 : memref<2x196xi32, #tpu.memory_space<hbm>>) dst(%arg4 : memref<2x196xi32, #tpu.memory_space<vmem>>)
        tpu.yield
      }) : () -> ()
      %iota3A = tpu.iota {dimensions = array<i32: 0>} : vector<16xi32>
      %eq3A_4 = arith.constant 0 : i32
      %eq3A_5 = vector.broadcast %eq3A_4 : i32 to vector<16xi32>
      %eq3A_6 = arith.cmpi eq, %iota3A, %eq3A_5 : vector<16xi32>
      %jit3A = arith.constant 1.000000e+00 : f32
      %jit3A_7 = arith.constant 0.000000e+00 : f32
      %broadcast_in_dim3A = vector.broadcast %jit3A : f32 to vector<16xf32>
      %broadcast_in_dim3A_8 = vector.broadcast %jit3A_7 : f32 to vector<16xf32>
      %select_n3A = arith.select %eq3A_6, %broadcast_in_dim3A, %broadcast_in_dim3A_8 : vector<16xi1>, vector<16xf32>
      %swap3A = arith.constant 0 : index
      %swap3A_9 = tpu.vector_load %arg5[%swap3A] {strides = array<i32>} : memref<256xf32, #tpu.memory_space<vmem>>, vector<16xf32>,
      %swap3A_10 = vector.shape_cast %swap3A_9 : vector<16xf32> to vector<16xf32>
      %swap3A_11 = vector.shape_cast %select_n3A : vector<16xf32> to vector<16xf32>
      tpu.vector_store %arg5[%swap3A], %swap3A_11 {strides = array<i32>} : memref<256xf32, #tpu.memory_space<vmem>>, vector<16xf32>,
      %eq3A_12 = arith.constant 1 : i32
      %eq3A_13 = vector.broadcast %eq3A_12 : i32 to vector<16xi32>
      %eq3A_14 = arith.cmpi eq, %iota3A, %eq3A_13 : vector<16xi32>
      %jit3A_15 = arith.constant 1.000000e+00 : f32
      %jit3A_16 = arith.constant 0.000000e+00 : f32
      %broadcast_in_dim3A_17 = vector.broadcast %jit3A_15 : f32 to vector<16xf32>
      %broadcast_in_dim3A_18 = vector.broadcast %jit3A_16 : f32 to vector<16xf32>
      %select_n3A_19 = arith.select %eq3A_14, %broadcast_in_dim3A_17, %broadcast_in_dim3A_18 : vector<16xi1>, vector<16xf32>
      %swap3A_20 = arith.constant 16 : index
      %swap3A_21 = tpu.vector_load %arg5[%swap3A_20] {strides = array<i32>} : memref<256xf32, #tpu.memory_space<vmem>>, vector<16xf32>,
      %swap3A_22 = vector.shape_cast %swap3A_21 : vector<16xf32> to vector<16xf32>
      %swap3A_23 = vector.shape_cast %select_n3A_19 : vector<16xf32> to vector<16xf32>
      tpu.vector_store %arg5[%swap3A_20], %swap3A_23 {strides = array<i32>} : memref<256xf32, #tpu.memory_space<vmem>>, vector<16xf32>,
      %eq3A_24 = arith.constant 2 : i32
      %eq3A_25 = vector.broadcast %eq3A_24 : i32 to vector<16xi32>
      %eq3A_26 = arith.cmpi eq, %iota3A, %eq3A_25 : vector<16xi32>
      %jit3A_27 = arith.constant 1.000000e+00 : f32
      %jit3A_28 = arith.constant 0.000000e+00 : f32
      %broadcast_in_dim3A_29 = vector.broadcast %jit3A_27 : f32 to vector<16xf32>
      %broadcast_in_dim3A_30 = vector.broadcast %jit3A_28 : f32 to vector<16xf32>
      %select_n3A_31 = arith.select %eq3A_26, %broadcast_in_dim3A_29, %broadcast_in_dim3A_30 : vector<16xi1>, vector<16xf32>
      %swap3A_32 = arith.constant 32 : index
      %swap3A_33 = tpu.vector_load %arg5[%swap3A_32] {strides = array<i32>} : memref<256xf32, #tpu.memory_space<vmem>>, vector<16xf32>,
      %swap3A_34 = vector.shape_cast %swap3A_33 : vector<16xf32> to vector<16xf32>
      %swap3A_35 = vector.shape_cast %select_n3A_31 : vector<16xf32> to vector<16xf32>
      tpu.vector_store %arg5[%swap3A_32], %swap3A_35 {strides = array<i32>} : memref<256xf32, #tpu.memory_space<vmem>>, vector<16xf32>,
      %eq3A_36 = arith.constant 3 : i32
      %eq3A_37 = vector.broadcast %eq3A_36 : i32 to vector<16xi32>
      %eq3A_38 = arith.cmpi eq, %iota3A, %eq3A_37 : vector<16xi32>
      %jit3A_39 = arith.constant 1.000000e+00 : f32
      %jit3A_40 = arith.constant 0.000000e+00 : f32
      %broadcast_in_dim3A_41 = vector.broadcast %jit3A_39 : f32 to vector<16xf32>
      %broadcast_in_dim3A_42 = vector.broadcast %jit3A_40 : f32 to vector<16xf32>
      %select_n3A_43 = arith.select %eq3A_38, %broadcast_in_dim3A_41, %broadcast_in_dim3A_42 : vector<16xi1>, vector<16xf32>
      %swap3A_44 = arith.constant 48 : index
      %swap3A_45 = tpu.vector_load %arg5[%swap3A_44] {strides = array<i32>} : memref<256xf32, #tpu.memory_space<vmem>>, vector<16xf32>,
      %swap3A_46 = vector.shape_cast %swap3A_45 : vector<16xf32> to vector<16xf32>
      %swap3A_47 = vector.shape_cast %select_n3A_43 : vector<16xf32> to vector<16xf32>
      tpu.vector_store %arg5[%swap3A_44], %swap3A_47 {strides = array<i32>} : memref<256xf32, #tpu.memory_space<vmem>>, vector<16xf32>,
      %eq3A_48 = arith.constant 4 : i32
      %eq3A_49 = vector.broadcast %eq3A_48 : i32 to vector<16xi32>
      %eq3A_50 = arith.cmpi eq, %iota3A, %eq3A_49 : vector<16xi32>
      %jit3A_51 = arith.constant 1.000000e+00 : f32
      %jit3A_52 = arith.constant 0.000000e+00 : f32
      %broadcast_in_dim3A_53 = vector.broadcast %jit3A_51 : f32 to vector<16xf32>
      %broadcast_in_dim3A_54 = vector.broadcast %jit3A_52 : f32 to vector<16xf32>
      %select_n3A_55 = arith.select %eq3A_50, %broadcast_in_dim3A_53, %broadcast_in_dim3A_54 : vector<16xi1>, vector<16xf32>
      %swap3A_56 = arith.constant 64 : index
      %swap3A_57 = tpu.vector_load %arg5[%swap3A_56] {strides = array<i32>} : memref<256xf32, #tpu.memory_space<vmem>>, vector<16xf32>,
      %swap3A_58 = vector.shape_cast %swap3A_57 : vector<16xf32> to vector<16xf32>
      %swap3A_59 = vector.shape_cast %select_n3A_55 : vector<16xf32> to vector<16xf32>
      tpu.vector_store %arg5[%swap3A_56], %swap3A_59 {strides = array<i32>} : memref<256xf32, #tpu.memory_space<vmem>>, vector<16xf32>,
      %eq3A_60 = arith.constant 5 : i32
      %eq3A_61 = vector.broadcast %eq3A_60 : i32 to vector<16xi32>
      %eq3A_62 = arith.cmpi eq, %iota3A, %eq3A_61 : vector<16xi32>
      %jit3A_63 = arith.constant 1.000000e+00 : f32
      %jit3A_64 = arith.constant 0.000000e+00 : f32
      %broadcast_in_dim3A_65 = vector.broadcast %jit3A_63 : f32 to vector<16xf32>
      %broadcast_in_dim3A_66 = vector.broadcast %jit3A_64 : f32 to vector<16xf32>
      %select_n3A_67 = arith.select %eq3A_62, %broadcast_in_dim3A_65, %broadcast_in_dim3A_66 : vector<16xi1>, vector<16xf32>
      %swap3A_68 = arith.constant 80 : index
      %swap3A_69 = tpu.vector_load %arg5[%swap3A_68] {strides = array<i32>} : memref<256xf32, #tpu.memory_space<vmem>>, vector<16xf32>,
      %swap3A_70 = vector.shape_cast %swap3A_69 : vector<16xf32> to vector<16xf32>
      %swap3A_71 = vector.shape_cast %select_n3A_67 : vector<16xf32> to vector<16xf32>
      tpu.vector_store %arg5[%swap3A_68], %swap3A_71 {strides = array<i32>} : memref<256xf32, #tpu.memory_space<vmem>>, vector<16xf32>,
      %eq3A_72 = arith.constant 6 : i32
      %eq3A_73 = vector.broadcast %eq3A_72 : i32 to vector<16xi32>
      %eq3A_74 = arith.cmpi eq, %iota3A, %eq3A_73 : vector<16xi32>
      %jit3A_75 = arith.constant 1.000000e+00 : f32
      %jit3A_76 = arith.constant 0.000000e+00 : f32
      %broadcast_in_dim3A_77 = vector.broadcast %jit3A_75 : f32 to vector<16xf32>
      %broadcast_in_dim3A_78 = vector.broadcast %jit3A_76 : f32 to vector<16xf32>
      %select_n3A_79 = arith.select %eq3A_74, %broadcast_in_dim3A_77, %broadcast_in_dim3A_78 : vector<16xi1>, vector<16xf32>
      %swap3A_80 = arith.constant 96 : index
      %swap3A_81 = tpu.vector_load %arg5[%swap3A_80] {strides = array<i32>} : memref<256xf32, #tpu.memory_space<vmem>>, vector<16xf32>,
      %swap3A_82 = vector.shape_cast %swap3A_81 : vector<16xf32> to vector<16xf32>
      %swap3A_83 = vector.shape_cast %select_n3A_79 : vector<16xf32> to vector<16xf32>
      tpu.vector_store %arg5[%swap3A_80], %swap3A_83 {strides = array<i32>} : memref<256xf32, #tpu.memory_space<vmem>>, vector<16xf32>,
      %eq3A_84 = arith.constant 7 : i32
      %eq3A_85 = vector.broadcast %eq3A_84 : i32 to vector<16xi32>
      %eq3A_86 = arith.cmpi eq, %iota3A, %eq3A_85 : vector<16xi32>
      %jit3A_87 = arith.constant 1.000000e+00 : f32
      %jit3A_88 = arith.constant 0.000000e+00 : f32
      %broadcast_in_dim3A_89 = vector.broadcast %jit3A_87 : f32 to vector<16xf32>
      %broadcast_in_dim3A_90 = vector.broadcast %jit3A_88 : f32 to vector<16xf32>
      %select_n3A_91 = arith.select %eq3A_86, %broadcast_in_dim3A_89, %broadcast_in_dim3A_90 : vector<16xi1>, vector<16xf32>
      %swap3A_92 = arith.constant 112 : index
      %swap3A_93 = tpu.vector_load %arg5[%swap3A_92] {strides = array<i32>} : memref<256xf32, #tpu.memory_space<vmem>>, vector<16xf32>,
      %swap3A_94 = vector.shape_cast %swap3A_93 : vector<16xf32> to vector<16xf32>
      %swap3A_95 = vector.shape_cast %select_n3A_91 : vector<16xf32> to vector<16xf32>
      tpu.vector_store %arg5[%swap3A_92], %swap3A_95 {strides = array<i32>} : memref<256xf32, #tpu.memory_space<vmem>>, vector<16xf32>,
      %eq3A_96 = arith.constant 8 : i32
      %eq3A_97 = vector.broadcast %eq3A_96 : i32 to vector<16xi32>
      %eq3A_98 = arith.cmpi eq, %iota3A, %eq3A_97 : vector<16xi32>
      %jit3A_99 = arith.constant 1.000000e+00 : f32
      %jit3A_100 = arith.constant 0.000000e+00 : f32
      %broadcast_in_dim3A_101 = vector.broadcast %jit3A_99 : f32 to vector<16xf32>
      %broadcast_in_dim3A_102 = vector.broadcast %jit3A_100 : f32 to vector<16xf32>
      %select_n3A_103 = arith.select %eq3A_98, %broadcast_in_dim3A_101, %broadcast_in_dim3A_102 : vector<16xi1>, vector<16xf32>
      %swap3A_104 = arith.constant 128 : index
      %swap3A_105 = tpu.vector_load %arg5[%swap3A_104] {strides = array<i32>} : memref<256xf32, #tpu.memory_space<vmem>>, vector<16xf32>,
      %swap3A_106 = vector.shape_cast %swap3A_105 : vector<16xf32> to vector<16xf32>
      %swap3A_107 = vector.shape_cast %select_n3A_103 : vector<16xf32> to vector<16xf32>
      tpu.vector_store %arg5[%swap3A_104], %swap3A_107 {strides = array<i32>} : memref<256xf32, #tpu.memory_space<vmem>>, vector<16xf32>,
      %eq3A_108 = arith.constant 9 : i32
      %eq3A_109 = vector.broadcast %eq3A_108 : i32 to vector<16xi32>
      %eq3A_110 = arith.cmpi eq, %iota3A, %eq3A_109 : vector<16xi32>
      %jit3A_111 = arith.constant 1.000000e+00 : f32
      %jit3A_112 = arith.constant 0.000000e+00 : f32
      %broadcast_in_dim3A_113 = vector.broadcast %jit3A_111 : f32 to vector<16xf32>
      %broadcast_in_dim3A_114 = vector.broadcast %jit3A_112 : f32 to vector<16xf32>
      %select_n3A_115 = arith.select %eq3A_110, %broadcast_in_dim3A_113, %broadcast_in_dim3A_114 : vector<16xi1>, vector<16xf32>
      %swap3A_116 = arith.constant 144 : index
      %swap3A_117 = tpu.vector_load %arg5[%swap3A_116] {strides = array<i32>} : memref<256xf32, #tpu.memory_space<vmem>>, vector<16xf32>,
      %swap3A_118 = vector.shape_cast %swap3A_117 : vector<16xf32> to vector<16xf32>
      %swap3A_119 = vector.shape_cast %select_n3A_115 : vector<16xf32> to vector<16xf32>
      tpu.vector_store %arg5[%swap3A_116], %swap3A_119 {strides = array<i32>} : memref<256xf32, #tpu.memory_space<vmem>>, vector<16xf32>,
      %eq3A_120 = arith.constant 10 : i32
      %eq3A_121 = vector.broadcast %eq3A_120 : i32 to vector<16xi32>
      %eq3A_122 = arith.cmpi eq, %iota3A, %eq3A_121 : vector<16xi32>
      %jit3A_123 = arith.constant 1.000000e+00 : f32
      %jit3A_124 = arith.constant 0.000000e+00 : f32
      %broadcast_in_dim3A_125 = vector.broadcast %jit3A_123 : f32 to vector<16xf32>
      %broadcast_in_dim3A_126 = vector.broadcast %jit3A_124 : f32 to vector<16xf32>
      %select_n3A_127 = arith.select %eq3A_122, %broadcast_in_dim3A_125, %broadcast_in_dim3A_126 : vector<16xi1>, vector<16xf32>
      %swap3A_128 = arith.constant 160 : index
      %swap3A_129 = tpu.vector_load %arg5[%swap3A_128] {strides = array<i32>} : memref<256xf32, #tpu.memory_space<vmem>>, vector<16xf32>,
      %swap3A_130 = vector.shape_cast %swap3A_129 : vector<16xf32> to vector<16xf32>
      %swap3A_131 = vector.shape_cast %select_n3A_127 : vector<16xf32> to vector<16xf32>
      tpu.vector_store %arg5[%swap3A_128], %swap3A_131 {strides = array<i32>} : memref<256xf32, #tpu.memory_space<vmem>>, vector<16xf32>,
      %eq3A_132 = arith.constant 11 : i32
      %eq3A_133 = vector.broadcast %eq3A_132 : i32 to vector<16xi32>
      %eq3A_134 = arith.cmpi eq, %iota3A, %eq3A_133 : vector<16xi32>
      %jit3A_135 = arith.constant 1.000000e+00 : f32
      %jit3A_136 = arith.constant 0.000000e+00 : f32
      %broadcast_in_dim3A_137 = vector.broadcast %jit3A_135 : f32 to vector<16xf32>
      %broadcast_in_dim3A_138 = vector.broadcast %jit3A_136 : f32 to vector<16xf32>
      %select_n3A_139 = arith.select %eq3A_134, %broadcast_in_dim3A_137, %broadcast_in_dim3A_138 : vector<16xi1>, vector<16xf32>
      %swap3A_140 = arith.constant 176 : index
      %swap3A_141 = tpu.vector_load %arg5[%swap3A_140] {strides = array<i32>} : memref<256xf32, #tpu.memory_space<vmem>>, vector<16xf32>,
      %swap3A_142 = vector.shape_cast %swap3A_141 : vector<16xf32> to vector<16xf32>
      %swap3A_143 = vector.shape_cast %select_n3A_139 : vector<16xf32> to vector<16xf32>
      tpu.vector_store %arg5[%swap3A_140], %swap3A_143 {strides = array<i32>} : memref<256xf32, #tpu.memory_space<vmem>>, vector<16xf32>,
      %eq3A_144 = arith.constant 12 : i32
      %eq3A_145 = vector.broadcast %eq3A_144 : i32 to vector<16xi32>
      %eq3A_146 = arith.cmpi eq, %iota3A, %eq3A_145 : vector<16xi32>
      %jit3A_147 = arith.constant 1.000000e+00 : f32
      %jit3A_148 = arith.constant 0.000000e+00 : f32
      %broadcast_in_dim3A_149 = vector.broadcast %jit3A_147 : f32 to vector<16xf32>
      %broadcast_in_dim3A_150 = vector.broadcast %jit3A_148 : f32 to vector<16xf32>
      %select_n3A_151 = arith.select %eq3A_146, %broadcast_in_dim3A_149, %broadcast_in_dim3A_150 : vector<16xi1>, vector<16xf32>
      %swap3A_152 = arith.constant 192 : index
      %swap3A_153 = tpu.vector_load %arg5[%swap3A_152] {strides = array<i32>} : memref<256xf32, #tpu.memory_space<vmem>>, vector<16xf32>,
      %swap3A_154 = vector.shape_cast %swap3A_153 : vector<16xf32> to vector<16xf32>
      %swap3A_155 = vector.shape_cast %select_n3A_151 : vector<16xf32> to vector<16xf32>
      tpu.vector_store %arg5[%swap3A_152], %swap3A_155 {strides = array<i32>} : memref<256xf32, #tpu.memory_space<vmem>>, vector<16xf32>,
      %eq3A_156 = arith.constant 13 : i32
      %eq3A_157 = vector.broadcast %eq3A_156 : i32 to vector<16xi32>
      %eq3A_158 = arith.cmpi eq, %iota3A, %eq3A_157 : vector<16xi32>
      %jit3A_159 = arith.constant 1.000000e+00 : f32
      %jit3A_160 = arith.constant 0.000000e+00 : f32
      %broadcast_in_dim3A_161 = vector.broadcast %jit3A_159 : f32 to vector<16xf32>
      %broadcast_in_dim3A_162 = vector.broadcast %jit3A_160 : f32 to vector<16xf32>
      %select_n3A_163 = arith.select %eq3A_158, %broadcast_in_dim3A_161, %broadcast_in_dim3A_162 : vector<16xi1>, vector<16xf32>
      %swap3A_164 = arith.constant 208 : index
      %swap3A_165 = tpu.vector_load %arg5[%swap3A_164] {strides = array<i32>} : memref<256xf32, #tpu.memory_space<vmem>>, vector<16xf32>,
      %swap3A_166 = vector.shape_cast %swap3A_165 : vector<16xf32> to vector<16xf32>
      %swap3A_167 = vector.shape_cast %select_n3A_163 : vector<16xf32> to vector<16xf32>
      tpu.vector_store %arg5[%swap3A_164], %swap3A_167 {strides = array<i32>} : memref<256xf32, #tpu.memory_space<vmem>>, vector<16xf32>,
      %get3A = arith.constant 0 : i32
      %get3A_168 = arith.index_cast %get3A : i32 to index
      %get3A_169 = arith.constant 0 : index
      %get3A_170 = tpu.vector_load %arg4[%get3A_168, %get3A_169] {strides = array<i32>} : memref<2x196xi32, #tpu.memory_space<vmem>>, vector<1x16xi32>,
      %get3A_171 = vector.shape_cast %get3A_170 : vector<1x16xi32> to vector<16xi32>
      %get3A_172 = arith.constant 1 : i32
      %get3A_173 = arith.index_cast %get3A_172 : i32 to index
      %get3A_174 = arith.constant 0 : index
      %get3A_175 = tpu.vector_load %arg4[%get3A_173, %get3A_174] {strides = array<i32>} : memref<2x196xi32, #tpu.memory_space<vmem>>, vector<1x16xi32>,
      %get3A_176 = vector.shape_cast %get3A_175 : vector<1x16xi32> to vector<16xi32>
      %slice3A = vector.extract_strided_slice %get3A_171 {offsets = [0], sizes = [1], strides = [1]} : vector<16xi32> to vector<1xi32>
      %squeeze3A = vector.extract %slice3A[0] : i32 from vector<1xi32>
      %eq3A_177 = vector.broadcast %squeeze3A : i32 to vector<16xi32>
      %eq3A_178 = arith.cmpi eq, %iota3A, %eq3A_177 : vector<16xi32>
      %jit3A_179 = arith.constant 1.000000e+00 : f32
      %jit3A_180 = arith.constant 0.000000e+00 : f32
      %broadcast_in_dim3A_181 = vector.broadcast %jit3A_179 : f32 to vector<16xf32>
      %broadcast_in_dim3A_182 = vector.broadcast %jit3A_180 : f32 to vector<16xf32>
      %select_n3A_183 = arith.select %eq3A_178, %broadcast_in_dim3A_181, %broadcast_in_dim3A_182 : vector<16xi1>, vector<16xf32>
      %slice3A_184 = vector.extract_strided_slice %get3A_176 {offsets = [0], sizes = [1], strides = [1]} : vector<16xi32> to vector<1xi32>
      %squeeze3A_185 = vector.extract %slice3A_184[0] : i32 from vector<1xi32>
      %mul3A = arith.constant 16 : i32
      %mul3A_186 = arith.muli %squeeze3A_185, %mul3A : i32
      %swap3A_187 = arith.index_cast %mul3A_186 : i32 to index
      %swap3A_188 = tpu.vector_load %arg5[%swap3A_187] {strides = array<i32>} : memref<256xf32, #tpu.memory_space<vmem>>, vector<16xf32>,
      %swap3A_189 = vector.shape_cast %swap3A_188 : vector<16xf32> to vector<16xf32>
      %swap3A_190 = vector.shape_cast %select_n3A_183 : vector<16xf32> to vector<16xf32>
      tpu.vector_store %arg5[%swap3A_187], %swap3A_190 {add = true, strides = array<i32>} : memref<256xf32, #tpu.memory_space<vmem>>, vector<16xf32>,
      %slice3A_191 = vector.extract_strided_slice %get3A_171 {offsets = [1], sizes = [1], strides = [1]} : vector<16xi32> to vector<1xi32>
      %squeeze3A_192 = vector.extract %slice3A_191[0] : i32 from vector<1xi32>
      %eq3A_193 = vector.broadcast %squeeze3A_192 : i32 to vector<16xi32>
      %eq3A_194 = arith.cmpi eq, %iota3A, %eq3A_193 : vector<16xi32>
      %jit3A_195 = arith.constant 1.000000e+00 : f32
      %jit3A_196 = arith.constant 0.000000e+00 : f32
      %broadcast_in_dim3A_197 = vector.broadcast %jit3A_195 : f32 to vector<16xf32>
      %broadcast_in_dim3A_198 = vector.broadcast %jit3A_196 : f32 to vector<16xf32>
      %select_n3A_199 = arith.select %eq3A_194, %broadcast_in_dim3A_197, %broadcast_in_dim3A_198 : vector<16xi1>, vector<16xf32>
      %slice3A_200 = vector.extract_strided_slice %get3A_176 {offsets = [1], sizes = [1], strides = [1]} : vector<16xi32> to vector<1xi32>
      %squeeze3A_201 = vector.extract %slice3A_200[0] : i32 from vector<1xi32>
      %mul3A_202 = arith.constant 16 : i32
      %mul3A_203 = arith.muli %squeeze3A_201, %mul3A_202 : i32
      %swap3A_204 = arith.index_cast %mul3A_203 : i32 to index
      %swap3A_205 = tpu.vector_load %arg5[%swap3A_204] {strides = array<i32>} : memref<256xf32, #tpu.memory_space<vmem>>, vector<16xf32>,
      %swap3A_206 = vector.shape_cast %swap3A_205 : vector<16xf32> to vector<16xf32>
      %swap3A_207 = vector.shape_cast %select_n3A_199 : vector<16xf32> to vector<16xf32>
      tpu.vector_store %arg5[%swap3A_204], %swap3A_207 {add = true, strides = array<i32>} : memref<256xf32, #tpu.memory_space<vmem>>, vector<16xf32>,
      %slice3A_208 = vector.extract_strided_slice %get3A_171 {offsets = [2], sizes = [1], strides = [1]} : vector<16xi32> to vector<1xi32>
      %squeeze3A_209 = vector.extract %slice3A_208[0] : i32 from vector<1xi32>
      %eq3A_210 = vector.broadcast %squeeze3A_209 : i32 to vector<16xi32>
      %eq3A_211 = arith.cmpi eq, %iota3A, %eq3A_210 : vector<16xi32>
      %jit3A_212 = arith.constant 1.000000e+00 : f32
      %jit3A_213 = arith.constant 0.000000e+00 : f32
      %broadcast_in_dim3A_214 = vector.broadcast %jit3A_212 : f32 to vector<16xf32>
      %broadcast_in_dim3A_215 = vector.broadcast %jit3A_213 : f32 to vector<16xf32>
      %select_n3A_216 = arith.select %eq3A_211, %broadcast_in_dim3A_214, %broadcast_in_dim3A_215 : vector<16xi1>, vector<16xf32>
      %slice3A_217 = vector.extract_strided_slice %get3A_176 {offsets = [2], sizes = [1], strides = [1]} : vector<16xi32> to vector<1xi32>
      %squeeze3A_218 = vector.extract %slice3A_217[0] : i32 from vector<1xi32>
      %mul3A_219 = arith.constant 16 : i32
      %mul3A_220 = arith.muli %squeeze3A_218, %mul3A_219 : i32
      %swap3A_221 = arith.index_cast %mul3A_220 : i32 to index
      %swap3A_222 = tpu.vector_load %arg5[%swap3A_221] {strides = array<i32>} : memref<256xf32, #tpu.memory_space<vmem>>, vector<16xf32>,
      %swap3A_223 = vector.shape_cast %swap3A_222 : vector<16xf32> to vector<16xf32>
      %swap3A_224 = vector.shape_cast %select_n3A_216 : vector<16xf32> to vector<16xf32>
      tpu.vector_store %arg5[%swap3A_221], %swap3A_224 {add = true, strides = array<i32>} : memref<256xf32, #tpu.memory_space<vmem>>, vector<16xf32>,
      %slice3A_225 = vector.extract_strided_slice %get3A_171 {offsets = [3], sizes = [1], strides = [1]} : vector<16xi32> to vector<1xi32>
      %squeeze3A_226 = vector.extract %slice3A_225[0] : i32 from vector<1xi32>
      %eq3A_227 = vector.broadcast %squeeze3A_226 : i32 to vector<16xi32>
      %eq3A_228 = arith.cmpi eq, %iota3A, %eq3A_227 : vector<16xi32>
      %jit3A_229 = arith.constant 1.000000e+00 : f32
      %jit3A_230 = arith.constant 0.000000e+00 : f32
      %broadcast_in_dim3A_231 = vector.broadcast %jit3A_229 : f32 to vector<16xf32>
      %broadcast_in_dim3A_232 = vector.broadcast %jit3A_230 : f32 to vector<16xf32>
      %select_n3A_233 = arith.select %eq3A_228, %broadcast_in_dim3A_231, %broadcast_in_dim3A_232 : vector<16xi1>, vector<16xf32>
      %slice3A_234 = vector.extract_strided_slice %get3A_176 {offsets = [3], sizes = [1], strides = [1]} : vector<16xi32> to vector<1xi32>
      %squeeze3A_235 = vector.extract %slice3A_234[0] : i32 from vector<1xi32>
      %mul3A_236 = arith.constant 16 : i32
      %mul3A_237 = arith.muli %squeeze3A_235, %mul3A_236 : i32
      %swap3A_238 = arith.index_cast %mul3A_237 : i32 to index
      %swap3A_239 = tpu.vector_load %arg5[%swap3A_238] {strides = array<i32>} : memref<256xf32, #tpu.memory_space<vmem>>, vector<16xf32>,
      %swap3A_240 = vector.shape_cast %swap3A_239 : vector<16xf32> to vector<16xf32>
      %swap3A_241 = vector.shape_cast %select_n3A_233 : vector<16xf32> to vector<16xf32>
      tpu.vector_store %arg5[%swap3A_238], %swap3A_241 {add = true, strides = array<i32>} : memref<256xf32, #tpu.memory_space<vmem>>, vector<16xf32>,
      %slice3A_242 = vector.extract_strided_slice %get3A_171 {offsets = [4], sizes = [1], strides = [1]} : vector<16xi32> to vector<1xi32>
      %squeeze3A_243 = vector.extract %slice3A_242[0] : i32 from vector<1xi32>
      %eq3A_244 = vector.broadcast %squeeze3A_243 : i32 to vector<16xi32>
      %eq3A_245 = arith.cmpi eq, %iota3A, %eq3A_244 : vector<16xi32>
      %jit3A_246 = arith.constant 1.000000e+00 : f32
      %jit3A_247 = arith.constant 0.000000e+00 : f32
      %broadcast_in_dim3A_248 = vector.broadcast %jit3A_246 : f32 to vector<16xf32>
      %broadcast_in_dim3A_249 = vector.broadcast %jit3A_247 : f32 to vector<16xf32>
      %select_n3A_250 = arith.select %eq3A_245, %broadcast_in_dim3A_248, %broadcast_in_dim3A_249 : vector<16xi1>, vector<16xf32>
      %slice3A_251 = vector.extract_strided_slice %get3A_176 {offsets = [4], sizes = [1], strides = [1]} : vector<16xi32> to vector<1xi32>
      %squeeze3A_252 = vector.extract %slice3A_251[0] : i32 from vector<1xi32>
      %mul3A_253 = arith.constant 16 : i32
      %mul3A_254 = arith.muli %squeeze3A_252, %mul3A_253 : i32
      %swap3A_255 = arith.index_cast %mul3A_254 : i32 to index
      %swap3A_256 = tpu.vector_load %arg5[%swap3A_255] {strides = array<i32>} : memref<256xf32, #tpu.memory_space<vmem>>, vector<16xf32>,
      %swap3A_257 = vector.shape_cast %swap3A_256 : vector<16xf32> to vector<16xf32>
      %swap3A_258 = vector.shape_cast %select_n3A_250 : vector<16xf32> to vector<16xf32>
      tpu.vector_store %arg5[%swap3A_255], %swap3A_258 {add = true, strides = array<i32>} : memref<256xf32, #tpu.memory_space<vmem>>, vector<16xf32>,
      %slice3A_259 = vector.extract_strided_slice %get3A_171 {offsets = [5], sizes = [1], strides = [1]} : vector<16xi32> to vector<1xi32>
      %squeeze3A_260 = vector.extract %slice3A_259[0] : i32 from vector<1xi32>
      %eq3A_261 = vector.broadcast %squeeze3A_260 : i32 to vector<16xi32>
      %eq3A_262 = arith.cmpi eq, %iota3A, %eq3A_261 : vector<16xi32>
      %jit3A_263 = arith.constant 1.000000e+00 : f32
      %jit3A_264 = arith.constant 0.000000e+00 : f32
      %broadcast_in_dim3A_265 = vector.broadcast %jit3A_263 : f32 to vector<16xf32>
      %broadcast_in_dim3A_266 = vector.broadcast %jit3A_264 : f32 to vector<16xf32>
      %select_n3A_267 = arith.select %eq3A_262, %broadcast_in_dim3A_265, %broadcast_in_dim3A_266 : vector<16xi1>, vector<16xf32>
      %slice3A_268 = vector.extract_strided_slice %get3A_176 {offsets = [5], sizes = [1], strides = [1]} : vector<16xi32> to vector<1xi32>
      %squeeze3A_269 = vector.extract %slice3A_268[0] : i32 from vector<1xi32>
      %mul3A_270 = arith.constant 16 : i32
      %mul3A_271 = arith.muli %squeeze3A_269, %mul3A_270 : i32
      %swap3A_272 = arith.index_cast %mul3A_271 : i32 to index
      %swap3A_273 = tpu.vector_load %arg5[%swap3A_272] {strides = array<i32>} : memref<256xf32, #tpu.memory_space<vmem>>, vector<16xf32>,
      %swap3A_274 = vector.shape_cast %swap3A_273 : vector<16xf32> to vector<16xf32>
      %swap3A_275 = vector.shape_cast %select_n3A_267 : vector<16xf32> to vector<16xf32>
      tpu.vector_store %arg5[%swap3A_272], %swap3A_275 {add = true, strides = array<i32>} : memref<256xf32, #tpu.memory_space<vmem>>, vector<16xf32>,
      %slice3A_276 = vector.extract_strided_slice %get3A_171 {offsets = [6], sizes = [1], strides = [1]} : vector<16xi32> to vector<1xi32>
      %squeeze3A_277 = vector.extract %slice3A_276[0] : i32 from vector<1xi32>
      %eq3A_278 = vector.broadcast %squeeze3A_277 : i32 to vector<16xi32>
      %eq3A_279 = arith.cmpi eq, %iota3A, %eq3A_278 : vector<16xi32>
      %jit3A_280 = arith.constant 1.000000e+00 : f32
      %jit3A_281 = arith.constant 0.000000e+00 : f32
      %broadcast_in_dim3A_282 = vector.broadcast %jit3A_280 : f32 to vector<16xf32>
      %broadcast_in_dim3A_283 = vector.broadcast %jit3A_281 : f32 to vector<16xf32>
      %select_n3A_284 = arith.select %eq3A_279, %broadcast_in_dim3A_282, %broadcast_in_dim3A_283 : vector<16xi1>, vector<16xf32>
      %slice3A_285 = vector.extract_strided_slice %get3A_176 {offsets = [6], sizes = [1], strides = [1]} : vector<16xi32> to vector<1xi32>
      %squeeze3A_286 = vector.extract %slice3A_285[0] : i32 from vector<1xi32>
      %mul3A_287 = arith.constant 16 : i32
      %mul3A_288 = arith.muli %squeeze3A_286, %mul3A_287 : i32
      %swap3A_289 = arith.index_cast %mul3A_288 : i32 to index
      %swap3A_290 = tpu.vector_load %arg5[%swap3A_289] {strides = array<i32>} : memref<256xf32, #tpu.memory_space<vmem>>, vector<16xf32>,
      %swap3A_291 = vector.shape_cast %swap3A_290 : vector<16xf32> to vector<16xf32>
      %swap3A_292 = vector.shape_cast %select_n3A_284 : vector<16xf32> to vector<16xf32>
      tpu.vector_store %arg5[%swap3A_289], %swap3A_292 {add = true, strides = array<i32>} : memref<256xf32, #tpu.memory_space<vmem>>, vector<16xf32>,
      %slice3A_293 = vector.extract_strided_slice %get3A_171 {offsets = [7], sizes = [1], strides = [1]} : vector<16xi32> to vector<1xi32>
      %squeeze3A_294 = vector.extract %slice3A_293[0] : i32 from vector<1xi32>
      %eq3A_295 = vector.broadcast %squeeze3A_294 : i32 to vector<16xi32>
      %eq3A_296 = arith.cmpi eq, %iota3A, %eq3A_295 : vector<16xi32>
      %jit3A_297 = arith.constant 1.000000e+00 : f32
      %jit3A_298 = arith.constant 0.000000e+00 : f32
      %broadcast_in_dim3A_299 = vector.broadcast %jit3A_297 : f32 to vector<16xf32>
      %broadcast_in_dim3A_300 = vector.broadcast %jit3A_298 : f32 to vector<16xf32>
      %select_n3A_301 = arith.select %eq3A_296, %broadcast_in_dim3A_299, %broadcast_in_dim3A_300 : vector<16xi1>, vector<16xf32>
      %slice3A_302 = vector.extract_strided_slice %get3A_176 {offsets = [7], sizes = [1], strides = [1]} : vector<16xi32> to vector<1xi32>
      %squeeze3A_303 = vector.extract %slice3A_302[0] : i32 from vector<1xi32>
      %mul3A_304 = arith.constant 16 : i32
      %mul3A_305 = arith.muli %squeeze3A_303, %mul3A_304 : i32
      %swap3A_306 = arith.index_cast %mul3A_305 : i32 to index
      %swap3A_307 = tpu.vector_load %arg5[%swap3A_306] {strides = array<i32>} : memref<256xf32, #tpu.memory_space<vmem>>, vector<16xf32>,
      %swap3A_308 = vector.shape_cast %swap3A_307 : vector<16xf32> to vector<16xf32>
      %swap3A_309 = vector.shape_cast %select_n3A_301 : vector<16xf32> to vector<16xf32>
      tpu.vector_store %arg5[%swap3A_306], %swap3A_309 {add = true, strides = array<i32>} : memref<256xf32, #tpu.memory_space<vmem>>, vector<16xf32>,
      %slice3A_310 = vector.extract_strided_slice %get3A_171 {offsets = [8], sizes = [1], strides = [1]} : vector<16xi32> to vector<1xi32>
      %squeeze3A_311 = vector.extract %slice3A_310[0] : i32 from vector<1xi32>
      %eq3A_312 = vector.broadcast %squeeze3A_311 : i32 to vector<16xi32>
      %eq3A_313 = arith.cmpi eq, %iota3A, %eq3A_312 : vector<16xi32>
      %jit3A_314 = arith.constant 1.000000e+00 : f32
      %jit3A_315 = arith.constant 0.000000e+00 : f32
      %broadcast_in_dim3A_316 = vector.broadcast %jit3A_314 : f32 to vector<16xf32>
      %broadcast_in_dim3A_317 = vector.broadcast %jit3A_315 : f32 to vector<16xf32>
      %select_n3A_318 = arith.select %eq3A_313, %broadcast_in_dim3A_316, %broadcast_in_dim3A_317 : vector<16xi1>, vector<16xf32>
      %slice3A_319 = vector.extract_strided_slice %get3A_176 {offsets = [8], sizes = [1], strides = [1]} : vector<16xi32> to vector<1xi32>
      %squeeze3A_320 = vector.extract %slice3A_319[0] : i32 from vector<1xi32>
      %mul3A_321 = arith.constant 16 : i32
      %mul3A_322 = arith.muli %squeeze3A_320, %mul3A_321 : i32
      %swap3A_323 = arith.index_cast %mul3A_322 : i32 to index
      %swap3A_324 = tpu.vector_load %arg5[%swap3A_323] {strides = array<i32>} : memref<256xf32, #tpu.memory_space<vmem>>, vector<16xf32>,
      %swap3A_325 = vector.shape_cast %swap3A_324 : vector<16xf32> to vector<16xf32>
      %swap3A_326 = vector.shape_cast %select_n3A_318 : vector<16xf32> to vector<16xf32>
      tpu.vector_store %arg5[%swap3A_323], %swap3A_326 {add = true, strides = array<i32>} : memref<256xf32, #tpu.memory_space<vmem>>, vector<16xf32>,
      %slice3A_327 = vector.extract_strided_slice %get3A_171 {offsets = [9], sizes = [1], strides = [1]} : vector<16xi32> to vector<1xi32>
      %squeeze3A_328 = vector.extract %slice3A_327[0] : i32 from vector<1xi32>
      %eq3A_329 = vector.broadcast %squeeze3A_328 : i32 to vector<16xi32>
      %eq3A_330 = arith.cmpi eq, %iota3A, %eq3A_329 : vector<16xi32>
      %jit3A_331 = arith.constant 1.000000e+00 : f32
      %jit3A_332 = arith.constant 0.000000e+00 : f32
      %broadcast_in_dim3A_333 = vector.broadcast %jit3A_331 : f32 to vector<16xf32>
      %broadcast_in_dim3A_334 = vector.broadcast %jit3A_332 : f32 to vector<16xf32>
      %select_n3A_335 = arith.select %eq3A_330, %broadcast_in_dim3A_333, %broadcast_in_dim3A_334 : vector<16xi1>, vector<16xf32>
      %slice3A_336 = vector.extract_strided_slice %get3A_176 {offsets = [9], sizes = [1], strides = [1]} : vector<16xi32> to vector<1xi32>
      %squeeze3A_337 = vector.extract %slice3A_336[0] : i32 from vector<1xi32>
      %mul3A_338 = arith.constant 16 : i32
      %mul3A_339 = arith.muli %squeeze3A_337, %mul3A_338 : i32
      %swap3A_340 = arith.index_cast %mul3A_339 : i32 to index
      %swap3A_341 = tpu.vector_load %arg5[%swap3A_340] {strides = array<i32>} : memref<256xf32, #tpu.memory_space<vmem>>, vector<16xf32>,
      %swap3A_342 = vector.shape_cast %swap3A_341 : vector<16xf32> to vector<16xf32>
      %swap3A_343 = vector.shape_cast %select_n3A_335 : vector<16xf32> to vector<16xf32>
      tpu.vector_store %arg5[%swap3A_340], %swap3A_343 {add = true, strides = array<i32>} : memref<256xf32, #tpu.memory_space<vmem>>, vector<16xf32>,
      %slice3A_344 = vector.extract_strided_slice %get3A_171 {offsets = [10], sizes = [1], strides = [1]} : vector<16xi32> to vector<1xi32>
      %squeeze3A_345 = vector.extract %slice3A_344[0] : i32 from vector<1xi32>
      %eq3A_346 = vector.broadcast %squeeze3A_345 : i32 to vector<16xi32>
      %eq3A_347 = arith.cmpi eq, %iota3A, %eq3A_346 : vector<16xi32>
      %jit3A_348 = arith.constant 1.000000e+00 : f32
      %jit3A_349 = arith.constant 0.000000e+00 : f32
      %broadcast_in_dim3A_350 = vector.broadcast %jit3A_348 : f32 to vector<16xf32>
      %broadcast_in_dim3A_351 = vector.broadcast %jit3A_349 : f32 to vector<16xf32>
      %select_n3A_352 = arith.select %eq3A_347, %broadcast_in_dim3A_350, %broadcast_in_dim3A_351 : vector<16xi1>, vector<16xf32>
      %slice3A_353 = vector.extract_strided_slice %get3A_176 {offsets = [10], sizes = [1], strides = [1]} : vector<16xi32> to vector<1xi32>
      %squeeze3A_354 = vector.extract %slice3A_353[0] : i32 from vector<1xi32>
      %mul3A_355 = arith.constant 16 : i32
      %mul3A_356 = arith.muli %squeeze3A_354, %mul3A_355 : i32
      %swap3A_357 = arith.index_cast %mul3A_356 : i32 to index
      %swap3A_358 = tpu.vector_load %arg5[%swap3A_357] {strides = array<i32>} : memref<256xf32, #tpu.memory_space<vmem>>, vector<16xf32>,
      %swap3A_359 = vector.shape_cast %swap3A_358 : vector<16xf32> to vector<16xf32>
      %swap3A_360 = vector.shape_cast %select_n3A_352 : vector<16xf32> to vector<16xf32>
      tpu.vector_store %arg5[%swap3A_357], %swap3A_360 {add = true, strides = array<i32>} : memref<256xf32, #tpu.memory_space<vmem>>, vector<16xf32>,
      %slice3A_361 = vector.extract_strided_slice %get3A_171 {offsets = [11], sizes = [1], strides = [1]} : vector<16xi32> to vector<1xi32>
      %squeeze3A_362 = vector.extract %slice3A_361[0] : i32 from vector<1xi32>
      %eq3A_363 = vector.broadcast %squeeze3A_362 : i32 to vector<16xi32>
      %eq3A_364 = arith.cmpi eq, %iota3A, %eq3A_363 : vector<16xi32>
      %jit3A_365 = arith.constant 1.000000e+00 : f32
      %jit3A_366 = arith.constant 0.000000e+00 : f32
      %broadcast_in_dim3A_367 = vector.broadcast %jit3A_365 : f32 to vector<16xf32>
      %broadcast_in_dim3A_368 = vector.broadcast %jit3A_366 : f32 to vector<16xf32>
      %select_n3A_369 = arith.select %eq3A_364, %broadcast_in_dim3A_367, %broadcast_in_dim3A_368 : vector<16xi1>, vector<16xf32>
      %slice3A_370 = vector.extract_strided_slice %get3A_176 {offsets = [11], sizes = [1], strides = [1]} : vector<16xi32> to vector<1xi32>
      %squeeze3A_371 = vector.extract %slice3A_370[0] : i32 from vector<1xi32>
      %mul3A_372 = arith.constant 16 : i32
      %mul3A_373 = arith.muli %squeeze3A_371, %mul3A_372 : i32
      %swap3A_374 = arith.index_cast %mul3A_373 : i32 to index
      %swap3A_375 = tpu.vector_load %arg5[%swap3A_374] {strides = array<i32>} : memref<256xf32, #tpu.memory_space<vmem>>, vector<16xf32>,
      %swap3A_376 = vector.shape_cast %swap3A_375 : vector<16xf32> to vector<16xf32>
      %swap3A_377 = vector.shape_cast %select_n3A_369 : vector<16xf32> to vector<16xf32>
      tpu.vector_store %arg5[%swap3A_374], %swap3A_377 {add = true, strides = array<i32>} : memref<256xf32, #tpu.memory_space<vmem>>, vector<16xf32>,
      %slice3A_378 = vector.extract_strided_slice %get3A_171 {offsets = [12], sizes = [1], strides = [1]} : vector<16xi32> to vector<1xi32>
      %squeeze3A_379 = vector.extract %slice3A_378[0] : i32 from vector<1xi32>
      %eq3A_380 = vector.broadcast %squeeze3A_379 : i32 to vector<16xi32>
      %eq3A_381 = arith.cmpi eq, %iota3A, %eq3A_380 : vector<16xi32>
      %jit3A_382 = arith.constant 1.000000e+00 : f32
      %jit3A_383 = arith.constant 0.000000e+00 : f32
      %broadcast_in_dim3A_384 = vector.broadcast %jit3A_382 : f32 to vector<16xf32>
      %broadcast_in_dim3A_385 = vector.broadcast %jit3A_383 : f32 to vector<16xf32>
      %select_n3A_386 = arith.select %eq3A_381, %broadcast_in_dim3A_384, %broadcast_in_dim3A_385 : vector<16xi1>, vector<16xf32>
      %slice3A_387 = vector.extract_strided_slice %get3A_176 {offsets = [12], sizes = [1], strides = [1]} : vector<16xi32> to vector<1xi32>
      %squeeze3A_388 = vector.extract %slice3A_387[0] : i32 from vector<1xi32>
      %mul3A_389 = arith.constant 16 : i32
      %mul3A_390 = arith.muli %squeeze3A_388, %mul3A_389 : i32
      %swap3A_391 = arith.index_cast %mul3A_390 : i32 to index
      %swap3A_392 = tpu.vector_load %arg5[%swap3A_391] {strides = array<i32>} : memref<256xf32, #tpu.memory_space<vmem>>, vector<16xf32>,
      %swap3A_393 = vector.shape_cast %swap3A_392 : vector<16xf32> to vector<16xf32>
      %swap3A_394 = vector.shape_cast %select_n3A_386 : vector<16xf32> to vector<16xf32>
      tpu.vector_store %arg5[%swap3A_391], %swap3A_394 {add = true, strides = array<i32>} : memref<256xf32, #tpu.memory_space<vmem>>, vector<16xf32>,
      %slice3A_395 = vector.extract_strided_slice %get3A_171 {offsets = [13], sizes = [1], strides = [1]} : vector<16xi32> to vector<1xi32>
      %squeeze3A_396 = vector.extract %slice3A_395[0] : i32 from vector<1xi32>
      %eq3A_397 = vector.broadcast %squeeze3A_396 : i32 to vector<16xi32>
      %eq3A_398 = arith.cmpi eq, %iota3A, %eq3A_397 : vector<16xi32>
      %jit3A_399 = arith.constant 1.000000e+00 : f32
      %jit3A_400 = arith.constant 0.000000e+00 : f32
      %broadcast_in_dim3A_401 = vector.broadcast %jit3A_399 : f32 to vector<16xf32>
      %broadcast_in_dim3A_402 = vector.broadcast %jit3A_400 : f32 to vector<16xf32>
      %select_n3A_403 = arith.select %eq3A_398, %broadcast_in_dim3A_401, %broadcast_in_dim3A_402 : vector<16xi1>, vector<16xf32>
      %slice3A_404 = vector.extract_strided_slice %get3A_176 {offsets = [13], sizes = [1], strides = [1]} : vector<16xi32> to vector<1xi32>
      %squeeze3A_405 = vector.extract %slice3A_404[0] : i32 from vector<1xi32>
      %mul3A_406 = arith.constant 16 : i32
      %mul3A_407 = arith.muli %squeeze3A_405, %mul3A_406 : i32
      %swap3A_408 = arith.index_cast %mul3A_407 : i32 to index
      %swap3A_409 = tpu.vector_load %arg5[%swap3A_408] {strides = array<i32>} : memref<256xf32, #tpu.memory_space<vmem>>, vector<16xf32>,
      %swap3A_410 = vector.shape_cast %swap3A_409 : vector<16xf32> to vector<16xf32>
      %swap3A_411 = vector.shape_cast %select_n3A_403 : vector<16xf32> to vector<16xf32>
      tpu.vector_store %arg5[%swap3A_408], %swap3A_411 {add = true, strides = array<i32>} : memref<256xf32, #tpu.memory_space<vmem>>, vector<16xf32>,
      %slice3A_412 = vector.extract_strided_slice %get3A_171 {offsets = [14], sizes = [1], strides = [1]} : vector<16xi32> to vector<1xi32>
      %squeeze3A_413 = vector.extract %slice3A_412[0] : i32 from vector<1xi32>
      %eq3A_414 = vector.broadcast %squeeze3A_413 : i32 to vector<16xi32>
      %eq3A_415 = arith.cmpi eq, %iota3A, %eq3A_414 : vector<16xi32>
      %jit3A_416 = arith.constant 1.000000e+00 : f32
      %jit3A_417 = arith.constant 0.000000e+00 : f32
      %broadcast_in_dim3A_418 = vector.broadcast %jit3A_416 : f32 to vector<16xf32>
      %broadcast_in_dim3A_419 = vector.broadcast %jit3A_417 : f32 to vector<16xf32>
      %select_n3A_420 = arith.select %eq3A_415, %broadcast_in_dim3A_418, %broadcast_in_dim3A_419 : vector<16xi1>, vector<16xf32>
      %slice3A_421 = vector.extract_strided_slice %get3A_176 {offsets = [14], sizes = [1], strides = [1]} : vector<16xi32> to vector<1xi32>
      %squeeze3A_422 = vector.extract %slice3A_421[0] : i32 from vector<1xi32>
      %mul3A_423 = arith.constant 16 : i32
      %mul3A_424 = arith.muli %squeeze3A_422, %mul3A_423 : i32
      %swap3A_425 = arith.index_cast %mul3A_424 : i32 to index
      %swap3A_426 = tpu.vector_load %arg5[%swap3A_425] {strides = array<i32>} : memref<256xf32, #tpu.memory_space<vmem>>, vector<16xf32>,
      %swap3A_427 = vector.shape_cast %swap3A_426 : vector<16xf32> to vector<16xf32>
      %swap3A_428 = vector.shape_cast %select_n3A_420 : vector<16xf32> to vector<16xf32>
      tpu.vector_store %arg5[%swap3A_425], %swap3A_428 {add = true, strides = array<i32>} : memref<256xf32, #tpu.memory_space<vmem>>, vector<16xf32>,
      %slice3A_429 = vector.extract_strided_slice %get3A_171 {offsets = [15], sizes = [1], strides = [1]} : vector<16xi32> to vector<1xi32>
      %squeeze3A_430 = vector.extract %slice3A_429[0] : i32 from vector<1xi32>
      %eq3A_431 = vector.broadcast %squeeze3A_430 : i32 to vector<16xi32>
      %eq3A_432 = arith.cmpi eq, %iota3A, %eq3A_431 : vector<16xi32>
      %jit3A_433 = arith.constant 1.000000e+00 : f32
      %jit3A_434 = arith.constant 0.000000e+00 : f32
      %broadcast_in_dim3A_435 = vector.broadcast %jit3A_433 : f32 to vector<16xf32>
      %broadcast_in_dim3A_436 = vector.broadcast %jit3A_434 : f32 to vector<16xf32>
      %select_n3A_437 = arith.select %eq3A_432, %broadcast_in_dim3A_435, %broadcast_in_dim3A_436 : vector<16xi1>, vector<16xf32>
      %slice3A_438 = vector.extract_strided_slice %get3A_176 {offsets = [15], sizes = [1], strides = [1]} : vector<16xi32> to vector<1xi32>
      %squeeze3A_439 = vector.extract %slice3A_438[0] : i32 from vector<1xi32>
      %mul3A_440 = arith.constant 16 : i32
      %mul3A_441 = arith.muli %squeeze3A_439, %mul3A_440 : i32
      %swap3A_442 = arith.index_cast %mul3A_441 : i32 to index
      %swap3A_443 = tpu.vector_load %arg5[%swap3A_442] {strides = array<i32>} : memref<256xf32, #tpu.memory_space<vmem>>, vector<16xf32>,
      %swap3A_444 = vector.shape_cast %swap3A_443 : vector<16xf32> to vector<16xf32>
      %swap3A_445 = vector.shape_cast %select_n3A_437 : vector<16xf32> to vector<16xf32>
      tpu.vector_store %arg5[%swap3A_442], %swap3A_445 {add = true, strides = array<i32>} : memref<256xf32, #tpu.memory_space<vmem>>, vector<16xf32>,
      %get3A_446 = arith.constant 0 : i32
      %get3A_447 = arith.index_cast %get3A_446 : i32 to index
      %get3A_448 = arith.constant 16 : index
      %get3A_449 = tpu.vector_load %arg4[%get3A_447, %get3A_448] {strides = array<i32>} : memref<2x196xi32, #tpu.memory_space<vmem>>, vector<1x16xi32>,
      %get3A_450 = vector.shape_cast %get3A_449 : vector<1x16xi32> to vector<16xi32>
      %get3A_451 = arith.constant 1 : i32
      %get3A_452 = arith.index_cast %get3A_451 : i32 to index
      %get3A_453 = arith.constant 16 : index
      %get3A_454 = tpu.vector_load %arg4[%get3A_452, %get3A_453] {strides = array<i32>} : memref<2x196xi32, #tpu.memory_space<vmem>>, vector<1x16xi32>,
      %get3A_455 = vector.shape_cast %get3A_454 : vector<1x16xi32> to vector<16xi32>
      %slice3A_456 = vector.extract_strided_slice %get3A_450 {offsets = [0], sizes = [1], strides = [1]} : vector<16xi32> to vector<1xi32>
      %squeeze3A_457 = vector.extract %slice3A_456[0] : i32 from vector<1xi32>
      %eq3A_458 = vector.broadcast %squeeze3A_457 : i32 to vector<16xi32>
      %eq3A_459 = arith.cmpi eq, %iota3A, %eq3A_458 : vector<16xi32>
      %jit3A_460 = arith.constant 1.000000e+00 : f32
      %jit3A_461 = arith.constant 0.000000e+00 : f32
      %broadcast_in_dim3A_462 = vector.broadcast %jit3A_460 : f32 to vector<16xf32>
      %broadcast_in_dim3A_463 = vector.broadcast %jit3A_461 : f32 to vector<16xf32>
      %select_n3A_464 = arith.select %eq3A_459, %broadcast_in_dim3A_462, %broadcast_in_dim3A_463 : vector<16xi1>, vector<16xf32>
      %slice3A_465 = vector.extract_strided_slice %get3A_455 {offsets = [0], sizes = [1], strides = [1]} : vector<16xi32> to vector<1xi32>
      %squeeze3A_466 = vector.extract %slice3A_465[0] : i32 from vector<1xi32>
      %mul3A_467 = arith.constant 16 : i32
      %mul3A_468 = arith.muli %squeeze3A_466, %mul3A_467 : i32
      %swap3A_469 = arith.index_cast %mul3A_468 : i32 to index
      %swap3A_470 = tpu.vector_load %arg5[%swap3A_469] {strides = array<i32>} : memref<256xf32, #tpu.memory_space<vmem>>, vector<16xf32>,
      %swap3A_471 = vector.shape_cast %swap3A_470 : vector<16xf32> to vector<16xf32>
      %swap3A_472 = vector.shape_cast %select_n3A_464 : vector<16xf32> to vector<16xf32>
      tpu.vector_store %arg5[%swap3A_469], %swap3A_472 {add = true, strides = array<i32>} : memref<256xf32, #tpu.memory_space<vmem>>, vector<16xf32>,
      %slice3A_473 = vector.extract_strided_slice %get3A_450 {offsets = [1], sizes = [1], strides = [1]} : vector<16xi32> to vector<1xi32>
      %squeeze3A_474 = vector.extract %slice3A_473[0] : i32 from vector<1xi32>
      %eq3A_475 = vector.broadcast %squeeze3A_474 : i32 to vector<16xi32>
      %eq3A_476 = arith.cmpi eq, %iota3A, %eq3A_475 : vector<16xi32>
      %jit3A_477 = arith.constant 1.000000e+00 : f32
      %jit3A_478 = arith.constant 0.000000e+00 : f32
      %broadcast_in_dim3A_479 = vector.broadcast %jit3A_477 : f32 to vector<16xf32>
      %broadcast_in_dim3A_480 = vector.broadcast %jit3A_478 : f32 to vector<16xf32>
      %select_n3A_481 = arith.select %eq3A_476, %broadcast_in_dim3A_479, %broadcast_in_dim3A_480 : vector<16xi1>, vector<16xf32>
      %slice3A_482 = vector.extract_strided_slice %get3A_455 {offsets = [1], sizes = [1], strides = [1]} : vector<16xi32> to vector<1xi32>
      %squeeze3A_483 = vector.extract %slice3A_482[0] : i32 from vector<1xi32>
      %mul3A_484 = arith.constant 16 : i32
      %mul3A_485 = arith.muli %squeeze3A_483, %mul3A_484 : i32
      %swap3A_486 = arith.index_cast %mul3A_485 : i32 to index
      %swap3A_487 = tpu.vector_load %arg5[%swap3A_486] {strides = array<i32>} : memref<256xf32, #tpu.memory_space<vmem>>, vector<16xf32>,
      %swap3A_488 = vector.shape_cast %swap3A_487 : vector<16xf32> to vector<16xf32>
      %swap3A_489 = vector.shape_cast %select_n3A_481 : vector<16xf32> to vector<16xf32>
      tpu.vector_store %arg5[%swap3A_486], %swap3A_489 {add = true, strides = array<i32>} : memref<256xf32, #tpu.memory_space<vmem>>, vector<16xf32>,
      %slice3A_490 = vector.extract_strided_slice %get3A_450 {offsets = [2], sizes = [1], strides = [1]} : vector<16xi32> to vector<1xi32>
      %squeeze3A_491 = vector.extract %slice3A_490[0] : i32 from vector<1xi32>
      %eq3A_492 = vector.broadcast %squeeze3A_491 : i32 to vector<16xi32>
      %eq3A_493 = arith.cmpi eq, %iota3A, %eq3A_492 : vector<16xi32>
      %jit3A_494 = arith.constant 1.000000e+00 : f32
      %jit3A_495 = arith.constant 0.000000e+00 : f32
      %broadcast_in_dim3A_496 = vector.broadcast %jit3A_494 : f32 to vector<16xf32>
      %broadcast_in_dim3A_497 = vector.broadcast %jit3A_495 : f32 to vector<16xf32>
      %select_n3A_498 = arith.select %eq3A_493, %broadcast_in_dim3A_496, %broadcast_in_dim3A_497 : vector<16xi1>, vector<16xf32>
      %slice3A_499 = vector.extract_strided_slice %get3A_455 {offsets = [2], sizes = [1], strides = [1]} : vector<16xi32> to vector<1xi32>
      %squeeze3A_500 = vector.extract %slice3A_499[0] : i32 from vector<1xi32>
      %mul3A_501 = arith.constant 16 : i32
      %mul3A_502 = arith.muli %squeeze3A_500, %mul3A_501 : i32
      %swap3A_503 = arith.index_cast %mul3A_502 : i32 to index
      %swap3A_504 = tpu.vector_load %arg5[%swap3A_503] {strides = array<i32>} : memref<256xf32, #tpu.memory_space<vmem>>, vector<16xf32>,
      %swap3A_505 = vector.shape_cast %swap3A_504 : vector<16xf32> to vector<16xf32>
      %swap3A_506 = vector.shape_cast %select_n3A_498 : vector<16xf32> to vector<16xf32>
      tpu.vector_store %arg5[%swap3A_503], %swap3A_506 {add = true, strides = array<i32>} : memref<256xf32, #tpu.memory_space<vmem>>, vector<16xf32>,
      %slice3A_507 = vector.extract_strided_slice %get3A_450 {offsets = [3], sizes = [1], strides = [1]} : vector<16xi32> to vector<1xi32>
      %squeeze3A_508 = vector.extract %slice3A_507[0] : i32 from vector<1xi32>
      %eq3A_509 = vector.broadcast %squeeze3A_508 : i32 to vector<16xi32>
      %eq3A_510 = arith.cmpi eq, %iota3A, %eq3A_509 : vector<16xi32>
      %jit3A_511 = arith.constant 1.000000e+00 : f32
      %jit3A_512 = arith.constant 0.000000e+00 : f32
      %broadcast_in_dim3A_513 = vector.broadcast %jit3A_511 : f32 to vector<16xf32>
      %broadcast_in_dim3A_514 = vector.broadcast %jit3A_512 : f32 to vector<16xf32>
      %select_n3A_515 = arith.select %eq3A_510, %broadcast_in_dim3A_513, %broadcast_in_dim3A_514 : vector<16xi1>, vector<16xf32>
      %slice3A_516 = vector.extract_strided_slice %get3A_455 {offsets = [3], sizes = [1], strides = [1]} : vector<16xi32> to vector<1xi32>
      %squeeze3A_517 = vector.extract %slice3A_516[0] : i32 from vector<1xi32>
      %mul3A_518 = arith.constant 16 : i32
      %mul3A_519 = arith.muli %squeeze3A_517, %mul3A_518 : i32
      %swap3A_520 = arith.index_cast %mul3A_519 : i32 to index
      %swap3A_521 = tpu.vector_load %arg5[%swap3A_520] {strides = array<i32>} : memref<256xf32, #tpu.memory_space<vmem>>, vector<16xf32>,
      %swap3A_522 = vector.shape_cast %swap3A_521 : vector<16xf32> to vector<16xf32>
      %swap3A_523 = vector.shape_cast %select_n3A_515 : vector<16xf32> to vector<16xf32>
      tpu.vector_store %arg5[%swap3A_520], %swap3A_523 {add = true, strides = array<i32>} : memref<256xf32, #tpu.memory_space<vmem>>, vector<16xf32>,
      %slice3A_524 = vector.extract_strided_slice %get3A_450 {offsets = [4], sizes = [1], strides = [1]} : vector<16xi32> to vector<1xi32>
      %squeeze3A_525 = vector.extract %slice3A_524[0] : i32 from vector<1xi32>
      %eq3A_526 = vector.broadcast %squeeze3A_525 : i32 to vector<16xi32>
      %eq3A_527 = arith.cmpi eq, %iota3A, %eq3A_526 : vector<16xi32>
      %jit3A_528 = arith.constant 1.000000e+00 : f32
      %jit3A_529 = arith.constant 0.000000e+00 : f32
      %broadcast_in_dim3A_530 = vector.broadcast %jit3A_528 : f32 to vector<16xf32>
      %broadcast_in_dim3A_531 = vector.broadcast %jit3A_529 : f32 to vector<16xf32>
      %select_n3A_532 = arith.select %eq3A_527, %broadcast_in_dim3A_530, %broadcast_in_dim3A_531 : vector<16xi1>, vector<16xf32>
      %slice3A_533 = vector.extract_strided_slice %get3A_455 {offsets = [4], sizes = [1], strides = [1]} : vector<16xi32> to vector<1xi32>
      %squeeze3A_534 = vector.extract %slice3A_533[0] : i32 from vector<1xi32>
      %mul3A_535 = arith.constant 16 : i32
      %mul3A_536 = arith.muli %squeeze3A_534, %mul3A_535 : i32
      %swap3A_537 = arith.index_cast %mul3A_536 : i32 to index
      %swap3A_538 = tpu.vector_load %arg5[%swap3A_537] {strides = array<i32>} : memref<256xf32, #tpu.memory_space<vmem>>, vector<16xf32>,
      %swap3A_539 = vector.shape_cast %swap3A_538 : vector<16xf32> to vector<16xf32>
      %swap3A_540 = vector.shape_cast %select_n3A_532 : vector<16xf32> to vector<16xf32>
      tpu.vector_store %arg5[%swap3A_537], %swap3A_540 {add = true, strides = array<i32>} : memref<256xf32, #tpu.memory_space<vmem>>, vector<16xf32>,
      %slice3A_541 = vector.extract_strided_slice %get3A_450 {offsets = [5], sizes = [1], strides = [1]} : vector<16xi32> to vector<1xi32>
      %squeeze3A_542 = vector.extract %slice3A_541[0] : i32 from vector<1xi32>
      %eq3A_543 = vector.broadcast %squeeze3A_542 : i32 to vector<16xi32>
      %eq3A_544 = arith.cmpi eq, %iota3A, %eq3A_543 : vector<16xi32>
      %jit3A_545 = arith.constant 1.000000e+00 : f32
      %jit3A_546 = arith.constant 0.000000e+00 : f32
      %broadcast_in_dim3A_547 = vector.broadcast %jit3A_545 : f32 to vector<16xf32>
      %broadcast_in_dim3A_548 = vector.broadcast %jit3A_546 : f32 to vector<16xf32>
      %select_n3A_549 = arith.select %eq3A_544, %broadcast_in_dim3A_547, %broadcast_in_dim3A_548 : vector<16xi1>, vector<16xf32>
      %slice3A_550 = vector.extract_strided_slice %get3A_455 {offsets = [5], sizes = [1], strides = [1]} : vector<16xi32> to vector<1xi32>
      %squeeze3A_551 = vector.extract %slice3A_550[0] : i32 from vector<1xi32>
      %mul3A_552 = arith.constant 16 : i32
      %mul3A_553 = arith.muli %squeeze3A_551, %mul3A_552 : i32
      %swap3A_554 = arith.index_cast %mul3A_553 : i32 to index
      %swap3A_555 = tpu.vector_load %arg5[%swap3A_554] {strides = array<i32>} : memref<256xf32, #tpu.memory_space<vmem>>, vector<16xf32>,
      %swap3A_556 = vector.shape_cast %swap3A_555 : vector<16xf32> to vector<16xf32>
      %swap3A_557 = vector.shape_cast %select_n3A_549 : vector<16xf32> to vector<16xf32>
      tpu.vector_store %arg5[%swap3A_554], %swap3A_557 {add = true, strides = array<i32>} : memref<256xf32, #tpu.memory_space<vmem>>, vector<16xf32>,
      %slice3A_558 = vector.extract_strided_slice %get3A_450 {offsets = [6], sizes = [1], strides = [1]} : vector<16xi32> to vector<1xi32>
      %squeeze3A_559 = vector.extract %slice3A_558[0] : i32 from vector<1xi32>
      %eq3A_560 = vector.broadcast %squeeze3A_559 : i32 to vector<16xi32>
      %eq3A_561 = arith.cmpi eq, %iota3A, %eq3A_560 : vector<16xi32>
      %jit3A_562 = arith.constant 1.000000e+00 : f32
      %jit3A_563 = arith.constant 0.000000e+00 : f32
      %broadcast_in_dim3A_564 = vector.broadcast %jit3A_562 : f32 to vector<16xf32>
      %broadcast_in_dim3A_565 = vector.broadcast %jit3A_563 : f32 to vector<16xf32>
      %select_n3A_566 = arith.select %eq3A_561, %broadcast_in_dim3A_564, %broadcast_in_dim3A_565 : vector<16xi1>, vector<16xf32>
      %slice3A_567 = vector.extract_strided_slice %get3A_455 {offsets = [6], sizes = [1], strides = [1]} : vector<16xi32> to vector<1xi32>
      %squeeze3A_568 = vector.extract %slice3A_567[0] : i32 from vector<1xi32>
      %mul3A_569 = arith.constant 16 : i32
      %mul3A_570 = arith.muli %squeeze3A_568, %mul3A_569 : i32
      %swap3A_571 = arith.index_cast %mul3A_570 : i32 to index
      %swap3A_572 = tpu.vector_load %arg5[%swap3A_571] {strides = array<i32>} : memref<256xf32, #tpu.memory_space<vmem>>, vector<16xf32>,
      %swap3A_573 = vector.shape_cast %swap3A_572 : vector<16xf32> to vector<16xf32>
      %swap3A_574 = vector.shape_cast %select_n3A_566 : vector<16xf32> to vector<16xf32>
      tpu.vector_store %arg5[%swap3A_571], %swap3A_574 {add = true, strides = array<i32>} : memref<256xf32, #tpu.memory_space<vmem>>, vector<16xf32>,
      %slice3A_575 = vector.extract_strided_slice %get3A_450 {offsets = [7], sizes = [1], strides = [1]} : vector<16xi32> to vector<1xi32>
      %squeeze3A_576 = vector.extract %slice3A_575[0] : i32 from vector<1xi32>
      %eq3A_577 = vector.broadcast %squeeze3A_576 : i32 to vector<16xi32>
      %eq3A_578 = arith.cmpi eq, %iota3A, %eq3A_577 : vector<16xi32>
      %jit3A_579 = arith.constant 1.000000e+00 : f32
      %jit3A_580 = arith.constant 0.000000e+00 : f32
      %broadcast_in_dim3A_581 = vector.broadcast %jit3A_579 : f32 to vector<16xf32>
      %broadcast_in_dim3A_582 = vector.broadcast %jit3A_580 : f32 to vector<16xf32>
      %select_n3A_583 = arith.select %eq3A_578, %broadcast_in_dim3A_581, %broadcast_in_dim3A_582 : vector<16xi1>, vector<16xf32>
      %slice3A_584 = vector.extract_strided_slice %get3A_455 {offsets = [7], sizes = [1], strides = [1]} : vector<16xi32> to vector<1xi32>
      %squeeze3A_585 = vector.extract %slice3A_584[0] : i32 from vector<1xi32>
      %mul3A_586 = arith.constant 16 : i32
      %mul3A_587 = arith.muli %squeeze3A_585, %mul3A_586 : i32
      %swap3A_588 = arith.index_cast %mul3A_587 : i32 to index
      %swap3A_589 = tpu.vector_load %arg5[%swap3A_588] {strides = array<i32>} : memref<256xf32, #tpu.memory_space<vmem>>, vector<16xf32>,
      %swap3A_590 = vector.shape_cast %swap3A_589 : vector<16xf32> to vector<16xf32>
      %swap3A_591 = vector.shape_cast %select_n3A_583 : vector<16xf32> to vector<16xf32>
      tpu.vector_store %arg5[%swap3A_588], %swap3A_591 {add = true, strides = array<i32>} : memref<256xf32, #tpu.memory_space<vmem>>, vector<16xf32>,
      %slice3A_592 = vector.extract_strided_slice %get3A_450 {offsets = [8], sizes = [1], strides = [1]} : vector<16xi32> to vector<1xi32>
      %squeeze3A_593 = vector.extract %slice3A_592[0] : i32 from vector<1xi32>
      %eq3A_594 = vector.broadcast %squeeze3A_593 : i32 to vector<16xi32>
      %eq3A_595 = arith.cmpi eq, %iota3A, %eq3A_594 : vector<16xi32>
      %jit3A_596 = arith.constant 1.000000e+00 : f32
      %jit3A_597 = arith.constant 0.000000e+00 : f32
      %broadcast_in_dim3A_598 = vector.broadcast %jit3A_596 : f32 to vector<16xf32>
      %broadcast_in_dim3A_599 = vector.broadcast %jit3A_597 : f32 to vector<16xf32>
      %select_n3A_600 = arith.select %eq3A_595, %broadcast_in_dim3A_598, %broadcast_in_dim3A_599 : vector<16xi1>, vector<16xf32>
      %slice3A_601 = vector.extract_strided_slice %get3A_455 {offsets = [8], sizes = [1], strides = [1]} : vector<16xi32> to vector<1xi32>
      %squeeze3A_602 = vector.extract %slice3A_601[0] : i32 from vector<1xi32>
      %mul3A_603 = arith.constant 16 : i32
      %mul3A_604 = arith.muli %squeeze3A_602, %mul3A_603 : i32
      %swap3A_605 = arith.index_cast %mul3A_604 : i32 to index
      %swap3A_606 = tpu.vector_load %arg5[%swap3A_605] {strides = array<i32>} : memref<256xf32, #tpu.memory_space<vmem>>, vector<16xf32>,
      %swap3A_607 = vector.shape_cast %swap3A_606 : vector<16xf32> to vector<16xf32>
      %swap3A_608 = vector.shape_cast %select_n3A_600 : vector<16xf32> to vector<16xf32>
      tpu.vector_store %arg5[%swap3A_605], %swap3A_608 {add = true, strides = array<i32>} : memref<256xf32, #tpu.memory_space<vmem>>, vector<16xf32>,
      %slice3A_609 = vector.extract_strided_slice %get3A_450 {offsets = [9], sizes = [1], strides = [1]} : vector<16xi32> to vector<1xi32>
      %squeeze3A_610 = vector.extract %slice3A_609[0] : i32 from vector<1xi32>
      %eq3A_611 = vector.broadcast %squeeze3A_610 : i32 to vector<16xi32>
      %eq3A_612 = arith.cmpi eq, %iota3A, %eq3A_611 : vector<16xi32>
      %jit3A_613 = arith.constant 1.000000e+00 : f32
      %jit3A_614 = arith.constant 0.000000e+00 : f32
      %broadcast_in_dim3A_615 = vector.broadcast %jit3A_613 : f32 to vector<16xf32>
      %broadcast_in_dim3A_616 = vector.broadcast %jit3A_614 : f32 to vector<16xf32>
      %select_n3A_617 = arith.select %eq3A_612, %broadcast_in_dim3A_615, %broadcast_in_dim3A_616 : vector<16xi1>, vector<16xf32>
      %slice3A_618 = vector.extract_strided_slice %get3A_455 {offsets = [9], sizes = [1], strides = [1]} : vector<16xi32> to vector<1xi32>
      %squeeze3A_619 = vector.extract %slice3A_618[0] : i32 from vector<1xi32>
      %mul3A_620 = arith.constant 16 : i32
      %mul3A_621 = arith.muli %squeeze3A_619, %mul3A_620 : i32
      %swap3A_622 = arith.index_cast %mul3A_621 : i32 to index
      %swap3A_623 = tpu.vector_load %arg5[%swap3A_622] {strides = array<i32>} : memref<256xf32, #tpu.memory_space<vmem>>, vector<16xf32>,
      %swap3A_624 = vector.shape_cast %swap3A_623 : vector<16xf32> to vector<16xf32>
      %swap3A_625 = vector.shape_cast %select_n3A_617 : vector<16xf32> to vector<16xf32>
      tpu.vector_store %arg5[%swap3A_622], %swap3A_625 {add = true, strides = array<i32>} : memref<256xf32, #tpu.memory_space<vmem>>, vector<16xf32>,
      %slice3A_626 = vector.extract_strided_slice %get3A_450 {offsets = [10], sizes = [1], strides = [1]} : vector<16xi32> to vector<1xi32>
      %squeeze3A_627 = vector.extract %slice3A_626[0] : i32 from vector<1xi32>
      %eq3A_628 = vector.broadcast %squeeze3A_627 : i32 to vector<16xi32>
      %eq3A_629 = arith.cmpi eq, %iota3A, %eq3A_628 : vector<16xi32>
      %jit3A_630 = arith.constant 1.000000e+00 : f32
      %jit3A_631 = arith.constant 0.000000e+00 : f32
      %broadcast_in_dim3A_632 = vector.broadcast %jit3A_630 : f32 to vector<16xf32>
      %broadcast_in_dim3A_633 = vector.broadcast %jit3A_631 : f32 to vector<16xf32>
      %select_n3A_634 = arith.select %eq3A_629, %broadcast_in_dim3A_632, %broadcast_in_dim3A_633 : vector<16xi1>, vector<16xf32>
      %slice3A_635 = vector.extract_strided_slice %get3A_455 {offsets = [10], sizes = [1], strides = [1]} : vector<16xi32> to vector<1xi32>
      %squeeze3A_636 = vector.extract %slice3A_635[0] : i32 from vector<1xi32>
      %mul3A_637 = arith.constant 16 : i32
      %mul3A_638 = arith.muli %squeeze3A_636, %mul3A_637 : i32
      %swap3A_639 = arith.index_cast %mul3A_638 : i32 to index
      %swap3A_640 = tpu.vector_load %arg5[%swap3A_639] {strides = array<i32>} : memref<256xf32, #tpu.memory_space<vmem>>, vector<16xf32>,
      %swap3A_641 = vector.shape_cast %swap3A_640 : vector<16xf32> to vector<16xf32>
      %swap3A_642 = vector.shape_cast %select_n3A_634 : vector<16xf32> to vector<16xf32>
      tpu.vector_store %arg5[%swap3A_639], %swap3A_642 {add = true, strides = array<i32>} : memref<256xf32, #tpu.memory_space<vmem>>, vector<16xf32>,
      %slice3A_643 = vector.extract_strided_slice %get3A_450 {offsets = [11], sizes = [1], strides = [1]} : vector<16xi32> to vector<1xi32>
      %squeeze3A_644 = vector.extract %slice3A_643[0] : i32 from vector<1xi32>
      %eq3A_645 = vector.broadcast %squeeze3A_644 : i32 to vector<16xi32>
      %eq3A_646 = arith.cmpi eq, %iota3A, %eq3A_645 : vector<16xi32>
      %jit3A_647 = arith.constant 1.000000e+00 : f32
      %jit3A_648 = arith.constant 0.000000e+00 : f32
      %broadcast_in_dim3A_649 = vector.broadcast %jit3A_647 : f32 to vector<16xf32>
      %broadcast_in_dim3A_650 = vector.broadcast %jit3A_648 : f32 to vector<16xf32>
      %select_n3A_651 = arith.select %eq3A_646, %broadcast_in_dim3A_649, %broadcast_in_dim3A_650 : vector<16xi1>, vector<16xf32>
      %slice3A_652 = vector.extract_strided_slice %get3A_455 {offsets = [11], sizes = [1], strides = [1]} : vector<16xi32> to vector<1xi32>
      %squeeze3A_653 = vector.extract %slice3A_652[0] : i32 from vector<1xi32>
      %mul3A_654 = arith.constant 16 : i32
      %mul3A_655 = arith.muli %squeeze3A_653, %mul3A_654 : i32
      %swap3A_656 = arith.index_cast %mul3A_655 : i32 to index
      %swap3A_657 = tpu.vector_load %arg5[%swap3A_656] {strides = array<i32>} : memref<256xf32, #tpu.memory_space<vmem>>, vector<16xf32>,
      %swap3A_658 = vector.shape_cast %swap3A_657 : vector<16xf32> to vector<16xf32>
      %swap3A_659 = vector.shape_cast %select_n3A_651 : vector<16xf32> to vector<16xf32>
      tpu.vector_store %arg5[%swap3A_656], %swap3A_659 {add = true, strides = array<i32>} : memref<256xf32, #tpu.memory_space<vmem>>, vector<16xf32>,
      %slice3A_660 = vector.extract_strided_slice %get3A_450 {offsets = [12], sizes = [1], strides = [1]} : vector<16xi32> to vector<1xi32>
      %squeeze3A_661 = vector.extract %slice3A_660[0] : i32 from vector<1xi32>
      %eq3A_662 = vector.broadcast %squeeze3A_661 : i32 to vector<16xi32>
      %eq3A_663 = arith.cmpi eq, %iota3A, %eq3A_662 : vector<16xi32>
      %jit3A_664 = arith.constant 1.000000e+00 : f32
      %jit3A_665 = arith.constant 0.000000e+00 : f32
      %broadcast_in_dim3A_666 = vector.broadcast %jit3A_664 : f32 to vector<16xf32>
      %broadcast_in_dim3A_667 = vector.broadcast %jit3A_665 : f32 to vector<16xf32>
      %select_n3A_668 = arith.select %eq3A_663, %broadcast_in_dim3A_666, %broadcast_in_dim3A_667 : vector<16xi1>, vector<16xf32>
      %slice3A_669 = vector.extract_strided_slice %get3A_455 {offsets = [12], sizes = [1], strides = [1]} : vector<16xi32> to vector<1xi32>
      %squeeze3A_670 = vector.extract %slice3A_669[0] : i32 from vector<1xi32>
      %mul3A_671 = arith.constant 16 : i32
      %mul3A_672 = arith.muli %squeeze3A_670, %mul3A_671 : i32
      %swap3A_673 = arith.index_cast %mul3A_672 : i32 to index
      %swap3A_674 = tpu.vector_load %arg5[%swap3A_673] {strides = array<i32>} : memref<256xf32, #tpu.memory_space<vmem>>, vector<16xf32>,
      %swap3A_675 = vector.shape_cast %swap3A_674 : vector<16xf32> to vector<16xf32>
      %swap3A_676 = vector.shape_cast %select_n3A_668 : vector<16xf32> to vector<16xf32>
      tpu.vector_store %arg5[%swap3A_673], %swap3A_676 {add = true, strides = array<i32>} : memref<256xf32, #tpu.memory_space<vmem>>, vector<16xf32>,
      %slice3A_677 = vector.extract_strided_slice %get3A_450 {offsets = [13], sizes = [1], strides = [1]} : vector<16xi32> to vector<1xi32>
      %squeeze3A_678 = vector.extract %slice3A_677[0] : i32 from vector<1xi32>
      %eq3A_679 = vector.broadcast %squeeze3A_678 : i32 to vector<16xi32>
      %eq3A_680 = arith.cmpi eq, %iota3A, %eq3A_679 : vector<16xi32>
      %jit3A_681 = arith.constant 1.000000e+00 : f32
      %jit3A_682 = arith.constant 0.000000e+00 : f32
      %broadcast_in_dim3A_683 = vector.broadcast %jit3A_681 : f32 to vector<16xf32>
      %broadcast_in_dim3A_684 = vector.broadcast %jit3A_682 : f32 to vector<16xf32>
      %select_n3A_685 = arith.select %eq3A_680, %broadcast_in_dim3A_683, %broadcast_in_dim3A_684 : vector<16xi1>, vector<16xf32>
      %slice3A_686 = vector.extract_strided_slice %get3A_455 {offsets = [13], sizes = [1], strides = [1]} : vector<16xi32> to vector<1xi32>
      %squeeze3A_687 = vector.extract %slice3A_686[0] : i32 from vector<1xi32>
      %mul3A_688 = arith.constant 16 : i32
      %mul3A_689 = arith.muli %squeeze3A_687, %mul3A_688 : i32
      %swap3A_690 = arith.index_cast %mul3A_689 : i32 to index
      %swap3A_691 = tpu.vector_load %arg5[%swap3A_690] {strides = array<i32>} : memref<256xf32, #tpu.memory_space<vmem>>, vector<16xf32>,
      %swap3A_692 = vector.shape_cast %swap3A_691 : vector<16xf32> to vector<16xf32>
      %swap3A_693 = vector.shape_cast %select_n3A_685 : vector<16xf32> to vector<16xf32>
      tpu.vector_store %arg5[%swap3A_690], %swap3A_693 {add = true, strides = array<i32>} : memref<256xf32, #tpu.memory_space<vmem>>, vector<16xf32>,
      %slice3A_694 = vector.extract_strided_slice %get3A_450 {offsets = [14], sizes = [1], strides = [1]} : vector<16xi32> to vector<1xi32>
      %squeeze3A_695 = vector.extract %slice3A_694[0] : i32 from vector<1xi32>
      %eq3A_696 = vector.broadcast %squeeze3A_695 : i32 to vector<16xi32>
      %eq3A_697 = arith.cmpi eq, %iota3A, %eq3A_696 : vector<16xi32>
      %jit3A_698 = arith.constant 1.000000e+00 : f32
      %jit3A_699 = arith.constant 0.000000e+00 : f32
      %broadcast_in_dim3A_700 = vector.broadcast %jit3A_698 : f32 to vector<16xf32>
      %broadcast_in_dim3A_701 = vector.broadcast %jit3A_699 : f32 to vector<16xf32>
      %select_n3A_702 = arith.select %eq3A_697, %broadcast_in_dim3A_700, %broadcast_in_dim3A_701 : vector<16xi1>, vector<16xf32>
      %slice3A_703 = vector.extract_strided_slice %get3A_455 {offsets = [14], sizes = [1], strides = [1]} : vector<16xi32> to vector<1xi32>
      %squeeze3A_704 = vector.extract %slice3A_703[0] : i32 from vector<1xi32>
      %mul3A_705 = arith.constant 16 : i32
      %mul3A_706 = arith.muli %squeeze3A_704, %mul3A_705 : i32
      %swap3A_707 = arith.index_cast %mul3A_706 : i32 to index
      %swap3A_708 = tpu.vector_load %arg5[%swap3A_707] {strides = array<i32>} : memref<256xf32, #tpu.memory_space<vmem>>, vector<16xf32>,
      %swap3A_709 = vector.shape_cast %swap3A_708 : vector<16xf32> to vector<16xf32>
      %swap3A_710 = vector.shape_cast %select_n3A_702 : vector<16xf32> to vector<16xf32>
      tpu.vector_store %arg5[%swap3A_707], %swap3A_710 {add = true, strides = array<i32>} : memref<256xf32, #tpu.memory_space<vmem>>, vector<16xf32>,
      %slice3A_711 = vector.extract_strided_slice %get3A_450 {offsets = [15], sizes = [1], strides = [1]} : vector<16xi32> to vector<1xi32>
      %squeeze3A_712 = vector.extract %slice3A_711[0] : i32 from vector<1xi32>
      %eq3A_713 = vector.broadcast %squeeze3A_712 : i32 to vector<16xi32>
      %eq3A_714 = arith.cmpi eq, %iota3A, %eq3A_713 : vector<16xi32>
      %jit3A_715 = arith.constant 1.000000e+00 : f32
      %jit3A_716 = arith.constant 0.000000e+00 : f32
      %broadcast_in_dim3A_717 = vector.broadcast %jit3A_715 : f32 to vector<16xf32>
      %broadcast_in_dim3A_718 = vector.broadcast %jit3A_716 : f32 to vector<16xf32>
      %select_n3A_719 = arith.select %eq3A_714, %broadcast_in_dim3A_717, %broadcast_in_dim3A_718 : vector<16xi1>, vector<16xf32>
      %slice3A_720 = vector.extract_strided_slice %get3A_455 {offsets = [15], sizes = [1], strides = [1]} : vector<16xi32> to vector<1xi32>
      %squeeze3A_721 = vector.extract %slice3A_720[0] : i32 from vector<1xi32>
      %mul3A_722 = arith.constant 16 : i32
      %mul3A_723 = arith.muli %squeeze3A_721, %mul3A_722 : i32
      %swap3A_724 = arith.index_cast %mul3A_723 : i32 to index
      %swap3A_725 = tpu.vector_load %arg5[%swap3A_724] {strides = array<i32>} : memref<256xf32, #tpu.memory_space<vmem>>, vector<16xf32>,
      %swap3A_726 = vector.shape_cast %swap3A_725 : vector<16xf32> to vector<16xf32>
      %swap3A_727 = vector.shape_cast %select_n3A_719 : vector<16xf32> to vector<16xf32>
      tpu.vector_store %arg5[%swap3A_724], %swap3A_727 {add = true, strides = array<i32>} : memref<256xf32, #tpu.memory_space<vmem>>, vector<16xf32>,
      %get3A_728 = arith.constant 0 : i32
      %get3A_729 = arith.index_cast %get3A_728 : i32 to index
      %get3A_730 = arith.constant 32 : index
      %get3A_731 = tpu.vector_load %arg4[%get3A_729, %get3A_730] {strides = array<i32>} : memref<2x196xi32, #tpu.memory_space<vmem>>, vector<1x16xi32>,
      %get3A_732 = vector.shape_cast %get3A_731 : vector<1x16xi32> to vector<16xi32>
      %get3A_733 = arith.constant 1 : i32
      %get3A_734 = arith.index_cast %get3A_733 : i32 to index
      %get3A_735 = arith.constant 32 : index
      %get3A_736 = tpu.vector_load %arg4[%get3A_734, %get3A_735] {strides = array<i32>} : memref<2x196xi32, #tpu.memory_space<vmem>>, vector<1x16xi32>,
      %get3A_737 = vector.shape_cast %get3A_736 : vector<1x16xi32> to vector<16xi32>
      %slice3A_738 = vector.extract_strided_slice %get3A_732 {offsets = [0], sizes = [1], strides = [1]} : vector<16xi32> to vector<1xi32>
      %squeeze3A_739 = vector.extract %slice3A_738[0] : i32 from vector<1xi32>
      %eq3A_740 = vector.broadcast %squeeze3A_739 : i32 to vector<16xi32>
      %eq3A_741 = arith.cmpi eq, %iota3A, %eq3A_740 : vector<16xi32>
      %jit3A_742 = arith.constant 1.000000e+00 : f32
      %jit3A_743 = arith.constant 0.000000e+00 : f32
      %broadcast_in_dim3A_744 = vector.broadcast %jit3A_742 : f32 to vector<16xf32>
      %broadcast_in_dim3A_745 = vector.broadcast %jit3A_743 : f32 to vector<16xf32>
      %select_n3A_746 = arith.select %eq3A_741, %broadcast_in_dim3A_744, %broadcast_in_dim3A_745 : vector<16xi1>, vector<16xf32>
      %slice3A_747 = vector.extract_strided_slice %get3A_737 {offsets = [0], sizes = [1], strides = [1]} : vector<16xi32> to vector<1xi32>
      %squeeze3A_748 = vector.extract %slice3A_747[0] : i32 from vector<1xi32>
      %mul3A_749 = arith.constant 16 : i32
      %mul3A_750 = arith.muli %squeeze3A_748, %mul3A_749 : i32
      %swap3A_751 = arith.index_cast %mul3A_750 : i32 to index
      %swap3A_752 = tpu.vector_load %arg5[%swap3A_751] {strides = array<i32>} : memref<256xf32, #tpu.memory_space<vmem>>, vector<16xf32>,
      %swap3A_753 = vector.shape_cast %swap3A_752 : vector<16xf32> to vector<16xf32>
      %swap3A_754 = vector.shape_cast %select_n3A_746 : vector<16xf32> to vector<16xf32>
      tpu.vector_store %arg5[%swap3A_751], %swap3A_754 {add = true, strides = array<i32>} : memref<256xf32, #tpu.memory_space<vmem>>, vector<16xf32>,
      %slice3A_755 = vector.extract_strided_slice %get3A_732 {offsets = [1], sizes = [1], strides = [1]} : vector<16xi32> to vector<1xi32>
      %squeeze3A_756 = vector.extract %slice3A_755[0] : i32 from vector<1xi32>
      %eq3A_757 = vector.broadcast %squeeze3A_756 : i32 to vector<16xi32>
      %eq3A_758 = arith.cmpi eq, %iota3A, %eq3A_757 : vector<16xi32>
      %jit3A_759 = arith.constant 1.000000e+00 : f32
      %jit3A_760 = arith.constant 0.000000e+00 : f32
      %broadcast_in_dim3A_761 = vector.broadcast %jit3A_759 : f32 to vector<16xf32>
      %broadcast_in_dim3A_762 = vector.broadcast %jit3A_760 : f32 to vector<16xf32>
      %select_n3A_763 = arith.select %eq3A_758, %broadcast_in_dim3A_761, %broadcast_in_dim3A_762 : vector<16xi1>, vector<16xf32>
      %slice3A_764 = vector.extract_strided_slice %get3A_737 {offsets = [1], sizes = [1], strides = [1]} : vector<16xi32> to vector<1xi32>
      %squeeze3A_765 = vector.extract %slice3A_764[0] : i32 from vector<1xi32>
      %mul3A_766 = arith.constant 16 : i32
      %mul3A_767 = arith.muli %squeeze3A_765, %mul3A_766 : i32
      %swap3A_768 = arith.index_cast %mul3A_767 : i32 to index
      %swap3A_769 = tpu.vector_load %arg5[%swap3A_768] {strides = array<i32>} : memref<256xf32, #tpu.memory_space<vmem>>, vector<16xf32>,
      %swap3A_770 = vector.shape_cast %swap3A_769 : vector<16xf32> to vector<16xf32>
      %swap3A_771 = vector.shape_cast %select_n3A_763 : vector<16xf32> to vector<16xf32>
      tpu.vector_store %arg5[%swap3A_768], %swap3A_771 {add = true, strides = array<i32>} : memref<256xf32, #tpu.memory_space<vmem>>, vector<16xf32>,
      %slice3A_772 = vector.extract_strided_slice %get3A_732 {offsets = [2], sizes = [1], strides = [1]} : vector<16xi32> to vector<1xi32>
      %squeeze3A_773 = vector.extract %slice3A_772[0] : i32 from vector<1xi32>
      %eq3A_774 = vector.broadcast %squeeze3A_773 : i32 to vector<16xi32>
      %eq3A_775 = arith.cmpi eq, %iota3A, %eq3A_774 : vector<16xi32>
      %jit3A_776 = arith.constant 1.000000e+00 : f32
      %jit3A_777 = arith.constant 0.000000e+00 : f32
      %broadcast_in_dim3A_778 = vector.broadcast %jit3A_776 : f32 to vector<16xf32>
      %broadcast_in_dim3A_779 = vector.broadcast %jit3A_777 : f32 to vector<16xf32>
      %select_n3A_780 = arith.select %eq3A_775, %broadcast_in_dim3A_778, %broadcast_in_dim3A_779 : vector<16xi1>, vector<16xf32>
      %slice3A_781 = vector.extract_strided_slice %get3A_737 {offsets = [2], sizes = [1], strides = [1]} : vector<16xi32> to vector<1xi32>
      %squeeze3A_782 = vector.extract %slice3A_781[0] : i32 from vector<1xi32>
      %mul3A_783 = arith.constant 16 : i32
      %mul3A_784 = arith.muli %squeeze3A_782, %mul3A_783 : i32
      %swap3A_785 = arith.index_cast %mul3A_784 : i32 to index
      %swap3A_786 = tpu.vector_load %arg5[%swap3A_785] {strides = array<i32>} : memref<256xf32, #tpu.memory_space<vmem>>, vector<16xf32>,
      %swap3A_787 = vector.shape_cast %swap3A_786 : vector<16xf32> to vector<16xf32>
      %swap3A_788 = vector.shape_cast %select_n3A_780 : vector<16xf32> to vector<16xf32>
      tpu.vector_store %arg5[%swap3A_785], %swap3A_788 {add = true, strides = array<i32>} : memref<256xf32, #tpu.memory_space<vmem>>, vector<16xf32>,
      %slice3A_789 = vector.extract_strided_slice %get3A_732 {offsets = [3], sizes = [1], strides = [1]} : vector<16xi32> to vector<1xi32>
      %squeeze3A_790 = vector.extract %slice3A_789[0] : i32 from vector<1xi32>
      %eq3A_791 = vector.broadcast %squeeze3A_790 : i32 to vector<16xi32>
      %eq3A_792 = arith.cmpi eq, %iota3A, %eq3A_791 : vector<16xi32>
      %jit3A_793 = arith.constant 1.000000e+00 : f32
      %jit3A_794 = arith.constant 0.000000e+00 : f32
      %broadcast_in_dim3A_795 = vector.broadcast %jit3A_793 : f32 to vector<16xf32>
      %broadcast_in_dim3A_796 = vector.broadcast %jit3A_794 : f32 to vector<16xf32>
      %select_n3A_797 = arith.select %eq3A_792, %broadcast_in_dim3A_795, %broadcast_in_dim3A_796 : vector<16xi1>, vector<16xf32>
      %slice3A_798 = vector.extract_strided_slice %get3A_737 {offsets = [3], sizes = [1], strides = [1]} : vector<16xi32> to vector<1xi32>
      %squeeze3A_799 = vector.extract %slice3A_798[0] : i32 from vector<1xi32>
      %mul3A_800 = arith.constant 16 : i32
      %mul3A_801 = arith.muli %squeeze3A_799, %mul3A_800 : i32
      %swap3A_802 = arith.index_cast %mul3A_801 : i32 to index
      %swap3A_803 = tpu.vector_load %arg5[%swap3A_802] {strides = array<i32>} : memref<256xf32, #tpu.memory_space<vmem>>, vector<16xf32>,
      %swap3A_804 = vector.shape_cast %swap3A_803 : vector<16xf32> to vector<16xf32>
      %swap3A_805 = vector.shape_cast %select_n3A_797 : vector<16xf32> to vector<16xf32>
      tpu.vector_store %arg5[%swap3A_802], %swap3A_805 {add = true, strides = array<i32>} : memref<256xf32, #tpu.memory_space<vmem>>, vector<16xf32>,
      %slice3A_806 = vector.extract_strided_slice %get3A_732 {offsets = [4], sizes = [1], strides = [1]} : vector<16xi32> to vector<1xi32>
      %squeeze3A_807 = vector.extract %slice3A_806[0] : i32 from vector<1xi32>
      %eq3A_808 = vector.broadcast %squeeze3A_807 : i32 to vector<16xi32>
      %eq3A_809 = arith.cmpi eq, %iota3A, %eq3A_808 : vector<16xi32>
      %jit3A_810 = arith.constant 1.000000e+00 : f32
      %jit3A_811 = arith.constant 0.000000e+00 : f32
      %broadcast_in_dim3A_812 = vector.broadcast %jit3A_810 : f32 to vector<16xf32>
      %broadcast_in_dim3A_813 = vector.broadcast %jit3A_811 : f32 to vector<16xf32>
      %select_n3A_814 = arith.select %eq3A_809, %broadcast_in_dim3A_812, %broadcast_in_dim3A_813 : vector<16xi1>, vector<16xf32>
      %slice3A_815 = vector.extract_strided_slice %get3A_737 {offsets = [4], sizes = [1], strides = [1]} : vector<16xi32> to vector<1xi32>
      %squeeze3A_816 = vector.extract %slice3A_815[0] : i32 from vector<1xi32>
      %mul3A_817 = arith.constant 16 : i32
      %mul3A_818 = arith.muli %squeeze3A_816, %mul3A_817 : i32
      %swap3A_819 = arith.index_cast %mul3A_818 : i32 to index
      %swap3A_820 = tpu.vector_load %arg5[%swap3A_819] {strides = array<i32>} : memref<256xf32, #tpu.memory_space<vmem>>, vector<16xf32>,
      %swap3A_821 = vector.shape_cast %swap3A_820 : vector<16xf32> to vector<16xf32>
      %swap3A_822 = vector.shape_cast %select_n3A_814 : vector<16xf32> to vector<16xf32>
      tpu.vector_store %arg5[%swap3A_819], %swap3A_822 {add = true, strides = array<i32>} : memref<256xf32, #tpu.memory_space<vmem>>, vector<16xf32>,
      %slice3A_823 = vector.extract_strided_slice %get3A_732 {offsets = [5], sizes = [1], strides = [1]} : vector<16xi32> to vector<1xi32>
      %squeeze3A_824 = vector.extract %slice3A_823[0] : i32 from vector<1xi32>
      %eq3A_825 = vector.broadcast %squeeze3A_824 : i32 to vector<16xi32>
      %eq3A_826 = arith.cmpi eq, %iota3A, %eq3A_825 : vector<16xi32>
      %jit3A_827 = arith.constant 1.000000e+00 : f32
      %jit3A_828 = arith.constant 0.000000e+00 : f32
      %broadcast_in_dim3A_829 = vector.broadcast %jit3A_827 : f32 to vector<16xf32>
      %broadcast_in_dim3A_830 = vector.broadcast %jit3A_828 : f32 to vector<16xf32>
      %select_n3A_831 = arith.select %eq3A_826, %broadcast_in_dim3A_829, %broadcast_in_dim3A_830 : vector<16xi1>, vector<16xf32>
      %slice3A_832 = vector.extract_strided_slice %get3A_737 {offsets = [5], sizes = [1], strides = [1]} : vector<16xi32> to vector<1xi32>
      %squeeze3A_833 = vector.extract %slice3A_832[0] : i32 from vector<1xi32>
      %mul3A_834 = arith.constant 16 : i32
      %mul3A_835 = arith.muli %squeeze3A_833, %mul3A_834 : i32
      %swap3A_836 = arith.index_cast %mul3A_835 : i32 to index
      %swap3A_837 = tpu.vector_load %arg5[%swap3A_836] {strides = array<i32>} : memref<256xf32, #tpu.memory_space<vmem>>, vector<16xf32>,
      %swap3A_838 = vector.shape_cast %swap3A_837 : vector<16xf32> to vector<16xf32>
      %swap3A_839 = vector.shape_cast %select_n3A_831 : vector<16xf32> to vector<16xf32>
      tpu.vector_store %arg5[%swap3A_836], %swap3A_839 {add = true, strides = array<i32>} : memref<256xf32, #tpu.memory_space<vmem>>, vector<16xf32>,
      %slice3A_840 = vector.extract_strided_slice %get3A_732 {offsets = [6], sizes = [1], strides = [1]} : vector<16xi32> to vector<1xi32>
      %squeeze3A_841 = vector.extract %slice3A_840[0] : i32 from vector<1xi32>
      %eq3A_842 = vector.broadcast %squeeze3A_841 : i32 to vector<16xi32>
      %eq3A_843 = arith.cmpi eq, %iota3A, %eq3A_842 : vector<16xi32>
      %jit3A_844 = arith.constant 1.000000e+00 : f32
      %jit3A_845 = arith.constant 0.000000e+00 : f32
      %broadcast_in_dim3A_846 = vector.broadcast %jit3A_844 : f32 to vector<16xf32>
      %broadcast_in_dim3A_847 = vector.broadcast %jit3A_845 : f32 to vector<16xf32>
      %select_n3A_848 = arith.select %eq3A_843, %broadcast_in_dim3A_846, %broadcast_in_dim3A_847 : vector<16xi1>, vector<16xf32>
      %slice3A_849 = vector.extract_strided_slice %get3A_737 {offsets = [6], sizes = [1], strides = [1]} : vector<16xi32> to vector<1xi32>
      %squeeze3A_850 = vector.extract %slice3A_849[0] : i32 from vector<1xi32>
      %mul3A_851 = arith.constant 16 : i32
      %mul3A_852 = arith.muli %squeeze3A_850, %mul3A_851 : i32
      %swap3A_853 = arith.index_cast %mul3A_852 : i32 to index
      %swap3A_854 = tpu.vector_load %arg5[%swap3A_853] {strides = array<i32>} : memref<256xf32, #tpu.memory_space<vmem>>, vector<16xf32>,
      %swap3A_855 = vector.shape_cast %swap3A_854 : vector<16xf32> to vector<16xf32>
      %swap3A_856 = vector.shape_cast %select_n3A_848 : vector<16xf32> to vector<16xf32>
      tpu.vector_store %arg5[%swap3A_853], %swap3A_856 {add = true, strides = array<i32>} : memref<256xf32, #tpu.memory_space<vmem>>, vector<16xf32>,
      %slice3A_857 = vector.extract_strided_slice %get3A_732 {offsets = [7], sizes = [1], strides = [1]} : vector<16xi32> to vector<1xi32>
      %squeeze3A_858 = vector.extract %slice3A_857[0] : i32 from vector<1xi32>
      %eq3A_859 = vector.broadcast %squeeze3A_858 : i32 to vector<16xi32>
      %eq3A_860 = arith.cmpi eq, %iota3A, %eq3A_859 : vector<16xi32>
      %jit3A_861 = arith.constant 1.000000e+00 : f32
      %jit3A_862 = arith.constant 0.000000e+00 : f32
      %broadcast_in_dim3A_863 = vector.broadcast %jit3A_861 : f32 to vector<16xf32>
      %broadcast_in_dim3A_864 = vector.broadcast %jit3A_862 : f32 to vector<16xf32>
      %select_n3A_865 = arith.select %eq3A_860, %broadcast_in_dim3A_863, %broadcast_in_dim3A_864 : vector<16xi1>, vector<16xf32>
      %slice3A_866 = vector.extract_strided_slice %get3A_737 {offsets = [7], sizes = [1], strides = [1]} : vector<16xi32> to vector<1xi32>
      %squeeze3A_867 = vector.extract %slice3A_866[0] : i32 from vector<1xi32>
      %mul3A_868 = arith.constant 16 : i32
      %mul3A_869 = arith.muli %squeeze3A_867, %mul3A_868 : i32
      %swap3A_870 = arith.index_cast %mul3A_869 : i32 to index
      %swap3A_871 = tpu.vector_load %arg5[%swap3A_870] {strides = array<i32>} : memref<256xf32, #tpu.memory_space<vmem>>, vector<16xf32>,
      %swap3A_872 = vector.shape_cast %swap3A_871 : vector<16xf32> to vector<16xf32>
      %swap3A_873 = vector.shape_cast %select_n3A_865 : vector<16xf32> to vector<16xf32>
      tpu.vector_store %arg5[%swap3A_870], %swap3A_873 {add = true, strides = array<i32>} : memref<256xf32, #tpu.memory_space<vmem>>, vector<16xf32>,
      %slice3A_874 = vector.extract_strided_slice %get3A_732 {offsets = [8], sizes = [1], strides = [1]} : vector<16xi32> to vector<1xi32>
      %squeeze3A_875 = vector.extract %slice3A_874[0] : i32 from vector<1xi32>
      %eq3A_876 = vector.broadcast %squeeze3A_875 : i32 to vector<16xi32>
      %eq3A_877 = arith.cmpi eq, %iota3A, %eq3A_876 : vector<16xi32>
      %jit3A_878 = arith.constant 1.000000e+00 : f32
      %jit3A_879 = arith.constant 0.000000e+00 : f32
      %broadcast_in_dim3A_880 = vector.broadcast %jit3A_878 : f32 to vector<16xf32>
      %broadcast_in_dim3A_881 = vector.broadcast %jit3A_879 : f32 to vector<16xf32>
      %select_n3A_882 = arith.select %eq3A_877, %broadcast_in_dim3A_880, %broadcast_in_dim3A_881 : vector<16xi1>, vector<16xf32>
      %slice3A_883 = vector.extract_strided_slice %get3A_737 {offsets = [8], sizes = [1], strides = [1]} : vector<16xi32> to vector<1xi32>
      %squeeze3A_884 = vector.extract %slice3A_883[0] : i32 from vector<1xi32>
      %mul3A_885 = arith.constant 16 : i32
      %mul3A_886 = arith.muli %squeeze3A_884, %mul3A_885 : i32
      %swap3A_887 = arith.index_cast %mul3A_886 : i32 to index
      %swap3A_888 = tpu.vector_load %arg5[%swap3A_887] {strides = array<i32>} : memref<256xf32, #tpu.memory_space<vmem>>, vector<16xf32>,
      %swap3A_889 = vector.shape_cast %swap3A_888 : vector<16xf32> to vector<16xf32>
      %swap3A_890 = vector.shape_cast %select_n3A_882 : vector<16xf32> to vector<16xf32>
      tpu.vector_store %arg5[%swap3A_887], %swap3A_890 {add = true, strides = array<i32>} : memref<256xf32, #tpu.memory_space<vmem>>, vector<16xf32>,
      %slice3A_891 = vector.extract_strided_slice %get3A_732 {offsets = [9], sizes = [1], strides = [1]} : vector<16xi32> to vector<1xi32>
      %squeeze3A_892 = vector.extract %slice3A_891[0] : i32 from vector<1xi32>
      %eq3A_893 = vector.broadcast %squeeze3A_892 : i32 to vector<16xi32>
      %eq3A_894 = arith.cmpi eq, %iota3A, %eq3A_893 : vector<16xi32>
      %jit3A_895 = arith.constant 1.000000e+00 : f32
      %jit3A_896 = arith.constant 0.000000e+00 : f32
      %broadcast_in_dim3A_897 = vector.broadcast %jit3A_895 : f32 to vector<16xf32>
      %broadcast_in_dim3A_898 = vector.broadcast %jit3A_896 : f32 to vector<16xf32>
      %select_n3A_899 = arith.select %eq3A_894, %broadcast_in_dim3A_897, %broadcast_in_dim3A_898 : vector<16xi1>, vector<16xf32>
      %slice3A_900 = vector.extract_strided_slice %get3A_737 {offsets = [9], sizes = [1], strides = [1]} : vector<16xi32> to vector<1xi32>
      %squeeze3A_901 = vector.extract %slice3A_900[0] : i32 from vector<1xi32>
      %mul3A_902 = arith.constant 16 : i32
      %mul3A_903 = arith.muli %squeeze3A_901, %mul3A_902 : i32
      %swap3A_904 = arith.index_cast %mul3A_903 : i32 to index
      %swap3A_905 = tpu.vector_load %arg5[%swap3A_904] {strides = array<i32>} : memref<256xf32, #tpu.memory_space<vmem>>, vector<16xf32>,
      %swap3A_906 = vector.shape_cast %swap3A_905 : vector<16xf32> to vector<16xf32>
      %swap3A_907 = vector.shape_cast %select_n3A_899 : vector<16xf32> to vector<16xf32>
      tpu.vector_store %arg5[%swap3A_904], %swap3A_907 {add = true, strides = array<i32>} : memref<256xf32, #tpu.memory_space<vmem>>, vector<16xf32>,
      %slice3A_908 = vector.extract_strided_slice %get3A_732 {offsets = [10], sizes = [1], strides = [1]} : vector<16xi32> to vector<1xi32>
      %squeeze3A_909 = vector.extract %slice3A_908[0] : i32 from vector<1xi32>
      %eq3A_910 = vector.broadcast %squeeze3A_909 : i32 to vector<16xi32>
      %eq3A_911 = arith.cmpi eq, %iota3A, %eq3A_910 : vector<16xi32>
      %jit3A_912 = arith.constant 1.000000e+00 : f32
      %jit3A_913 = arith.constant 0.000000e+00 : f32
      %broadcast_in_dim3A_914 = vector.broadcast %jit3A_912 : f32 to vector<16xf32>
      %broadcast_in_dim3A_915 = vector.broadcast %jit3A_913 : f32 to vector<16xf32>
      %select_n3A_916 = arith.select %eq3A_911, %broadcast_in_dim3A_914, %broadcast_in_dim3A_915 : vector<16xi1>, vector<16xf32>
      %slice3A_917 = vector.extract_strided_slice %get3A_737 {offsets = [10], sizes = [1], strides = [1]} : vector<16xi32> to vector<1xi32>
      %squeeze3A_918 = vector.extract %slice3A_917[0] : i32 from vector<1xi32>
      %mul3A_919 = arith.constant 16 : i32
      %mul3A_920 = arith.muli %squeeze3A_918, %mul3A_919 : i32
      %swap3A_921 = arith.index_cast %mul3A_920 : i32 to index
      %swap3A_922 = tpu.vector_load %arg5[%swap3A_921] {strides = array<i32>} : memref<256xf32, #tpu.memory_space<vmem>>, vector<16xf32>,
      %swap3A_923 = vector.shape_cast %swap3A_922 : vector<16xf32> to vector<16xf32>
      %swap3A_924 = vector.shape_cast %select_n3A_916 : vector<16xf32> to vector<16xf32>
      tpu.vector_store %arg5[%swap3A_921], %swap3A_924 {add = true, strides = array<i32>} : memref<256xf32, #tpu.memory_space<vmem>>, vector<16xf32>,
      %slice3A_925 = vector.extract_strided_slice %get3A_732 {offsets = [11], sizes = [1], strides = [1]} : vector<16xi32> to vector<1xi32>
      %squeeze3A_926 = vector.extract %slice3A_925[0] : i32 from vector<1xi32>
      %eq3A_927 = vector.broadcast %squeeze3A_926 : i32 to vector<16xi32>
      %eq3A_928 = arith.cmpi eq, %iota3A, %eq3A_927 : vector<16xi32>
      %jit3A_929 = arith.constant 1.000000e+00 : f32
      %jit3A_930 = arith.constant 0.000000e+00 : f32
      %broadcast_in_dim3A_931 = vector.broadcast %jit3A_929 : f32 to vector<16xf32>
      %broadcast_in_dim3A_932 = vector.broadcast %jit3A_930 : f32 to vector<16xf32>
      %select_n3A_933 = arith.select %eq3A_928, %broadcast_in_dim3A_931, %broadcast_in_dim3A_932 : vector<16xi1>, vector<16xf32>
      %slice3A_934 = vector.extract_strided_slice %get3A_737 {offsets = [11], sizes = [1], strides = [1]} : vector<16xi32> to vector<1xi32>
      %squeeze3A_935 = vector.extract %slice3A_934[0] : i32 from vector<1xi32>
      %mul3A_936 = arith.constant 16 : i32
      %mul3A_937 = arith.muli %squeeze3A_935, %mul3A_936 : i32
      %swap3A_938 = arith.index_cast %mul3A_937 : i32 to index
      %swap3A_939 = tpu.vector_load %arg5[%swap3A_938] {strides = array<i32>} : memref<256xf32, #tpu.memory_space<vmem>>, vector<16xf32>,
      %swap3A_940 = vector.shape_cast %swap3A_939 : vector<16xf32> to vector<16xf32>
      %swap3A_941 = vector.shape_cast %select_n3A_933 : vector<16xf32> to vector<16xf32>
      tpu.vector_store %arg5[%swap3A_938], %swap3A_941 {add = true, strides = array<i32>} : memref<256xf32, #tpu.memory_space<vmem>>, vector<16xf32>,
      %slice3A_942 = vector.extract_strided_slice %get3A_732 {offsets = [12], sizes = [1], strides = [1]} : vector<16xi32> to vector<1xi32>
      %squeeze3A_943 = vector.extract %slice3A_942[0] : i32 from vector<1xi32>
      %eq3A_944 = vector.broadcast %squeeze3A_943 : i32 to vector<16xi32>
      %eq3A_945 = arith.cmpi eq, %iota3A, %eq3A_944 : vector<16xi32>
      %jit3A_946 = arith.constant 1.000000e+00 : f32
      %jit3A_947 = arith.constant 0.000000e+00 : f32
      %broadcast_in_dim3A_948 = vector.broadcast %jit3A_946 : f32 to vector<16xf32>
      %broadcast_in_dim3A_949 = vector.broadcast %jit3A_947 : f32 to vector<16xf32>
      %select_n3A_950 = arith.select %eq3A_945, %broadcast_in_dim3A_948, %broadcast_in_dim3A_949 : vector<16xi1>, vector<16xf32>
      %slice3A_951 = vector.extract_strided_slice %get3A_737 {offsets = [12], sizes = [1], strides = [1]} : vector<16xi32> to vector<1xi32>
      %squeeze3A_952 = vector.extract %slice3A_951[0] : i32 from vector<1xi32>
      %mul3A_953 = arith.constant 16 : i32
      %mul3A_954 = arith.muli %squeeze3A_952, %mul3A_953 : i32
      %swap3A_955 = arith.index_cast %mul3A_954 : i32 to index
      %swap3A_956 = tpu.vector_load %arg5[%swap3A_955] {strides = array<i32>} : memref<256xf32, #tpu.memory_space<vmem>>, vector<16xf32>,
      %swap3A_957 = vector.shape_cast %swap3A_956 : vector<16xf32> to vector<16xf32>
      %swap3A_958 = vector.shape_cast %select_n3A_950 : vector<16xf32> to vector<16xf32>
      tpu.vector_store %arg5[%swap3A_955], %swap3A_958 {add = true, strides = array<i32>} : memref<256xf32, #tpu.memory_space<vmem>>, vector<16xf32>,
      %slice3A_959 = vector.extract_strided_slice %get3A_732 {offsets = [13], sizes = [1], strides = [1]} : vector<16xi32> to vector<1xi32>
      %squeeze3A_960 = vector.extract %slice3A_959[0] : i32 from vector<1xi32>
      %eq3A_961 = vector.broadcast %squeeze3A_960 : i32 to vector<16xi32>
      %eq3A_962 = arith.cmpi eq, %iota3A, %eq3A_961 : vector<16xi32>
      %jit3A_963 = arith.constant 1.000000e+00 : f32
      %jit3A_964 = arith.constant 0.000000e+00 : f32
      %broadcast_in_dim3A_965 = vector.broadcast %jit3A_963 : f32 to vector<16xf32>
      %broadcast_in_dim3A_966 = vector.broadcast %jit3A_964 : f32 to vector<16xf32>
      %select_n3A_967 = arith.select %eq3A_962, %broadcast_in_dim3A_965, %broadcast_in_dim3A_966 : vector<16xi1>, vector<16xf32>
      %slice3A_968 = vector.extract_strided_slice %get3A_737 {offsets = [13], sizes = [1], strides = [1]} : vector<16xi32> to vector<1xi32>
      %squeeze3A_969 = vector.extract %slice3A_968[0] : i32 from vector<1xi32>
      %mul3A_970 = arith.constant 16 : i32
      %mul3A_971 = arith.muli %squeeze3A_969, %mul3A_970 : i32
      %swap3A_972 = arith.index_cast %mul3A_971 : i32 to index
      %swap3A_973 = tpu.vector_load %arg5[%swap3A_972] {strides = array<i32>} : memref<256xf32, #tpu.memory_space<vmem>>, vector<16xf32>,
      %swap3A_974 = vector.shape_cast %swap3A_973 : vector<16xf32> to vector<16xf32>
      %swap3A_975 = vector.shape_cast %select_n3A_967 : vector<16xf32> to vector<16xf32>
      tpu.vector_store %arg5[%swap3A_972], %swap3A_975 {add = true, strides = array<i32>} : memref<256xf32, #tpu.memory_space<vmem>>, vector<16xf32>,
      %slice3A_976 = vector.extract_strided_slice %get3A_732 {offsets = [14], sizes = [1], strides = [1]} : vector<16xi32> to vector<1xi32>
      %squeeze3A_977 = vector.extract %slice3A_976[0] : i32 from vector<1xi32>
      %eq3A_978 = vector.broadcast %squeeze3A_977 : i32 to vector<16xi32>
      %eq3A_979 = arith.cmpi eq, %iota3A, %eq3A_978 : vector<16xi32>
      %jit3A_980 = arith.constant 1.000000e+00 : f32
      %jit3A_981 = arith.constant 0.000000e+00 : f32
      %broadcast_in_dim3A_982 = vector.broadcast %jit3A_980 : f32 to vector<16xf32>
      %broadcast_in_dim3A_983 = vector.broadcast %jit3A_981 : f32 to vector<16xf32>
      %select_n3A_984 = arith.select %eq3A_979, %broadcast_in_dim3A_982, %broadcast_in_dim3A_983 : vector<16xi1>, vector<16xf32>
      %slice3A_985 = vector.extract_strided_slice %get3A_737 {offsets = [14], sizes = [1], strides = [1]} : vector<16xi32> to vector<1xi32>
      %squeeze3A_986 = vector.extract %slice3A_985[0] : i32 from vector<1xi32>
      %mul3A_987 = arith.constant 16 : i32
      %mul3A_988 = arith.muli %squeeze3A_986, %mul3A_987 : i32
      %swap3A_989 = arith.index_cast %mul3A_988 : i32 to index
      %swap3A_990 = tpu.vector_load %arg5[%swap3A_989] {strides = array<i32>} : memref<256xf32, #tpu.memory_space<vmem>>, vector<16xf32>,
      %swap3A_991 = vector.shape_cast %swap3A_990 : vector<16xf32> to vector<16xf32>
      %swap3A_992 = vector.shape_cast %select_n3A_984 : vector<16xf32> to vector<16xf32>
      tpu.vector_store %arg5[%swap3A_989], %swap3A_992 {add = true, strides = array<i32>} : memref<256xf32, #tpu.memory_space<vmem>>, vector<16xf32>,
      %slice3A_993 = vector.extract_strided_slice %get3A_732 {offsets = [15], sizes = [1], strides = [1]} : vector<16xi32> to vector<1xi32>
      %squeeze3A_994 = vector.extract %slice3A_993[0] : i32 from vector<1xi32>
      %eq3A_995 = vector.broadcast %squeeze3A_994 : i32 to vector<16xi32>
      %eq3A_996 = arith.cmpi eq, %iota3A, %eq3A_995 : vector<16xi32>
      %jit3A_997 = arith.constant 1.000000e+00 : f32
      %jit3A_998 = arith.constant 0.000000e+00 : f32
      %broadcast_in_dim3A_999 = vector.broadcast %jit3A_997 : f32 to vector<16xf32>
      %broadcast_in_dim3A_1000 = vector.broadcast %jit3A_998 : f32 to vector<16xf32>
      %select_n3A_1001 = arith.select %eq3A_996, %broadcast_in_dim3A_999, %broadcast_in_dim3A_1000 : vector<16xi1>, vector<16xf32>
      %slice3A_1002 = vector.extract_strided_slice %get3A_737 {offsets = [15], sizes = [1], strides = [1]} : vector<16xi32> to vector<1xi32>
      %squeeze3A_1003 = vector.extract %slice3A_1002[0] : i32 from vector<1xi32>
      %mul3A_1004 = arith.constant 16 : i32
      %mul3A_1005 = arith.muli %squeeze3A_1003, %mul3A_1004 : i32
      %swap3A_1006 = arith.index_cast %mul3A_1005 : i32 to index
      %swap3A_1007 = tpu.vector_load %arg5[%swap3A_1006] {strides = array<i32>} : memref<256xf32, #tpu.memory_space<vmem>>, vector<16xf32>,
      %swap3A_1008 = vector.shape_cast %swap3A_1007 : vector<16xf32> to vector<16xf32>
      %swap3A_1009 = vector.shape_cast %select_n3A_1001 : vector<16xf32> to vector<16xf32>
      tpu.vector_store %arg5[%swap3A_1006], %swap3A_1009 {add = true, strides = array<i32>} : memref<256xf32, #tpu.memory_space<vmem>>, vector<16xf32>,
      %get3A_1010 = arith.constant 0 : i32
      %get3A_1011 = arith.index_cast %get3A_1010 : i32 to index
      %get3A_1012 = arith.constant 48 : index
      %get3A_1013 = tpu.vector_load %arg4[%get3A_1011, %get3A_1012] {strides = array<i32>} : memref<2x196xi32, #tpu.memory_space<vmem>>, vector<1x16xi32>,
      %get3A_1014 = vector.shape_cast %get3A_1013 : vector<1x16xi32> to vector<16xi32>
      %get3A_1015 = arith.constant 1 : i32
      %get3A_1016 = arith.index_cast %get3A_1015 : i32 to index
      %get3A_1017 = arith.constant 48 : index
      %get3A_1018 = tpu.vector_load %arg4[%get3A_1016, %get3A_1017] {strides = array<i32>} : memref<2x196xi32, #tpu.memory_space<vmem>>, vector<1x16xi32>,
      %get3A_1019 = vector.shape_cast %get3A_1018 : vector<1x16xi32> to vector<16xi32>
      %slice3A_1020 = vector.extract_strided_slice %get3A_1014 {offsets = [0], sizes = [1], strides = [1]} : vector<16xi32> to vector<1xi32>
      %squeeze3A_1021 = vector.extract %slice3A_1020[0] : i32 from vector<1xi32>
      %eq3A_1022 = vector.broadcast %squeeze3A_1021 : i32 to vector<16xi32>
      %eq3A_1023 = arith.cmpi eq, %iota3A, %eq3A_1022 : vector<16xi32>
      %jit3A_1024 = arith.constant 1.000000e+00 : f32
      %jit3A_1025 = arith.constant 0.000000e+00 : f32
      %broadcast_in_dim3A_1026 = vector.broadcast %jit3A_1024 : f32 to vector<16xf32>
      %broadcast_in_dim3A_1027 = vector.broadcast %jit3A_1025 : f32 to vector<16xf32>
      %select_n3A_1028 = arith.select %eq3A_1023, %broadcast_in_dim3A_1026, %broadcast_in_dim3A_1027 : vector<16xi1>, vector<16xf32>
      %slice3A_1029 = vector.extract_strided_slice %get3A_1019 {offsets = [0], sizes = [1], strides = [1]} : vector<16xi32> to vector<1xi32>
      %squeeze3A_1030 = vector.extract %slice3A_1029[0] : i32 from vector<1xi32>
      %mul3A_1031 = arith.constant 16 : i32
      %mul3A_1032 = arith.muli %squeeze3A_1030, %mul3A_1031 : i32
      %swap3A_1033 = arith.index_cast %mul3A_1032 : i32 to index
      %swap3A_1034 = tpu.vector_load %arg5[%swap3A_1033] {strides = array<i32>} : memref<256xf32, #tpu.memory_space<vmem>>, vector<16xf32>,
      %swap3A_1035 = vector.shape_cast %swap3A_1034 : vector<16xf32> to vector<16xf32>
      %swap3A_1036 = vector.shape_cast %select_n3A_1028 : vector<16xf32> to vector<16xf32>
      tpu.vector_store %arg5[%swap3A_1033], %swap3A_1036 {add = true, strides = array<i32>} : memref<256xf32, #tpu.memory_space<vmem>>, vector<16xf32>,
      %slice3A_1037 = vector.extract_strided_slice %get3A_1014 {offsets = [1], sizes = [1], strides = [1]} : vector<16xi32> to vector<1xi32>
      %squeeze3A_1038 = vector.extract %slice3A_1037[0] : i32 from vector<1xi32>
      %eq3A_1039 = vector.broadcast %squeeze3A_1038 : i32 to vector<16xi32>
      %eq3A_1040 = arith.cmpi eq, %iota3A, %eq3A_1039 : vector<16xi32>
      %jit3A_1041 = arith.constant 1.000000e+00 : f32
      %jit3A_1042 = arith.constant 0.000000e+00 : f32
      %broadcast_in_dim3A_1043 = vector.broadcast %jit3A_1041 : f32 to vector<16xf32>
      %broadcast_in_dim3A_1044 = vector.broadcast %jit3A_1042 : f32 to vector<16xf32>
      %select_n3A_1045 = arith.select %eq3A_1040, %broadcast_in_dim3A_1043, %broadcast_in_dim3A_1044 : vector<16xi1>, vector<16xf32>
      %slice3A_1046 = vector.extract_strided_slice %get3A_1019 {offsets = [1], sizes = [1], strides = [1]} : vector<16xi32> to vector<1xi32>
      %squeeze3A_1047 = vector.extract %slice3A_1046[0] : i32 from vector<1xi32>
      %mul3A_1048 = arith.constant 16 : i32
      %mul3A_1049 = arith.muli %squeeze3A_1047, %mul3A_1048 : i32
      %swap3A_1050 = arith.index_cast %mul3A_1049 : i32 to index
      %swap3A_1051 = tpu.vector_load %arg5[%swap3A_1050] {strides = array<i32>} : memref<256xf32, #tpu.memory_space<vmem>>, vector<16xf32>,
      %swap3A_1052 = vector.shape_cast %swap3A_1051 : vector<16xf32> to vector<16xf32>
      %swap3A_1053 = vector.shape_cast %select_n3A_1045 : vector<16xf32> to vector<16xf32>
      tpu.vector_store %arg5[%swap3A_1050], %swap3A_1053 {add = true, strides = array<i32>} : memref<256xf32, #tpu.memory_space<vmem>>, vector<16xf32>,
      %slice3A_1054 = vector.extract_strided_slice %get3A_1014 {offsets = [2], sizes = [1], strides = [1]} : vector<16xi32> to vector<1xi32>
      %squeeze3A_1055 = vector.extract %slice3A_1054[0] : i32 from vector<1xi32>
      %eq3A_1056 = vector.broadcast %squeeze3A_1055 : i32 to vector<16xi32>
      %eq3A_1057 = arith.cmpi eq, %iota3A, %eq3A_1056 : vector<16xi32>
      %jit3A_1058 = arith.constant 1.000000e+00 : f32
      %jit3A_1059 = arith.constant 0.000000e+00 : f32
      %broadcast_in_dim3A_1060 = vector.broadcast %jit3A_1058 : f32 to vector<16xf32>
      %broadcast_in_dim3A_1061 = vector.broadcast %jit3A_1059 : f32 to vector<16xf32>
      %select_n3A_1062 = arith.select %eq3A_1057, %broadcast_in_dim3A_1060, %broadcast_in_dim3A_1061 : vector<16xi1>, vector<16xf32>
      %slice3A_1063 = vector.extract_strided_slice %get3A_1019 {offsets = [2], sizes = [1], strides = [1]} : vector<16xi32> to vector<1xi32>
      %squeeze3A_1064 = vector.extract %slice3A_1063[0] : i32 from vector<1xi32>
      %mul3A_1065 = arith.constant 16 : i32
      %mul3A_1066 = arith.muli %squeeze3A_1064, %mul3A_1065 : i32
      %swap3A_1067 = arith.index_cast %mul3A_1066 : i32 to index
      %swap3A_1068 = tpu.vector_load %arg5[%swap3A_1067] {strides = array<i32>} : memref<256xf32, #tpu.memory_space<vmem>>, vector<16xf32>,
      %swap3A_1069 = vector.shape_cast %swap3A_1068 : vector<16xf32> to vector<16xf32>
      %swap3A_1070 = vector.shape_cast %select_n3A_1062 : vector<16xf32> to vector<16xf32>
      tpu.vector_store %arg5[%swap3A_1067], %swap3A_1070 {add = true, strides = array<i32>} : memref<256xf32, #tpu.memory_space<vmem>>, vector<16xf32>,
      %slice3A_1071 = vector.extract_strided_slice %get3A_1014 {offsets = [3], sizes = [1], strides = [1]} : vector<16xi32> to vector<1xi32>
      %squeeze3A_1072 = vector.extract %slice3A_1071[0] : i32 from vector<1xi32>
      %eq3A_1073 = vector.broadcast %squeeze3A_1072 : i32 to vector<16xi32>
      %eq3A_1074 = arith.cmpi eq, %iota3A, %eq3A_1073 : vector<16xi32>
      %jit3A_1075 = arith.constant 1.000000e+00 : f32
      %jit3A_1076 = arith.constant 0.000000e+00 : f32
      %broadcast_in_dim3A_1077 = vector.broadcast %jit3A_1075 : f32 to vector<16xf32>
      %broadcast_in_dim3A_1078 = vector.broadcast %jit3A_1076 : f32 to vector<16xf32>
      %select_n3A_1079 = arith.select %eq3A_1074, %broadcast_in_dim3A_1077, %broadcast_in_dim3A_1078 : vector<16xi1>, vector<16xf32>
      %slice3A_1080 = vector.extract_strided_slice %get3A_1019 {offsets = [3], sizes = [1], strides = [1]} : vector<16xi32> to vector<1xi32>
      %squeeze3A_1081 = vector.extract %slice3A_1080[0] : i32 from vector<1xi32>
      %mul3A_1082 = arith.constant 16 : i32
      %mul3A_1083 = arith.muli %squeeze3A_1081, %mul3A_1082 : i32
      %swap3A_1084 = arith.index_cast %mul3A_1083 : i32 to index
      %swap3A_1085 = tpu.vector_load %arg5[%swap3A_1084] {strides = array<i32>} : memref<256xf32, #tpu.memory_space<vmem>>, vector<16xf32>,
      %swap3A_1086 = vector.shape_cast %swap3A_1085 : vector<16xf32> to vector<16xf32>
      %swap3A_1087 = vector.shape_cast %select_n3A_1079 : vector<16xf32> to vector<16xf32>
      tpu.vector_store %arg5[%swap3A_1084], %swap3A_1087 {add = true, strides = array<i32>} : memref<256xf32, #tpu.memory_space<vmem>>, vector<16xf32>,
      %slice3A_1088 = vector.extract_strided_slice %get3A_1014 {offsets = [4], sizes = [1], strides = [1]} : vector<16xi32> to vector<1xi32>
      %squeeze3A_1089 = vector.extract %slice3A_1088[0] : i32 from vector<1xi32>
      %eq3A_1090 = vector.broadcast %squeeze3A_1089 : i32 to vector<16xi32>
      %eq3A_1091 = arith.cmpi eq, %iota3A, %eq3A_1090 : vector<16xi32>
      %jit3A_1092 = arith.constant 1.000000e+00 : f32
      %jit3A_1093 = arith.constant 0.000000e+00 : f32
      %broadcast_in_dim3A_1094 = vector.broadcast %jit3A_1092 : f32 to vector<16xf32>
      %broadcast_in_dim3A_1095 = vector.broadcast %jit3A_1093 : f32 to vector<16xf32>
      %select_n3A_1096 = arith.select %eq3A_1091, %broadcast_in_dim3A_1094, %broadcast_in_dim3A_1095 : vector<16xi1>, vector<16xf32>
      %slice3A_1097 = vector.extract_strided_slice %get3A_1019 {offsets = [4], sizes = [1], strides = [1]} : vector<16xi32> to vector<1xi32>
      %squeeze3A_1098 = vector.extract %slice3A_1097[0] : i32 from vector<1xi32>
      %mul3A_1099 = arith.constant 16 : i32
      %mul3A_1100 = arith.muli %squeeze3A_1098, %mul3A_1099 : i32
      %swap3A_1101 = arith.index_cast %mul3A_1100 : i32 to index
      %swap3A_1102 = tpu.vector_load %arg5[%swap3A_1101] {strides = array<i32>} : memref<256xf32, #tpu.memory_space<vmem>>, vector<16xf32>,
      %swap3A_1103 = vector.shape_cast %swap3A_1102 : vector<16xf32> to vector<16xf32>
      %swap3A_1104 = vector.shape_cast %select_n3A_1096 : vector<16xf32> to vector<16xf32>
      tpu.vector_store %arg5[%swap3A_1101], %swap3A_1104 {add = true, strides = array<i32>} : memref<256xf32, #tpu.memory_space<vmem>>, vector<16xf32>,
      %slice3A_1105 = vector.extract_strided_slice %get3A_1014 {offsets = [5], sizes = [1], strides = [1]} : vector<16xi32> to vector<1xi32>
      %squeeze3A_1106 = vector.extract %slice3A_1105[0] : i32 from vector<1xi32>
      %eq3A_1107 = vector.broadcast %squeeze3A_1106 : i32 to vector<16xi32>
      %eq3A_1108 = arith.cmpi eq, %iota3A, %eq3A_1107 : vector<16xi32>
      %jit3A_1109 = arith.constant 1.000000e+00 : f32
      %jit3A_1110 = arith.constant 0.000000e+00 : f32
      %broadcast_in_dim3A_1111 = vector.broadcast %jit3A_1109 : f32 to vector<16xf32>
      %broadcast_in_dim3A_1112 = vector.broadcast %jit3A_1110 : f32 to vector<16xf32>
      %select_n3A_1113 = arith.select %eq3A_1108, %broadcast_in_dim3A_1111, %broadcast_in_dim3A_1112 : vector<16xi1>, vector<16xf32>
      %slice3A_1114 = vector.extract_strided_slice %get3A_1019 {offsets = [5], sizes = [1], strides = [1]} : vector<16xi32> to vector<1xi32>
      %squeeze3A_1115 = vector.extract %slice3A_1114[0] : i32 from vector<1xi32>
      %mul3A_1116 = arith.constant 16 : i32
      %mul3A_1117 = arith.muli %squeeze3A_1115, %mul3A_1116 : i32
      %swap3A_1118 = arith.index_cast %mul3A_1117 : i32 to index
      %swap3A_1119 = tpu.vector_load %arg5[%swap3A_1118] {strides = array<i32>} : memref<256xf32, #tpu.memory_space<vmem>>, vector<16xf32>,
      %swap3A_1120 = vector.shape_cast %swap3A_1119 : vector<16xf32> to vector<16xf32>
      %swap3A_1121 = vector.shape_cast %select_n3A_1113 : vector<16xf32> to vector<16xf32>
      tpu.vector_store %arg5[%swap3A_1118], %swap3A_1121 {add = true, strides = array<i32>} : memref<256xf32, #tpu.memory_space<vmem>>, vector<16xf32>,
      %slice3A_1122 = vector.extract_strided_slice %get3A_1014 {offsets = [6], sizes = [1], strides = [1]} : vector<16xi32> to vector<1xi32>
      %squeeze3A_1123 = vector.extract %slice3A_1122[0] : i32 from vector<1xi32>
      %eq3A_1124 = vector.broadcast %squeeze3A_1123 : i32 to vector<16xi32>
      %eq3A_1125 = arith.cmpi eq, %iota3A, %eq3A_1124 : vector<16xi32>
      %jit3A_1126 = arith.constant 1.000000e+00 : f32
      %jit3A_1127 = arith.constant 0.000000e+00 : f32
      %broadcast_in_dim3A_1128 = vector.broadcast %jit3A_1126 : f32 to vector<16xf32>
      %broadcast_in_dim3A_1129 = vector.broadcast %jit3A_1127 : f32 to vector<16xf32>
      %select_n3A_1130 = arith.select %eq3A_1125, %broadcast_in_dim3A_1128, %broadcast_in_dim3A_1129 : vector<16xi1>, vector<16xf32>
      %slice3A_1131 = vector.extract_strided_slice %get3A_1019 {offsets = [6], sizes = [1], strides = [1]} : vector<16xi32> to vector<1xi32>
      %squeeze3A_1132 = vector.extract %slice3A_1131[0] : i32 from vector<1xi32>
      %mul3A_1133 = arith.constant 16 : i32
      %mul3A_1134 = arith.muli %squeeze3A_1132, %mul3A_1133 : i32
      %swap3A_1135 = arith.index_cast %mul3A_1134 : i32 to index
      %swap3A_1136 = tpu.vector_load %arg5[%swap3A_1135] {strides = array<i32>} : memref<256xf32, #tpu.memory_space<vmem>>, vector<16xf32>,
      %swap3A_1137 = vector.shape_cast %swap3A_1136 : vector<16xf32> to vector<16xf32>
      %swap3A_1138 = vector.shape_cast %select_n3A_1130 : vector<16xf32> to vector<16xf32>
      tpu.vector_store %arg5[%swap3A_1135], %swap3A_1138 {add = true, strides = array<i32>} : memref<256xf32, #tpu.memory_space<vmem>>, vector<16xf32>,
      %slice3A_1139 = vector.extract_strided_slice %get3A_1014 {offsets = [7], sizes = [1], strides = [1]} : vector<16xi32> to vector<1xi32>
      %squeeze3A_1140 = vector.extract %slice3A_1139[0] : i32 from vector<1xi32>
      %eq3A_1141 = vector.broadcast %squeeze3A_1140 : i32 to vector<16xi32>
      %eq3A_1142 = arith.cmpi eq, %iota3A, %eq3A_1141 : vector<16xi32>
      %jit3A_1143 = arith.constant 1.000000e+00 : f32
      %jit3A_1144 = arith.constant 0.000000e+00 : f32
      %broadcast_in_dim3A_1145 = vector.broadcast %jit3A_1143 : f32 to vector<16xf32>
      %broadcast_in_dim3A_1146 = vector.broadcast %jit3A_1144 : f32 to vector<16xf32>
      %select_n3A_1147 = arith.select %eq3A_1142, %broadcast_in_dim3A_1145, %broadcast_in_dim3A_1146 : vector<16xi1>, vector<16xf32>
      %slice3A_1148 = vector.extract_strided_slice %get3A_1019 {offsets = [7], sizes = [1], strides = [1]} : vector<16xi32> to vector<1xi32>
      %squeeze3A_1149 = vector.extract %slice3A_1148[0] : i32 from vector<1xi32>
      %mul3A_1150 = arith.constant 16 : i32
      %mul3A_1151 = arith.muli %squeeze3A_1149, %mul3A_1150 : i32
      %swap3A_1152 = arith.index_cast %mul3A_1151 : i32 to index
      %swap3A_1153 = tpu.vector_load %arg5[%swap3A_1152] {strides = array<i32>} : memref<256xf32, #tpu.memory_space<vmem>>, vector<16xf32>,
      %swap3A_1154 = vector.shape_cast %swap3A_1153 : vector<16xf32> to vector<16xf32>
      %swap3A_1155 = vector.shape_cast %select_n3A_1147 : vector<16xf32> to vector<16xf32>
      tpu.vector_store %arg5[%swap3A_1152], %swap3A_1155 {add = true, strides = array<i32>} : memref<256xf32, #tpu.memory_space<vmem>>, vector<16xf32>,
      %slice3A_1156 = vector.extract_strided_slice %get3A_1014 {offsets = [8], sizes = [1], strides = [1]} : vector<16xi32> to vector<1xi32>
      %squeeze3A_1157 = vector.extract %slice3A_1156[0] : i32 from vector<1xi32>
      %eq3A_1158 = vector.broadcast %squeeze3A_1157 : i32 to vector<16xi32>
      %eq3A_1159 = arith.cmpi eq, %iota3A, %eq3A_1158 : vector<16xi32>
      %jit3A_1160 = arith.constant 1.000000e+00 : f32
      %jit3A_1161 = arith.constant 0.000000e+00 : f32
      %broadcast_in_dim3A_1162 = vector.broadcast %jit3A_1160 : f32 to vector<16xf32>
      %broadcast_in_dim3A_1163 = vector.broadcast %jit3A_1161 : f32 to vector<16xf32>
      %select_n3A_1164 = arith.select %eq3A_1159, %broadcast_in_dim3A_1162, %broadcast_in_dim3A_1163 : vector<16xi1>, vector<16xf32>
      %slice3A_1165 = vector.extract_strided_slice %get3A_1019 {offsets = [8], sizes = [1], strides = [1]} : vector<16xi32> to vector<1xi32>
      %squeeze3A_1166 = vector.extract %slice3A_1165[0] : i32 from vector<1xi32>
      %mul3A_1167 = arith.constant 16 : i32
      %mul3A_1168 = arith.muli %squeeze3A_1166, %mul3A_1167 : i32
      %swap3A_1169 = arith.index_cast %mul3A_1168 : i32 to index
      %swap3A_1170 = tpu.vector_load %arg5[%swap3A_1169] {strides = array<i32>} : memref<256xf32, #tpu.memory_space<vmem>>, vector<16xf32>,
      %swap3A_1171 = vector.shape_cast %swap3A_1170 : vector<16xf32> to vector<16xf32>
      %swap3A_1172 = vector.shape_cast %select_n3A_1164 : vector<16xf32> to vector<16xf32>
      tpu.vector_store %arg5[%swap3A_1169], %swap3A_1172 {add = true, strides = array<i32>} : memref<256xf32, #tpu.memory_space<vmem>>, vector<16xf32>,
      %slice3A_1173 = vector.extract_strided_slice %get3A_1014 {offsets = [9], sizes = [1], strides = [1]} : vector<16xi32> to vector<1xi32>
      %squeeze3A_1174 = vector.extract %slice3A_1173[0] : i32 from vector<1xi32>
      %eq3A_1175 = vector.broadcast %squeeze3A_1174 : i32 to vector<16xi32>
      %eq3A_1176 = arith.cmpi eq, %iota3A, %eq3A_1175 : vector<16xi32>
      %jit3A_1177 = arith.constant 1.000000e+00 : f32
      %jit3A_1178 = arith.constant 0.000000e+00 : f32
      %broadcast_in_dim3A_1179 = vector.broadcast %jit3A_1177 : f32 to vector<16xf32>
      %broadcast_in_dim3A_1180 = vector.broadcast %jit3A_1178 : f32 to vector<16xf32>
      %select_n3A_1181 = arith.select %eq3A_1176, %broadcast_in_dim3A_1179, %broadcast_in_dim3A_1180 : vector<16xi1>, vector<16xf32>
      %slice3A_1182 = vector.extract_strided_slice %get3A_1019 {offsets = [9], sizes = [1], strides = [1]} : vector<16xi32> to vector<1xi32>
      %squeeze3A_1183 = vector.extract %slice3A_1182[0] : i32 from vector<1xi32>
      %mul3A_1184 = arith.constant 16 : i32
      %mul3A_1185 = arith.muli %squeeze3A_1183, %mul3A_1184 : i32
      %swap3A_1186 = arith.index_cast %mul3A_1185 : i32 to index
      %swap3A_1187 = tpu.vector_load %arg5[%swap3A_1186] {strides = array<i32>} : memref<256xf32, #tpu.memory_space<vmem>>, vector<16xf32>,
      %swap3A_1188 = vector.shape_cast %swap3A_1187 : vector<16xf32> to vector<16xf32>
      %swap3A_1189 = vector.shape_cast %select_n3A_1181 : vector<16xf32> to vector<16xf32>
      tpu.vector_store %arg5[%swap3A_1186], %swap3A_1189 {add = true, strides = array<i32>} : memref<256xf32, #tpu.memory_space<vmem>>, vector<16xf32>,
      %slice3A_1190 = vector.extract_strided_slice %get3A_1014 {offsets = [10], sizes = [1], strides = [1]} : vector<16xi32> to vector<1xi32>
      %squeeze3A_1191 = vector.extract %slice3A_1190[0] : i32 from vector<1xi32>
      %eq3A_1192 = vector.broadcast %squeeze3A_1191 : i32 to vector<16xi32>
      %eq3A_1193 = arith.cmpi eq, %iota3A, %eq3A_1192 : vector<16xi32>
      %jit3A_1194 = arith.constant 1.000000e+00 : f32
      %jit3A_1195 = arith.constant 0.000000e+00 : f32
      %broadcast_in_dim3A_1196 = vector.broadcast %jit3A_1194 : f32 to vector<16xf32>
      %broadcast_in_dim3A_1197 = vector.broadcast %jit3A_1195 : f32 to vector<16xf32>
      %select_n3A_1198 = arith.select %eq3A_1193, %broadcast_in_dim3A_1196, %broadcast_in_dim3A_1197 : vector<16xi1>, vector<16xf32>
      %slice3A_1199 = vector.extract_strided_slice %get3A_1019 {offsets = [10], sizes = [1], strides = [1]} : vector<16xi32> to vector<1xi32>
      %squeeze3A_1200 = vector.extract %slice3A_1199[0] : i32 from vector<1xi32>
      %mul3A_1201 = arith.constant 16 : i32
      %mul3A_1202 = arith.muli %squeeze3A_1200, %mul3A_1201 : i32
      %swap3A_1203 = arith.index_cast %mul3A_1202 : i32 to index
      %swap3A_1204 = tpu.vector_load %arg5[%swap3A_1203] {strides = array<i32>} : memref<256xf32, #tpu.memory_space<vmem>>, vector<16xf32>,
      %swap3A_1205 = vector.shape_cast %swap3A_1204 : vector<16xf32> to vector<16xf32>
      %swap3A_1206 = vector.shape_cast %select_n3A_1198 : vector<16xf32> to vector<16xf32>
      tpu.vector_store %arg5[%swap3A_1203], %swap3A_1206 {add = true, strides = array<i32>} : memref<256xf32, #tpu.memory_space<vmem>>, vector<16xf32>,
      %slice3A_1207 = vector.extract_strided_slice %get3A_1014 {offsets = [11], sizes = [1], strides = [1]} : vector<16xi32> to vector<1xi32>
      %squeeze3A_1208 = vector.extract %slice3A_1207[0] : i32 from vector<1xi32>
      %eq3A_1209 = vector.broadcast %squeeze3A_1208 : i32 to vector<16xi32>
      %eq3A_1210 = arith.cmpi eq, %iota3A, %eq3A_1209 : vector<16xi32>
      %jit3A_1211 = arith.constant 1.000000e+00 : f32
      %jit3A_1212 = arith.constant 0.000000e+00 : f32
      %broadcast_in_dim3A_1213 = vector.broadcast %jit3A_1211 : f32 to vector<16xf32>
      %broadcast_in_dim3A_1214 = vector.broadcast %jit3A_1212 : f32 to vector<16xf32>
      %select_n3A_1215 = arith.select %eq3A_1210, %broadcast_in_dim3A_1213, %broadcast_in_dim3A_1214 : vector<16xi1>, vector<16xf32>
      %slice3A_1216 = vector.extract_strided_slice %get3A_1019 {offsets = [11], sizes = [1], strides = [1]} : vector<16xi32> to vector<1xi32>
      %squeeze3A_1217 = vector.extract %slice3A_1216[0] : i32 from vector<1xi32>
      %mul3A_1218 = arith.constant 16 : i32
      %mul3A_1219 = arith.muli %squeeze3A_1217, %mul3A_1218 : i32
      %swap3A_1220 = arith.index_cast %mul3A_1219 : i32 to index
      %swap3A_1221 = tpu.vector_load %arg5[%swap3A_1220] {strides = array<i32>} : memref<256xf32, #tpu.memory_space<vmem>>, vector<16xf32>,
      %swap3A_1222 = vector.shape_cast %swap3A_1221 : vector<16xf32> to vector<16xf32>
      %swap3A_1223 = vector.shape_cast %select_n3A_1215 : vector<16xf32> to vector<16xf32>
      tpu.vector_store %arg5[%swap3A_1220], %swap3A_1223 {add = true, strides = array<i32>} : memref<256xf32, #tpu.memory_space<vmem>>, vector<16xf32>,
      %slice3A_1224 = vector.extract_strided_slice %get3A_1014 {offsets = [12], sizes = [1], strides = [1]} : vector<16xi32> to vector<1xi32>
      %squeeze3A_1225 = vector.extract %slice3A_1224[0] : i32 from vector<1xi32>
      %eq3A_1226 = vector.broadcast %squeeze3A_1225 : i32 to vector<16xi32>
      %eq3A_1227 = arith.cmpi eq, %iota3A, %eq3A_1226 : vector<16xi32>
      %jit3A_1228 = arith.constant 1.000000e+00 : f32
      %jit3A_1229 = arith.constant 0.000000e+00 : f32
      %broadcast_in_dim3A_1230 = vector.broadcast %jit3A_1228 : f32 to vector<16xf32>
      %broadcast_in_dim3A_1231 = vector.broadcast %jit3A_1229 : f32 to vector<16xf32>
      %select_n3A_1232 = arith.select %eq3A_1227, %broadcast_in_dim3A_1230, %broadcast_in_dim3A_1231 : vector<16xi1>, vector<16xf32>
      %slice3A_1233 = vector.extract_strided_slice %get3A_1019 {offsets = [12], sizes = [1], strides = [1]} : vector<16xi32> to vector<1xi32>
      %squeeze3A_1234 = vector.extract %slice3A_1233[0] : i32 from vector<1xi32>
      %mul3A_1235 = arith.constant 16 : i32
      %mul3A_1236 = arith.muli %squeeze3A_1234, %mul3A_1235 : i32
      %swap3A_1237 = arith.index_cast %mul3A_1236 : i32 to index
      %swap3A_1238 = tpu.vector_load %arg5[%swap3A_1237] {strides = array<i32>} : memref<256xf32, #tpu.memory_space<vmem>>, vector<16xf32>,
      %swap3A_1239 = vector.shape_cast %swap3A_1238 : vector<16xf32> to vector<16xf32>
      %swap3A_1240 = vector.shape_cast %select_n3A_1232 : vector<16xf32> to vector<16xf32>
      tpu.vector_store %arg5[%swap3A_1237], %swap3A_1240 {add = true, strides = array<i32>} : memref<256xf32, #tpu.memory_space<vmem>>, vector<16xf32>,
      %slice3A_1241 = vector.extract_strided_slice %get3A_1014 {offsets = [13], sizes = [1], strides = [1]} : vector<16xi32> to vector<1xi32>
      %squeeze3A_1242 = vector.extract %slice3A_1241[0] : i32 from vector<1xi32>
      %eq3A_1243 = vector.broadcast %squeeze3A_1242 : i32 to vector<16xi32>
      %eq3A_1244 = arith.cmpi eq, %iota3A, %eq3A_1243 : vector<16xi32>
      %jit3A_1245 = arith.constant 1.000000e+00 : f32
      %jit3A_1246 = arith.constant 0.000000e+00 : f32
      %broadcast_in_dim3A_1247 = vector.broadcast %jit3A_1245 : f32 to vector<16xf32>
      %broadcast_in_dim3A_1248 = vector.broadcast %jit3A_1246 : f32 to vector<16xf32>
      %select_n3A_1249 = arith.select %eq3A_1244, %broadcast_in_dim3A_1247, %broadcast_in_dim3A_1248 : vector<16xi1>, vector<16xf32>
      %slice3A_1250 = vector.extract_strided_slice %get3A_1019 {offsets = [13], sizes = [1], strides = [1]} : vector<16xi32> to vector<1xi32>
      %squeeze3A_1251 = vector.extract %slice3A_1250[0] : i32 from vector<1xi32>
      %mul3A_1252 = arith.constant 16 : i32
      %mul3A_1253 = arith.muli %squeeze3A_1251, %mul3A_1252 : i32
      %swap3A_1254 = arith.index_cast %mul3A_1253 : i32 to index
      %swap3A_1255 = tpu.vector_load %arg5[%swap3A_1254] {strides = array<i32>} : memref<256xf32, #tpu.memory_space<vmem>>, vector<16xf32>,
      %swap3A_1256 = vector.shape_cast %swap3A_1255 : vector<16xf32> to vector<16xf32>
      %swap3A_1257 = vector.shape_cast %select_n3A_1249 : vector<16xf32> to vector<16xf32>
      tpu.vector_store %arg5[%swap3A_1254], %swap3A_1257 {add = true, strides = array<i32>} : memref<256xf32, #tpu.memory_space<vmem>>, vector<16xf32>,
      %slice3A_1258 = vector.extract_strided_slice %get3A_1014 {offsets = [14], sizes = [1], strides = [1]} : vector<16xi32> to vector<1xi32>
      %squeeze3A_1259 = vector.extract %slice3A_1258[0] : i32 from vector<1xi32>
      %eq3A_1260 = vector.broadcast %squeeze3A_1259 : i32 to vector<16xi32>
      %eq3A_1261 = arith.cmpi eq, %iota3A, %eq3A_1260 : vector<16xi32>
      %jit3A_1262 = arith.constant 1.000000e+00 : f32
      %jit3A_1263 = arith.constant 0.000000e+00 : f32
      %broadcast_in_dim3A_1264 = vector.broadcast %jit3A_1262 : f32 to vector<16xf32>
      %broadcast_in_dim3A_1265 = vector.broadcast %jit3A_1263 : f32 to vector<16xf32>
      %select_n3A_1266 = arith.select %eq3A_1261, %broadcast_in_dim3A_1264, %broadcast_in_dim3A_1265 : vector<16xi1>, vector<16xf32>
      %slice3A_1267 = vector.extract_strided_slice %get3A_1019 {offsets = [14], sizes = [1], strides = [1]} : vector<16xi32> to vector<1xi32>
      %squeeze3A_1268 = vector.extract %slice3A_1267[0] : i32 from vector<1xi32>
      %mul3A_1269 = arith.constant 16 : i32
      %mul3A_1270 = arith.muli %squeeze3A_1268, %mul3A_1269 : i32
      %swap3A_1271 = arith.index_cast %mul3A_1270 : i32 to index
      %swap3A_1272 = tpu.vector_load %arg5[%swap3A_1271] {strides = array<i32>} : memref<256xf32, #tpu.memory_space<vmem>>, vector<16xf32>,
      %swap3A_1273 = vector.shape_cast %swap3A_1272 : vector<16xf32> to vector<16xf32>
      %swap3A_1274 = vector.shape_cast %select_n3A_1266 : vector<16xf32> to vector<16xf32>
      tpu.vector_store %arg5[%swap3A_1271], %swap3A_1274 {add = true, strides = array<i32>} : memref<256xf32, #tpu.memory_space<vmem>>, vector<16xf32>,
      %slice3A_1275 = vector.extract_strided_slice %get3A_1014 {offsets = [15], sizes = [1], strides = [1]} : vector<16xi32> to vector<1xi32>
      %squeeze3A_1276 = vector.extract %slice3A_1275[0] : i32 from vector<1xi32>
      %eq3A_1277 = vector.broadcast %squeeze3A_1276 : i32 to vector<16xi32>
      %eq3A_1278 = arith.cmpi eq, %iota3A, %eq3A_1277 : vector<16xi32>
      %jit3A_1279 = arith.constant 1.000000e+00 : f32
      %jit3A_1280 = arith.constant 0.000000e+00 : f32
      %broadcast_in_dim3A_1281 = vector.broadcast %jit3A_1279 : f32 to vector<16xf32>
      %broadcast_in_dim3A_1282 = vector.broadcast %jit3A_1280 : f32 to vector<16xf32>
      %select_n3A_1283 = arith.select %eq3A_1278, %broadcast_in_dim3A_1281, %broadcast_in_dim3A_1282 : vector<16xi1>, vector<16xf32>
      %slice3A_1284 = vector.extract_strided_slice %get3A_1019 {offsets = [15], sizes = [1], strides = [1]} : vector<16xi32> to vector<1xi32>
      %squeeze3A_1285 = vector.extract %slice3A_1284[0] : i32 from vector<1xi32>
      %mul3A_1286 = arith.constant 16 : i32
      %mul3A_1287 = arith.muli %squeeze3A_1285, %mul3A_1286 : i32
      %swap3A_1288 = arith.index_cast %mul3A_1287 : i32 to index
      %swap3A_1289 = tpu.vector_load %arg5[%swap3A_1288] {strides = array<i32>} : memref<256xf32, #tpu.memory_space<vmem>>, vector<16xf32>,
      %swap3A_1290 = vector.shape_cast %swap3A_1289 : vector<16xf32> to vector<16xf32>
      %swap3A_1291 = vector.shape_cast %select_n3A_1283 : vector<16xf32> to vector<16xf32>
      tpu.vector_store %arg5[%swap3A_1288], %swap3A_1291 {add = true, strides = array<i32>} : memref<256xf32, #tpu.memory_space<vmem>>, vector<16xf32>,
      %get3A_1292 = arith.constant 0 : i32
      %get3A_1293 = arith.index_cast %get3A_1292 : i32 to index
      %get3A_1294 = arith.constant 64 : index
      %get3A_1295 = tpu.vector_load %arg4[%get3A_1293, %get3A_1294] {strides = array<i32>} : memref<2x196xi32, #tpu.memory_space<vmem>>, vector<1x16xi32>,
      %get3A_1296 = vector.shape_cast %get3A_1295 : vector<1x16xi32> to vector<16xi32>
      %get3A_1297 = arith.constant 1 : i32
      %get3A_1298 = arith.index_cast %get3A_1297 : i32 to index
      %get3A_1299 = arith.constant 64 : index
      %get3A_1300 = tpu.vector_load %arg4[%get3A_1298, %get3A_1299] {strides = array<i32>} : memref<2x196xi32, #tpu.memory_space<vmem>>, vector<1x16xi32>,
      %get3A_1301 = vector.shape_cast %get3A_1300 : vector<1x16xi32> to vector<16xi32>
      %slice3A_1302 = vector.extract_strided_slice %get3A_1296 {offsets = [0], sizes = [1], strides = [1]} : vector<16xi32> to vector<1xi32>
      %squeeze3A_1303 = vector.extract %slice3A_1302[0] : i32 from vector<1xi32>
      %eq3A_1304 = vector.broadcast %squeeze3A_1303 : i32 to vector<16xi32>
      %eq3A_1305 = arith.cmpi eq, %iota3A, %eq3A_1304 : vector<16xi32>
      %jit3A_1306 = arith.constant 1.000000e+00 : f32
      %jit3A_1307 = arith.constant 0.000000e+00 : f32
      %broadcast_in_dim3A_1308 = vector.broadcast %jit3A_1306 : f32 to vector<16xf32>
      %broadcast_in_dim3A_1309 = vector.broadcast %jit3A_1307 : f32 to vector<16xf32>
      %select_n3A_1310 = arith.select %eq3A_1305, %broadcast_in_dim3A_1308, %broadcast_in_dim3A_1309 : vector<16xi1>, vector<16xf32>
      %slice3A_1311 = vector.extract_strided_slice %get3A_1301 {offsets = [0], sizes = [1], strides = [1]} : vector<16xi32> to vector<1xi32>
      %squeeze3A_1312 = vector.extract %slice3A_1311[0] : i32 from vector<1xi32>
      %mul3A_1313 = arith.constant 16 : i32
      %mul3A_1314 = arith.muli %squeeze3A_1312, %mul3A_1313 : i32
      %swap3A_1315 = arith.index_cast %mul3A_1314 : i32 to index
      %swap3A_1316 = tpu.vector_load %arg5[%swap3A_1315] {strides = array<i32>} : memref<256xf32, #tpu.memory_space<vmem>>, vector<16xf32>,
      %swap3A_1317 = vector.shape_cast %swap3A_1316 : vector<16xf32> to vector<16xf32>
      %swap3A_1318 = vector.shape_cast %select_n3A_1310 : vector<16xf32> to vector<16xf32>
      tpu.vector_store %arg5[%swap3A_1315], %swap3A_1318 {add = true, strides = array<i32>} : memref<256xf32, #tpu.memory_space<vmem>>, vector<16xf32>,
      %slice3A_1319 = vector.extract_strided_slice %get3A_1296 {offsets = [1], sizes = [1], strides = [1]} : vector<16xi32> to vector<1xi32>
      %squeeze3A_1320 = vector.extract %slice3A_1319[0] : i32 from vector<1xi32>
      %eq3A_1321 = vector.broadcast %squeeze3A_1320 : i32 to vector<16xi32>
      %eq3A_1322 = arith.cmpi eq, %iota3A, %eq3A_1321 : vector<16xi32>
      %jit3A_1323 = arith.constant 1.000000e+00 : f32
      %jit3A_1324 = arith.constant 0.000000e+00 : f32
      %broadcast_in_dim3A_1325 = vector.broadcast %jit3A_1323 : f32 to vector<16xf32>
      %broadcast_in_dim3A_1326 = vector.broadcast %jit3A_1324 : f32 to vector<16xf32>
      %select_n3A_1327 = arith.select %eq3A_1322, %broadcast_in_dim3A_1325, %broadcast_in_dim3A_1326 : vector<16xi1>, vector<16xf32>
      %slice3A_1328 = vector.extract_strided_slice %get3A_1301 {offsets = [1], sizes = [1], strides = [1]} : vector<16xi32> to vector<1xi32>
      %squeeze3A_1329 = vector.extract %slice3A_1328[0] : i32 from vector<1xi32>
      %mul3A_1330 = arith.constant 16 : i32
      %mul3A_1331 = arith.muli %squeeze3A_1329, %mul3A_1330 : i32
      %swap3A_1332 = arith.index_cast %mul3A_1331 : i32 to index
      %swap3A_1333 = tpu.vector_load %arg5[%swap3A_1332] {strides = array<i32>} : memref<256xf32, #tpu.memory_space<vmem>>, vector<16xf32>,
      %swap3A_1334 = vector.shape_cast %swap3A_1333 : vector<16xf32> to vector<16xf32>
      %swap3A_1335 = vector.shape_cast %select_n3A_1327 : vector<16xf32> to vector<16xf32>
      tpu.vector_store %arg5[%swap3A_1332], %swap3A_1335 {add = true, strides = array<i32>} : memref<256xf32, #tpu.memory_space<vmem>>, vector<16xf32>,
      %slice3A_1336 = vector.extract_strided_slice %get3A_1296 {offsets = [2], sizes = [1], strides = [1]} : vector<16xi32> to vector<1xi32>
      %squeeze3A_1337 = vector.extract %slice3A_1336[0] : i32 from vector<1xi32>
      %eq3A_1338 = vector.broadcast %squeeze3A_1337 : i32 to vector<16xi32>
      %eq3A_1339 = arith.cmpi eq, %iota3A, %eq3A_1338 : vector<16xi32>
      %jit3A_1340 = arith.constant 1.000000e+00 : f32
      %jit3A_1341 = arith.constant 0.000000e+00 : f32
      %broadcast_in_dim3A_1342 = vector.broadcast %jit3A_1340 : f32 to vector<16xf32>
      %broadcast_in_dim3A_1343 = vector.broadcast %jit3A_1341 : f32 to vector<16xf32>
      %select_n3A_1344 = arith.select %eq3A_1339, %broadcast_in_dim3A_1342, %broadcast_in_dim3A_1343 : vector<16xi1>, vector<16xf32>
      %slice3A_1345 = vector.extract_strided_slice %get3A_1301 {offsets = [2], sizes = [1], strides = [1]} : vector<16xi32> to vector<1xi32>
      %squeeze3A_1346 = vector.extract %slice3A_1345[0] : i32 from vector<1xi32>
      %mul3A_1347 = arith.constant 16 : i32
      %mul3A_1348 = arith.muli %squeeze3A_1346, %mul3A_1347 : i32
      %swap3A_1349 = arith.index_cast %mul3A_1348 : i32 to index
      %swap3A_1350 = tpu.vector_load %arg5[%swap3A_1349] {strides = array<i32>} : memref<256xf32, #tpu.memory_space<vmem>>, vector<16xf32>,
      %swap3A_1351 = vector.shape_cast %swap3A_1350 : vector<16xf32> to vector<16xf32>
      %swap3A_1352 = vector.shape_cast %select_n3A_1344 : vector<16xf32> to vector<16xf32>
      tpu.vector_store %arg5[%swap3A_1349], %swap3A_1352 {add = true, strides = array<i32>} : memref<256xf32, #tpu.memory_space<vmem>>, vector<16xf32>,
      %slice3A_1353 = vector.extract_strided_slice %get3A_1296 {offsets = [3], sizes = [1], strides = [1]} : vector<16xi32> to vector<1xi32>
      %squeeze3A_1354 = vector.extract %slice3A_1353[0] : i32 from vector<1xi32>
      %eq3A_1355 = vector.broadcast %squeeze3A_1354 : i32 to vector<16xi32>
      %eq3A_1356 = arith.cmpi eq, %iota3A, %eq3A_1355 : vector<16xi32>
      %jit3A_1357 = arith.constant 1.000000e+00 : f32
      %jit3A_1358 = arith.constant 0.000000e+00 : f32
      %broadcast_in_dim3A_1359 = vector.broadcast %jit3A_1357 : f32 to vector<16xf32>
      %broadcast_in_dim3A_1360 = vector.broadcast %jit3A_1358 : f32 to vector<16xf32>
      %select_n3A_1361 = arith.select %eq3A_1356, %broadcast_in_dim3A_1359, %broadcast_in_dim3A_1360 : vector<16xi1>, vector<16xf32>
      %slice3A_1362 = vector.extract_strided_slice %get3A_1301 {offsets = [3], sizes = [1], strides = [1]} : vector<16xi32> to vector<1xi32>
      %squeeze3A_1363 = vector.extract %slice3A_1362[0] : i32 from vector<1xi32>
      %mul3A_1364 = arith.constant 16 : i32
      %mul3A_1365 = arith.muli %squeeze3A_1363, %mul3A_1364 : i32
      %swap3A_1366 = arith.index_cast %mul3A_1365 : i32 to index
      %swap3A_1367 = tpu.vector_load %arg5[%swap3A_1366] {strides = array<i32>} : memref<256xf32, #tpu.memory_space<vmem>>, vector<16xf32>,
      %swap3A_1368 = vector.shape_cast %swap3A_1367 : vector<16xf32> to vector<16xf32>
      %swap3A_1369 = vector.shape_cast %select_n3A_1361 : vector<16xf32> to vector<16xf32>
      tpu.vector_store %arg5[%swap3A_1366], %swap3A_1369 {add = true, strides = array<i32>} : memref<256xf32, #tpu.memory_space<vmem>>, vector<16xf32>,
      %slice3A_1370 = vector.extract_strided_slice %get3A_1296 {offsets = [4], sizes = [1], strides = [1]} : vector<16xi32> to vector<1xi32>
      %squeeze3A_1371 = vector.extract %slice3A_1370[0] : i32 from vector<1xi32>
      %eq3A_1372 = vector.broadcast %squeeze3A_1371 : i32 to vector<16xi32>
      %eq3A_1373 = arith.cmpi eq, %iota3A, %eq3A_1372 : vector<16xi32>
      %jit3A_1374 = arith.constant 1.000000e+00 : f32
      %jit3A_1375 = arith.constant 0.000000e+00 : f32
      %broadcast_in_dim3A_1376 = vector.broadcast %jit3A_1374 : f32 to vector<16xf32>
      %broadcast_in_dim3A_1377 = vector.broadcast %jit3A_1375 : f32 to vector<16xf32>
      %select_n3A_1378 = arith.select %eq3A_1373, %broadcast_in_dim3A_1376, %broadcast_in_dim3A_1377 : vector<16xi1>, vector<16xf32>
      %slice3A_1379 = vector.extract_strided_slice %get3A_1301 {offsets = [4], sizes = [1], strides = [1]} : vector<16xi32> to vector<1xi32>
      %squeeze3A_1380 = vector.extract %slice3A_1379[0] : i32 from vector<1xi32>
      %mul3A_1381 = arith.constant 16 : i32
      %mul3A_1382 = arith.muli %squeeze3A_1380, %mul3A_1381 : i32
      %swap3A_1383 = arith.index_cast %mul3A_1382 : i32 to index
      %swap3A_1384 = tpu.vector_load %arg5[%swap3A_1383] {strides = array<i32>} : memref<256xf32, #tpu.memory_space<vmem>>, vector<16xf32>,
      %swap3A_1385 = vector.shape_cast %swap3A_1384 : vector<16xf32> to vector<16xf32>
      %swap3A_1386 = vector.shape_cast %select_n3A_1378 : vector<16xf32> to vector<16xf32>
      tpu.vector_store %arg5[%swap3A_1383], %swap3A_1386 {add = true, strides = array<i32>} : memref<256xf32, #tpu.memory_space<vmem>>, vector<16xf32>,
      %slice3A_1387 = vector.extract_strided_slice %get3A_1296 {offsets = [5], sizes = [1], strides = [1]} : vector<16xi32> to vector<1xi32>
      %squeeze3A_1388 = vector.extract %slice3A_1387[0] : i32 from vector<1xi32>
      %eq3A_1389 = vector.broadcast %squeeze3A_1388 : i32 to vector<16xi32>
      %eq3A_1390 = arith.cmpi eq, %iota3A, %eq3A_1389 : vector<16xi32>
      %jit3A_1391 = arith.constant 1.000000e+00 : f32
      %jit3A_1392 = arith.constant 0.000000e+00 : f32
      %broadcast_in_dim3A_1393 = vector.broadcast %jit3A_1391 : f32 to vector<16xf32>
      %broadcast_in_dim3A_1394 = vector.broadcast %jit3A_1392 : f32 to vector<16xf32>
      %select_n3A_1395 = arith.select %eq3A_1390, %broadcast_in_dim3A_1393, %broadcast_in_dim3A_1394 : vector<16xi1>, vector<16xf32>
      %slice3A_1396 = vector.extract_strided_slice %get3A_1301 {offsets = [5], sizes = [1], strides = [1]} : vector<16xi32> to vector<1xi32>
      %squeeze3A_1397 = vector.extract %slice3A_1396[0] : i32 from vector<1xi32>
      %mul3A_1398 = arith.constant 16 : i32
      %mul3A_1399 = arith.muli %squeeze3A_1397, %mul3A_1398 : i32
      %swap3A_1400 = arith.index_cast %mul3A_1399 : i32 to index
      %swap3A_1401 = tpu.vector_load %arg5[%swap3A_1400] {strides = array<i32>} : memref<256xf32, #tpu.memory_space<vmem>>, vector<16xf32>,
      %swap3A_1402 = vector.shape_cast %swap3A_1401 : vector<16xf32> to vector<16xf32>
      %swap3A_1403 = vector.shape_cast %select_n3A_1395 : vector<16xf32> to vector<16xf32>
      tpu.vector_store %arg5[%swap3A_1400], %swap3A_1403 {add = true, strides = array<i32>} : memref<256xf32, #tpu.memory_space<vmem>>, vector<16xf32>,
      %slice3A_1404 = vector.extract_strided_slice %get3A_1296 {offsets = [6], sizes = [1], strides = [1]} : vector<16xi32> to vector<1xi32>
      %squeeze3A_1405 = vector.extract %slice3A_1404[0] : i32 from vector<1xi32>
      %eq3A_1406 = vector.broadcast %squeeze3A_1405 : i32 to vector<16xi32>
      %eq3A_1407 = arith.cmpi eq, %iota3A, %eq3A_1406 : vector<16xi32>
      %jit3A_1408 = arith.constant 1.000000e+00 : f32
      %jit3A_1409 = arith.constant 0.000000e+00 : f32
      %broadcast_in_dim3A_1410 = vector.broadcast %jit3A_1408 : f32 to vector<16xf32>
      %broadcast_in_dim3A_1411 = vector.broadcast %jit3A_1409 : f32 to vector<16xf32>
      %select_n3A_1412 = arith.select %eq3A_1407, %broadcast_in_dim3A_1410, %broadcast_in_dim3A_1411 : vector<16xi1>, vector<16xf32>
      %slice3A_1413 = vector.extract_strided_slice %get3A_1301 {offsets = [6], sizes = [1], strides = [1]} : vector<16xi32> to vector<1xi32>
      %squeeze3A_1414 = vector.extract %slice3A_1413[0] : i32 from vector<1xi32>
      %mul3A_1415 = arith.constant 16 : i32
      %mul3A_1416 = arith.muli %squeeze3A_1414, %mul3A_1415 : i32
      %swap3A_1417 = arith.index_cast %mul3A_1416 : i32 to index
      %swap3A_1418 = tpu.vector_load %arg5[%swap3A_1417] {strides = array<i32>} : memref<256xf32, #tpu.memory_space<vmem>>, vector<16xf32>,
      %swap3A_1419 = vector.shape_cast %swap3A_1418 : vector<16xf32> to vector<16xf32>
      %swap3A_1420 = vector.shape_cast %select_n3A_1412 : vector<16xf32> to vector<16xf32>
      tpu.vector_store %arg5[%swap3A_1417], %swap3A_1420 {add = true, strides = array<i32>} : memref<256xf32, #tpu.memory_space<vmem>>, vector<16xf32>,
      %slice3A_1421 = vector.extract_strided_slice %get3A_1296 {offsets = [7], sizes = [1], strides = [1]} : vector<16xi32> to vector<1xi32>
      %squeeze3A_1422 = vector.extract %slice3A_1421[0] : i32 from vector<1xi32>
      %eq3A_1423 = vector.broadcast %squeeze3A_1422 : i32 to vector<16xi32>
      %eq3A_1424 = arith.cmpi eq, %iota3A, %eq3A_1423 : vector<16xi32>
      %jit3A_1425 = arith.constant 1.000000e+00 : f32
      %jit3A_1426 = arith.constant 0.000000e+00 : f32
      %broadcast_in_dim3A_1427 = vector.broadcast %jit3A_1425 : f32 to vector<16xf32>
      %broadcast_in_dim3A_1428 = vector.broadcast %jit3A_1426 : f32 to vector<16xf32>
      %select_n3A_1429 = arith.select %eq3A_1424, %broadcast_in_dim3A_1427, %broadcast_in_dim3A_1428 : vector<16xi1>, vector<16xf32>
      %slice3A_1430 = vector.extract_strided_slice %get3A_1301 {offsets = [7], sizes = [1], strides = [1]} : vector<16xi32> to vector<1xi32>
      %squeeze3A_1431 = vector.extract %slice3A_1430[0] : i32 from vector<1xi32>
      %mul3A_1432 = arith.constant 16 : i32
      %mul3A_1433 = arith.muli %squeeze3A_1431, %mul3A_1432 : i32
      %swap3A_1434 = arith.index_cast %mul3A_1433 : i32 to index
      %swap3A_1435 = tpu.vector_load %arg5[%swap3A_1434] {strides = array<i32>} : memref<256xf32, #tpu.memory_space<vmem>>, vector<16xf32>,
      %swap3A_1436 = vector.shape_cast %swap3A_1435 : vector<16xf32> to vector<16xf32>
      %swap3A_1437 = vector.shape_cast %select_n3A_1429 : vector<16xf32> to vector<16xf32>
      tpu.vector_store %arg5[%swap3A_1434], %swap3A_1437 {add = true, strides = array<i32>} : memref<256xf32, #tpu.memory_space<vmem>>, vector<16xf32>,
      %slice3A_1438 = vector.extract_strided_slice %get3A_1296 {offsets = [8], sizes = [1], strides = [1]} : vector<16xi32> to vector<1xi32>
      %squeeze3A_1439 = vector.extract %slice3A_1438[0] : i32 from vector<1xi32>
      %eq3A_1440 = vector.broadcast %squeeze3A_1439 : i32 to vector<16xi32>
      %eq3A_1441 = arith.cmpi eq, %iota3A, %eq3A_1440 : vector<16xi32>
      %jit3A_1442 = arith.constant 1.000000e+00 : f32
      %jit3A_1443 = arith.constant 0.000000e+00 : f32
      %broadcast_in_dim3A_1444 = vector.broadcast %jit3A_1442 : f32 to vector<16xf32>
      %broadcast_in_dim3A_1445 = vector.broadcast %jit3A_1443 : f32 to vector<16xf32>
      %select_n3A_1446 = arith.select %eq3A_1441, %broadcast_in_dim3A_1444, %broadcast_in_dim3A_1445 : vector<16xi1>, vector<16xf32>
      %slice3A_1447 = vector.extract_strided_slice %get3A_1301 {offsets = [8], sizes = [1], strides = [1]} : vector<16xi32> to vector<1xi32>
      %squeeze3A_1448 = vector.extract %slice3A_1447[0] : i32 from vector<1xi32>
      %mul3A_1449 = arith.constant 16 : i32
      %mul3A_1450 = arith.muli %squeeze3A_1448, %mul3A_1449 : i32
      %swap3A_1451 = arith.index_cast %mul3A_1450 : i32 to index
      %swap3A_1452 = tpu.vector_load %arg5[%swap3A_1451] {strides = array<i32>} : memref<256xf32, #tpu.memory_space<vmem>>, vector<16xf32>,
      %swap3A_1453 = vector.shape_cast %swap3A_1452 : vector<16xf32> to vector<16xf32>
      %swap3A_1454 = vector.shape_cast %select_n3A_1446 : vector<16xf32> to vector<16xf32>
      tpu.vector_store %arg5[%swap3A_1451], %swap3A_1454 {add = true, strides = array<i32>} : memref<256xf32, #tpu.memory_space<vmem>>, vector<16xf32>,
      %slice3A_1455 = vector.extract_strided_slice %get3A_1296 {offsets = [9], sizes = [1], strides = [1]} : vector<16xi32> to vector<1xi32>
      %squeeze3A_1456 = vector.extract %slice3A_1455[0] : i32 from vector<1xi32>
      %eq3A_1457 = vector.broadcast %squeeze3A_1456 : i32 to vector<16xi32>
      %eq3A_1458 = arith.cmpi eq, %iota3A, %eq3A_1457 : vector<16xi32>
      %jit3A_1459 = arith.constant 1.000000e+00 : f32
      %jit3A_1460 = arith.constant 0.000000e+00 : f32
      %broadcast_in_dim3A_1461 = vector.broadcast %jit3A_1459 : f32 to vector<16xf32>
      %broadcast_in_dim3A_1462 = vector.broadcast %jit3A_1460 : f32 to vector<16xf32>
      %select_n3A_1463 = arith.select %eq3A_1458, %broadcast_in_dim3A_1461, %broadcast_in_dim3A_1462 : vector<16xi1>, vector<16xf32>
      %slice3A_1464 = vector.extract_strided_slice %get3A_1301 {offsets = [9], sizes = [1], strides = [1]} : vector<16xi32> to vector<1xi32>
      %squeeze3A_1465 = vector.extract %slice3A_1464[0] : i32 from vector<1xi32>
      %mul3A_1466 = arith.constant 16 : i32
      %mul3A_1467 = arith.muli %squeeze3A_1465, %mul3A_1466 : i32
      %swap3A_1468 = arith.index_cast %mul3A_1467 : i32 to index
      %swap3A_1469 = tpu.vector_load %arg5[%swap3A_1468] {strides = array<i32>} : memref<256xf32, #tpu.memory_space<vmem>>, vector<16xf32>,
      %swap3A_1470 = vector.shape_cast %swap3A_1469 : vector<16xf32> to vector<16xf32>
      %swap3A_1471 = vector.shape_cast %select_n3A_1463 : vector<16xf32> to vector<16xf32>
      tpu.vector_store %arg5[%swap3A_1468], %swap3A_1471 {add = true, strides = array<i32>} : memref<256xf32, #tpu.memory_space<vmem>>, vector<16xf32>,
      %slice3A_1472 = vector.extract_strided_slice %get3A_1296 {offsets = [10], sizes = [1], strides = [1]} : vector<16xi32> to vector<1xi32>
      %squeeze3A_1473 = vector.extract %slice3A_1472[0] : i32 from vector<1xi32>
      %eq3A_1474 = vector.broadcast %squeeze3A_1473 : i32 to vector<16xi32>
      %eq3A_1475 = arith.cmpi eq, %iota3A, %eq3A_1474 : vector<16xi32>
      %jit3A_1476 = arith.constant 1.000000e+00 : f32
      %jit3A_1477 = arith.constant 0.000000e+00 : f32
      %broadcast_in_dim3A_1478 = vector.broadcast %jit3A_1476 : f32 to vector<16xf32>
      %broadcast_in_dim3A_1479 = vector.broadcast %jit3A_1477 : f32 to vector<16xf32>
      %select_n3A_1480 = arith.select %eq3A_1475, %broadcast_in_dim3A_1478, %broadcast_in_dim3A_1479 : vector<16xi1>, vector<16xf32>
      %slice3A_1481 = vector.extract_strided_slice %get3A_1301 {offsets = [10], sizes = [1], strides = [1]} : vector<16xi32> to vector<1xi32>
      %squeeze3A_1482 = vector.extract %slice3A_1481[0] : i32 from vector<1xi32>
      %mul3A_1483 = arith.constant 16 : i32
      %mul3A_1484 = arith.muli %squeeze3A_1482, %mul3A_1483 : i32
      %swap3A_1485 = arith.index_cast %mul3A_1484 : i32 to index
      %swap3A_1486 = tpu.vector_load %arg5[%swap3A_1485] {strides = array<i32>} : memref<256xf32, #tpu.memory_space<vmem>>, vector<16xf32>,
      %swap3A_1487 = vector.shape_cast %swap3A_1486 : vector<16xf32> to vector<16xf32>
      %swap3A_1488 = vector.shape_cast %select_n3A_1480 : vector<16xf32> to vector<16xf32>
      tpu.vector_store %arg5[%swap3A_1485], %swap3A_1488 {add = true, strides = array<i32>} : memref<256xf32, #tpu.memory_space<vmem>>, vector<16xf32>,
      %slice3A_1489 = vector.extract_strided_slice %get3A_1296 {offsets = [11], sizes = [1], strides = [1]} : vector<16xi32> to vector<1xi32>
      %squeeze3A_1490 = vector.extract %slice3A_1489[0] : i32 from vector<1xi32>
      %eq3A_1491 = vector.broadcast %squeeze3A_1490 : i32 to vector<16xi32>
      %eq3A_1492 = arith.cmpi eq, %iota3A, %eq3A_1491 : vector<16xi32>
      %jit3A_1493 = arith.constant 1.000000e+00 : f32
      %jit3A_1494 = arith.constant 0.000000e+00 : f32
      %broadcast_in_dim3A_1495 = vector.broadcast %jit3A_1493 : f32 to vector<16xf32>
      %broadcast_in_dim3A_1496 = vector.broadcast %jit3A_1494 : f32 to vector<16xf32>
      %select_n3A_1497 = arith.select %eq3A_1492, %broadcast_in_dim3A_1495, %broadcast_in_dim3A_1496 : vector<16xi1>, vector<16xf32>
      %slice3A_1498 = vector.extract_strided_slice %get3A_1301 {offsets = [11], sizes = [1], strides = [1]} : vector<16xi32> to vector<1xi32>
      %squeeze3A_1499 = vector.extract %slice3A_1498[0] : i32 from vector<1xi32>
      %mul3A_1500 = arith.constant 16 : i32
      %mul3A_1501 = arith.muli %squeeze3A_1499, %mul3A_1500 : i32
      %swap3A_1502 = arith.index_cast %mul3A_1501 : i32 to index
      %swap3A_1503 = tpu.vector_load %arg5[%swap3A_1502] {strides = array<i32>} : memref<256xf32, #tpu.memory_space<vmem>>, vector<16xf32>,
      %swap3A_1504 = vector.shape_cast %swap3A_1503 : vector<16xf32> to vector<16xf32>
      %swap3A_1505 = vector.shape_cast %select_n3A_1497 : vector<16xf32> to vector<16xf32>
      tpu.vector_store %arg5[%swap3A_1502], %swap3A_1505 {add = true, strides = array<i32>} : memref<256xf32, #tpu.memory_space<vmem>>, vector<16xf32>,
      %slice3A_1506 = vector.extract_strided_slice %get3A_1296 {offsets = [12], sizes = [1], strides = [1]} : vector<16xi32> to vector<1xi32>
      %squeeze3A_1507 = vector.extract %slice3A_1506[0] : i32 from vector<1xi32>
      %eq3A_1508 = vector.broadcast %squeeze3A_1507 : i32 to vector<16xi32>
      %eq3A_1509 = arith.cmpi eq, %iota3A, %eq3A_1508 : vector<16xi32>
      %jit3A_1510 = arith.constant 1.000000e+00 : f32
      %jit3A_1511 = arith.constant 0.000000e+00 : f32
      %broadcast_in_dim3A_1512 = vector.broadcast %jit3A_1510 : f32 to vector<16xf32>
      %broadcast_in_dim3A_1513 = vector.broadcast %jit3A_1511 : f32 to vector<16xf32>
      %select_n3A_1514 = arith.select %eq3A_1509, %broadcast_in_dim3A_1512, %broadcast_in_dim3A_1513 : vector<16xi1>, vector<16xf32>
      %slice3A_1515 = vector.extract_strided_slice %get3A_1301 {offsets = [12], sizes = [1], strides = [1]} : vector<16xi32> to vector<1xi32>
      %squeeze3A_1516 = vector.extract %slice3A_1515[0] : i32 from vector<1xi32>
      %mul3A_1517 = arith.constant 16 : i32
      %mul3A_1518 = arith.muli %squeeze3A_1516, %mul3A_1517 : i32
      %swap3A_1519 = arith.index_cast %mul3A_1518 : i32 to index
      %swap3A_1520 = tpu.vector_load %arg5[%swap3A_1519] {strides = array<i32>} : memref<256xf32, #tpu.memory_space<vmem>>, vector<16xf32>,
      %swap3A_1521 = vector.shape_cast %swap3A_1520 : vector<16xf32> to vector<16xf32>
      %swap3A_1522 = vector.shape_cast %select_n3A_1514 : vector<16xf32> to vector<16xf32>
      tpu.vector_store %arg5[%swap3A_1519], %swap3A_1522 {add = true, strides = array<i32>} : memref<256xf32, #tpu.memory_space<vmem>>, vector<16xf32>,
      %slice3A_1523 = vector.extract_strided_slice %get3A_1296 {offsets = [13], sizes = [1], strides = [1]} : vector<16xi32> to vector<1xi32>
      %squeeze3A_1524 = vector.extract %slice3A_1523[0] : i32 from vector<1xi32>
      %eq3A_1525 = vector.broadcast %squeeze3A_1524 : i32 to vector<16xi32>
      %eq3A_1526 = arith.cmpi eq, %iota3A, %eq3A_1525 : vector<16xi32>
      %jit3A_1527 = arith.constant 1.000000e+00 : f32
      %jit3A_1528 = arith.constant 0.000000e+00 : f32
      %broadcast_in_dim3A_1529 = vector.broadcast %jit3A_1527 : f32 to vector<16xf32>
      %broadcast_in_dim3A_1530 = vector.broadcast %jit3A_1528 : f32 to vector<16xf32>
      %select_n3A_1531 = arith.select %eq3A_1526, %broadcast_in_dim3A_1529, %broadcast_in_dim3A_1530 : vector<16xi1>, vector<16xf32>
      %slice3A_1532 = vector.extract_strided_slice %get3A_1301 {offsets = [13], sizes = [1], strides = [1]} : vector<16xi32> to vector<1xi32>
      %squeeze3A_1533 = vector.extract %slice3A_1532[0] : i32 from vector<1xi32>
      %mul3A_1534 = arith.constant 16 : i32
      %mul3A_1535 = arith.muli %squeeze3A_1533, %mul3A_1534 : i32
      %swap3A_1536 = arith.index_cast %mul3A_1535 : i32 to index
      %swap3A_1537 = tpu.vector_load %arg5[%swap3A_1536] {strides = array<i32>} : memref<256xf32, #tpu.memory_space<vmem>>, vector<16xf32>,
      %swap3A_1538 = vector.shape_cast %swap3A_1537 : vector<16xf32> to vector<16xf32>
      %swap3A_1539 = vector.shape_cast %select_n3A_1531 : vector<16xf32> to vector<16xf32>
      tpu.vector_store %arg5[%swap3A_1536], %swap3A_1539 {add = true, strides = array<i32>} : memref<256xf32, #tpu.memory_space<vmem>>, vector<16xf32>,
      %slice3A_1540 = vector.extract_strided_slice %get3A_1296 {offsets = [14], sizes = [1], strides = [1]} : vector<16xi32> to vector<1xi32>
      %squeeze3A_1541 = vector.extract %slice3A_1540[0] : i32 from vector<1xi32>
      %eq3A_1542 = vector.broadcast %squeeze3A_1541 : i32 to vector<16xi32>
      %eq3A_1543 = arith.cmpi eq, %iota3A, %eq3A_1542 : vector<16xi32>
      %jit3A_1544 = arith.constant 1.000000e+00 : f32
      %jit3A_1545 = arith.constant 0.000000e+00 : f32
      %broadcast_in_dim3A_1546 = vector.broadcast %jit3A_1544 : f32 to vector<16xf32>
      %broadcast_in_dim3A_1547 = vector.broadcast %jit3A_1545 : f32 to vector<16xf32>
      %select_n3A_1548 = arith.select %eq3A_1543, %broadcast_in_dim3A_1546, %broadcast_in_dim3A_1547 : vector<16xi1>, vector<16xf32>
      %slice3A_1549 = vector.extract_strided_slice %get3A_1301 {offsets = [14], sizes = [1], strides = [1]} : vector<16xi32> to vector<1xi32>
      %squeeze3A_1550 = vector.extract %slice3A_1549[0] : i32 from vector<1xi32>
      %mul3A_1551 = arith.constant 16 : i32
      %mul3A_1552 = arith.muli %squeeze3A_1550, %mul3A_1551 : i32
      %swap3A_1553 = arith.index_cast %mul3A_1552 : i32 to index
      %swap3A_1554 = tpu.vector_load %arg5[%swap3A_1553] {strides = array<i32>} : memref<256xf32, #tpu.memory_space<vmem>>, vector<16xf32>,
      %swap3A_1555 = vector.shape_cast %swap3A_1554 : vector<16xf32> to vector<16xf32>
      %swap3A_1556 = vector.shape_cast %select_n3A_1548 : vector<16xf32> to vector<16xf32>
      tpu.vector_store %arg5[%swap3A_1553], %swap3A_1556 {add = true, strides = array<i32>} : memref<256xf32, #tpu.memory_space<vmem>>, vector<16xf32>,
      %slice3A_1557 = vector.extract_strided_slice %get3A_1296 {offsets = [15], sizes = [1], strides = [1]} : vector<16xi32> to vector<1xi32>
      %squeeze3A_1558 = vector.extract %slice3A_1557[0] : i32 from vector<1xi32>
      %eq3A_1559 = vector.broadcast %squeeze3A_1558 : i32 to vector<16xi32>
      %eq3A_1560 = arith.cmpi eq, %iota3A, %eq3A_1559 : vector<16xi32>
      %jit3A_1561 = arith.constant 1.000000e+00 : f32
      %jit3A_1562 = arith.constant 0.000000e+00 : f32
      %broadcast_in_dim3A_1563 = vector.broadcast %jit3A_1561 : f32 to vector<16xf32>
      %broadcast_in_dim3A_1564 = vector.broadcast %jit3A_1562 : f32 to vector<16xf32>
      %select_n3A_1565 = arith.select %eq3A_1560, %broadcast_in_dim3A_1563, %broadcast_in_dim3A_1564 : vector<16xi1>, vector<16xf32>
      %slice3A_1566 = vector.extract_strided_slice %get3A_1301 {offsets = [15], sizes = [1], strides = [1]} : vector<16xi32> to vector<1xi32>
      %squeeze3A_1567 = vector.extract %slice3A_1566[0] : i32 from vector<1xi32>
      %mul3A_1568 = arith.constant 16 : i32
      %mul3A_1569 = arith.muli %squeeze3A_1567, %mul3A_1568 : i32
      %swap3A_1570 = arith.index_cast %mul3A_1569 : i32 to index
      %swap3A_1571 = tpu.vector_load %arg5[%swap3A_1570] {strides = array<i32>} : memref<256xf32, #tpu.memory_space<vmem>>, vector<16xf32>,
      %swap3A_1572 = vector.shape_cast %swap3A_1571 : vector<16xf32> to vector<16xf32>
      %swap3A_1573 = vector.shape_cast %select_n3A_1565 : vector<16xf32> to vector<16xf32>
      tpu.vector_store %arg5[%swap3A_1570], %swap3A_1573 {add = true, strides = array<i32>} : memref<256xf32, #tpu.memory_space<vmem>>, vector<16xf32>,
      %get3A_1574 = arith.constant 0 : i32
      %get3A_1575 = arith.index_cast %get3A_1574 : i32 to index
      %get3A_1576 = arith.constant 80 : index
      %get3A_1577 = tpu.vector_load %arg4[%get3A_1575, %get3A_1576] {strides = array<i32>} : memref<2x196xi32, #tpu.memory_space<vmem>>, vector<1x16xi32>,
      %get3A_1578 = vector.shape_cast %get3A_1577 : vector<1x16xi32> to vector<16xi32>
      %get3A_1579 = arith.constant 1 : i32
      %get3A_1580 = arith.index_cast %get3A_1579 : i32 to index
      %get3A_1581 = arith.constant 80 : index
      %get3A_1582 = tpu.vector_load %arg4[%get3A_1580, %get3A_1581] {strides = array<i32>} : memref<2x196xi32, #tpu.memory_space<vmem>>, vector<1x16xi32>,
      %get3A_1583 = vector.shape_cast %get3A_1582 : vector<1x16xi32> to vector<16xi32>
      %slice3A_1584 = vector.extract_strided_slice %get3A_1578 {offsets = [0], sizes = [1], strides = [1]} : vector<16xi32> to vector<1xi32>
      %squeeze3A_1585 = vector.extract %slice3A_1584[0] : i32 from vector<1xi32>
      %eq3A_1586 = vector.broadcast %squeeze3A_1585 : i32 to vector<16xi32>
      %eq3A_1587 = arith.cmpi eq, %iota3A, %eq3A_1586 : vector<16xi32>
      %jit3A_1588 = arith.constant 1.000000e+00 : f32
      %jit3A_1589 = arith.constant 0.000000e+00 : f32
      %broadcast_in_dim3A_1590 = vector.broadcast %jit3A_1588 : f32 to vector<16xf32>
      %broadcast_in_dim3A_1591 = vector.broadcast %jit3A_1589 : f32 to vector<16xf32>
      %select_n3A_1592 = arith.select %eq3A_1587, %broadcast_in_dim3A_1590, %broadcast_in_dim3A_1591 : vector<16xi1>, vector<16xf32>
      %slice3A_1593 = vector.extract_strided_slice %get3A_1583 {offsets = [0], sizes = [1], strides = [1]} : vector<16xi32> to vector<1xi32>
      %squeeze3A_1594 = vector.extract %slice3A_1593[0] : i32 from vector<1xi32>
      %mul3A_1595 = arith.constant 16 : i32
      %mul3A_1596 = arith.muli %squeeze3A_1594, %mul3A_1595 : i32
      %swap3A_1597 = arith.index_cast %mul3A_1596 : i32 to index
      %swap3A_1598 = tpu.vector_load %arg5[%swap3A_1597] {strides = array<i32>} : memref<256xf32, #tpu.memory_space<vmem>>, vector<16xf32>,
      %swap3A_1599 = vector.shape_cast %swap3A_1598 : vector<16xf32> to vector<16xf32>
      %swap3A_1600 = vector.shape_cast %select_n3A_1592 : vector<16xf32> to vector<16xf32>
      tpu.vector_store %arg5[%swap3A_1597], %swap3A_1600 {add = true, strides = array<i32>} : memref<256xf32, #tpu.memory_space<vmem>>, vector<16xf32>,
      %slice3A_1601 = vector.extract_strided_slice %get3A_1578 {offsets = [1], sizes = [1], strides = [1]} : vector<16xi32> to vector<1xi32>
      %squeeze3A_1602 = vector.extract %slice3A_1601[0] : i32 from vector<1xi32>
      %eq3A_1603 = vector.broadcast %squeeze3A_1602 : i32 to vector<16xi32>
      %eq3A_1604 = arith.cmpi eq, %iota3A, %eq3A_1603 : vector<16xi32>
      %jit3A_1605 = arith.constant 1.000000e+00 : f32
      %jit3A_1606 = arith.constant 0.000000e+00 : f32
      %broadcast_in_dim3A_1607 = vector.broadcast %jit3A_1605 : f32 to vector<16xf32>
      %broadcast_in_dim3A_1608 = vector.broadcast %jit3A_1606 : f32 to vector<16xf32>
      %select_n3A_1609 = arith.select %eq3A_1604, %broadcast_in_dim3A_1607, %broadcast_in_dim3A_1608 : vector<16xi1>, vector<16xf32>
      %slice3A_1610 = vector.extract_strided_slice %get3A_1583 {offsets = [1], sizes = [1], strides = [1]} : vector<16xi32> to vector<1xi32>
      %squeeze3A_1611 = vector.extract %slice3A_1610[0] : i32 from vector<1xi32>
      %mul3A_1612 = arith.constant 16 : i32
      %mul3A_1613 = arith.muli %squeeze3A_1611, %mul3A_1612 : i32
      %swap3A_1614 = arith.index_cast %mul3A_1613 : i32 to index
      %swap3A_1615 = tpu.vector_load %arg5[%swap3A_1614] {strides = array<i32>} : memref<256xf32, #tpu.memory_space<vmem>>, vector<16xf32>,
      %swap3A_1616 = vector.shape_cast %swap3A_1615 : vector<16xf32> to vector<16xf32>
      %swap3A_1617 = vector.shape_cast %select_n3A_1609 : vector<16xf32> to vector<16xf32>
      tpu.vector_store %arg5[%swap3A_1614], %swap3A_1617 {add = true, strides = array<i32>} : memref<256xf32, #tpu.memory_space<vmem>>, vector<16xf32>,
      %slice3A_1618 = vector.extract_strided_slice %get3A_1578 {offsets = [2], sizes = [1], strides = [1]} : vector<16xi32> to vector<1xi32>
      %squeeze3A_1619 = vector.extract %slice3A_1618[0] : i32 from vector<1xi32>
      %eq3A_1620 = vector.broadcast %squeeze3A_1619 : i32 to vector<16xi32>
      %eq3A_1621 = arith.cmpi eq, %iota3A, %eq3A_1620 : vector<16xi32>
      %jit3A_1622 = arith.constant 1.000000e+00 : f32
      %jit3A_1623 = arith.constant 0.000000e+00 : f32
      %broadcast_in_dim3A_1624 = vector.broadcast %jit3A_1622 : f32 to vector<16xf32>
      %broadcast_in_dim3A_1625 = vector.broadcast %jit3A_1623 : f32 to vector<16xf32>
      %select_n3A_1626 = arith.select %eq3A_1621, %broadcast_in_dim3A_1624, %broadcast_in_dim3A_1625 : vector<16xi1>, vector<16xf32>
      %slice3A_1627 = vector.extract_strided_slice %get3A_1583 {offsets = [2], sizes = [1], strides = [1]} : vector<16xi32> to vector<1xi32>
      %squeeze3A_1628 = vector.extract %slice3A_1627[0] : i32 from vector<1xi32>
      %mul3A_1629 = arith.constant 16 : i32
      %mul3A_1630 = arith.muli %squeeze3A_1628, %mul3A_1629 : i32
      %swap3A_1631 = arith.index_cast %mul3A_1630 : i32 to index
      %swap3A_1632 = tpu.vector_load %arg5[%swap3A_1631] {strides = array<i32>} : memref<256xf32, #tpu.memory_space<vmem>>, vector<16xf32>,
      %swap3A_1633 = vector.shape_cast %swap3A_1632 : vector<16xf32> to vector<16xf32>
      %swap3A_1634 = vector.shape_cast %select_n3A_1626 : vector<16xf32> to vector<16xf32>
      tpu.vector_store %arg5[%swap3A_1631], %swap3A_1634 {add = true, strides = array<i32>} : memref<256xf32, #tpu.memory_space<vmem>>, vector<16xf32>,
      %slice3A_1635 = vector.extract_strided_slice %get3A_1578 {offsets = [3], sizes = [1], strides = [1]} : vector<16xi32> to vector<1xi32>
      %squeeze3A_1636 = vector.extract %slice3A_1635[0] : i32 from vector<1xi32>
      %eq3A_1637 = vector.broadcast %squeeze3A_1636 : i32 to vector<16xi32>
      %eq3A_1638 = arith.cmpi eq, %iota3A, %eq3A_1637 : vector<16xi32>
      %jit3A_1639 = arith.constant 1.000000e+00 : f32
      %jit3A_1640 = arith.constant 0.000000e+00 : f32
      %broadcast_in_dim3A_1641 = vector.broadcast %jit3A_1639 : f32 to vector<16xf32>
      %broadcast_in_dim3A_1642 = vector.broadcast %jit3A_1640 : f32 to vector<16xf32>
      %select_n3A_1643 = arith.select %eq3A_1638, %broadcast_in_dim3A_1641, %broadcast_in_dim3A_1642 : vector<16xi1>, vector<16xf32>
      %slice3A_1644 = vector.extract_strided_slice %get3A_1583 {offsets = [3], sizes = [1], strides = [1]} : vector<16xi32> to vector<1xi32>
      %squeeze3A_1645 = vector.extract %slice3A_1644[0] : i32 from vector<1xi32>
      %mul3A_1646 = arith.constant 16 : i32
      %mul3A_1647 = arith.muli %squeeze3A_1645, %mul3A_1646 : i32
      %swap3A_1648 = arith.index_cast %mul3A_1647 : i32 to index
      %swap3A_1649 = tpu.vector_load %arg5[%swap3A_1648] {strides = array<i32>} : memref<256xf32, #tpu.memory_space<vmem>>, vector<16xf32>,
      %swap3A_1650 = vector.shape_cast %swap3A_1649 : vector<16xf32> to vector<16xf32>
      %swap3A_1651 = vector.shape_cast %select_n3A_1643 : vector<16xf32> to vector<16xf32>
      tpu.vector_store %arg5[%swap3A_1648], %swap3A_1651 {add = true, strides = array<i32>} : memref<256xf32, #tpu.memory_space<vmem>>, vector<16xf32>,
      %slice3A_1652 = vector.extract_strided_slice %get3A_1578 {offsets = [4], sizes = [1], strides = [1]} : vector<16xi32> to vector<1xi32>
      %squeeze3A_1653 = vector.extract %slice3A_1652[0] : i32 from vector<1xi32>
      %eq3A_1654 = vector.broadcast %squeeze3A_1653 : i32 to vector<16xi32>
      %eq3A_1655 = arith.cmpi eq, %iota3A, %eq3A_1654 : vector<16xi32>
      %jit3A_1656 = arith.constant 1.000000e+00 : f32
      %jit3A_1657 = arith.constant 0.000000e+00 : f32
      %broadcast_in_dim3A_1658 = vector.broadcast %jit3A_1656 : f32 to vector<16xf32>
      %broadcast_in_dim3A_1659 = vector.broadcast %jit3A_1657 : f32 to vector<16xf32>
      %select_n3A_1660 = arith.select %eq3A_1655, %broadcast_in_dim3A_1658, %broadcast_in_dim3A_1659 : vector<16xi1>, vector<16xf32>
      %slice3A_1661 = vector.extract_strided_slice %get3A_1583 {offsets = [4], sizes = [1], strides = [1]} : vector<16xi32> to vector<1xi32>
      %squeeze3A_1662 = vector.extract %slice3A_1661[0] : i32 from vector<1xi32>
      %mul3A_1663 = arith.constant 16 : i32
      %mul3A_1664 = arith.muli %squeeze3A_1662, %mul3A_1663 : i32
      %swap3A_1665 = arith.index_cast %mul3A_1664 : i32 to index
      %swap3A_1666 = tpu.vector_load %arg5[%swap3A_1665] {strides = array<i32>} : memref<256xf32, #tpu.memory_space<vmem>>, vector<16xf32>,
      %swap3A_1667 = vector.shape_cast %swap3A_1666 : vector<16xf32> to vector<16xf32>
      %swap3A_1668 = vector.shape_cast %select_n3A_1660 : vector<16xf32> to vector<16xf32>
      tpu.vector_store %arg5[%swap3A_1665], %swap3A_1668 {add = true, strides = array<i32>} : memref<256xf32, #tpu.memory_space<vmem>>, vector<16xf32>,
      %slice3A_1669 = vector.extract_strided_slice %get3A_1578 {offsets = [5], sizes = [1], strides = [1]} : vector<16xi32> to vector<1xi32>
      %squeeze3A_1670 = vector.extract %slice3A_1669[0] : i32 from vector<1xi32>
      %eq3A_1671 = vector.broadcast %squeeze3A_1670 : i32 to vector<16xi32>
      %eq3A_1672 = arith.cmpi eq, %iota3A, %eq3A_1671 : vector<16xi32>
      %jit3A_1673 = arith.constant 1.000000e+00 : f32
      %jit3A_1674 = arith.constant 0.000000e+00 : f32
      %broadcast_in_dim3A_1675 = vector.broadcast %jit3A_1673 : f32 to vector<16xf32>
      %broadcast_in_dim3A_1676 = vector.broadcast %jit3A_1674 : f32 to vector<16xf32>
      %select_n3A_1677 = arith.select %eq3A_1672, %broadcast_in_dim3A_1675, %broadcast_in_dim3A_1676 : vector<16xi1>, vector<16xf32>
      %slice3A_1678 = vector.extract_strided_slice %get3A_1583 {offsets = [5], sizes = [1], strides = [1]} : vector<16xi32> to vector<1xi32>
      %squeeze3A_1679 = vector.extract %slice3A_1678[0] : i32 from vector<1xi32>
      %mul3A_1680 = arith.constant 16 : i32
      %mul3A_1681 = arith.muli %squeeze3A_1679, %mul3A_1680 : i32
      %swap3A_1682 = arith.index_cast %mul3A_1681 : i32 to index
      %swap3A_1683 = tpu.vector_load %arg5[%swap3A_1682] {strides = array<i32>} : memref<256xf32, #tpu.memory_space<vmem>>, vector<16xf32>,
      %swap3A_1684 = vector.shape_cast %swap3A_1683 : vector<16xf32> to vector<16xf32>
      %swap3A_1685 = vector.shape_cast %select_n3A_1677 : vector<16xf32> to vector<16xf32>
      tpu.vector_store %arg5[%swap3A_1682], %swap3A_1685 {add = true, strides = array<i32>} : memref<256xf32, #tpu.memory_space<vmem>>, vector<16xf32>,
      %slice3A_1686 = vector.extract_strided_slice %get3A_1578 {offsets = [6], sizes = [1], strides = [1]} : vector<16xi32> to vector<1xi32>
      %squeeze3A_1687 = vector.extract %slice3A_1686[0] : i32 from vector<1xi32>
      %eq3A_1688 = vector.broadcast %squeeze3A_1687 : i32 to vector<16xi32>
      %eq3A_1689 = arith.cmpi eq, %iota3A, %eq3A_1688 : vector<16xi32>
      %jit3A_1690 = arith.constant 1.000000e+00 : f32
      %jit3A_1691 = arith.constant 0.000000e+00 : f32
      %broadcast_in_dim3A_1692 = vector.broadcast %jit3A_1690 : f32 to vector<16xf32>
      %broadcast_in_dim3A_1693 = vector.broadcast %jit3A_1691 : f32 to vector<16xf32>
      %select_n3A_1694 = arith.select %eq3A_1689, %broadcast_in_dim3A_1692, %broadcast_in_dim3A_1693 : vector<16xi1>, vector<16xf32>
      %slice3A_1695 = vector.extract_strided_slice %get3A_1583 {offsets = [6], sizes = [1], strides = [1]} : vector<16xi32> to vector<1xi32>
      %squeeze3A_1696 = vector.extract %slice3A_1695[0] : i32 from vector<1xi32>
      %mul3A_1697 = arith.constant 16 : i32
      %mul3A_1698 = arith.muli %squeeze3A_1696, %mul3A_1697 : i32
      %swap3A_1699 = arith.index_cast %mul3A_1698 : i32 to index
      %swap3A_1700 = tpu.vector_load %arg5[%swap3A_1699] {strides = array<i32>} : memref<256xf32, #tpu.memory_space<vmem>>, vector<16xf32>,
      %swap3A_1701 = vector.shape_cast %swap3A_1700 : vector<16xf32> to vector<16xf32>
      %swap3A_1702 = vector.shape_cast %select_n3A_1694 : vector<16xf32> to vector<16xf32>
      tpu.vector_store %arg5[%swap3A_1699], %swap3A_1702 {add = true, strides = array<i32>} : memref<256xf32, #tpu.memory_space<vmem>>, vector<16xf32>,
      %slice3A_1703 = vector.extract_strided_slice %get3A_1578 {offsets = [7], sizes = [1], strides = [1]} : vector<16xi32> to vector<1xi32>
      %squeeze3A_1704 = vector.extract %slice3A_1703[0] : i32 from vector<1xi32>
      %eq3A_1705 = vector.broadcast %squeeze3A_1704 : i32 to vector<16xi32>
      %eq3A_1706 = arith.cmpi eq, %iota3A, %eq3A_1705 : vector<16xi32>
      %jit3A_1707 = arith.constant 1.000000e+00 : f32
      %jit3A_1708 = arith.constant 0.000000e+00 : f32
      %broadcast_in_dim3A_1709 = vector.broadcast %jit3A_1707 : f32 to vector<16xf32>
      %broadcast_in_dim3A_1710 = vector.broadcast %jit3A_1708 : f32 to vector<16xf32>
      %select_n3A_1711 = arith.select %eq3A_1706, %broadcast_in_dim3A_1709, %broadcast_in_dim3A_1710 : vector<16xi1>, vector<16xf32>
      %slice3A_1712 = vector.extract_strided_slice %get3A_1583 {offsets = [7], sizes = [1], strides = [1]} : vector<16xi32> to vector<1xi32>
      %squeeze3A_1713 = vector.extract %slice3A_1712[0] : i32 from vector<1xi32>
      %mul3A_1714 = arith.constant 16 : i32
      %mul3A_1715 = arith.muli %squeeze3A_1713, %mul3A_1714 : i32
      %swap3A_1716 = arith.index_cast %mul3A_1715 : i32 to index
      %swap3A_1717 = tpu.vector_load %arg5[%swap3A_1716] {strides = array<i32>} : memref<256xf32, #tpu.memory_space<vmem>>, vector<16xf32>,
      %swap3A_1718 = vector.shape_cast %swap3A_1717 : vector<16xf32> to vector<16xf32>
      %swap3A_1719 = vector.shape_cast %select_n3A_1711 : vector<16xf32> to vector<16xf32>
      tpu.vector_store %arg5[%swap3A_1716], %swap3A_1719 {add = true, strides = array<i32>} : memref<256xf32, #tpu.memory_space<vmem>>, vector<16xf32>,
      %slice3A_1720 = vector.extract_strided_slice %get3A_1578 {offsets = [8], sizes = [1], strides = [1]} : vector<16xi32> to vector<1xi32>
      %squeeze3A_1721 = vector.extract %slice3A_1720[0] : i32 from vector<1xi32>
      %eq3A_1722 = vector.broadcast %squeeze3A_1721 : i32 to vector<16xi32>
      %eq3A_1723 = arith.cmpi eq, %iota3A, %eq3A_1722 : vector<16xi32>
      %jit3A_1724 = arith.constant 1.000000e+00 : f32
      %jit3A_1725 = arith.constant 0.000000e+00 : f32
      %broadcast_in_dim3A_1726 = vector.broadcast %jit3A_1724 : f32 to vector<16xf32>
      %broadcast_in_dim3A_1727 = vector.broadcast %jit3A_1725 : f32 to vector<16xf32>
      %select_n3A_1728 = arith.select %eq3A_1723, %broadcast_in_dim3A_1726, %broadcast_in_dim3A_1727 : vector<16xi1>, vector<16xf32>
      %slice3A_1729 = vector.extract_strided_slice %get3A_1583 {offsets = [8], sizes = [1], strides = [1]} : vector<16xi32> to vector<1xi32>
      %squeeze3A_1730 = vector.extract %slice3A_1729[0] : i32 from vector<1xi32>
      %mul3A_1731 = arith.constant 16 : i32
      %mul3A_1732 = arith.muli %squeeze3A_1730, %mul3A_1731 : i32
      %swap3A_1733 = arith.index_cast %mul3A_1732 : i32 to index
      %swap3A_1734 = tpu.vector_load %arg5[%swap3A_1733] {strides = array<i32>} : memref<256xf32, #tpu.memory_space<vmem>>, vector<16xf32>,
      %swap3A_1735 = vector.shape_cast %swap3A_1734 : vector<16xf32> to vector<16xf32>
      %swap3A_1736 = vector.shape_cast %select_n3A_1728 : vector<16xf32> to vector<16xf32>
      tpu.vector_store %arg5[%swap3A_1733], %swap3A_1736 {add = true, strides = array<i32>} : memref<256xf32, #tpu.memory_space<vmem>>, vector<16xf32>,
      %slice3A_1737 = vector.extract_strided_slice %get3A_1578 {offsets = [9], sizes = [1], strides = [1]} : vector<16xi32> to vector<1xi32>
      %squeeze3A_1738 = vector.extract %slice3A_1737[0] : i32 from vector<1xi32>
      %eq3A_1739 = vector.broadcast %squeeze3A_1738 : i32 to vector<16xi32>
      %eq3A_1740 = arith.cmpi eq, %iota3A, %eq3A_1739 : vector<16xi32>
      %jit3A_1741 = arith.constant 1.000000e+00 : f32
      %jit3A_1742 = arith.constant 0.000000e+00 : f32
      %broadcast_in_dim3A_1743 = vector.broadcast %jit3A_1741 : f32 to vector<16xf32>
      %broadcast_in_dim3A_1744 = vector.broadcast %jit3A_1742 : f32 to vector<16xf32>
      %select_n3A_1745 = arith.select %eq3A_1740, %broadcast_in_dim3A_1743, %broadcast_in_dim3A_1744 : vector<16xi1>, vector<16xf32>
      %slice3A_1746 = vector.extract_strided_slice %get3A_1583 {offsets = [9], sizes = [1], strides = [1]} : vector<16xi32> to vector<1xi32>
      %squeeze3A_1747 = vector.extract %slice3A_1746[0] : i32 from vector<1xi32>
      %mul3A_1748 = arith.constant 16 : i32
      %mul3A_1749 = arith.muli %squeeze3A_1747, %mul3A_1748 : i32
      %swap3A_1750 = arith.index_cast %mul3A_1749 : i32 to index
      %swap3A_1751 = tpu.vector_load %arg5[%swap3A_1750] {strides = array<i32>} : memref<256xf32, #tpu.memory_space<vmem>>, vector<16xf32>,
      %swap3A_1752 = vector.shape_cast %swap3A_1751 : vector<16xf32> to vector<16xf32>
      %swap3A_1753 = vector.shape_cast %select_n3A_1745 : vector<16xf32> to vector<16xf32>
      tpu.vector_store %arg5[%swap3A_1750], %swap3A_1753 {add = true, strides = array<i32>} : memref<256xf32, #tpu.memory_space<vmem>>, vector<16xf32>,
      %slice3A_1754 = vector.extract_strided_slice %get3A_1578 {offsets = [10], sizes = [1], strides = [1]} : vector<16xi32> to vector<1xi32>
      %squeeze3A_1755 = vector.extract %slice3A_1754[0] : i32 from vector<1xi32>
      %eq3A_1756 = vector.broadcast %squeeze3A_1755 : i32 to vector<16xi32>
      %eq3A_1757 = arith.cmpi eq, %iota3A, %eq3A_1756 : vector<16xi32>
      %jit3A_1758 = arith.constant 1.000000e+00 : f32
      %jit3A_1759 = arith.constant 0.000000e+00 : f32
      %broadcast_in_dim3A_1760 = vector.broadcast %jit3A_1758 : f32 to vector<16xf32>
      %broadcast_in_dim3A_1761 = vector.broadcast %jit3A_1759 : f32 to vector<16xf32>
      %select_n3A_1762 = arith.select %eq3A_1757, %broadcast_in_dim3A_1760, %broadcast_in_dim3A_1761 : vector<16xi1>, vector<16xf32>
      %slice3A_1763 = vector.extract_strided_slice %get3A_1583 {offsets = [10], sizes = [1], strides = [1]} : vector<16xi32> to vector<1xi32>
      %squeeze3A_1764 = vector.extract %slice3A_1763[0] : i32 from vector<1xi32>
      %mul3A_1765 = arith.constant 16 : i32
      %mul3A_1766 = arith.muli %squeeze3A_1764, %mul3A_1765 : i32
      %swap3A_1767 = arith.index_cast %mul3A_1766 : i32 to index
      %swap3A_1768 = tpu.vector_load %arg5[%swap3A_1767] {strides = array<i32>} : memref<256xf32, #tpu.memory_space<vmem>>, vector<16xf32>,
      %swap3A_1769 = vector.shape_cast %swap3A_1768 : vector<16xf32> to vector<16xf32>
      %swap3A_1770 = vector.shape_cast %select_n3A_1762 : vector<16xf32> to vector<16xf32>
      tpu.vector_store %arg5[%swap3A_1767], %swap3A_1770 {add = true, strides = array<i32>} : memref<256xf32, #tpu.memory_space<vmem>>, vector<16xf32>,
      %slice3A_1771 = vector.extract_strided_slice %get3A_1578 {offsets = [11], sizes = [1], strides = [1]} : vector<16xi32> to vector<1xi32>
      %squeeze3A_1772 = vector.extract %slice3A_1771[0] : i32 from vector<1xi32>
      %eq3A_1773 = vector.broadcast %squeeze3A_1772 : i32 to vector<16xi32>
      %eq3A_1774 = arith.cmpi eq, %iota3A, %eq3A_1773 : vector<16xi32>
      %jit3A_1775 = arith.constant 1.000000e+00 : f32
      %jit3A_1776 = arith.constant 0.000000e+00 : f32
      %broadcast_in_dim3A_1777 = vector.broadcast %jit3A_1775 : f32 to vector<16xf32>
      %broadcast_in_dim3A_1778 = vector.broadcast %jit3A_1776 : f32 to vector<16xf32>
      %select_n3A_1779 = arith.select %eq3A_1774, %broadcast_in_dim3A_1777, %broadcast_in_dim3A_1778 : vector<16xi1>, vector<16xf32>
      %slice3A_1780 = vector.extract_strided_slice %get3A_1583 {offsets = [11], sizes = [1], strides = [1]} : vector<16xi32> to vector<1xi32>
      %squeeze3A_1781 = vector.extract %slice3A_1780[0] : i32 from vector<1xi32>
      %mul3A_1782 = arith.constant 16 : i32
      %mul3A_1783 = arith.muli %squeeze3A_1781, %mul3A_1782 : i32
      %swap3A_1784 = arith.index_cast %mul3A_1783 : i32 to index
      %swap3A_1785 = tpu.vector_load %arg5[%swap3A_1784] {strides = array<i32>} : memref<256xf32, #tpu.memory_space<vmem>>, vector<16xf32>,
      %swap3A_1786 = vector.shape_cast %swap3A_1785 : vector<16xf32> to vector<16xf32>
      %swap3A_1787 = vector.shape_cast %select_n3A_1779 : vector<16xf32> to vector<16xf32>
      tpu.vector_store %arg5[%swap3A_1784], %swap3A_1787 {add = true, strides = array<i32>} : memref<256xf32, #tpu.memory_space<vmem>>, vector<16xf32>,
      %slice3A_1788 = vector.extract_strided_slice %get3A_1578 {offsets = [12], sizes = [1], strides = [1]} : vector<16xi32> to vector<1xi32>
      %squeeze3A_1789 = vector.extract %slice3A_1788[0] : i32 from vector<1xi32>
      %eq3A_1790 = vector.broadcast %squeeze3A_1789 : i32 to vector<16xi32>
      %eq3A_1791 = arith.cmpi eq, %iota3A, %eq3A_1790 : vector<16xi32>
      %jit3A_1792 = arith.constant 1.000000e+00 : f32
      %jit3A_1793 = arith.constant 0.000000e+00 : f32
      %broadcast_in_dim3A_1794 = vector.broadcast %jit3A_1792 : f32 to vector<16xf32>
      %broadcast_in_dim3A_1795 = vector.broadcast %jit3A_1793 : f32 to vector<16xf32>
      %select_n3A_1796 = arith.select %eq3A_1791, %broadcast_in_dim3A_1794, %broadcast_in_dim3A_1795 : vector<16xi1>, vector<16xf32>
      %slice3A_1797 = vector.extract_strided_slice %get3A_1583 {offsets = [12], sizes = [1], strides = [1]} : vector<16xi32> to vector<1xi32>
      %squeeze3A_1798 = vector.extract %slice3A_1797[0] : i32 from vector<1xi32>
      %mul3A_1799 = arith.constant 16 : i32
      %mul3A_1800 = arith.muli %squeeze3A_1798, %mul3A_1799 : i32
      %swap3A_1801 = arith.index_cast %mul3A_1800 : i32 to index
      %swap3A_1802 = tpu.vector_load %arg5[%swap3A_1801] {strides = array<i32>} : memref<256xf32, #tpu.memory_space<vmem>>, vector<16xf32>,
      %swap3A_1803 = vector.shape_cast %swap3A_1802 : vector<16xf32> to vector<16xf32>
      %swap3A_1804 = vector.shape_cast %select_n3A_1796 : vector<16xf32> to vector<16xf32>
      tpu.vector_store %arg5[%swap3A_1801], %swap3A_1804 {add = true, strides = array<i32>} : memref<256xf32, #tpu.memory_space<vmem>>, vector<16xf32>,
      %slice3A_1805 = vector.extract_strided_slice %get3A_1578 {offsets = [13], sizes = [1], strides = [1]} : vector<16xi32> to vector<1xi32>
      %squeeze3A_1806 = vector.extract %slice3A_1805[0] : i32 from vector<1xi32>
      %eq3A_1807 = vector.broadcast %squeeze3A_1806 : i32 to vector<16xi32>
      %eq3A_1808 = arith.cmpi eq, %iota3A, %eq3A_1807 : vector<16xi32>
      %jit3A_1809 = arith.constant 1.000000e+00 : f32
      %jit3A_1810 = arith.constant 0.000000e+00 : f32
      %broadcast_in_dim3A_1811 = vector.broadcast %jit3A_1809 : f32 to vector<16xf32>
      %broadcast_in_dim3A_1812 = vector.broadcast %jit3A_1810 : f32 to vector<16xf32>
      %select_n3A_1813 = arith.select %eq3A_1808, %broadcast_in_dim3A_1811, %broadcast_in_dim3A_1812 : vector<16xi1>, vector<16xf32>
      %slice3A_1814 = vector.extract_strided_slice %get3A_1583 {offsets = [13], sizes = [1], strides = [1]} : vector<16xi32> to vector<1xi32>
      %squeeze3A_1815 = vector.extract %slice3A_1814[0] : i32 from vector<1xi32>
      %mul3A_1816 = arith.constant 16 : i32
      %mul3A_1817 = arith.muli %squeeze3A_1815, %mul3A_1816 : i32
      %swap3A_1818 = arith.index_cast %mul3A_1817 : i32 to index
      %swap3A_1819 = tpu.vector_load %arg5[%swap3A_1818] {strides = array<i32>} : memref<256xf32, #tpu.memory_space<vmem>>, vector<16xf32>,
      %swap3A_1820 = vector.shape_cast %swap3A_1819 : vector<16xf32> to vector<16xf32>
      %swap3A_1821 = vector.shape_cast %select_n3A_1813 : vector<16xf32> to vector<16xf32>
      tpu.vector_store %arg5[%swap3A_1818], %swap3A_1821 {add = true, strides = array<i32>} : memref<256xf32, #tpu.memory_space<vmem>>, vector<16xf32>,
      %slice3A_1822 = vector.extract_strided_slice %get3A_1578 {offsets = [14], sizes = [1], strides = [1]} : vector<16xi32> to vector<1xi32>
      %squeeze3A_1823 = vector.extract %slice3A_1822[0] : i32 from vector<1xi32>
      %eq3A_1824 = vector.broadcast %squeeze3A_1823 : i32 to vector<16xi32>
      %eq3A_1825 = arith.cmpi eq, %iota3A, %eq3A_1824 : vector<16xi32>
      %jit3A_1826 = arith.constant 1.000000e+00 : f32
      %jit3A_1827 = arith.constant 0.000000e+00 : f32
      %broadcast_in_dim3A_1828 = vector.broadcast %jit3A_1826 : f32 to vector<16xf32>
      %broadcast_in_dim3A_1829 = vector.broadcast %jit3A_1827 : f32 to vector<16xf32>
      %select_n3A_1830 = arith.select %eq3A_1825, %broadcast_in_dim3A_1828, %broadcast_in_dim3A_1829 : vector<16xi1>, vector<16xf32>
      %slice3A_1831 = vector.extract_strided_slice %get3A_1583 {offsets = [14], sizes = [1], strides = [1]} : vector<16xi32> to vector<1xi32>
      %squeeze3A_1832 = vector.extract %slice3A_1831[0] : i32 from vector<1xi32>
      %mul3A_1833 = arith.constant 16 : i32
      %mul3A_1834 = arith.muli %squeeze3A_1832, %mul3A_1833 : i32
      %swap3A_1835 = arith.index_cast %mul3A_1834 : i32 to index
      %swap3A_1836 = tpu.vector_load %arg5[%swap3A_1835] {strides = array<i32>} : memref<256xf32, #tpu.memory_space<vmem>>, vector<16xf32>,
      %swap3A_1837 = vector.shape_cast %swap3A_1836 : vector<16xf32> to vector<16xf32>
      %swap3A_1838 = vector.shape_cast %select_n3A_1830 : vector<16xf32> to vector<16xf32>
      tpu.vector_store %arg5[%swap3A_1835], %swap3A_1838 {add = true, strides = array<i32>} : memref<256xf32, #tpu.memory_space<vmem>>, vector<16xf32>,
      %slice3A_1839 = vector.extract_strided_slice %get3A_1578 {offsets = [15], sizes = [1], strides = [1]} : vector<16xi32> to vector<1xi32>
      %squeeze3A_1840 = vector.extract %slice3A_1839[0] : i32 from vector<1xi32>
      %eq3A_1841 = vector.broadcast %squeeze3A_1840 : i32 to vector<16xi32>
      %eq3A_1842 = arith.cmpi eq, %iota3A, %eq3A_1841 : vector<16xi32>
      %jit3A_1843 = arith.constant 1.000000e+00 : f32
      %jit3A_1844 = arith.constant 0.000000e+00 : f32
      %broadcast_in_dim3A_1845 = vector.broadcast %jit3A_1843 : f32 to vector<16xf32>
      %broadcast_in_dim3A_1846 = vector.broadcast %jit3A_1844 : f32 to vector<16xf32>
      %select_n3A_1847 = arith.select %eq3A_1842, %broadcast_in_dim3A_1845, %broadcast_in_dim3A_1846 : vector<16xi1>, vector<16xf32>
      %slice3A_1848 = vector.extract_strided_slice %get3A_1583 {offsets = [15], sizes = [1], strides = [1]} : vector<16xi32> to vector<1xi32>
      %squeeze3A_1849 = vector.extract %slice3A_1848[0] : i32 from vector<1xi32>
      %mul3A_1850 = arith.constant 16 : i32
      %mul3A_1851 = arith.muli %squeeze3A_1849, %mul3A_1850 : i32
      %swap3A_1852 = arith.index_cast %mul3A_1851 : i32 to index
      %swap3A_1853 = tpu.vector_load %arg5[%swap3A_1852] {strides = array<i32>} : memref<256xf32, #tpu.memory_space<vmem>>, vector<16xf32>,
      %swap3A_1854 = vector.shape_cast %swap3A_1853 : vector<16xf32> to vector<16xf32>
      %swap3A_1855 = vector.shape_cast %select_n3A_1847 : vector<16xf32> to vector<16xf32>
      tpu.vector_store %arg5[%swap3A_1852], %swap3A_1855 {add = true, strides = array<i32>} : memref<256xf32, #tpu.memory_space<vmem>>, vector<16xf32>,
      %get3A_1856 = arith.constant 0 : i32
      %get3A_1857 = arith.index_cast %get3A_1856 : i32 to index
      %get3A_1858 = arith.constant 96 : index
      %get3A_1859 = tpu.vector_load %arg4[%get3A_1857, %get3A_1858] {strides = array<i32>} : memref<2x196xi32, #tpu.memory_space<vmem>>, vector<1x16xi32>,
      %get3A_1860 = vector.shape_cast %get3A_1859 : vector<1x16xi32> to vector<16xi32>
      %get3A_1861 = arith.constant 1 : i32
      %get3A_1862 = arith.index_cast %get3A_1861 : i32 to index
      %get3A_1863 = arith.constant 96 : index
      %get3A_1864 = tpu.vector_load %arg4[%get3A_1862, %get3A_1863] {strides = array<i32>} : memref<2x196xi32, #tpu.memory_space<vmem>>, vector<1x16xi32>,
      %get3A_1865 = vector.shape_cast %get3A_1864 : vector<1x16xi32> to vector<16xi32>
      %slice3A_1866 = vector.extract_strided_slice %get3A_1860 {offsets = [0], sizes = [1], strides = [1]} : vector<16xi32> to vector<1xi32>
      %squeeze3A_1867 = vector.extract %slice3A_1866[0] : i32 from vector<1xi32>
      %eq3A_1868 = vector.broadcast %squeeze3A_1867 : i32 to vector<16xi32>
      %eq3A_1869 = arith.cmpi eq, %iota3A, %eq3A_1868 : vector<16xi32>
      %jit3A_1870 = arith.constant 1.000000e+00 : f32
      %jit3A_1871 = arith.constant 0.000000e+00 : f32
      %broadcast_in_dim3A_1872 = vector.broadcast %jit3A_1870 : f32 to vector<16xf32>
      %broadcast_in_dim3A_1873 = vector.broadcast %jit3A_1871 : f32 to vector<16xf32>
      %select_n3A_1874 = arith.select %eq3A_1869, %broadcast_in_dim3A_1872, %broadcast_in_dim3A_1873 : vector<16xi1>, vector<16xf32>
      %slice3A_1875 = vector.extract_strided_slice %get3A_1865 {offsets = [0], sizes = [1], strides = [1]} : vector<16xi32> to vector<1xi32>
      %squeeze3A_1876 = vector.extract %slice3A_1875[0] : i32 from vector<1xi32>
      %mul3A_1877 = arith.constant 16 : i32
      %mul3A_1878 = arith.muli %squeeze3A_1876, %mul3A_1877 : i32
      %swap3A_1879 = arith.index_cast %mul3A_1878 : i32 to index
      %swap3A_1880 = tpu.vector_load %arg5[%swap3A_1879] {strides = array<i32>} : memref<256xf32, #tpu.memory_space<vmem>>, vector<16xf32>,
      %swap3A_1881 = vector.shape_cast %swap3A_1880 : vector<16xf32> to vector<16xf32>
      %swap3A_1882 = vector.shape_cast %select_n3A_1874 : vector<16xf32> to vector<16xf32>
      tpu.vector_store %arg5[%swap3A_1879], %swap3A_1882 {add = true, strides = array<i32>} : memref<256xf32, #tpu.memory_space<vmem>>, vector<16xf32>,
      %slice3A_1883 = vector.extract_strided_slice %get3A_1860 {offsets = [1], sizes = [1], strides = [1]} : vector<16xi32> to vector<1xi32>
      %squeeze3A_1884 = vector.extract %slice3A_1883[0] : i32 from vector<1xi32>
      %eq3A_1885 = vector.broadcast %squeeze3A_1884 : i32 to vector<16xi32>
      %eq3A_1886 = arith.cmpi eq, %iota3A, %eq3A_1885 : vector<16xi32>
      %jit3A_1887 = arith.constant 1.000000e+00 : f32
      %jit3A_1888 = arith.constant 0.000000e+00 : f32
      %broadcast_in_dim3A_1889 = vector.broadcast %jit3A_1887 : f32 to vector<16xf32>
      %broadcast_in_dim3A_1890 = vector.broadcast %jit3A_1888 : f32 to vector<16xf32>
      %select_n3A_1891 = arith.select %eq3A_1886, %broadcast_in_dim3A_1889, %broadcast_in_dim3A_1890 : vector<16xi1>, vector<16xf32>
      %slice3A_1892 = vector.extract_strided_slice %get3A_1865 {offsets = [1], sizes = [1], strides = [1]} : vector<16xi32> to vector<1xi32>
      %squeeze3A_1893 = vector.extract %slice3A_1892[0] : i32 from vector<1xi32>
      %mul3A_1894 = arith.constant 16 : i32
      %mul3A_1895 = arith.muli %squeeze3A_1893, %mul3A_1894 : i32
      %swap3A_1896 = arith.index_cast %mul3A_1895 : i32 to index
      %swap3A_1897 = tpu.vector_load %arg5[%swap3A_1896] {strides = array<i32>} : memref<256xf32, #tpu.memory_space<vmem>>, vector<16xf32>,
      %swap3A_1898 = vector.shape_cast %swap3A_1897 : vector<16xf32> to vector<16xf32>
      %swap3A_1899 = vector.shape_cast %select_n3A_1891 : vector<16xf32> to vector<16xf32>
      tpu.vector_store %arg5[%swap3A_1896], %swap3A_1899 {add = true, strides = array<i32>} : memref<256xf32, #tpu.memory_space<vmem>>, vector<16xf32>,
      %slice3A_1900 = vector.extract_strided_slice %get3A_1860 {offsets = [2], sizes = [1], strides = [1]} : vector<16xi32> to vector<1xi32>
      %squeeze3A_1901 = vector.extract %slice3A_1900[0] : i32 from vector<1xi32>
      %eq3A_1902 = vector.broadcast %squeeze3A_1901 : i32 to vector<16xi32>
      %eq3A_1903 = arith.cmpi eq, %iota3A, %eq3A_1902 : vector<16xi32>
      %jit3A_1904 = arith.constant 1.000000e+00 : f32
      %jit3A_1905 = arith.constant 0.000000e+00 : f32
      %broadcast_in_dim3A_1906 = vector.broadcast %jit3A_1904 : f32 to vector<16xf32>
      %broadcast_in_dim3A_1907 = vector.broadcast %jit3A_1905 : f32 to vector<16xf32>
      %select_n3A_1908 = arith.select %eq3A_1903, %broadcast_in_dim3A_1906, %broadcast_in_dim3A_1907 : vector<16xi1>, vector<16xf32>
      %slice3A_1909 = vector.extract_strided_slice %get3A_1865 {offsets = [2], sizes = [1], strides = [1]} : vector<16xi32> to vector<1xi32>
      %squeeze3A_1910 = vector.extract %slice3A_1909[0] : i32 from vector<1xi32>
      %mul3A_1911 = arith.constant 16 : i32
      %mul3A_1912 = arith.muli %squeeze3A_1910, %mul3A_1911 : i32
      %swap3A_1913 = arith.index_cast %mul3A_1912 : i32 to index
      %swap3A_1914 = tpu.vector_load %arg5[%swap3A_1913] {strides = array<i32>} : memref<256xf32, #tpu.memory_space<vmem>>, vector<16xf32>,
      %swap3A_1915 = vector.shape_cast %swap3A_1914 : vector<16xf32> to vector<16xf32>
      %swap3A_1916 = vector.shape_cast %select_n3A_1908 : vector<16xf32> to vector<16xf32>
      tpu.vector_store %arg5[%swap3A_1913], %swap3A_1916 {add = true, strides = array<i32>} : memref<256xf32, #tpu.memory_space<vmem>>, vector<16xf32>,
      %slice3A_1917 = vector.extract_strided_slice %get3A_1860 {offsets = [3], sizes = [1], strides = [1]} : vector<16xi32> to vector<1xi32>
      %squeeze3A_1918 = vector.extract %slice3A_1917[0] : i32 from vector<1xi32>
      %eq3A_1919 = vector.broadcast %squeeze3A_1918 : i32 to vector<16xi32>
      %eq3A_1920 = arith.cmpi eq, %iota3A, %eq3A_1919 : vector<16xi32>
      %jit3A_1921 = arith.constant 1.000000e+00 : f32
      %jit3A_1922 = arith.constant 0.000000e+00 : f32
      %broadcast_in_dim3A_1923 = vector.broadcast %jit3A_1921 : f32 to vector<16xf32>
      %broadcast_in_dim3A_1924 = vector.broadcast %jit3A_1922 : f32 to vector<16xf32>
      %select_n3A_1925 = arith.select %eq3A_1920, %broadcast_in_dim3A_1923, %broadcast_in_dim3A_1924 : vector<16xi1>, vector<16xf32>
      %slice3A_1926 = vector.extract_strided_slice %get3A_1865 {offsets = [3], sizes = [1], strides = [1]} : vector<16xi32> to vector<1xi32>
      %squeeze3A_1927 = vector.extract %slice3A_1926[0] : i32 from vector<1xi32>
      %mul3A_1928 = arith.constant 16 : i32
      %mul3A_1929 = arith.muli %squeeze3A_1927, %mul3A_1928 : i32
      %swap3A_1930 = arith.index_cast %mul3A_1929 : i32 to index
      %swap3A_1931 = tpu.vector_load %arg5[%swap3A_1930] {strides = array<i32>} : memref<256xf32, #tpu.memory_space<vmem>>, vector<16xf32>,
      %swap3A_1932 = vector.shape_cast %swap3A_1931 : vector<16xf32> to vector<16xf32>
      %swap3A_1933 = vector.shape_cast %select_n3A_1925 : vector<16xf32> to vector<16xf32>
      tpu.vector_store %arg5[%swap3A_1930], %swap3A_1933 {add = true, strides = array<i32>} : memref<256xf32, #tpu.memory_space<vmem>>, vector<16xf32>,
      %slice3A_1934 = vector.extract_strided_slice %get3A_1860 {offsets = [4], sizes = [1], strides = [1]} : vector<16xi32> to vector<1xi32>
      %squeeze3A_1935 = vector.extract %slice3A_1934[0] : i32 from vector<1xi32>
      %eq3A_1936 = vector.broadcast %squeeze3A_1935 : i32 to vector<16xi32>
      %eq3A_1937 = arith.cmpi eq, %iota3A, %eq3A_1936 : vector<16xi32>
      %jit3A_1938 = arith.constant 1.000000e+00 : f32
      %jit3A_1939 = arith.constant 0.000000e+00 : f32
      %broadcast_in_dim3A_1940 = vector.broadcast %jit3A_1938 : f32 to vector<16xf32>
      %broadcast_in_dim3A_1941 = vector.broadcast %jit3A_1939 : f32 to vector<16xf32>
      %select_n3A_1942 = arith.select %eq3A_1937, %broadcast_in_dim3A_1940, %broadcast_in_dim3A_1941 : vector<16xi1>, vector<16xf32>
      %slice3A_1943 = vector.extract_strided_slice %get3A_1865 {offsets = [4], sizes = [1], strides = [1]} : vector<16xi32> to vector<1xi32>
      %squeeze3A_1944 = vector.extract %slice3A_1943[0] : i32 from vector<1xi32>
      %mul3A_1945 = arith.constant 16 : i32
      %mul3A_1946 = arith.muli %squeeze3A_1944, %mul3A_1945 : i32
      %swap3A_1947 = arith.index_cast %mul3A_1946 : i32 to index
      %swap3A_1948 = tpu.vector_load %arg5[%swap3A_1947] {strides = array<i32>} : memref<256xf32, #tpu.memory_space<vmem>>, vector<16xf32>,
      %swap3A_1949 = vector.shape_cast %swap3A_1948 : vector<16xf32> to vector<16xf32>
      %swap3A_1950 = vector.shape_cast %select_n3A_1942 : vector<16xf32> to vector<16xf32>
      tpu.vector_store %arg5[%swap3A_1947], %swap3A_1950 {add = true, strides = array<i32>} : memref<256xf32, #tpu.memory_space<vmem>>, vector<16xf32>,
      %slice3A_1951 = vector.extract_strided_slice %get3A_1860 {offsets = [5], sizes = [1], strides = [1]} : vector<16xi32> to vector<1xi32>
      %squeeze3A_1952 = vector.extract %slice3A_1951[0] : i32 from vector<1xi32>
      %eq3A_1953 = vector.broadcast %squeeze3A_1952 : i32 to vector<16xi32>
      %eq3A_1954 = arith.cmpi eq, %iota3A, %eq3A_1953 : vector<16xi32>
      %jit3A_1955 = arith.constant 1.000000e+00 : f32
      %jit3A_1956 = arith.constant 0.000000e+00 : f32
      %broadcast_in_dim3A_1957 = vector.broadcast %jit3A_1955 : f32 to vector<16xf32>
      %broadcast_in_dim3A_1958 = vector.broadcast %jit3A_1956 : f32 to vector<16xf32>
      %select_n3A_1959 = arith.select %eq3A_1954, %broadcast_in_dim3A_1957, %broadcast_in_dim3A_1958 : vector<16xi1>, vector<16xf32>
      %slice3A_1960 = vector.extract_strided_slice %get3A_1865 {offsets = [5], sizes = [1], strides = [1]} : vector<16xi32> to vector<1xi32>
      %squeeze3A_1961 = vector.extract %slice3A_1960[0] : i32 from vector<1xi32>
      %mul3A_1962 = arith.constant 16 : i32
      %mul3A_1963 = arith.muli %squeeze3A_1961, %mul3A_1962 : i32
      %swap3A_1964 = arith.index_cast %mul3A_1963 : i32 to index
      %swap3A_1965 = tpu.vector_load %arg5[%swap3A_1964] {strides = array<i32>} : memref<256xf32, #tpu.memory_space<vmem>>, vector<16xf32>,
      %swap3A_1966 = vector.shape_cast %swap3A_1965 : vector<16xf32> to vector<16xf32>
      %swap3A_1967 = vector.shape_cast %select_n3A_1959 : vector<16xf32> to vector<16xf32>
      tpu.vector_store %arg5[%swap3A_1964], %swap3A_1967 {add = true, strides = array<i32>} : memref<256xf32, #tpu.memory_space<vmem>>, vector<16xf32>,
      %slice3A_1968 = vector.extract_strided_slice %get3A_1860 {offsets = [6], sizes = [1], strides = [1]} : vector<16xi32> to vector<1xi32>
      %squeeze3A_1969 = vector.extract %slice3A_1968[0] : i32 from vector<1xi32>
      %eq3A_1970 = vector.broadcast %squeeze3A_1969 : i32 to vector<16xi32>
      %eq3A_1971 = arith.cmpi eq, %iota3A, %eq3A_1970 : vector<16xi32>
      %jit3A_1972 = arith.constant 1.000000e+00 : f32
      %jit3A_1973 = arith.constant 0.000000e+00 : f32
      %broadcast_in_dim3A_1974 = vector.broadcast %jit3A_1972 : f32 to vector<16xf32>
      %broadcast_in_dim3A_1975 = vector.broadcast %jit3A_1973 : f32 to vector<16xf32>
      %select_n3A_1976 = arith.select %eq3A_1971, %broadcast_in_dim3A_1974, %broadcast_in_dim3A_1975 : vector<16xi1>, vector<16xf32>
      %slice3A_1977 = vector.extract_strided_slice %get3A_1865 {offsets = [6], sizes = [1], strides = [1]} : vector<16xi32> to vector<1xi32>
      %squeeze3A_1978 = vector.extract %slice3A_1977[0] : i32 from vector<1xi32>
      %mul3A_1979 = arith.constant 16 : i32
      %mul3A_1980 = arith.muli %squeeze3A_1978, %mul3A_1979 : i32
      %swap3A_1981 = arith.index_cast %mul3A_1980 : i32 to index
      %swap3A_1982 = tpu.vector_load %arg5[%swap3A_1981] {strides = array<i32>} : memref<256xf32, #tpu.memory_space<vmem>>, vector<16xf32>,
      %swap3A_1983 = vector.shape_cast %swap3A_1982 : vector<16xf32> to vector<16xf32>
      %swap3A_1984 = vector.shape_cast %select_n3A_1976 : vector<16xf32> to vector<16xf32>
      tpu.vector_store %arg5[%swap3A_1981], %swap3A_1984 {add = true, strides = array<i32>} : memref<256xf32, #tpu.memory_space<vmem>>, vector<16xf32>,
      %slice3A_1985 = vector.extract_strided_slice %get3A_1860 {offsets = [7], sizes = [1], strides = [1]} : vector<16xi32> to vector<1xi32>
      %squeeze3A_1986 = vector.extract %slice3A_1985[0] : i32 from vector<1xi32>
      %eq3A_1987 = vector.broadcast %squeeze3A_1986 : i32 to vector<16xi32>
      %eq3A_1988 = arith.cmpi eq, %iota3A, %eq3A_1987 : vector<16xi32>
      %jit3A_1989 = arith.constant 1.000000e+00 : f32
      %jit3A_1990 = arith.constant 0.000000e+00 : f32
      %broadcast_in_dim3A_1991 = vector.broadcast %jit3A_1989 : f32 to vector<16xf32>
      %broadcast_in_dim3A_1992 = vector.broadcast %jit3A_1990 : f32 to vector<16xf32>
      %select_n3A_1993 = arith.select %eq3A_1988, %broadcast_in_dim3A_1991, %broadcast_in_dim3A_1992 : vector<16xi1>, vector<16xf32>
      %slice3A_1994 = vector.extract_strided_slice %get3A_1865 {offsets = [7], sizes = [1], strides = [1]} : vector<16xi32> to vector<1xi32>
      %squeeze3A_1995 = vector.extract %slice3A_1994[0] : i32 from vector<1xi32>
      %mul3A_1996 = arith.constant 16 : i32
      %mul3A_1997 = arith.muli %squeeze3A_1995, %mul3A_1996 : i32
      %swap3A_1998 = arith.index_cast %mul3A_1997 : i32 to index
      %swap3A_1999 = tpu.vector_load %arg5[%swap3A_1998] {strides = array<i32>} : memref<256xf32, #tpu.memory_space<vmem>>, vector<16xf32>,
      %swap3A_2000 = vector.shape_cast %swap3A_1999 : vector<16xf32> to vector<16xf32>
      %swap3A_2001 = vector.shape_cast %select_n3A_1993 : vector<16xf32> to vector<16xf32>
      tpu.vector_store %arg5[%swap3A_1998], %swap3A_2001 {add = true, strides = array<i32>} : memref<256xf32, #tpu.memory_space<vmem>>, vector<16xf32>,
      %slice3A_2002 = vector.extract_strided_slice %get3A_1860 {offsets = [8], sizes = [1], strides = [1]} : vector<16xi32> to vector<1xi32>
      %squeeze3A_2003 = vector.extract %slice3A_2002[0] : i32 from vector<1xi32>
      %eq3A_2004 = vector.broadcast %squeeze3A_2003 : i32 to vector<16xi32>
      %eq3A_2005 = arith.cmpi eq, %iota3A, %eq3A_2004 : vector<16xi32>
      %jit3A_2006 = arith.constant 1.000000e+00 : f32
      %jit3A_2007 = arith.constant 0.000000e+00 : f32
      %broadcast_in_dim3A_2008 = vector.broadcast %jit3A_2006 : f32 to vector<16xf32>
      %broadcast_in_dim3A_2009 = vector.broadcast %jit3A_2007 : f32 to vector<16xf32>
      %select_n3A_2010 = arith.select %eq3A_2005, %broadcast_in_dim3A_2008, %broadcast_in_dim3A_2009 : vector<16xi1>, vector<16xf32>
      %slice3A_2011 = vector.extract_strided_slice %get3A_1865 {offsets = [8], sizes = [1], strides = [1]} : vector<16xi32> to vector<1xi32>
      %squeeze3A_2012 = vector.extract %slice3A_2011[0] : i32 from vector<1xi32>
      %mul3A_2013 = arith.constant 16 : i32
      %mul3A_2014 = arith.muli %squeeze3A_2012, %mul3A_2013 : i32
      %swap3A_2015 = arith.index_cast %mul3A_2014 : i32 to index
      %swap3A_2016 = tpu.vector_load %arg5[%swap3A_2015] {strides = array<i32>} : memref<256xf32, #tpu.memory_space<vmem>>, vector<16xf32>,
      %swap3A_2017 = vector.shape_cast %swap3A_2016 : vector<16xf32> to vector<16xf32>
      %swap3A_2018 = vector.shape_cast %select_n3A_2010 : vector<16xf32> to vector<16xf32>
      tpu.vector_store %arg5[%swap3A_2015], %swap3A_2018 {add = true, strides = array<i32>} : memref<256xf32, #tpu.memory_space<vmem>>, vector<16xf32>,
      %slice3A_2019 = vector.extract_strided_slice %get3A_1860 {offsets = [9], sizes = [1], strides = [1]} : vector<16xi32> to vector<1xi32>
      %squeeze3A_2020 = vector.extract %slice3A_2019[0] : i32 from vector<1xi32>
      %eq3A_2021 = vector.broadcast %squeeze3A_2020 : i32 to vector<16xi32>
      %eq3A_2022 = arith.cmpi eq, %iota3A, %eq3A_2021 : vector<16xi32>
      %jit3A_2023 = arith.constant 1.000000e+00 : f32
      %jit3A_2024 = arith.constant 0.000000e+00 : f32
      %broadcast_in_dim3A_2025 = vector.broadcast %jit3A_2023 : f32 to vector<16xf32>
      %broadcast_in_dim3A_2026 = vector.broadcast %jit3A_2024 : f32 to vector<16xf32>
      %select_n3A_2027 = arith.select %eq3A_2022, %broadcast_in_dim3A_2025, %broadcast_in_dim3A_2026 : vector<16xi1>, vector<16xf32>
      %slice3A_2028 = vector.extract_strided_slice %get3A_1865 {offsets = [9], sizes = [1], strides = [1]} : vector<16xi32> to vector<1xi32>
      %squeeze3A_2029 = vector.extract %slice3A_2028[0] : i32 from vector<1xi32>
      %mul3A_2030 = arith.constant 16 : i32
      %mul3A_2031 = arith.muli %squeeze3A_2029, %mul3A_2030 : i32
      %swap3A_2032 = arith.index_cast %mul3A_2031 : i32 to index
      %swap3A_2033 = tpu.vector_load %arg5[%swap3A_2032] {strides = array<i32>} : memref<256xf32, #tpu.memory_space<vmem>>, vector<16xf32>,
      %swap3A_2034 = vector.shape_cast %swap3A_2033 : vector<16xf32> to vector<16xf32>
      %swap3A_2035 = vector.shape_cast %select_n3A_2027 : vector<16xf32> to vector<16xf32>
      tpu.vector_store %arg5[%swap3A_2032], %swap3A_2035 {add = true, strides = array<i32>} : memref<256xf32, #tpu.memory_space<vmem>>, vector<16xf32>,
      %slice3A_2036 = vector.extract_strided_slice %get3A_1860 {offsets = [10], sizes = [1], strides = [1]} : vector<16xi32> to vector<1xi32>
      %squeeze3A_2037 = vector.extract %slice3A_2036[0] : i32 from vector<1xi32>
      %eq3A_2038 = vector.broadcast %squeeze3A_2037 : i32 to vector<16xi32>
      %eq3A_2039 = arith.cmpi eq, %iota3A, %eq3A_2038 : vector<16xi32>
      %jit3A_2040 = arith.constant 1.000000e+00 : f32
      %jit3A_2041 = arith.constant 0.000000e+00 : f32
      %broadcast_in_dim3A_2042 = vector.broadcast %jit3A_2040 : f32 to vector<16xf32>
      %broadcast_in_dim3A_2043 = vector.broadcast %jit3A_2041 : f32 to vector<16xf32>
      %select_n3A_2044 = arith.select %eq3A_2039, %broadcast_in_dim3A_2042, %broadcast_in_dim3A_2043 : vector<16xi1>, vector<16xf32>
      %slice3A_2045 = vector.extract_strided_slice %get3A_1865 {offsets = [10], sizes = [1], strides = [1]} : vector<16xi32> to vector<1xi32>
      %squeeze3A_2046 = vector.extract %slice3A_2045[0] : i32 from vector<1xi32>
      %mul3A_2047 = arith.constant 16 : i32
      %mul3A_2048 = arith.muli %squeeze3A_2046, %mul3A_2047 : i32
      %swap3A_2049 = arith.index_cast %mul3A_2048 : i32 to index
      %swap3A_2050 = tpu.vector_load %arg5[%swap3A_2049] {strides = array<i32>} : memref<256xf32, #tpu.memory_space<vmem>>, vector<16xf32>,
      %swap3A_2051 = vector.shape_cast %swap3A_2050 : vector<16xf32> to vector<16xf32>
      %swap3A_2052 = vector.shape_cast %select_n3A_2044 : vector<16xf32> to vector<16xf32>
      tpu.vector_store %arg5[%swap3A_2049], %swap3A_2052 {add = true, strides = array<i32>} : memref<256xf32, #tpu.memory_space<vmem>>, vector<16xf32>,
      %slice3A_2053 = vector.extract_strided_slice %get3A_1860 {offsets = [11], sizes = [1], strides = [1]} : vector<16xi32> to vector<1xi32>
      %squeeze3A_2054 = vector.extract %slice3A_2053[0] : i32 from vector<1xi32>
      %eq3A_2055 = vector.broadcast %squeeze3A_2054 : i32 to vector<16xi32>
      %eq3A_2056 = arith.cmpi eq, %iota3A, %eq3A_2055 : vector<16xi32>
      %jit3A_2057 = arith.constant 1.000000e+00 : f32
      %jit3A_2058 = arith.constant 0.000000e+00 : f32
      %broadcast_in_dim3A_2059 = vector.broadcast %jit3A_2057 : f32 to vector<16xf32>
      %broadcast_in_dim3A_2060 = vector.broadcast %jit3A_2058 : f32 to vector<16xf32>
      %select_n3A_2061 = arith.select %eq3A_2056, %broadcast_in_dim3A_2059, %broadcast_in_dim3A_2060 : vector<16xi1>, vector<16xf32>
      %slice3A_2062 = vector.extract_strided_slice %get3A_1865 {offsets = [11], sizes = [1], strides = [1]} : vector<16xi32> to vector<1xi32>
      %squeeze3A_2063 = vector.extract %slice3A_2062[0] : i32 from vector<1xi32>
      %mul3A_2064 = arith.constant 16 : i32
      %mul3A_2065 = arith.muli %squeeze3A_2063, %mul3A_2064 : i32
      %swap3A_2066 = arith.index_cast %mul3A_2065 : i32 to index
      %swap3A_2067 = tpu.vector_load %arg5[%swap3A_2066] {strides = array<i32>} : memref<256xf32, #tpu.memory_space<vmem>>, vector<16xf32>,
      %swap3A_2068 = vector.shape_cast %swap3A_2067 : vector<16xf32> to vector<16xf32>
      %swap3A_2069 = vector.shape_cast %select_n3A_2061 : vector<16xf32> to vector<16xf32>
      tpu.vector_store %arg5[%swap3A_2066], %swap3A_2069 {add = true, strides = array<i32>} : memref<256xf32, #tpu.memory_space<vmem>>, vector<16xf32>,
      %slice3A_2070 = vector.extract_strided_slice %get3A_1860 {offsets = [12], sizes = [1], strides = [1]} : vector<16xi32> to vector<1xi32>
      %squeeze3A_2071 = vector.extract %slice3A_2070[0] : i32 from vector<1xi32>
      %eq3A_2072 = vector.broadcast %squeeze3A_2071 : i32 to vector<16xi32>
      %eq3A_2073 = arith.cmpi eq, %iota3A, %eq3A_2072 : vector<16xi32>
      %jit3A_2074 = arith.constant 1.000000e+00 : f32
      %jit3A_2075 = arith.constant 0.000000e+00 : f32
      %broadcast_in_dim3A_2076 = vector.broadcast %jit3A_2074 : f32 to vector<16xf32>
      %broadcast_in_dim3A_2077 = vector.broadcast %jit3A_2075 : f32 to vector<16xf32>
      %select_n3A_2078 = arith.select %eq3A_2073, %broadcast_in_dim3A_2076, %broadcast_in_dim3A_2077 : vector<16xi1>, vector<16xf32>
      %slice3A_2079 = vector.extract_strided_slice %get3A_1865 {offsets = [12], sizes = [1], strides = [1]} : vector<16xi32> to vector<1xi32>
      %squeeze3A_2080 = vector.extract %slice3A_2079[0] : i32 from vector<1xi32>
      %mul3A_2081 = arith.constant 16 : i32
      %mul3A_2082 = arith.muli %squeeze3A_2080, %mul3A_2081 : i32
      %swap3A_2083 = arith.index_cast %mul3A_2082 : i32 to index
      %swap3A_2084 = tpu.vector_load %arg5[%swap3A_2083] {strides = array<i32>} : memref<256xf32, #tpu.memory_space<vmem>>, vector<16xf32>,
      %swap3A_2085 = vector.shape_cast %swap3A_2084 : vector<16xf32> to vector<16xf32>
      %swap3A_2086 = vector.shape_cast %select_n3A_2078 : vector<16xf32> to vector<16xf32>
      tpu.vector_store %arg5[%swap3A_2083], %swap3A_2086 {add = true, strides = array<i32>} : memref<256xf32, #tpu.memory_space<vmem>>, vector<16xf32>,
      %slice3A_2087 = vector.extract_strided_slice %get3A_1860 {offsets = [13], sizes = [1], strides = [1]} : vector<16xi32> to vector<1xi32>
      %squeeze3A_2088 = vector.extract %slice3A_2087[0] : i32 from vector<1xi32>
      %eq3A_2089 = vector.broadcast %squeeze3A_2088 : i32 to vector<16xi32>
      %eq3A_2090 = arith.cmpi eq, %iota3A, %eq3A_2089 : vector<16xi32>
      %jit3A_2091 = arith.constant 1.000000e+00 : f32
      %jit3A_2092 = arith.constant 0.000000e+00 : f32
      %broadcast_in_dim3A_2093 = vector.broadcast %jit3A_2091 : f32 to vector<16xf32>
      %broadcast_in_dim3A_2094 = vector.broadcast %jit3A_2092 : f32 to vector<16xf32>
      %select_n3A_2095 = arith.select %eq3A_2090, %broadcast_in_dim3A_2093, %broadcast_in_dim3A_2094 : vector<16xi1>, vector<16xf32>
      %slice3A_2096 = vector.extract_strided_slice %get3A_1865 {offsets = [13], sizes = [1], strides = [1]} : vector<16xi32> to vector<1xi32>
      %squeeze3A_2097 = vector.extract %slice3A_2096[0] : i32 from vector<1xi32>
      %mul3A_2098 = arith.constant 16 : i32
      %mul3A_2099 = arith.muli %squeeze3A_2097, %mul3A_2098 : i32
      %swap3A_2100 = arith.index_cast %mul3A_2099 : i32 to index
      %swap3A_2101 = tpu.vector_load %arg5[%swap3A_2100] {strides = array<i32>} : memref<256xf32, #tpu.memory_space<vmem>>, vector<16xf32>,
      %swap3A_2102 = vector.shape_cast %swap3A_2101 : vector<16xf32> to vector<16xf32>
      %swap3A_2103 = vector.shape_cast %select_n3A_2095 : vector<16xf32> to vector<16xf32>
      tpu.vector_store %arg5[%swap3A_2100], %swap3A_2103 {add = true, strides = array<i32>} : memref<256xf32, #tpu.memory_space<vmem>>, vector<16xf32>,
      %slice3A_2104 = vector.extract_strided_slice %get3A_1860 {offsets = [14], sizes = [1], strides = [1]} : vector<16xi32> to vector<1xi32>
      %squeeze3A_2105 = vector.extract %slice3A_2104[0] : i32 from vector<1xi32>
      %eq3A_2106 = vector.broadcast %squeeze3A_2105 : i32 to vector<16xi32>
      %eq3A_2107 = arith.cmpi eq, %iota3A, %eq3A_2106 : vector<16xi32>
      %jit3A_2108 = arith.constant 1.000000e+00 : f32
      %jit3A_2109 = arith.constant 0.000000e+00 : f32
      %broadcast_in_dim3A_2110 = vector.broadcast %jit3A_2108 : f32 to vector<16xf32>
      %broadcast_in_dim3A_2111 = vector.broadcast %jit3A_2109 : f32 to vector<16xf32>
      %select_n3A_2112 = arith.select %eq3A_2107, %broadcast_in_dim3A_2110, %broadcast_in_dim3A_2111 : vector<16xi1>, vector<16xf32>
      %slice3A_2113 = vector.extract_strided_slice %get3A_1865 {offsets = [14], sizes = [1], strides = [1]} : vector<16xi32> to vector<1xi32>
      %squeeze3A_2114 = vector.extract %slice3A_2113[0] : i32 from vector<1xi32>
      %mul3A_2115 = arith.constant 16 : i32
      %mul3A_2116 = arith.muli %squeeze3A_2114, %mul3A_2115 : i32
      %swap3A_2117 = arith.index_cast %mul3A_2116 : i32 to index
      %swap3A_2118 = tpu.vector_load %arg5[%swap3A_2117] {strides = array<i32>} : memref<256xf32, #tpu.memory_space<vmem>>, vector<16xf32>,
      %swap3A_2119 = vector.shape_cast %swap3A_2118 : vector<16xf32> to vector<16xf32>
      %swap3A_2120 = vector.shape_cast %select_n3A_2112 : vector<16xf32> to vector<16xf32>
      tpu.vector_store %arg5[%swap3A_2117], %swap3A_2120 {add = true, strides = array<i32>} : memref<256xf32, #tpu.memory_space<vmem>>, vector<16xf32>,
      %slice3A_2121 = vector.extract_strided_slice %get3A_1860 {offsets = [15], sizes = [1], strides = [1]} : vector<16xi32> to vector<1xi32>
      %squeeze3A_2122 = vector.extract %slice3A_2121[0] : i32 from vector<1xi32>
      %eq3A_2123 = vector.broadcast %squeeze3A_2122 : i32 to vector<16xi32>
      %eq3A_2124 = arith.cmpi eq, %iota3A, %eq3A_2123 : vector<16xi32>
      %jit3A_2125 = arith.constant 1.000000e+00 : f32
      %jit3A_2126 = arith.constant 0.000000e+00 : f32
      %broadcast_in_dim3A_2127 = vector.broadcast %jit3A_2125 : f32 to vector<16xf32>
      %broadcast_in_dim3A_2128 = vector.broadcast %jit3A_2126 : f32 to vector<16xf32>
      %select_n3A_2129 = arith.select %eq3A_2124, %broadcast_in_dim3A_2127, %broadcast_in_dim3A_2128 : vector<16xi1>, vector<16xf32>
      %slice3A_2130 = vector.extract_strided_slice %get3A_1865 {offsets = [15], sizes = [1], strides = [1]} : vector<16xi32> to vector<1xi32>
      %squeeze3A_2131 = vector.extract %slice3A_2130[0] : i32 from vector<1xi32>
      %mul3A_2132 = arith.constant 16 : i32
      %mul3A_2133 = arith.muli %squeeze3A_2131, %mul3A_2132 : i32
      %swap3A_2134 = arith.index_cast %mul3A_2133 : i32 to index
      %swap3A_2135 = tpu.vector_load %arg5[%swap3A_2134] {strides = array<i32>} : memref<256xf32, #tpu.memory_space<vmem>>, vector<16xf32>,
      %swap3A_2136 = vector.shape_cast %swap3A_2135 : vector<16xf32> to vector<16xf32>
      %swap3A_2137 = vector.shape_cast %select_n3A_2129 : vector<16xf32> to vector<16xf32>
      tpu.vector_store %arg5[%swap3A_2134], %swap3A_2137 {add = true, strides = array<i32>} : memref<256xf32, #tpu.memory_space<vmem>>, vector<16xf32>,
      %get3A_2138 = arith.constant 0 : i32
      %get3A_2139 = arith.index_cast %get3A_2138 : i32 to index
      %get3A_2140 = arith.constant 112 : index
      %get3A_2141 = tpu.vector_load %arg4[%get3A_2139, %get3A_2140] {strides = array<i32>} : memref<2x196xi32, #tpu.memory_space<vmem>>, vector<1x16xi32>,
      %get3A_2142 = vector.shape_cast %get3A_2141 : vector<1x16xi32> to vector<16xi32>
      %get3A_2143 = arith.constant 1 : i32
      %get3A_2144 = arith.index_cast %get3A_2143 : i32 to index
      %get3A_2145 = arith.constant 112 : index
      %get3A_2146 = tpu.vector_load %arg4[%get3A_2144, %get3A_2145] {strides = array<i32>} : memref<2x196xi32, #tpu.memory_space<vmem>>, vector<1x16xi32>,
      %get3A_2147 = vector.shape_cast %get3A_2146 : vector<1x16xi32> to vector<16xi32>
      %slice3A_2148 = vector.extract_strided_slice %get3A_2142 {offsets = [0], sizes = [1], strides = [1]} : vector<16xi32> to vector<1xi32>
      %squeeze3A_2149 = vector.extract %slice3A_2148[0] : i32 from vector<1xi32>
      %eq3A_2150 = vector.broadcast %squeeze3A_2149 : i32 to vector<16xi32>
      %eq3A_2151 = arith.cmpi eq, %iota3A, %eq3A_2150 : vector<16xi32>
      %jit3A_2152 = arith.constant 1.000000e+00 : f32
      %jit3A_2153 = arith.constant 0.000000e+00 : f32
      %broadcast_in_dim3A_2154 = vector.broadcast %jit3A_2152 : f32 to vector<16xf32>
      %broadcast_in_dim3A_2155 = vector.broadcast %jit3A_2153 : f32 to vector<16xf32>
      %select_n3A_2156 = arith.select %eq3A_2151, %broadcast_in_dim3A_2154, %broadcast_in_dim3A_2155 : vector<16xi1>, vector<16xf32>
      %slice3A_2157 = vector.extract_strided_slice %get3A_2147 {offsets = [0], sizes = [1], strides = [1]} : vector<16xi32> to vector<1xi32>
      %squeeze3A_2158 = vector.extract %slice3A_2157[0] : i32 from vector<1xi32>
      %mul3A_2159 = arith.constant 16 : i32
      %mul3A_2160 = arith.muli %squeeze3A_2158, %mul3A_2159 : i32
      %swap3A_2161 = arith.index_cast %mul3A_2160 : i32 to index
      %swap3A_2162 = tpu.vector_load %arg5[%swap3A_2161] {strides = array<i32>} : memref<256xf32, #tpu.memory_space<vmem>>, vector<16xf32>,
      %swap3A_2163 = vector.shape_cast %swap3A_2162 : vector<16xf32> to vector<16xf32>
      %swap3A_2164 = vector.shape_cast %select_n3A_2156 : vector<16xf32> to vector<16xf32>
      tpu.vector_store %arg5[%swap3A_2161], %swap3A_2164 {add = true, strides = array<i32>} : memref<256xf32, #tpu.memory_space<vmem>>, vector<16xf32>,
      %slice3A_2165 = vector.extract_strided_slice %get3A_2142 {offsets = [1], sizes = [1], strides = [1]} : vector<16xi32> to vector<1xi32>
      %squeeze3A_2166 = vector.extract %slice3A_2165[0] : i32 from vector<1xi32>
      %eq3A_2167 = vector.broadcast %squeeze3A_2166 : i32 to vector<16xi32>
      %eq3A_2168 = arith.cmpi eq, %iota3A, %eq3A_2167 : vector<16xi32>
      %jit3A_2169 = arith.constant 1.000000e+00 : f32
      %jit3A_2170 = arith.constant 0.000000e+00 : f32
      %broadcast_in_dim3A_2171 = vector.broadcast %jit3A_2169 : f32 to vector<16xf32>
      %broadcast_in_dim3A_2172 = vector.broadcast %jit3A_2170 : f32 to vector<16xf32>
      %select_n3A_2173 = arith.select %eq3A_2168, %broadcast_in_dim3A_2171, %broadcast_in_dim3A_2172 : vector<16xi1>, vector<16xf32>
      %slice3A_2174 = vector.extract_strided_slice %get3A_2147 {offsets = [1], sizes = [1], strides = [1]} : vector<16xi32> to vector<1xi32>
      %squeeze3A_2175 = vector.extract %slice3A_2174[0] : i32 from vector<1xi32>
      %mul3A_2176 = arith.constant 16 : i32
      %mul3A_2177 = arith.muli %squeeze3A_2175, %mul3A_2176 : i32
      %swap3A_2178 = arith.index_cast %mul3A_2177 : i32 to index
      %swap3A_2179 = tpu.vector_load %arg5[%swap3A_2178] {strides = array<i32>} : memref<256xf32, #tpu.memory_space<vmem>>, vector<16xf32>,
      %swap3A_2180 = vector.shape_cast %swap3A_2179 : vector<16xf32> to vector<16xf32>
      %swap3A_2181 = vector.shape_cast %select_n3A_2173 : vector<16xf32> to vector<16xf32>
      tpu.vector_store %arg5[%swap3A_2178], %swap3A_2181 {add = true, strides = array<i32>} : memref<256xf32, #tpu.memory_space<vmem>>, vector<16xf32>,
      %slice3A_2182 = vector.extract_strided_slice %get3A_2142 {offsets = [2], sizes = [1], strides = [1]} : vector<16xi32> to vector<1xi32>
      %squeeze3A_2183 = vector.extract %slice3A_2182[0] : i32 from vector<1xi32>
      %eq3A_2184 = vector.broadcast %squeeze3A_2183 : i32 to vector<16xi32>
      %eq3A_2185 = arith.cmpi eq, %iota3A, %eq3A_2184 : vector<16xi32>
      %jit3A_2186 = arith.constant 1.000000e+00 : f32
      %jit3A_2187 = arith.constant 0.000000e+00 : f32
      %broadcast_in_dim3A_2188 = vector.broadcast %jit3A_2186 : f32 to vector<16xf32>
      %broadcast_in_dim3A_2189 = vector.broadcast %jit3A_2187 : f32 to vector<16xf32>
      %select_n3A_2190 = arith.select %eq3A_2185, %broadcast_in_dim3A_2188, %broadcast_in_dim3A_2189 : vector<16xi1>, vector<16xf32>
      %slice3A_2191 = vector.extract_strided_slice %get3A_2147 {offsets = [2], sizes = [1], strides = [1]} : vector<16xi32> to vector<1xi32>
      %squeeze3A_2192 = vector.extract %slice3A_2191[0] : i32 from vector<1xi32>
      %mul3A_2193 = arith.constant 16 : i32
      %mul3A_2194 = arith.muli %squeeze3A_2192, %mul3A_2193 : i32
      %swap3A_2195 = arith.index_cast %mul3A_2194 : i32 to index
      %swap3A_2196 = tpu.vector_load %arg5[%swap3A_2195] {strides = array<i32>} : memref<256xf32, #tpu.memory_space<vmem>>, vector<16xf32>,
      %swap3A_2197 = vector.shape_cast %swap3A_2196 : vector<16xf32> to vector<16xf32>
      %swap3A_2198 = vector.shape_cast %select_n3A_2190 : vector<16xf32> to vector<16xf32>
      tpu.vector_store %arg5[%swap3A_2195], %swap3A_2198 {add = true, strides = array<i32>} : memref<256xf32, #tpu.memory_space<vmem>>, vector<16xf32>,
      %slice3A_2199 = vector.extract_strided_slice %get3A_2142 {offsets = [3], sizes = [1], strides = [1]} : vector<16xi32> to vector<1xi32>
      %squeeze3A_2200 = vector.extract %slice3A_2199[0] : i32 from vector<1xi32>
      %eq3A_2201 = vector.broadcast %squeeze3A_2200 : i32 to vector<16xi32>
      %eq3A_2202 = arith.cmpi eq, %iota3A, %eq3A_2201 : vector<16xi32>
      %jit3A_2203 = arith.constant 1.000000e+00 : f32
      %jit3A_2204 = arith.constant 0.000000e+00 : f32
      %broadcast_in_dim3A_2205 = vector.broadcast %jit3A_2203 : f32 to vector<16xf32>
      %broadcast_in_dim3A_2206 = vector.broadcast %jit3A_2204 : f32 to vector<16xf32>
      %select_n3A_2207 = arith.select %eq3A_2202, %broadcast_in_dim3A_2205, %broadcast_in_dim3A_2206 : vector<16xi1>, vector<16xf32>
      %slice3A_2208 = vector.extract_strided_slice %get3A_2147 {offsets = [3], sizes = [1], strides = [1]} : vector<16xi32> to vector<1xi32>
      %squeeze3A_2209 = vector.extract %slice3A_2208[0] : i32 from vector<1xi32>
      %mul3A_2210 = arith.constant 16 : i32
      %mul3A_2211 = arith.muli %squeeze3A_2209, %mul3A_2210 : i32
      %swap3A_2212 = arith.index_cast %mul3A_2211 : i32 to index
      %swap3A_2213 = tpu.vector_load %arg5[%swap3A_2212] {strides = array<i32>} : memref<256xf32, #tpu.memory_space<vmem>>, vector<16xf32>,
      %swap3A_2214 = vector.shape_cast %swap3A_2213 : vector<16xf32> to vector<16xf32>
      %swap3A_2215 = vector.shape_cast %select_n3A_2207 : vector<16xf32> to vector<16xf32>
      tpu.vector_store %arg5[%swap3A_2212], %swap3A_2215 {add = true, strides = array<i32>} : memref<256xf32, #tpu.memory_space<vmem>>, vector<16xf32>,
      %slice3A_2216 = vector.extract_strided_slice %get3A_2142 {offsets = [4], sizes = [1], strides = [1]} : vector<16xi32> to vector<1xi32>
      %squeeze3A_2217 = vector.extract %slice3A_2216[0] : i32 from vector<1xi32>
      %eq3A_2218 = vector.broadcast %squeeze3A_2217 : i32 to vector<16xi32>
      %eq3A_2219 = arith.cmpi eq, %iota3A, %eq3A_2218 : vector<16xi32>
      %jit3A_2220 = arith.constant 1.000000e+00 : f32
      %jit3A_2221 = arith.constant 0.000000e+00 : f32
      %broadcast_in_dim3A_2222 = vector.broadcast %jit3A_2220 : f32 to vector<16xf32>
      %broadcast_in_dim3A_2223 = vector.broadcast %jit3A_2221 : f32 to vector<16xf32>
      %select_n3A_2224 = arith.select %eq3A_2219, %broadcast_in_dim3A_2222, %broadcast_in_dim3A_2223 : vector<16xi1>, vector<16xf32>
      %slice3A_2225 = vector.extract_strided_slice %get3A_2147 {offsets = [4], sizes = [1], strides = [1]} : vector<16xi32> to vector<1xi32>
      %squeeze3A_2226 = vector.extract %slice3A_2225[0] : i32 from vector<1xi32>
      %mul3A_2227 = arith.constant 16 : i32
      %mul3A_2228 = arith.muli %squeeze3A_2226, %mul3A_2227 : i32
      %swap3A_2229 = arith.index_cast %mul3A_2228 : i32 to index
      %swap3A_2230 = tpu.vector_load %arg5[%swap3A_2229] {strides = array<i32>} : memref<256xf32, #tpu.memory_space<vmem>>, vector<16xf32>,
      %swap3A_2231 = vector.shape_cast %swap3A_2230 : vector<16xf32> to vector<16xf32>
      %swap3A_2232 = vector.shape_cast %select_n3A_2224 : vector<16xf32> to vector<16xf32>
      tpu.vector_store %arg5[%swap3A_2229], %swap3A_2232 {add = true, strides = array<i32>} : memref<256xf32, #tpu.memory_space<vmem>>, vector<16xf32>,
      %slice3A_2233 = vector.extract_strided_slice %get3A_2142 {offsets = [5], sizes = [1], strides = [1]} : vector<16xi32> to vector<1xi32>
      %squeeze3A_2234 = vector.extract %slice3A_2233[0] : i32 from vector<1xi32>
      %eq3A_2235 = vector.broadcast %squeeze3A_2234 : i32 to vector<16xi32>
      %eq3A_2236 = arith.cmpi eq, %iota3A, %eq3A_2235 : vector<16xi32>
      %jit3A_2237 = arith.constant 1.000000e+00 : f32
      %jit3A_2238 = arith.constant 0.000000e+00 : f32
      %broadcast_in_dim3A_2239 = vector.broadcast %jit3A_2237 : f32 to vector<16xf32>
      %broadcast_in_dim3A_2240 = vector.broadcast %jit3A_2238 : f32 to vector<16xf32>
      %select_n3A_2241 = arith.select %eq3A_2236, %broadcast_in_dim3A_2239, %broadcast_in_dim3A_2240 : vector<16xi1>, vector<16xf32>
      %slice3A_2242 = vector.extract_strided_slice %get3A_2147 {offsets = [5], sizes = [1], strides = [1]} : vector<16xi32> to vector<1xi32>
      %squeeze3A_2243 = vector.extract %slice3A_2242[0] : i32 from vector<1xi32>
      %mul3A_2244 = arith.constant 16 : i32
      %mul3A_2245 = arith.muli %squeeze3A_2243, %mul3A_2244 : i32
      %swap3A_2246 = arith.index_cast %mul3A_2245 : i32 to index
      %swap3A_2247 = tpu.vector_load %arg5[%swap3A_2246] {strides = array<i32>} : memref<256xf32, #tpu.memory_space<vmem>>, vector<16xf32>,
      %swap3A_2248 = vector.shape_cast %swap3A_2247 : vector<16xf32> to vector<16xf32>
      %swap3A_2249 = vector.shape_cast %select_n3A_2241 : vector<16xf32> to vector<16xf32>
      tpu.vector_store %arg5[%swap3A_2246], %swap3A_2249 {add = true, strides = array<i32>} : memref<256xf32, #tpu.memory_space<vmem>>, vector<16xf32>,
      %slice3A_2250 = vector.extract_strided_slice %get3A_2142 {offsets = [6], sizes = [1], strides = [1]} : vector<16xi32> to vector<1xi32>
      %squeeze3A_2251 = vector.extract %slice3A_2250[0] : i32 from vector<1xi32>
      %eq3A_2252 = vector.broadcast %squeeze3A_2251 : i32 to vector<16xi32>
      %eq3A_2253 = arith.cmpi eq, %iota3A, %eq3A_2252 : vector<16xi32>
      %jit3A_2254 = arith.constant 1.000000e+00 : f32
      %jit3A_2255 = arith.constant 0.000000e+00 : f32
      %broadcast_in_dim3A_2256 = vector.broadcast %jit3A_2254 : f32 to vector<16xf32>
      %broadcast_in_dim3A_2257 = vector.broadcast %jit3A_2255 : f32 to vector<16xf32>
      %select_n3A_2258 = arith.select %eq3A_2253, %broadcast_in_dim3A_2256, %broadcast_in_dim3A_2257 : vector<16xi1>, vector<16xf32>
      %slice3A_2259 = vector.extract_strided_slice %get3A_2147 {offsets = [6], sizes = [1], strides = [1]} : vector<16xi32> to vector<1xi32>
      %squeeze3A_2260 = vector.extract %slice3A_2259[0] : i32 from vector<1xi32>
      %mul3A_2261 = arith.constant 16 : i32
      %mul3A_2262 = arith.muli %squeeze3A_2260, %mul3A_2261 : i32
      %swap3A_2263 = arith.index_cast %mul3A_2262 : i32 to index
      %swap3A_2264 = tpu.vector_load %arg5[%swap3A_2263] {strides = array<i32>} : memref<256xf32, #tpu.memory_space<vmem>>, vector<16xf32>,
      %swap3A_2265 = vector.shape_cast %swap3A_2264 : vector<16xf32> to vector<16xf32>
      %swap3A_2266 = vector.shape_cast %select_n3A_2258 : vector<16xf32> to vector<16xf32>
      tpu.vector_store %arg5[%swap3A_2263], %swap3A_2266 {add = true, strides = array<i32>} : memref<256xf32, #tpu.memory_space<vmem>>, vector<16xf32>,
      %slice3A_2267 = vector.extract_strided_slice %get3A_2142 {offsets = [7], sizes = [1], strides = [1]} : vector<16xi32> to vector<1xi32>
      %squeeze3A_2268 = vector.extract %slice3A_2267[0] : i32 from vector<1xi32>
      %eq3A_2269 = vector.broadcast %squeeze3A_2268 : i32 to vector<16xi32>
      %eq3A_2270 = arith.cmpi eq, %iota3A, %eq3A_2269 : vector<16xi32>
      %jit3A_2271 = arith.constant 1.000000e+00 : f32
      %jit3A_2272 = arith.constant 0.000000e+00 : f32
      %broadcast_in_dim3A_2273 = vector.broadcast %jit3A_2271 : f32 to vector<16xf32>
      %broadcast_in_dim3A_2274 = vector.broadcast %jit3A_2272 : f32 to vector<16xf32>
      %select_n3A_2275 = arith.select %eq3A_2270, %broadcast_in_dim3A_2273, %broadcast_in_dim3A_2274 : vector<16xi1>, vector<16xf32>
      %slice3A_2276 = vector.extract_strided_slice %get3A_2147 {offsets = [7], sizes = [1], strides = [1]} : vector<16xi32> to vector<1xi32>
      %squeeze3A_2277 = vector.extract %slice3A_2276[0] : i32 from vector<1xi32>
      %mul3A_2278 = arith.constant 16 : i32
      %mul3A_2279 = arith.muli %squeeze3A_2277, %mul3A_2278 : i32
      %swap3A_2280 = arith.index_cast %mul3A_2279 : i32 to index
      %swap3A_2281 = tpu.vector_load %arg5[%swap3A_2280] {strides = array<i32>} : memref<256xf32, #tpu.memory_space<vmem>>, vector<16xf32>,
      %swap3A_2282 = vector.shape_cast %swap3A_2281 : vector<16xf32> to vector<16xf32>
      %swap3A_2283 = vector.shape_cast %select_n3A_2275 : vector<16xf32> to vector<16xf32>
      tpu.vector_store %arg5[%swap3A_2280], %swap3A_2283 {add = true, strides = array<i32>} : memref<256xf32, #tpu.memory_space<vmem>>, vector<16xf32>,
      %slice3A_2284 = vector.extract_strided_slice %get3A_2142 {offsets = [8], sizes = [1], strides = [1]} : vector<16xi32> to vector<1xi32>
      %squeeze3A_2285 = vector.extract %slice3A_2284[0] : i32 from vector<1xi32>
      %eq3A_2286 = vector.broadcast %squeeze3A_2285 : i32 to vector<16xi32>
      %eq3A_2287 = arith.cmpi eq, %iota3A, %eq3A_2286 : vector<16xi32>
      %jit3A_2288 = arith.constant 1.000000e+00 : f32
      %jit3A_2289 = arith.constant 0.000000e+00 : f32
      %broadcast_in_dim3A_2290 = vector.broadcast %jit3A_2288 : f32 to vector<16xf32>
      %broadcast_in_dim3A_2291 = vector.broadcast %jit3A_2289 : f32 to vector<16xf32>
      %select_n3A_2292 = arith.select %eq3A_2287, %broadcast_in_dim3A_2290, %broadcast_in_dim3A_2291 : vector<16xi1>, vector<16xf32>
      %slice3A_2293 = vector.extract_strided_slice %get3A_2147 {offsets = [8], sizes = [1], strides = [1]} : vector<16xi32> to vector<1xi32>
      %squeeze3A_2294 = vector.extract %slice3A_2293[0] : i32 from vector<1xi32>
      %mul3A_2295 = arith.constant 16 : i32
      %mul3A_2296 = arith.muli %squeeze3A_2294, %mul3A_2295 : i32
      %swap3A_2297 = arith.index_cast %mul3A_2296 : i32 to index
      %swap3A_2298 = tpu.vector_load %arg5[%swap3A_2297] {strides = array<i32>} : memref<256xf32, #tpu.memory_space<vmem>>, vector<16xf32>,
      %swap3A_2299 = vector.shape_cast %swap3A_2298 : vector<16xf32> to vector<16xf32>
      %swap3A_2300 = vector.shape_cast %select_n3A_2292 : vector<16xf32> to vector<16xf32>
      tpu.vector_store %arg5[%swap3A_2297], %swap3A_2300 {add = true, strides = array<i32>} : memref<256xf32, #tpu.memory_space<vmem>>, vector<16xf32>,
      %slice3A_2301 = vector.extract_strided_slice %get3A_2142 {offsets = [9], sizes = [1], strides = [1]} : vector<16xi32> to vector<1xi32>
      %squeeze3A_2302 = vector.extract %slice3A_2301[0] : i32 from vector<1xi32>
      %eq3A_2303 = vector.broadcast %squeeze3A_2302 : i32 to vector<16xi32>
      %eq3A_2304 = arith.cmpi eq, %iota3A, %eq3A_2303 : vector<16xi32>
      %jit3A_2305 = arith.constant 1.000000e+00 : f32
      %jit3A_2306 = arith.constant 0.000000e+00 : f32
      %broadcast_in_dim3A_2307 = vector.broadcast %jit3A_2305 : f32 to vector<16xf32>
      %broadcast_in_dim3A_2308 = vector.broadcast %jit3A_2306 : f32 to vector<16xf32>
      %select_n3A_2309 = arith.select %eq3A_2304, %broadcast_in_dim3A_2307, %broadcast_in_dim3A_2308 : vector<16xi1>, vector<16xf32>
      %slice3A_2310 = vector.extract_strided_slice %get3A_2147 {offsets = [9], sizes = [1], strides = [1]} : vector<16xi32> to vector<1xi32>
      %squeeze3A_2311 = vector.extract %slice3A_2310[0] : i32 from vector<1xi32>
      %mul3A_2312 = arith.constant 16 : i32
      %mul3A_2313 = arith.muli %squeeze3A_2311, %mul3A_2312 : i32
      %swap3A_2314 = arith.index_cast %mul3A_2313 : i32 to index
      %swap3A_2315 = tpu.vector_load %arg5[%swap3A_2314] {strides = array<i32>} : memref<256xf32, #tpu.memory_space<vmem>>, vector<16xf32>,
      %swap3A_2316 = vector.shape_cast %swap3A_2315 : vector<16xf32> to vector<16xf32>
      %swap3A_2317 = vector.shape_cast %select_n3A_2309 : vector<16xf32> to vector<16xf32>
      tpu.vector_store %arg5[%swap3A_2314], %swap3A_2317 {add = true, strides = array<i32>} : memref<256xf32, #tpu.memory_space<vmem>>, vector<16xf32>,
      %slice3A_2318 = vector.extract_strided_slice %get3A_2142 {offsets = [10], sizes = [1], strides = [1]} : vector<16xi32> to vector<1xi32>
      %squeeze3A_2319 = vector.extract %slice3A_2318[0] : i32 from vector<1xi32>
      %eq3A_2320 = vector.broadcast %squeeze3A_2319 : i32 to vector<16xi32>
      %eq3A_2321 = arith.cmpi eq, %iota3A, %eq3A_2320 : vector<16xi32>
      %jit3A_2322 = arith.constant 1.000000e+00 : f32
      %jit3A_2323 = arith.constant 0.000000e+00 : f32
      %broadcast_in_dim3A_2324 = vector.broadcast %jit3A_2322 : f32 to vector<16xf32>
      %broadcast_in_dim3A_2325 = vector.broadcast %jit3A_2323 : f32 to vector<16xf32>
      %select_n3A_2326 = arith.select %eq3A_2321, %broadcast_in_dim3A_2324, %broadcast_in_dim3A_2325 : vector<16xi1>, vector<16xf32>
      %slice3A_2327 = vector.extract_strided_slice %get3A_2147 {offsets = [10], sizes = [1], strides = [1]} : vector<16xi32> to vector<1xi32>
      %squeeze3A_2328 = vector.extract %slice3A_2327[0] : i32 from vector<1xi32>
      %mul3A_2329 = arith.constant 16 : i32
      %mul3A_2330 = arith.muli %squeeze3A_2328, %mul3A_2329 : i32
      %swap3A_2331 = arith.index_cast %mul3A_2330 : i32 to index
      %swap3A_2332 = tpu.vector_load %arg5[%swap3A_2331] {strides = array<i32>} : memref<256xf32, #tpu.memory_space<vmem>>, vector<16xf32>,
      %swap3A_2333 = vector.shape_cast %swap3A_2332 : vector<16xf32> to vector<16xf32>
      %swap3A_2334 = vector.shape_cast %select_n3A_2326 : vector<16xf32> to vector<16xf32>
      tpu.vector_store %arg5[%swap3A_2331], %swap3A_2334 {add = true, strides = array<i32>} : memref<256xf32, #tpu.memory_space<vmem>>, vector<16xf32>,
      %slice3A_2335 = vector.extract_strided_slice %get3A_2142 {offsets = [11], sizes = [1], strides = [1]} : vector<16xi32> to vector<1xi32>
      %squeeze3A_2336 = vector.extract %slice3A_2335[0] : i32 from vector<1xi32>
      %eq3A_2337 = vector.broadcast %squeeze3A_2336 : i32 to vector<16xi32>
      %eq3A_2338 = arith.cmpi eq, %iota3A, %eq3A_2337 : vector<16xi32>
      %jit3A_2339 = arith.constant 1.000000e+00 : f32
      %jit3A_2340 = arith.constant 0.000000e+00 : f32
      %broadcast_in_dim3A_2341 = vector.broadcast %jit3A_2339 : f32 to vector<16xf32>
      %broadcast_in_dim3A_2342 = vector.broadcast %jit3A_2340 : f32 to vector<16xf32>
      %select_n3A_2343 = arith.select %eq3A_2338, %broadcast_in_dim3A_2341, %broadcast_in_dim3A_2342 : vector<16xi1>, vector<16xf32>
      %slice3A_2344 = vector.extract_strided_slice %get3A_2147 {offsets = [11], sizes = [1], strides = [1]} : vector<16xi32> to vector<1xi32>
      %squeeze3A_2345 = vector.extract %slice3A_2344[0] : i32 from vector<1xi32>
      %mul3A_2346 = arith.constant 16 : i32
      %mul3A_2347 = arith.muli %squeeze3A_2345, %mul3A_2346 : i32
      %swap3A_2348 = arith.index_cast %mul3A_2347 : i32 to index
      %swap3A_2349 = tpu.vector_load %arg5[%swap3A_2348] {strides = array<i32>} : memref<256xf32, #tpu.memory_space<vmem>>, vector<16xf32>,
      %swap3A_2350 = vector.shape_cast %swap3A_2349 : vector<16xf32> to vector<16xf32>
      %swap3A_2351 = vector.shape_cast %select_n3A_2343 : vector<16xf32> to vector<16xf32>
      tpu.vector_store %arg5[%swap3A_2348], %swap3A_2351 {add = true, strides = array<i32>} : memref<256xf32, #tpu.memory_space<vmem>>, vector<16xf32>,
      %slice3A_2352 = vector.extract_strided_slice %get3A_2142 {offsets = [12], sizes = [1], strides = [1]} : vector<16xi32> to vector<1xi32>
      %squeeze3A_2353 = vector.extract %slice3A_2352[0] : i32 from vector<1xi32>
      %eq3A_2354 = vector.broadcast %squeeze3A_2353 : i32 to vector<16xi32>
      %eq3A_2355 = arith.cmpi eq, %iota3A, %eq3A_2354 : vector<16xi32>
      %jit3A_2356 = arith.constant 1.000000e+00 : f32
      %jit3A_2357 = arith.constant 0.000000e+00 : f32
      %broadcast_in_dim3A_2358 = vector.broadcast %jit3A_2356 : f32 to vector<16xf32>
      %broadcast_in_dim3A_2359 = vector.broadcast %jit3A_2357 : f32 to vector<16xf32>
      %select_n3A_2360 = arith.select %eq3A_2355, %broadcast_in_dim3A_2358, %broadcast_in_dim3A_2359 : vector<16xi1>, vector<16xf32>
      %slice3A_2361 = vector.extract_strided_slice %get3A_2147 {offsets = [12], sizes = [1], strides = [1]} : vector<16xi32> to vector<1xi32>
      %squeeze3A_2362 = vector.extract %slice3A_2361[0] : i32 from vector<1xi32>
      %mul3A_2363 = arith.constant 16 : i32
      %mul3A_2364 = arith.muli %squeeze3A_2362, %mul3A_2363 : i32
      %swap3A_2365 = arith.index_cast %mul3A_2364 : i32 to index
      %swap3A_2366 = tpu.vector_load %arg5[%swap3A_2365] {strides = array<i32>} : memref<256xf32, #tpu.memory_space<vmem>>, vector<16xf32>,
      %swap3A_2367 = vector.shape_cast %swap3A_2366 : vector<16xf32> to vector<16xf32>
      %swap3A_2368 = vector.shape_cast %select_n3A_2360 : vector<16xf32> to vector<16xf32>
      tpu.vector_store %arg5[%swap3A_2365], %swap3A_2368 {add = true, strides = array<i32>} : memref<256xf32, #tpu.memory_space<vmem>>, vector<16xf32>,
      %slice3A_2369 = vector.extract_strided_slice %get3A_2142 {offsets = [13], sizes = [1], strides = [1]} : vector<16xi32> to vector<1xi32>
      %squeeze3A_2370 = vector.extract %slice3A_2369[0] : i32 from vector<1xi32>
      %eq3A_2371 = vector.broadcast %squeeze3A_2370 : i32 to vector<16xi32>
      %eq3A_2372 = arith.cmpi eq, %iota3A, %eq3A_2371 : vector<16xi32>
      %jit3A_2373 = arith.constant 1.000000e+00 : f32
      %jit3A_2374 = arith.constant 0.000000e+00 : f32
      %broadcast_in_dim3A_2375 = vector.broadcast %jit3A_2373 : f32 to vector<16xf32>
      %broadcast_in_dim3A_2376 = vector.broadcast %jit3A_2374 : f32 to vector<16xf32>
      %select_n3A_2377 = arith.select %eq3A_2372, %broadcast_in_dim3A_2375, %broadcast_in_dim3A_2376 : vector<16xi1>, vector<16xf32>
      %slice3A_2378 = vector.extract_strided_slice %get3A_2147 {offsets = [13], sizes = [1], strides = [1]} : vector<16xi32> to vector<1xi32>
      %squeeze3A_2379 = vector.extract %slice3A_2378[0] : i32 from vector<1xi32>
      %mul3A_2380 = arith.constant 16 : i32
      %mul3A_2381 = arith.muli %squeeze3A_2379, %mul3A_2380 : i32
      %swap3A_2382 = arith.index_cast %mul3A_2381 : i32 to index
      %swap3A_2383 = tpu.vector_load %arg5[%swap3A_2382] {strides = array<i32>} : memref<256xf32, #tpu.memory_space<vmem>>, vector<16xf32>,
      %swap3A_2384 = vector.shape_cast %swap3A_2383 : vector<16xf32> to vector<16xf32>
      %swap3A_2385 = vector.shape_cast %select_n3A_2377 : vector<16xf32> to vector<16xf32>
      tpu.vector_store %arg5[%swap3A_2382], %swap3A_2385 {add = true, strides = array<i32>} : memref<256xf32, #tpu.memory_space<vmem>>, vector<16xf32>,
      %slice3A_2386 = vector.extract_strided_slice %get3A_2142 {offsets = [14], sizes = [1], strides = [1]} : vector<16xi32> to vector<1xi32>
      %squeeze3A_2387 = vector.extract %slice3A_2386[0] : i32 from vector<1xi32>
      %eq3A_2388 = vector.broadcast %squeeze3A_2387 : i32 to vector<16xi32>
      %eq3A_2389 = arith.cmpi eq, %iota3A, %eq3A_2388 : vector<16xi32>
      %jit3A_2390 = arith.constant 1.000000e+00 : f32
      %jit3A_2391 = arith.constant 0.000000e+00 : f32
      %broadcast_in_dim3A_2392 = vector.broadcast %jit3A_2390 : f32 to vector<16xf32>
      %broadcast_in_dim3A_2393 = vector.broadcast %jit3A_2391 : f32 to vector<16xf32>
      %select_n3A_2394 = arith.select %eq3A_2389, %broadcast_in_dim3A_2392, %broadcast_in_dim3A_2393 : vector<16xi1>, vector<16xf32>
      %slice3A_2395 = vector.extract_strided_slice %get3A_2147 {offsets = [14], sizes = [1], strides = [1]} : vector<16xi32> to vector<1xi32>
      %squeeze3A_2396 = vector.extract %slice3A_2395[0] : i32 from vector<1xi32>
      %mul3A_2397 = arith.constant 16 : i32
      %mul3A_2398 = arith.muli %squeeze3A_2396, %mul3A_2397 : i32
      %swap3A_2399 = arith.index_cast %mul3A_2398 : i32 to index
      %swap3A_2400 = tpu.vector_load %arg5[%swap3A_2399] {strides = array<i32>} : memref<256xf32, #tpu.memory_space<vmem>>, vector<16xf32>,
      %swap3A_2401 = vector.shape_cast %swap3A_2400 : vector<16xf32> to vector<16xf32>
      %swap3A_2402 = vector.shape_cast %select_n3A_2394 : vector<16xf32> to vector<16xf32>
      tpu.vector_store %arg5[%swap3A_2399], %swap3A_2402 {add = true, strides = array<i32>} : memref<256xf32, #tpu.memory_space<vmem>>, vector<16xf32>,
      %slice3A_2403 = vector.extract_strided_slice %get3A_2142 {offsets = [15], sizes = [1], strides = [1]} : vector<16xi32> to vector<1xi32>
      %squeeze3A_2404 = vector.extract %slice3A_2403[0] : i32 from vector<1xi32>
      %eq3A_2405 = vector.broadcast %squeeze3A_2404 : i32 to vector<16xi32>
      %eq3A_2406 = arith.cmpi eq, %iota3A, %eq3A_2405 : vector<16xi32>
      %jit3A_2407 = arith.constant 1.000000e+00 : f32
      %jit3A_2408 = arith.constant 0.000000e+00 : f32
      %broadcast_in_dim3A_2409 = vector.broadcast %jit3A_2407 : f32 to vector<16xf32>
      %broadcast_in_dim3A_2410 = vector.broadcast %jit3A_2408 : f32 to vector<16xf32>
      %select_n3A_2411 = arith.select %eq3A_2406, %broadcast_in_dim3A_2409, %broadcast_in_dim3A_2410 : vector<16xi1>, vector<16xf32>
      %slice3A_2412 = vector.extract_strided_slice %get3A_2147 {offsets = [15], sizes = [1], strides = [1]} : vector<16xi32> to vector<1xi32>
      %squeeze3A_2413 = vector.extract %slice3A_2412[0] : i32 from vector<1xi32>
      %mul3A_2414 = arith.constant 16 : i32
      %mul3A_2415 = arith.muli %squeeze3A_2413, %mul3A_2414 : i32
      %swap3A_2416 = arith.index_cast %mul3A_2415 : i32 to index
      %swap3A_2417 = tpu.vector_load %arg5[%swap3A_2416] {strides = array<i32>} : memref<256xf32, #tpu.memory_space<vmem>>, vector<16xf32>,
      %swap3A_2418 = vector.shape_cast %swap3A_2417 : vector<16xf32> to vector<16xf32>
      %swap3A_2419 = vector.shape_cast %select_n3A_2411 : vector<16xf32> to vector<16xf32>
      tpu.vector_store %arg5[%swap3A_2416], %swap3A_2419 {add = true, strides = array<i32>} : memref<256xf32, #tpu.memory_space<vmem>>, vector<16xf32>,
      %get3A_2420 = arith.constant 0 : i32
      %get3A_2421 = arith.index_cast %get3A_2420 : i32 to index
      %get3A_2422 = arith.constant 128 : index
      %get3A_2423 = tpu.vector_load %arg4[%get3A_2421, %get3A_2422] {strides = array<i32>} : memref<2x196xi32, #tpu.memory_space<vmem>>, vector<1x16xi32>,
      %get3A_2424 = vector.shape_cast %get3A_2423 : vector<1x16xi32> to vector<16xi32>
      %get3A_2425 = arith.constant 1 : i32
      %get3A_2426 = arith.index_cast %get3A_2425 : i32 to index
      %get3A_2427 = arith.constant 128 : index
      %get3A_2428 = tpu.vector_load %arg4[%get3A_2426, %get3A_2427] {strides = array<i32>} : memref<2x196xi32, #tpu.memory_space<vmem>>, vector<1x16xi32>,
      %get3A_2429 = vector.shape_cast %get3A_2428 : vector<1x16xi32> to vector<16xi32>
      %slice3A_2430 = vector.extract_strided_slice %get3A_2424 {offsets = [0], sizes = [1], strides = [1]} : vector<16xi32> to vector<1xi32>
      %squeeze3A_2431 = vector.extract %slice3A_2430[0] : i32 from vector<1xi32>
      %eq3A_2432 = vector.broadcast %squeeze3A_2431 : i32 to vector<16xi32>
      %eq3A_2433 = arith.cmpi eq, %iota3A, %eq3A_2432 : vector<16xi32>
      %jit3A_2434 = arith.constant 1.000000e+00 : f32
      %jit3A_2435 = arith.constant 0.000000e+00 : f32
      %broadcast_in_dim3A_2436 = vector.broadcast %jit3A_2434 : f32 to vector<16xf32>
      %broadcast_in_dim3A_2437 = vector.broadcast %jit3A_2435 : f32 to vector<16xf32>
      %select_n3A_2438 = arith.select %eq3A_2433, %broadcast_in_dim3A_2436, %broadcast_in_dim3A_2437 : vector<16xi1>, vector<16xf32>
      %slice3A_2439 = vector.extract_strided_slice %get3A_2429 {offsets = [0], sizes = [1], strides = [1]} : vector<16xi32> to vector<1xi32>
      %squeeze3A_2440 = vector.extract %slice3A_2439[0] : i32 from vector<1xi32>
      %mul3A_2441 = arith.constant 16 : i32
      %mul3A_2442 = arith.muli %squeeze3A_2440, %mul3A_2441 : i32
      %swap3A_2443 = arith.index_cast %mul3A_2442 : i32 to index
      %swap3A_2444 = tpu.vector_load %arg5[%swap3A_2443] {strides = array<i32>} : memref<256xf32, #tpu.memory_space<vmem>>, vector<16xf32>,
      %swap3A_2445 = vector.shape_cast %swap3A_2444 : vector<16xf32> to vector<16xf32>
      %swap3A_2446 = vector.shape_cast %select_n3A_2438 : vector<16xf32> to vector<16xf32>
      tpu.vector_store %arg5[%swap3A_2443], %swap3A_2446 {add = true, strides = array<i32>} : memref<256xf32, #tpu.memory_space<vmem>>, vector<16xf32>,
      %slice3A_2447 = vector.extract_strided_slice %get3A_2424 {offsets = [1], sizes = [1], strides = [1]} : vector<16xi32> to vector<1xi32>
      %squeeze3A_2448 = vector.extract %slice3A_2447[0] : i32 from vector<1xi32>
      %eq3A_2449 = vector.broadcast %squeeze3A_2448 : i32 to vector<16xi32>
      %eq3A_2450 = arith.cmpi eq, %iota3A, %eq3A_2449 : vector<16xi32>
      %jit3A_2451 = arith.constant 1.000000e+00 : f32
      %jit3A_2452 = arith.constant 0.000000e+00 : f32
      %broadcast_in_dim3A_2453 = vector.broadcast %jit3A_2451 : f32 to vector<16xf32>
      %broadcast_in_dim3A_2454 = vector.broadcast %jit3A_2452 : f32 to vector<16xf32>
      %select_n3A_2455 = arith.select %eq3A_2450, %broadcast_in_dim3A_2453, %broadcast_in_dim3A_2454 : vector<16xi1>, vector<16xf32>
      %slice3A_2456 = vector.extract_strided_slice %get3A_2429 {offsets = [1], sizes = [1], strides = [1]} : vector<16xi32> to vector<1xi32>
      %squeeze3A_2457 = vector.extract %slice3A_2456[0] : i32 from vector<1xi32>
      %mul3A_2458 = arith.constant 16 : i32
      %mul3A_2459 = arith.muli %squeeze3A_2457, %mul3A_2458 : i32
      %swap3A_2460 = arith.index_cast %mul3A_2459 : i32 to index
      %swap3A_2461 = tpu.vector_load %arg5[%swap3A_2460] {strides = array<i32>} : memref<256xf32, #tpu.memory_space<vmem>>, vector<16xf32>,
      %swap3A_2462 = vector.shape_cast %swap3A_2461 : vector<16xf32> to vector<16xf32>
      %swap3A_2463 = vector.shape_cast %select_n3A_2455 : vector<16xf32> to vector<16xf32>
      tpu.vector_store %arg5[%swap3A_2460], %swap3A_2463 {add = true, strides = array<i32>} : memref<256xf32, #tpu.memory_space<vmem>>, vector<16xf32>,
      %slice3A_2464 = vector.extract_strided_slice %get3A_2424 {offsets = [2], sizes = [1], strides = [1]} : vector<16xi32> to vector<1xi32>
      %squeeze3A_2465 = vector.extract %slice3A_2464[0] : i32 from vector<1xi32>
      %eq3A_2466 = vector.broadcast %squeeze3A_2465 : i32 to vector<16xi32>
      %eq3A_2467 = arith.cmpi eq, %iota3A, %eq3A_2466 : vector<16xi32>
      %jit3A_2468 = arith.constant 1.000000e+00 : f32
      %jit3A_2469 = arith.constant 0.000000e+00 : f32
      %broadcast_in_dim3A_2470 = vector.broadcast %jit3A_2468 : f32 to vector<16xf32>
      %broadcast_in_dim3A_2471 = vector.broadcast %jit3A_2469 : f32 to vector<16xf32>
      %select_n3A_2472 = arith.select %eq3A_2467, %broadcast_in_dim3A_2470, %broadcast_in_dim3A_2471 : vector<16xi1>, vector<16xf32>
      %slice3A_2473 = vector.extract_strided_slice %get3A_2429 {offsets = [2], sizes = [1], strides = [1]} : vector<16xi32> to vector<1xi32>
      %squeeze3A_2474 = vector.extract %slice3A_2473[0] : i32 from vector<1xi32>
      %mul3A_2475 = arith.constant 16 : i32
      %mul3A_2476 = arith.muli %squeeze3A_2474, %mul3A_2475 : i32
      %swap3A_2477 = arith.index_cast %mul3A_2476 : i32 to index
      %swap3A_2478 = tpu.vector_load %arg5[%swap3A_2477] {strides = array<i32>} : memref<256xf32, #tpu.memory_space<vmem>>, vector<16xf32>,
      %swap3A_2479 = vector.shape_cast %swap3A_2478 : vector<16xf32> to vector<16xf32>
      %swap3A_2480 = vector.shape_cast %select_n3A_2472 : vector<16xf32> to vector<16xf32>
      tpu.vector_store %arg5[%swap3A_2477], %swap3A_2480 {add = true, strides = array<i32>} : memref<256xf32, #tpu.memory_space<vmem>>, vector<16xf32>,
      %slice3A_2481 = vector.extract_strided_slice %get3A_2424 {offsets = [3], sizes = [1], strides = [1]} : vector<16xi32> to vector<1xi32>
      %squeeze3A_2482 = vector.extract %slice3A_2481[0] : i32 from vector<1xi32>
      %eq3A_2483 = vector.broadcast %squeeze3A_2482 : i32 to vector<16xi32>
      %eq3A_2484 = arith.cmpi eq, %iota3A, %eq3A_2483 : vector<16xi32>
      %jit3A_2485 = arith.constant 1.000000e+00 : f32
      %jit3A_2486 = arith.constant 0.000000e+00 : f32
      %broadcast_in_dim3A_2487 = vector.broadcast %jit3A_2485 : f32 to vector<16xf32>
      %broadcast_in_dim3A_2488 = vector.broadcast %jit3A_2486 : f32 to vector<16xf32>
      %select_n3A_2489 = arith.select %eq3A_2484, %broadcast_in_dim3A_2487, %broadcast_in_dim3A_2488 : vector<16xi1>, vector<16xf32>
      %slice3A_2490 = vector.extract_strided_slice %get3A_2429 {offsets = [3], sizes = [1], strides = [1]} : vector<16xi32> to vector<1xi32>
      %squeeze3A_2491 = vector.extract %slice3A_2490[0] : i32 from vector<1xi32>
      %mul3A_2492 = arith.constant 16 : i32
      %mul3A_2493 = arith.muli %squeeze3A_2491, %mul3A_2492 : i32
      %swap3A_2494 = arith.index_cast %mul3A_2493 : i32 to index
      %swap3A_2495 = tpu.vector_load %arg5[%swap3A_2494] {strides = array<i32>} : memref<256xf32, #tpu.memory_space<vmem>>, vector<16xf32>,
      %swap3A_2496 = vector.shape_cast %swap3A_2495 : vector<16xf32> to vector<16xf32>
      %swap3A_2497 = vector.shape_cast %select_n3A_2489 : vector<16xf32> to vector<16xf32>
      tpu.vector_store %arg5[%swap3A_2494], %swap3A_2497 {add = true, strides = array<i32>} : memref<256xf32, #tpu.memory_space<vmem>>, vector<16xf32>,
      %slice3A_2498 = vector.extract_strided_slice %get3A_2424 {offsets = [4], sizes = [1], strides = [1]} : vector<16xi32> to vector<1xi32>
      %squeeze3A_2499 = vector.extract %slice3A_2498[0] : i32 from vector<1xi32>
      %eq3A_2500 = vector.broadcast %squeeze3A_2499 : i32 to vector<16xi32>
      %eq3A_2501 = arith.cmpi eq, %iota3A, %eq3A_2500 : vector<16xi32>
      %jit3A_2502 = arith.constant 1.000000e+00 : f32
      %jit3A_2503 = arith.constant 0.000000e+00 : f32
      %broadcast_in_dim3A_2504 = vector.broadcast %jit3A_2502 : f32 to vector<16xf32>
      %broadcast_in_dim3A_2505 = vector.broadcast %jit3A_2503 : f32 to vector<16xf32>
      %select_n3A_2506 = arith.select %eq3A_2501, %broadcast_in_dim3A_2504, %broadcast_in_dim3A_2505 : vector<16xi1>, vector<16xf32>
      %slice3A_2507 = vector.extract_strided_slice %get3A_2429 {offsets = [4], sizes = [1], strides = [1]} : vector<16xi32> to vector<1xi32>
      %squeeze3A_2508 = vector.extract %slice3A_2507[0] : i32 from vector<1xi32>
      %mul3A_2509 = arith.constant 16 : i32
      %mul3A_2510 = arith.muli %squeeze3A_2508, %mul3A_2509 : i32
      %swap3A_2511 = arith.index_cast %mul3A_2510 : i32 to index
      %swap3A_2512 = tpu.vector_load %arg5[%swap3A_2511] {strides = array<i32>} : memref<256xf32, #tpu.memory_space<vmem>>, vector<16xf32>,
      %swap3A_2513 = vector.shape_cast %swap3A_2512 : vector<16xf32> to vector<16xf32>
      %swap3A_2514 = vector.shape_cast %select_n3A_2506 : vector<16xf32> to vector<16xf32>
      tpu.vector_store %arg5[%swap3A_2511], %swap3A_2514 {add = true, strides = array<i32>} : memref<256xf32, #tpu.memory_space<vmem>>, vector<16xf32>,
      %slice3A_2515 = vector.extract_strided_slice %get3A_2424 {offsets = [5], sizes = [1], strides = [1]} : vector<16xi32> to vector<1xi32>
      %squeeze3A_2516 = vector.extract %slice3A_2515[0] : i32 from vector<1xi32>
      %eq3A_2517 = vector.broadcast %squeeze3A_2516 : i32 to vector<16xi32>
      %eq3A_2518 = arith.cmpi eq, %iota3A, %eq3A_2517 : vector<16xi32>
      %jit3A_2519 = arith.constant 1.000000e+00 : f32
      %jit3A_2520 = arith.constant 0.000000e+00 : f32
      %broadcast_in_dim3A_2521 = vector.broadcast %jit3A_2519 : f32 to vector<16xf32>
      %broadcast_in_dim3A_2522 = vector.broadcast %jit3A_2520 : f32 to vector<16xf32>
      %select_n3A_2523 = arith.select %eq3A_2518, %broadcast_in_dim3A_2521, %broadcast_in_dim3A_2522 : vector<16xi1>, vector<16xf32>
      %slice3A_2524 = vector.extract_strided_slice %get3A_2429 {offsets = [5], sizes = [1], strides = [1]} : vector<16xi32> to vector<1xi32>
      %squeeze3A_2525 = vector.extract %slice3A_2524[0] : i32 from vector<1xi32>
      %mul3A_2526 = arith.constant 16 : i32
      %mul3A_2527 = arith.muli %squeeze3A_2525, %mul3A_2526 : i32
      %swap3A_2528 = arith.index_cast %mul3A_2527 : i32 to index
      %swap3A_2529 = tpu.vector_load %arg5[%swap3A_2528] {strides = array<i32>} : memref<256xf32, #tpu.memory_space<vmem>>, vector<16xf32>,
      %swap3A_2530 = vector.shape_cast %swap3A_2529 : vector<16xf32> to vector<16xf32>
      %swap3A_2531 = vector.shape_cast %select_n3A_2523 : vector<16xf32> to vector<16xf32>
      tpu.vector_store %arg5[%swap3A_2528], %swap3A_2531 {add = true, strides = array<i32>} : memref<256xf32, #tpu.memory_space<vmem>>, vector<16xf32>,
      %slice3A_2532 = vector.extract_strided_slice %get3A_2424 {offsets = [6], sizes = [1], strides = [1]} : vector<16xi32> to vector<1xi32>
      %squeeze3A_2533 = vector.extract %slice3A_2532[0] : i32 from vector<1xi32>
      %eq3A_2534 = vector.broadcast %squeeze3A_2533 : i32 to vector<16xi32>
      %eq3A_2535 = arith.cmpi eq, %iota3A, %eq3A_2534 : vector<16xi32>
      %jit3A_2536 = arith.constant 1.000000e+00 : f32
      %jit3A_2537 = arith.constant 0.000000e+00 : f32
      %broadcast_in_dim3A_2538 = vector.broadcast %jit3A_2536 : f32 to vector<16xf32>
      %broadcast_in_dim3A_2539 = vector.broadcast %jit3A_2537 : f32 to vector<16xf32>
      %select_n3A_2540 = arith.select %eq3A_2535, %broadcast_in_dim3A_2538, %broadcast_in_dim3A_2539 : vector<16xi1>, vector<16xf32>
      %slice3A_2541 = vector.extract_strided_slice %get3A_2429 {offsets = [6], sizes = [1], strides = [1]} : vector<16xi32> to vector<1xi32>
      %squeeze3A_2542 = vector.extract %slice3A_2541[0] : i32 from vector<1xi32>
      %mul3A_2543 = arith.constant 16 : i32
      %mul3A_2544 = arith.muli %squeeze3A_2542, %mul3A_2543 : i32
      %swap3A_2545 = arith.index_cast %mul3A_2544 : i32 to index
      %swap3A_2546 = tpu.vector_load %arg5[%swap3A_2545] {strides = array<i32>} : memref<256xf32, #tpu.memory_space<vmem>>, vector<16xf32>,
      %swap3A_2547 = vector.shape_cast %swap3A_2546 : vector<16xf32> to vector<16xf32>
      %swap3A_2548 = vector.shape_cast %select_n3A_2540 : vector<16xf32> to vector<16xf32>
      tpu.vector_store %arg5[%swap3A_2545], %swap3A_2548 {add = true, strides = array<i32>} : memref<256xf32, #tpu.memory_space<vmem>>, vector<16xf32>,
      %slice3A_2549 = vector.extract_strided_slice %get3A_2424 {offsets = [7], sizes = [1], strides = [1]} : vector<16xi32> to vector<1xi32>
      %squeeze3A_2550 = vector.extract %slice3A_2549[0] : i32 from vector<1xi32>
      %eq3A_2551 = vector.broadcast %squeeze3A_2550 : i32 to vector<16xi32>
      %eq3A_2552 = arith.cmpi eq, %iota3A, %eq3A_2551 : vector<16xi32>
      %jit3A_2553 = arith.constant 1.000000e+00 : f32
      %jit3A_2554 = arith.constant 0.000000e+00 : f32
      %broadcast_in_dim3A_2555 = vector.broadcast %jit3A_2553 : f32 to vector<16xf32>
      %broadcast_in_dim3A_2556 = vector.broadcast %jit3A_2554 : f32 to vector<16xf32>
      %select_n3A_2557 = arith.select %eq3A_2552, %broadcast_in_dim3A_2555, %broadcast_in_dim3A_2556 : vector<16xi1>, vector<16xf32>
      %slice3A_2558 = vector.extract_strided_slice %get3A_2429 {offsets = [7], sizes = [1], strides = [1]} : vector<16xi32> to vector<1xi32>
      %squeeze3A_2559 = vector.extract %slice3A_2558[0] : i32 from vector<1xi32>
      %mul3A_2560 = arith.constant 16 : i32
      %mul3A_2561 = arith.muli %squeeze3A_2559, %mul3A_2560 : i32
      %swap3A_2562 = arith.index_cast %mul3A_2561 : i32 to index
      %swap3A_2563 = tpu.vector_load %arg5[%swap3A_2562] {strides = array<i32>} : memref<256xf32, #tpu.memory_space<vmem>>, vector<16xf32>,
      %swap3A_2564 = vector.shape_cast %swap3A_2563 : vector<16xf32> to vector<16xf32>
      %swap3A_2565 = vector.shape_cast %select_n3A_2557 : vector<16xf32> to vector<16xf32>
      tpu.vector_store %arg5[%swap3A_2562], %swap3A_2565 {add = true, strides = array<i32>} : memref<256xf32, #tpu.memory_space<vmem>>, vector<16xf32>,
      %slice3A_2566 = vector.extract_strided_slice %get3A_2424 {offsets = [8], sizes = [1], strides = [1]} : vector<16xi32> to vector<1xi32>
      %squeeze3A_2567 = vector.extract %slice3A_2566[0] : i32 from vector<1xi32>
      %eq3A_2568 = vector.broadcast %squeeze3A_2567 : i32 to vector<16xi32>
      %eq3A_2569 = arith.cmpi eq, %iota3A, %eq3A_2568 : vector<16xi32>
      %jit3A_2570 = arith.constant 1.000000e+00 : f32
      %jit3A_2571 = arith.constant 0.000000e+00 : f32
      %broadcast_in_dim3A_2572 = vector.broadcast %jit3A_2570 : f32 to vector<16xf32>
      %broadcast_in_dim3A_2573 = vector.broadcast %jit3A_2571 : f32 to vector<16xf32>
      %select_n3A_2574 = arith.select %eq3A_2569, %broadcast_in_dim3A_2572, %broadcast_in_dim3A_2573 : vector<16xi1>, vector<16xf32>
      %slice3A_2575 = vector.extract_strided_slice %get3A_2429 {offsets = [8], sizes = [1], strides = [1]} : vector<16xi32> to vector<1xi32>
      %squeeze3A_2576 = vector.extract %slice3A_2575[0] : i32 from vector<1xi32>
      %mul3A_2577 = arith.constant 16 : i32
      %mul3A_2578 = arith.muli %squeeze3A_2576, %mul3A_2577 : i32
      %swap3A_2579 = arith.index_cast %mul3A_2578 : i32 to index
      %swap3A_2580 = tpu.vector_load %arg5[%swap3A_2579] {strides = array<i32>} : memref<256xf32, #tpu.memory_space<vmem>>, vector<16xf32>,
      %swap3A_2581 = vector.shape_cast %swap3A_2580 : vector<16xf32> to vector<16xf32>
      %swap3A_2582 = vector.shape_cast %select_n3A_2574 : vector<16xf32> to vector<16xf32>
      tpu.vector_store %arg5[%swap3A_2579], %swap3A_2582 {add = true, strides = array<i32>} : memref<256xf32, #tpu.memory_space<vmem>>, vector<16xf32>,
      %slice3A_2583 = vector.extract_strided_slice %get3A_2424 {offsets = [9], sizes = [1], strides = [1]} : vector<16xi32> to vector<1xi32>
      %squeeze3A_2584 = vector.extract %slice3A_2583[0] : i32 from vector<1xi32>
      %eq3A_2585 = vector.broadcast %squeeze3A_2584 : i32 to vector<16xi32>
      %eq3A_2586 = arith.cmpi eq, %iota3A, %eq3A_2585 : vector<16xi32>
      %jit3A_2587 = arith.constant 1.000000e+00 : f32
      %jit3A_2588 = arith.constant 0.000000e+00 : f32
      %broadcast_in_dim3A_2589 = vector.broadcast %jit3A_2587 : f32 to vector<16xf32>
      %broadcast_in_dim3A_2590 = vector.broadcast %jit3A_2588 : f32 to vector<16xf32>
      %select_n3A_2591 = arith.select %eq3A_2586, %broadcast_in_dim3A_2589, %broadcast_in_dim3A_2590 : vector<16xi1>, vector<16xf32>
      %slice3A_2592 = vector.extract_strided_slice %get3A_2429 {offsets = [9], sizes = [1], strides = [1]} : vector<16xi32> to vector<1xi32>
      %squeeze3A_2593 = vector.extract %slice3A_2592[0] : i32 from vector<1xi32>
      %mul3A_2594 = arith.constant 16 : i32
      %mul3A_2595 = arith.muli %squeeze3A_2593, %mul3A_2594 : i32
      %swap3A_2596 = arith.index_cast %mul3A_2595 : i32 to index
      %swap3A_2597 = tpu.vector_load %arg5[%swap3A_2596] {strides = array<i32>} : memref<256xf32, #tpu.memory_space<vmem>>, vector<16xf32>,
      %swap3A_2598 = vector.shape_cast %swap3A_2597 : vector<16xf32> to vector<16xf32>
      %swap3A_2599 = vector.shape_cast %select_n3A_2591 : vector<16xf32> to vector<16xf32>
      tpu.vector_store %arg5[%swap3A_2596], %swap3A_2599 {add = true, strides = array<i32>} : memref<256xf32, #tpu.memory_space<vmem>>, vector<16xf32>,
      %slice3A_2600 = vector.extract_strided_slice %get3A_2424 {offsets = [10], sizes = [1], strides = [1]} : vector<16xi32> to vector<1xi32>
      %squeeze3A_2601 = vector.extract %slice3A_2600[0] : i32 from vector<1xi32>
      %eq3A_2602 = vector.broadcast %squeeze3A_2601 : i32 to vector<16xi32>
      %eq3A_2603 = arith.cmpi eq, %iota3A, %eq3A_2602 : vector<16xi32>
      %jit3A_2604 = arith.constant 1.000000e+00 : f32
      %jit3A_2605 = arith.constant 0.000000e+00 : f32
      %broadcast_in_dim3A_2606 = vector.broadcast %jit3A_2604 : f32 to vector<16xf32>
      %broadcast_in_dim3A_2607 = vector.broadcast %jit3A_2605 : f32 to vector<16xf32>
      %select_n3A_2608 = arith.select %eq3A_2603, %broadcast_in_dim3A_2606, %broadcast_in_dim3A_2607 : vector<16xi1>, vector<16xf32>
      %slice3A_2609 = vector.extract_strided_slice %get3A_2429 {offsets = [10], sizes = [1], strides = [1]} : vector<16xi32> to vector<1xi32>
      %squeeze3A_2610 = vector.extract %slice3A_2609[0] : i32 from vector<1xi32>
      %mul3A_2611 = arith.constant 16 : i32
      %mul3A_2612 = arith.muli %squeeze3A_2610, %mul3A_2611 : i32
      %swap3A_2613 = arith.index_cast %mul3A_2612 : i32 to index
      %swap3A_2614 = tpu.vector_load %arg5[%swap3A_2613] {strides = array<i32>} : memref<256xf32, #tpu.memory_space<vmem>>, vector<16xf32>,
      %swap3A_2615 = vector.shape_cast %swap3A_2614 : vector<16xf32> to vector<16xf32>
      %swap3A_2616 = vector.shape_cast %select_n3A_2608 : vector<16xf32> to vector<16xf32>
      tpu.vector_store %arg5[%swap3A_2613], %swap3A_2616 {add = true, strides = array<i32>} : memref<256xf32, #tpu.memory_space<vmem>>, vector<16xf32>,
      %slice3A_2617 = vector.extract_strided_slice %get3A_2424 {offsets = [11], sizes = [1], strides = [1]} : vector<16xi32> to vector<1xi32>
      %squeeze3A_2618 = vector.extract %slice3A_2617[0] : i32 from vector<1xi32>
      %eq3A_2619 = vector.broadcast %squeeze3A_2618 : i32 to vector<16xi32>
      %eq3A_2620 = arith.cmpi eq, %iota3A, %eq3A_2619 : vector<16xi32>
      %jit3A_2621 = arith.constant 1.000000e+00 : f32
      %jit3A_2622 = arith.constant 0.000000e+00 : f32
      %broadcast_in_dim3A_2623 = vector.broadcast %jit3A_2621 : f32 to vector<16xf32>
      %broadcast_in_dim3A_2624 = vector.broadcast %jit3A_2622 : f32 to vector<16xf32>
      %select_n3A_2625 = arith.select %eq3A_2620, %broadcast_in_dim3A_2623, %broadcast_in_dim3A_2624 : vector<16xi1>, vector<16xf32>
      %slice3A_2626 = vector.extract_strided_slice %get3A_2429 {offsets = [11], sizes = [1], strides = [1]} : vector<16xi32> to vector<1xi32>
      %squeeze3A_2627 = vector.extract %slice3A_2626[0] : i32 from vector<1xi32>
      %mul3A_2628 = arith.constant 16 : i32
      %mul3A_2629 = arith.muli %squeeze3A_2627, %mul3A_2628 : i32
      %swap3A_2630 = arith.index_cast %mul3A_2629 : i32 to index
      %swap3A_2631 = tpu.vector_load %arg5[%swap3A_2630] {strides = array<i32>} : memref<256xf32, #tpu.memory_space<vmem>>, vector<16xf32>,
      %swap3A_2632 = vector.shape_cast %swap3A_2631 : vector<16xf32> to vector<16xf32>
      %swap3A_2633 = vector.shape_cast %select_n3A_2625 : vector<16xf32> to vector<16xf32>
      tpu.vector_store %arg5[%swap3A_2630], %swap3A_2633 {add = true, strides = array<i32>} : memref<256xf32, #tpu.memory_space<vmem>>, vector<16xf32>,
      %slice3A_2634 = vector.extract_strided_slice %get3A_2424 {offsets = [12], sizes = [1], strides = [1]} : vector<16xi32> to vector<1xi32>
      %squeeze3A_2635 = vector.extract %slice3A_2634[0] : i32 from vector<1xi32>
      %eq3A_2636 = vector.broadcast %squeeze3A_2635 : i32 to vector<16xi32>
      %eq3A_2637 = arith.cmpi eq, %iota3A, %eq3A_2636 : vector<16xi32>
      %jit3A_2638 = arith.constant 1.000000e+00 : f32
      %jit3A_2639 = arith.constant 0.000000e+00 : f32
      %broadcast_in_dim3A_2640 = vector.broadcast %jit3A_2638 : f32 to vector<16xf32>
      %broadcast_in_dim3A_2641 = vector.broadcast %jit3A_2639 : f32 to vector<16xf32>
      %select_n3A_2642 = arith.select %eq3A_2637, %broadcast_in_dim3A_2640, %broadcast_in_dim3A_2641 : vector<16xi1>, vector<16xf32>
      %slice3A_2643 = vector.extract_strided_slice %get3A_2429 {offsets = [12], sizes = [1], strides = [1]} : vector<16xi32> to vector<1xi32>
      %squeeze3A_2644 = vector.extract %slice3A_2643[0] : i32 from vector<1xi32>
      %mul3A_2645 = arith.constant 16 : i32
      %mul3A_2646 = arith.muli %squeeze3A_2644, %mul3A_2645 : i32
      %swap3A_2647 = arith.index_cast %mul3A_2646 : i32 to index
      %swap3A_2648 = tpu.vector_load %arg5[%swap3A_2647] {strides = array<i32>} : memref<256xf32, #tpu.memory_space<vmem>>, vector<16xf32>,
      %swap3A_2649 = vector.shape_cast %swap3A_2648 : vector<16xf32> to vector<16xf32>
      %swap3A_2650 = vector.shape_cast %select_n3A_2642 : vector<16xf32> to vector<16xf32>
      tpu.vector_store %arg5[%swap3A_2647], %swap3A_2650 {add = true, strides = array<i32>} : memref<256xf32, #tpu.memory_space<vmem>>, vector<16xf32>,
      %slice3A_2651 = vector.extract_strided_slice %get3A_2424 {offsets = [13], sizes = [1], strides = [1]} : vector<16xi32> to vector<1xi32>
      %squeeze3A_2652 = vector.extract %slice3A_2651[0] : i32 from vector<1xi32>
      %eq3A_2653 = vector.broadcast %squeeze3A_2652 : i32 to vector<16xi32>
      %eq3A_2654 = arith.cmpi eq, %iota3A, %eq3A_2653 : vector<16xi32>
      %jit3A_2655 = arith.constant 1.000000e+00 : f32
      %jit3A_2656 = arith.constant 0.000000e+00 : f32
      %broadcast_in_dim3A_2657 = vector.broadcast %jit3A_2655 : f32 to vector<16xf32>
      %broadcast_in_dim3A_2658 = vector.broadcast %jit3A_2656 : f32 to vector<16xf32>
      %select_n3A_2659 = arith.select %eq3A_2654, %broadcast_in_dim3A_2657, %broadcast_in_dim3A_2658 : vector<16xi1>, vector<16xf32>
      %slice3A_2660 = vector.extract_strided_slice %get3A_2429 {offsets = [13], sizes = [1], strides = [1]} : vector<16xi32> to vector<1xi32>
      %squeeze3A_2661 = vector.extract %slice3A_2660[0] : i32 from vector<1xi32>
      %mul3A_2662 = arith.constant 16 : i32
      %mul3A_2663 = arith.muli %squeeze3A_2661, %mul3A_2662 : i32
      %swap3A_2664 = arith.index_cast %mul3A_2663 : i32 to index
      %swap3A_2665 = tpu.vector_load %arg5[%swap3A_2664] {strides = array<i32>} : memref<256xf32, #tpu.memory_space<vmem>>, vector<16xf32>,
      %swap3A_2666 = vector.shape_cast %swap3A_2665 : vector<16xf32> to vector<16xf32>
      %swap3A_2667 = vector.shape_cast %select_n3A_2659 : vector<16xf32> to vector<16xf32>
      tpu.vector_store %arg5[%swap3A_2664], %swap3A_2667 {add = true, strides = array<i32>} : memref<256xf32, #tpu.memory_space<vmem>>, vector<16xf32>,
      %slice3A_2668 = vector.extract_strided_slice %get3A_2424 {offsets = [14], sizes = [1], strides = [1]} : vector<16xi32> to vector<1xi32>
      %squeeze3A_2669 = vector.extract %slice3A_2668[0] : i32 from vector<1xi32>
      %eq3A_2670 = vector.broadcast %squeeze3A_2669 : i32 to vector<16xi32>
      %eq3A_2671 = arith.cmpi eq, %iota3A, %eq3A_2670 : vector<16xi32>
      %jit3A_2672 = arith.constant 1.000000e+00 : f32
      %jit3A_2673 = arith.constant 0.000000e+00 : f32
      %broadcast_in_dim3A_2674 = vector.broadcast %jit3A_2672 : f32 to vector<16xf32>
      %broadcast_in_dim3A_2675 = vector.broadcast %jit3A_2673 : f32 to vector<16xf32>
      %select_n3A_2676 = arith.select %eq3A_2671, %broadcast_in_dim3A_2674, %broadcast_in_dim3A_2675 : vector<16xi1>, vector<16xf32>
      %slice3A_2677 = vector.extract_strided_slice %get3A_2429 {offsets = [14], sizes = [1], strides = [1]} : vector<16xi32> to vector<1xi32>
      %squeeze3A_2678 = vector.extract %slice3A_2677[0] : i32 from vector<1xi32>
      %mul3A_2679 = arith.constant 16 : i32
      %mul3A_2680 = arith.muli %squeeze3A_2678, %mul3A_2679 : i32
      %swap3A_2681 = arith.index_cast %mul3A_2680 : i32 to index
      %swap3A_2682 = tpu.vector_load %arg5[%swap3A_2681] {strides = array<i32>} : memref<256xf32, #tpu.memory_space<vmem>>, vector<16xf32>,
      %swap3A_2683 = vector.shape_cast %swap3A_2682 : vector<16xf32> to vector<16xf32>
      %swap3A_2684 = vector.shape_cast %select_n3A_2676 : vector<16xf32> to vector<16xf32>
      tpu.vector_store %arg5[%swap3A_2681], %swap3A_2684 {add = true, strides = array<i32>} : memref<256xf32, #tpu.memory_space<vmem>>, vector<16xf32>,
      %slice3A_2685 = vector.extract_strided_slice %get3A_2424 {offsets = [15], sizes = [1], strides = [1]} : vector<16xi32> to vector<1xi32>
      %squeeze3A_2686 = vector.extract %slice3A_2685[0] : i32 from vector<1xi32>
      %eq3A_2687 = vector.broadcast %squeeze3A_2686 : i32 to vector<16xi32>
      %eq3A_2688 = arith.cmpi eq, %iota3A, %eq3A_2687 : vector<16xi32>
      %jit3A_2689 = arith.constant 1.000000e+00 : f32
      %jit3A_2690 = arith.constant 0.000000e+00 : f32
      %broadcast_in_dim3A_2691 = vector.broadcast %jit3A_2689 : f32 to vector<16xf32>
      %broadcast_in_dim3A_2692 = vector.broadcast %jit3A_2690 : f32 to vector<16xf32>
      %select_n3A_2693 = arith.select %eq3A_2688, %broadcast_in_dim3A_2691, %broadcast_in_dim3A_2692 : vector<16xi1>, vector<16xf32>
      %slice3A_2694 = vector.extract_strided_slice %get3A_2429 {offsets = [15], sizes = [1], strides = [1]} : vector<16xi32> to vector<1xi32>
      %squeeze3A_2695 = vector.extract %slice3A_2694[0] : i32 from vector<1xi32>
      %mul3A_2696 = arith.constant 16 : i32
      %mul3A_2697 = arith.muli %squeeze3A_2695, %mul3A_2696 : i32
      %swap3A_2698 = arith.index_cast %mul3A_2697 : i32 to index
      %swap3A_2699 = tpu.vector_load %arg5[%swap3A_2698] {strides = array<i32>} : memref<256xf32, #tpu.memory_space<vmem>>, vector<16xf32>,
      %swap3A_2700 = vector.shape_cast %swap3A_2699 : vector<16xf32> to vector<16xf32>
      %swap3A_2701 = vector.shape_cast %select_n3A_2693 : vector<16xf32> to vector<16xf32>
      tpu.vector_store %arg5[%swap3A_2698], %swap3A_2701 {add = true, strides = array<i32>} : memref<256xf32, #tpu.memory_space<vmem>>, vector<16xf32>,
      %get3A_2702 = arith.constant 0 : i32
      %get3A_2703 = arith.index_cast %get3A_2702 : i32 to index
      %get3A_2704 = arith.constant 144 : index
      %get3A_2705 = tpu.vector_load %arg4[%get3A_2703, %get3A_2704] {strides = array<i32>} : memref<2x196xi32, #tpu.memory_space<vmem>>, vector<1x16xi32>,
      %get3A_2706 = vector.shape_cast %get3A_2705 : vector<1x16xi32> to vector<16xi32>
      %get3A_2707 = arith.constant 1 : i32
      %get3A_2708 = arith.index_cast %get3A_2707 : i32 to index
      %get3A_2709 = arith.constant 144 : index
      %get3A_2710 = tpu.vector_load %arg4[%get3A_2708, %get3A_2709] {strides = array<i32>} : memref<2x196xi32, #tpu.memory_space<vmem>>, vector<1x16xi32>,
      %get3A_2711 = vector.shape_cast %get3A_2710 : vector<1x16xi32> to vector<16xi32>
      %slice3A_2712 = vector.extract_strided_slice %get3A_2706 {offsets = [0], sizes = [1], strides = [1]} : vector<16xi32> to vector<1xi32>
      %squeeze3A_2713 = vector.extract %slice3A_2712[0] : i32 from vector<1xi32>
      %eq3A_2714 = vector.broadcast %squeeze3A_2713 : i32 to vector<16xi32>
      %eq3A_2715 = arith.cmpi eq, %iota3A, %eq3A_2714 : vector<16xi32>
      %jit3A_2716 = arith.constant 1.000000e+00 : f32
      %jit3A_2717 = arith.constant 0.000000e+00 : f32
      %broadcast_in_dim3A_2718 = vector.broadcast %jit3A_2716 : f32 to vector<16xf32>
      %broadcast_in_dim3A_2719 = vector.broadcast %jit3A_2717 : f32 to vector<16xf32>
      %select_n3A_2720 = arith.select %eq3A_2715, %broadcast_in_dim3A_2718, %broadcast_in_dim3A_2719 : vector<16xi1>, vector<16xf32>
      %slice3A_2721 = vector.extract_strided_slice %get3A_2711 {offsets = [0], sizes = [1], strides = [1]} : vector<16xi32> to vector<1xi32>
      %squeeze3A_2722 = vector.extract %slice3A_2721[0] : i32 from vector<1xi32>
      %mul3A_2723 = arith.constant 16 : i32
      %mul3A_2724 = arith.muli %squeeze3A_2722, %mul3A_2723 : i32
      %swap3A_2725 = arith.index_cast %mul3A_2724 : i32 to index
      %swap3A_2726 = tpu.vector_load %arg5[%swap3A_2725] {strides = array<i32>} : memref<256xf32, #tpu.memory_space<vmem>>, vector<16xf32>,
      %swap3A_2727 = vector.shape_cast %swap3A_2726 : vector<16xf32> to vector<16xf32>
      %swap3A_2728 = vector.shape_cast %select_n3A_2720 : vector<16xf32> to vector<16xf32>
      tpu.vector_store %arg5[%swap3A_2725], %swap3A_2728 {add = true, strides = array<i32>} : memref<256xf32, #tpu.memory_space<vmem>>, vector<16xf32>,
      %slice3A_2729 = vector.extract_strided_slice %get3A_2706 {offsets = [1], sizes = [1], strides = [1]} : vector<16xi32> to vector<1xi32>
      %squeeze3A_2730 = vector.extract %slice3A_2729[0] : i32 from vector<1xi32>
      %eq3A_2731 = vector.broadcast %squeeze3A_2730 : i32 to vector<16xi32>
      %eq3A_2732 = arith.cmpi eq, %iota3A, %eq3A_2731 : vector<16xi32>
      %jit3A_2733 = arith.constant 1.000000e+00 : f32
      %jit3A_2734 = arith.constant 0.000000e+00 : f32
      %broadcast_in_dim3A_2735 = vector.broadcast %jit3A_2733 : f32 to vector<16xf32>
      %broadcast_in_dim3A_2736 = vector.broadcast %jit3A_2734 : f32 to vector<16xf32>
      %select_n3A_2737 = arith.select %eq3A_2732, %broadcast_in_dim3A_2735, %broadcast_in_dim3A_2736 : vector<16xi1>, vector<16xf32>
      %slice3A_2738 = vector.extract_strided_slice %get3A_2711 {offsets = [1], sizes = [1], strides = [1]} : vector<16xi32> to vector<1xi32>
      %squeeze3A_2739 = vector.extract %slice3A_2738[0] : i32 from vector<1xi32>
      %mul3A_2740 = arith.constant 16 : i32
      %mul3A_2741 = arith.muli %squeeze3A_2739, %mul3A_2740 : i32
      %swap3A_2742 = arith.index_cast %mul3A_2741 : i32 to index
      %swap3A_2743 = tpu.vector_load %arg5[%swap3A_2742] {strides = array<i32>} : memref<256xf32, #tpu.memory_space<vmem>>, vector<16xf32>,
      %swap3A_2744 = vector.shape_cast %swap3A_2743 : vector<16xf32> to vector<16xf32>
      %swap3A_2745 = vector.shape_cast %select_n3A_2737 : vector<16xf32> to vector<16xf32>
      tpu.vector_store %arg5[%swap3A_2742], %swap3A_2745 {add = true, strides = array<i32>} : memref<256xf32, #tpu.memory_space<vmem>>, vector<16xf32>,
      %slice3A_2746 = vector.extract_strided_slice %get3A_2706 {offsets = [2], sizes = [1], strides = [1]} : vector<16xi32> to vector<1xi32>
      %squeeze3A_2747 = vector.extract %slice3A_2746[0] : i32 from vector<1xi32>
      %eq3A_2748 = vector.broadcast %squeeze3A_2747 : i32 to vector<16xi32>
      %eq3A_2749 = arith.cmpi eq, %iota3A, %eq3A_2748 : vector<16xi32>
      %jit3A_2750 = arith.constant 1.000000e+00 : f32
      %jit3A_2751 = arith.constant 0.000000e+00 : f32
      %broadcast_in_dim3A_2752 = vector.broadcast %jit3A_2750 : f32 to vector<16xf32>
      %broadcast_in_dim3A_2753 = vector.broadcast %jit3A_2751 : f32 to vector<16xf32>
      %select_n3A_2754 = arith.select %eq3A_2749, %broadcast_in_dim3A_2752, %broadcast_in_dim3A_2753 : vector<16xi1>, vector<16xf32>
      %slice3A_2755 = vector.extract_strided_slice %get3A_2711 {offsets = [2], sizes = [1], strides = [1]} : vector<16xi32> to vector<1xi32>
      %squeeze3A_2756 = vector.extract %slice3A_2755[0] : i32 from vector<1xi32>
      %mul3A_2757 = arith.constant 16 : i32
      %mul3A_2758 = arith.muli %squeeze3A_2756, %mul3A_2757 : i32
      %swap3A_2759 = arith.index_cast %mul3A_2758 : i32 to index
      %swap3A_2760 = tpu.vector_load %arg5[%swap3A_2759] {strides = array<i32>} : memref<256xf32, #tpu.memory_space<vmem>>, vector<16xf32>,
      %swap3A_2761 = vector.shape_cast %swap3A_2760 : vector<16xf32> to vector<16xf32>
      %swap3A_2762 = vector.shape_cast %select_n3A_2754 : vector<16xf32> to vector<16xf32>
      tpu.vector_store %arg5[%swap3A_2759], %swap3A_2762 {add = true, strides = array<i32>} : memref<256xf32, #tpu.memory_space<vmem>>, vector<16xf32>,
      %slice3A_2763 = vector.extract_strided_slice %get3A_2706 {offsets = [3], sizes = [1], strides = [1]} : vector<16xi32> to vector<1xi32>
      %squeeze3A_2764 = vector.extract %slice3A_2763[0] : i32 from vector<1xi32>
      %eq3A_2765 = vector.broadcast %squeeze3A_2764 : i32 to vector<16xi32>
      %eq3A_2766 = arith.cmpi eq, %iota3A, %eq3A_2765 : vector<16xi32>
      %jit3A_2767 = arith.constant 1.000000e+00 : f32
      %jit3A_2768 = arith.constant 0.000000e+00 : f32
      %broadcast_in_dim3A_2769 = vector.broadcast %jit3A_2767 : f32 to vector<16xf32>
      %broadcast_in_dim3A_2770 = vector.broadcast %jit3A_2768 : f32 to vector<16xf32>
      %select_n3A_2771 = arith.select %eq3A_2766, %broadcast_in_dim3A_2769, %broadcast_in_dim3A_2770 : vector<16xi1>, vector<16xf32>
      %slice3A_2772 = vector.extract_strided_slice %get3A_2711 {offsets = [3], sizes = [1], strides = [1]} : vector<16xi32> to vector<1xi32>
      %squeeze3A_2773 = vector.extract %slice3A_2772[0] : i32 from vector<1xi32>
      %mul3A_2774 = arith.constant 16 : i32
      %mul3A_2775 = arith.muli %squeeze3A_2773, %mul3A_2774 : i32
      %swap3A_2776 = arith.index_cast %mul3A_2775 : i32 to index
      %swap3A_2777 = tpu.vector_load %arg5[%swap3A_2776] {strides = array<i32>} : memref<256xf32, #tpu.memory_space<vmem>>, vector<16xf32>,
      %swap3A_2778 = vector.shape_cast %swap3A_2777 : vector<16xf32> to vector<16xf32>
      %swap3A_2779 = vector.shape_cast %select_n3A_2771 : vector<16xf32> to vector<16xf32>
      tpu.vector_store %arg5[%swap3A_2776], %swap3A_2779 {add = true, strides = array<i32>} : memref<256xf32, #tpu.memory_space<vmem>>, vector<16xf32>,
      %slice3A_2780 = vector.extract_strided_slice %get3A_2706 {offsets = [4], sizes = [1], strides = [1]} : vector<16xi32> to vector<1xi32>
      %squeeze3A_2781 = vector.extract %slice3A_2780[0] : i32 from vector<1xi32>
      %eq3A_2782 = vector.broadcast %squeeze3A_2781 : i32 to vector<16xi32>
      %eq3A_2783 = arith.cmpi eq, %iota3A, %eq3A_2782 : vector<16xi32>
      %jit3A_2784 = arith.constant 1.000000e+00 : f32
      %jit3A_2785 = arith.constant 0.000000e+00 : f32
      %broadcast_in_dim3A_2786 = vector.broadcast %jit3A_2784 : f32 to vector<16xf32>
      %broadcast_in_dim3A_2787 = vector.broadcast %jit3A_2785 : f32 to vector<16xf32>
      %select_n3A_2788 = arith.select %eq3A_2783, %broadcast_in_dim3A_2786, %broadcast_in_dim3A_2787 : vector<16xi1>, vector<16xf32>
      %slice3A_2789 = vector.extract_strided_slice %get3A_2711 {offsets = [4], sizes = [1], strides = [1]} : vector<16xi32> to vector<1xi32>
      %squeeze3A_2790 = vector.extract %slice3A_2789[0] : i32 from vector<1xi32>
      %mul3A_2791 = arith.constant 16 : i32
      %mul3A_2792 = arith.muli %squeeze3A_2790, %mul3A_2791 : i32
      %swap3A_2793 = arith.index_cast %mul3A_2792 : i32 to index
      %swap3A_2794 = tpu.vector_load %arg5[%swap3A_2793] {strides = array<i32>} : memref<256xf32, #tpu.memory_space<vmem>>, vector<16xf32>,
      %swap3A_2795 = vector.shape_cast %swap3A_2794 : vector<16xf32> to vector<16xf32>
      %swap3A_2796 = vector.shape_cast %select_n3A_2788 : vector<16xf32> to vector<16xf32>
      tpu.vector_store %arg5[%swap3A_2793], %swap3A_2796 {add = true, strides = array<i32>} : memref<256xf32, #tpu.memory_space<vmem>>, vector<16xf32>,
      %slice3A_2797 = vector.extract_strided_slice %get3A_2706 {offsets = [5], sizes = [1], strides = [1]} : vector<16xi32> to vector<1xi32>
      %squeeze3A_2798 = vector.extract %slice3A_2797[0] : i32 from vector<1xi32>
      %eq3A_2799 = vector.broadcast %squeeze3A_2798 : i32 to vector<16xi32>
      %eq3A_2800 = arith.cmpi eq, %iota3A, %eq3A_2799 : vector<16xi32>
      %jit3A_2801 = arith.constant 1.000000e+00 : f32
      %jit3A_2802 = arith.constant 0.000000e+00 : f32
      %broadcast_in_dim3A_2803 = vector.broadcast %jit3A_2801 : f32 to vector<16xf32>
      %broadcast_in_dim3A_2804 = vector.broadcast %jit3A_2802 : f32 to vector<16xf32>
      %select_n3A_2805 = arith.select %eq3A_2800, %broadcast_in_dim3A_2803, %broadcast_in_dim3A_2804 : vector<16xi1>, vector<16xf32>
      %slice3A_2806 = vector.extract_strided_slice %get3A_2711 {offsets = [5], sizes = [1], strides = [1]} : vector<16xi32> to vector<1xi32>
      %squeeze3A_2807 = vector.extract %slice3A_2806[0] : i32 from vector<1xi32>
      %mul3A_2808 = arith.constant 16 : i32
      %mul3A_2809 = arith.muli %squeeze3A_2807, %mul3A_2808 : i32
      %swap3A_2810 = arith.index_cast %mul3A_2809 : i32 to index
      %swap3A_2811 = tpu.vector_load %arg5[%swap3A_2810] {strides = array<i32>} : memref<256xf32, #tpu.memory_space<vmem>>, vector<16xf32>,
      %swap3A_2812 = vector.shape_cast %swap3A_2811 : vector<16xf32> to vector<16xf32>
      %swap3A_2813 = vector.shape_cast %select_n3A_2805 : vector<16xf32> to vector<16xf32>
      tpu.vector_store %arg5[%swap3A_2810], %swap3A_2813 {add = true, strides = array<i32>} : memref<256xf32, #tpu.memory_space<vmem>>, vector<16xf32>,
      %slice3A_2814 = vector.extract_strided_slice %get3A_2706 {offsets = [6], sizes = [1], strides = [1]} : vector<16xi32> to vector<1xi32>
      %squeeze3A_2815 = vector.extract %slice3A_2814[0] : i32 from vector<1xi32>
      %eq3A_2816 = vector.broadcast %squeeze3A_2815 : i32 to vector<16xi32>
      %eq3A_2817 = arith.cmpi eq, %iota3A, %eq3A_2816 : vector<16xi32>
      %jit3A_2818 = arith.constant 1.000000e+00 : f32
      %jit3A_2819 = arith.constant 0.000000e+00 : f32
      %broadcast_in_dim3A_2820 = vector.broadcast %jit3A_2818 : f32 to vector<16xf32>
      %broadcast_in_dim3A_2821 = vector.broadcast %jit3A_2819 : f32 to vector<16xf32>
      %select_n3A_2822 = arith.select %eq3A_2817, %broadcast_in_dim3A_2820, %broadcast_in_dim3A_2821 : vector<16xi1>, vector<16xf32>
      %slice3A_2823 = vector.extract_strided_slice %get3A_2711 {offsets = [6], sizes = [1], strides = [1]} : vector<16xi32> to vector<1xi32>
      %squeeze3A_2824 = vector.extract %slice3A_2823[0] : i32 from vector<1xi32>
      %mul3A_2825 = arith.constant 16 : i32
      %mul3A_2826 = arith.muli %squeeze3A_2824, %mul3A_2825 : i32
      %swap3A_2827 = arith.index_cast %mul3A_2826 : i32 to index
      %swap3A_2828 = tpu.vector_load %arg5[%swap3A_2827] {strides = array<i32>} : memref<256xf32, #tpu.memory_space<vmem>>, vector<16xf32>,
      %swap3A_2829 = vector.shape_cast %swap3A_2828 : vector<16xf32> to vector<16xf32>
      %swap3A_2830 = vector.shape_cast %select_n3A_2822 : vector<16xf32> to vector<16xf32>
      tpu.vector_store %arg5[%swap3A_2827], %swap3A_2830 {add = true, strides = array<i32>} : memref<256xf32, #tpu.memory_space<vmem>>, vector<16xf32>,
      %slice3A_2831 = vector.extract_strided_slice %get3A_2706 {offsets = [7], sizes = [1], strides = [1]} : vector<16xi32> to vector<1xi32>
      %squeeze3A_2832 = vector.extract %slice3A_2831[0] : i32 from vector<1xi32>
      %eq3A_2833 = vector.broadcast %squeeze3A_2832 : i32 to vector<16xi32>
      %eq3A_2834 = arith.cmpi eq, %iota3A, %eq3A_2833 : vector<16xi32>
      %jit3A_2835 = arith.constant 1.000000e+00 : f32
      %jit3A_2836 = arith.constant 0.000000e+00 : f32
      %broadcast_in_dim3A_2837 = vector.broadcast %jit3A_2835 : f32 to vector<16xf32>
      %broadcast_in_dim3A_2838 = vector.broadcast %jit3A_2836 : f32 to vector<16xf32>
      %select_n3A_2839 = arith.select %eq3A_2834, %broadcast_in_dim3A_2837, %broadcast_in_dim3A_2838 : vector<16xi1>, vector<16xf32>
      %slice3A_2840 = vector.extract_strided_slice %get3A_2711 {offsets = [7], sizes = [1], strides = [1]} : vector<16xi32> to vector<1xi32>
      %squeeze3A_2841 = vector.extract %slice3A_2840[0] : i32 from vector<1xi32>
      %mul3A_2842 = arith.constant 16 : i32
      %mul3A_2843 = arith.muli %squeeze3A_2841, %mul3A_2842 : i32
      %swap3A_2844 = arith.index_cast %mul3A_2843 : i32 to index
      %swap3A_2845 = tpu.vector_load %arg5[%swap3A_2844] {strides = array<i32>} : memref<256xf32, #tpu.memory_space<vmem>>, vector<16xf32>,
      %swap3A_2846 = vector.shape_cast %swap3A_2845 : vector<16xf32> to vector<16xf32>
      %swap3A_2847 = vector.shape_cast %select_n3A_2839 : vector<16xf32> to vector<16xf32>
      tpu.vector_store %arg5[%swap3A_2844], %swap3A_2847 {add = true, strides = array<i32>} : memref<256xf32, #tpu.memory_space<vmem>>, vector<16xf32>,
      %slice3A_2848 = vector.extract_strided_slice %get3A_2706 {offsets = [8], sizes = [1], strides = [1]} : vector<16xi32> to vector<1xi32>
      %squeeze3A_2849 = vector.extract %slice3A_2848[0] : i32 from vector<1xi32>
      %eq3A_2850 = vector.broadcast %squeeze3A_2849 : i32 to vector<16xi32>
      %eq3A_2851 = arith.cmpi eq, %iota3A, %eq3A_2850 : vector<16xi32>
      %jit3A_2852 = arith.constant 1.000000e+00 : f32
      %jit3A_2853 = arith.constant 0.000000e+00 : f32
      %broadcast_in_dim3A_2854 = vector.broadcast %jit3A_2852 : f32 to vector<16xf32>
      %broadcast_in_dim3A_2855 = vector.broadcast %jit3A_2853 : f32 to vector<16xf32>
      %select_n3A_2856 = arith.select %eq3A_2851, %broadcast_in_dim3A_2854, %broadcast_in_dim3A_2855 : vector<16xi1>, vector<16xf32>
      %slice3A_2857 = vector.extract_strided_slice %get3A_2711 {offsets = [8], sizes = [1], strides = [1]} : vector<16xi32> to vector<1xi32>
      %squeeze3A_2858 = vector.extract %slice3A_2857[0] : i32 from vector<1xi32>
      %mul3A_2859 = arith.constant 16 : i32
      %mul3A_2860 = arith.muli %squeeze3A_2858, %mul3A_2859 : i32
      %swap3A_2861 = arith.index_cast %mul3A_2860 : i32 to index
      %swap3A_2862 = tpu.vector_load %arg5[%swap3A_2861] {strides = array<i32>} : memref<256xf32, #tpu.memory_space<vmem>>, vector<16xf32>,
      %swap3A_2863 = vector.shape_cast %swap3A_2862 : vector<16xf32> to vector<16xf32>
      %swap3A_2864 = vector.shape_cast %select_n3A_2856 : vector<16xf32> to vector<16xf32>
      tpu.vector_store %arg5[%swap3A_2861], %swap3A_2864 {add = true, strides = array<i32>} : memref<256xf32, #tpu.memory_space<vmem>>, vector<16xf32>,
      %slice3A_2865 = vector.extract_strided_slice %get3A_2706 {offsets = [9], sizes = [1], strides = [1]} : vector<16xi32> to vector<1xi32>
      %squeeze3A_2866 = vector.extract %slice3A_2865[0] : i32 from vector<1xi32>
      %eq3A_2867 = vector.broadcast %squeeze3A_2866 : i32 to vector<16xi32>
      %eq3A_2868 = arith.cmpi eq, %iota3A, %eq3A_2867 : vector<16xi32>
      %jit3A_2869 = arith.constant 1.000000e+00 : f32
      %jit3A_2870 = arith.constant 0.000000e+00 : f32
      %broadcast_in_dim3A_2871 = vector.broadcast %jit3A_2869 : f32 to vector<16xf32>
      %broadcast_in_dim3A_2872 = vector.broadcast %jit3A_2870 : f32 to vector<16xf32>
      %select_n3A_2873 = arith.select %eq3A_2868, %broadcast_in_dim3A_2871, %broadcast_in_dim3A_2872 : vector<16xi1>, vector<16xf32>
      %slice3A_2874 = vector.extract_strided_slice %get3A_2711 {offsets = [9], sizes = [1], strides = [1]} : vector<16xi32> to vector<1xi32>
      %squeeze3A_2875 = vector.extract %slice3A_2874[0] : i32 from vector<1xi32>
      %mul3A_2876 = arith.constant 16 : i32
      %mul3A_2877 = arith.muli %squeeze3A_2875, %mul3A_2876 : i32
      %swap3A_2878 = arith.index_cast %mul3A_2877 : i32 to index
      %swap3A_2879 = tpu.vector_load %arg5[%swap3A_2878] {strides = array<i32>} : memref<256xf32, #tpu.memory_space<vmem>>, vector<16xf32>,
      %swap3A_2880 = vector.shape_cast %swap3A_2879 : vector<16xf32> to vector<16xf32>
      %swap3A_2881 = vector.shape_cast %select_n3A_2873 : vector<16xf32> to vector<16xf32>
      tpu.vector_store %arg5[%swap3A_2878], %swap3A_2881 {add = true, strides = array<i32>} : memref<256xf32, #tpu.memory_space<vmem>>, vector<16xf32>,
      %slice3A_2882 = vector.extract_strided_slice %get3A_2706 {offsets = [10], sizes = [1], strides = [1]} : vector<16xi32> to vector<1xi32>
      %squeeze3A_2883 = vector.extract %slice3A_2882[0] : i32 from vector<1xi32>
      %eq3A_2884 = vector.broadcast %squeeze3A_2883 : i32 to vector<16xi32>
      %eq3A_2885 = arith.cmpi eq, %iota3A, %eq3A_2884 : vector<16xi32>
      %jit3A_2886 = arith.constant 1.000000e+00 : f32
      %jit3A_2887 = arith.constant 0.000000e+00 : f32
      %broadcast_in_dim3A_2888 = vector.broadcast %jit3A_2886 : f32 to vector<16xf32>
      %broadcast_in_dim3A_2889 = vector.broadcast %jit3A_2887 : f32 to vector<16xf32>
      %select_n3A_2890 = arith.select %eq3A_2885, %broadcast_in_dim3A_2888, %broadcast_in_dim3A_2889 : vector<16xi1>, vector<16xf32>
      %slice3A_2891 = vector.extract_strided_slice %get3A_2711 {offsets = [10], sizes = [1], strides = [1]} : vector<16xi32> to vector<1xi32>
      %squeeze3A_2892 = vector.extract %slice3A_2891[0] : i32 from vector<1xi32>
      %mul3A_2893 = arith.constant 16 : i32
      %mul3A_2894 = arith.muli %squeeze3A_2892, %mul3A_2893 : i32
      %swap3A_2895 = arith.index_cast %mul3A_2894 : i32 to index
      %swap3A_2896 = tpu.vector_load %arg5[%swap3A_2895] {strides = array<i32>} : memref<256xf32, #tpu.memory_space<vmem>>, vector<16xf32>,
      %swap3A_2897 = vector.shape_cast %swap3A_2896 : vector<16xf32> to vector<16xf32>
      %swap3A_2898 = vector.shape_cast %select_n3A_2890 : vector<16xf32> to vector<16xf32>
      tpu.vector_store %arg5[%swap3A_2895], %swap3A_2898 {add = true, strides = array<i32>} : memref<256xf32, #tpu.memory_space<vmem>>, vector<16xf32>,
      %slice3A_2899 = vector.extract_strided_slice %get3A_2706 {offsets = [11], sizes = [1], strides = [1]} : vector<16xi32> to vector<1xi32>
      %squeeze3A_2900 = vector.extract %slice3A_2899[0] : i32 from vector<1xi32>
      %eq3A_2901 = vector.broadcast %squeeze3A_2900 : i32 to vector<16xi32>
      %eq3A_2902 = arith.cmpi eq, %iota3A, %eq3A_2901 : vector<16xi32>
      %jit3A_2903 = arith.constant 1.000000e+00 : f32
      %jit3A_2904 = arith.constant 0.000000e+00 : f32
      %broadcast_in_dim3A_2905 = vector.broadcast %jit3A_2903 : f32 to vector<16xf32>
      %broadcast_in_dim3A_2906 = vector.broadcast %jit3A_2904 : f32 to vector<16xf32>
      %select_n3A_2907 = arith.select %eq3A_2902, %broadcast_in_dim3A_2905, %broadcast_in_dim3A_2906 : vector<16xi1>, vector<16xf32>
      %slice3A_2908 = vector.extract_strided_slice %get3A_2711 {offsets = [11], sizes = [1], strides = [1]} : vector<16xi32> to vector<1xi32>
      %squeeze3A_2909 = vector.extract %slice3A_2908[0] : i32 from vector<1xi32>
      %mul3A_2910 = arith.constant 16 : i32
      %mul3A_2911 = arith.muli %squeeze3A_2909, %mul3A_2910 : i32
      %swap3A_2912 = arith.index_cast %mul3A_2911 : i32 to index
      %swap3A_2913 = tpu.vector_load %arg5[%swap3A_2912] {strides = array<i32>} : memref<256xf32, #tpu.memory_space<vmem>>, vector<16xf32>,
      %swap3A_2914 = vector.shape_cast %swap3A_2913 : vector<16xf32> to vector<16xf32>
      %swap3A_2915 = vector.shape_cast %select_n3A_2907 : vector<16xf32> to vector<16xf32>
      tpu.vector_store %arg5[%swap3A_2912], %swap3A_2915 {add = true, strides = array<i32>} : memref<256xf32, #tpu.memory_space<vmem>>, vector<16xf32>,
      %slice3A_2916 = vector.extract_strided_slice %get3A_2706 {offsets = [12], sizes = [1], strides = [1]} : vector<16xi32> to vector<1xi32>
      %squeeze3A_2917 = vector.extract %slice3A_2916[0] : i32 from vector<1xi32>
      %eq3A_2918 = vector.broadcast %squeeze3A_2917 : i32 to vector<16xi32>
      %eq3A_2919 = arith.cmpi eq, %iota3A, %eq3A_2918 : vector<16xi32>
      %jit3A_2920 = arith.constant 1.000000e+00 : f32
      %jit3A_2921 = arith.constant 0.000000e+00 : f32
      %broadcast_in_dim3A_2922 = vector.broadcast %jit3A_2920 : f32 to vector<16xf32>
      %broadcast_in_dim3A_2923 = vector.broadcast %jit3A_2921 : f32 to vector<16xf32>
      %select_n3A_2924 = arith.select %eq3A_2919, %broadcast_in_dim3A_2922, %broadcast_in_dim3A_2923 : vector<16xi1>, vector<16xf32>
      %slice3A_2925 = vector.extract_strided_slice %get3A_2711 {offsets = [12], sizes = [1], strides = [1]} : vector<16xi32> to vector<1xi32>
      %squeeze3A_2926 = vector.extract %slice3A_2925[0] : i32 from vector<1xi32>
      %mul3A_2927 = arith.constant 16 : i32
      %mul3A_2928 = arith.muli %squeeze3A_2926, %mul3A_2927 : i32
      %swap3A_2929 = arith.index_cast %mul3A_2928 : i32 to index
      %swap3A_2930 = tpu.vector_load %arg5[%swap3A_2929] {strides = array<i32>} : memref<256xf32, #tpu.memory_space<vmem>>, vector<16xf32>,
      %swap3A_2931 = vector.shape_cast %swap3A_2930 : vector<16xf32> to vector<16xf32>
      %swap3A_2932 = vector.shape_cast %select_n3A_2924 : vector<16xf32> to vector<16xf32>
      tpu.vector_store %arg5[%swap3A_2929], %swap3A_2932 {add = true, strides = array<i32>} : memref<256xf32, #tpu.memory_space<vmem>>, vector<16xf32>,
      %slice3A_2933 = vector.extract_strided_slice %get3A_2706 {offsets = [13], sizes = [1], strides = [1]} : vector<16xi32> to vector<1xi32>
      %squeeze3A_2934 = vector.extract %slice3A_2933[0] : i32 from vector<1xi32>
      %eq3A_2935 = vector.broadcast %squeeze3A_2934 : i32 to vector<16xi32>
      %eq3A_2936 = arith.cmpi eq, %iota3A, %eq3A_2935 : vector<16xi32>
      %jit3A_2937 = arith.constant 1.000000e+00 : f32
      %jit3A_2938 = arith.constant 0.000000e+00 : f32
      %broadcast_in_dim3A_2939 = vector.broadcast %jit3A_2937 : f32 to vector<16xf32>
      %broadcast_in_dim3A_2940 = vector.broadcast %jit3A_2938 : f32 to vector<16xf32>
      %select_n3A_2941 = arith.select %eq3A_2936, %broadcast_in_dim3A_2939, %broadcast_in_dim3A_2940 : vector<16xi1>, vector<16xf32>
      %slice3A_2942 = vector.extract_strided_slice %get3A_2711 {offsets = [13], sizes = [1], strides = [1]} : vector<16xi32> to vector<1xi32>
      %squeeze3A_2943 = vector.extract %slice3A_2942[0] : i32 from vector<1xi32>
      %mul3A_2944 = arith.constant 16 : i32
      %mul3A_2945 = arith.muli %squeeze3A_2943, %mul3A_2944 : i32
      %swap3A_2946 = arith.index_cast %mul3A_2945 : i32 to index
      %swap3A_2947 = tpu.vector_load %arg5[%swap3A_2946] {strides = array<i32>} : memref<256xf32, #tpu.memory_space<vmem>>, vector<16xf32>,
      %swap3A_2948 = vector.shape_cast %swap3A_2947 : vector<16xf32> to vector<16xf32>
      %swap3A_2949 = vector.shape_cast %select_n3A_2941 : vector<16xf32> to vector<16xf32>
      tpu.vector_store %arg5[%swap3A_2946], %swap3A_2949 {add = true, strides = array<i32>} : memref<256xf32, #tpu.memory_space<vmem>>, vector<16xf32>,
      %slice3A_2950 = vector.extract_strided_slice %get3A_2706 {offsets = [14], sizes = [1], strides = [1]} : vector<16xi32> to vector<1xi32>
      %squeeze3A_2951 = vector.extract %slice3A_2950[0] : i32 from vector<1xi32>
      %eq3A_2952 = vector.broadcast %squeeze3A_2951 : i32 to vector<16xi32>
      %eq3A_2953 = arith.cmpi eq, %iota3A, %eq3A_2952 : vector<16xi32>
      %jit3A_2954 = arith.constant 1.000000e+00 : f32
      %jit3A_2955 = arith.constant 0.000000e+00 : f32
      %broadcast_in_dim3A_2956 = vector.broadcast %jit3A_2954 : f32 to vector<16xf32>
      %broadcast_in_dim3A_2957 = vector.broadcast %jit3A_2955 : f32 to vector<16xf32>
      %select_n3A_2958 = arith.select %eq3A_2953, %broadcast_in_dim3A_2956, %broadcast_in_dim3A_2957 : vector<16xi1>, vector<16xf32>
      %slice3A_2959 = vector.extract_strided_slice %get3A_2711 {offsets = [14], sizes = [1], strides = [1]} : vector<16xi32> to vector<1xi32>
      %squeeze3A_2960 = vector.extract %slice3A_2959[0] : i32 from vector<1xi32>
      %mul3A_2961 = arith.constant 16 : i32
      %mul3A_2962 = arith.muli %squeeze3A_2960, %mul3A_2961 : i32
      %swap3A_2963 = arith.index_cast %mul3A_2962 : i32 to index
      %swap3A_2964 = tpu.vector_load %arg5[%swap3A_2963] {strides = array<i32>} : memref<256xf32, #tpu.memory_space<vmem>>, vector<16xf32>,
      %swap3A_2965 = vector.shape_cast %swap3A_2964 : vector<16xf32> to vector<16xf32>
      %swap3A_2966 = vector.shape_cast %select_n3A_2958 : vector<16xf32> to vector<16xf32>
      tpu.vector_store %arg5[%swap3A_2963], %swap3A_2966 {add = true, strides = array<i32>} : memref<256xf32, #tpu.memory_space<vmem>>, vector<16xf32>,
      %slice3A_2967 = vector.extract_strided_slice %get3A_2706 {offsets = [15], sizes = [1], strides = [1]} : vector<16xi32> to vector<1xi32>
      %squeeze3A_2968 = vector.extract %slice3A_2967[0] : i32 from vector<1xi32>
      %eq3A_2969 = vector.broadcast %squeeze3A_2968 : i32 to vector<16xi32>
      %eq3A_2970 = arith.cmpi eq, %iota3A, %eq3A_2969 : vector<16xi32>
      %jit3A_2971 = arith.constant 1.000000e+00 : f32
      %jit3A_2972 = arith.constant 0.000000e+00 : f32
      %broadcast_in_dim3A_2973 = vector.broadcast %jit3A_2971 : f32 to vector<16xf32>
      %broadcast_in_dim3A_2974 = vector.broadcast %jit3A_2972 : f32 to vector<16xf32>
      %select_n3A_2975 = arith.select %eq3A_2970, %broadcast_in_dim3A_2973, %broadcast_in_dim3A_2974 : vector<16xi1>, vector<16xf32>
      %slice3A_2976 = vector.extract_strided_slice %get3A_2711 {offsets = [15], sizes = [1], strides = [1]} : vector<16xi32> to vector<1xi32>
      %squeeze3A_2977 = vector.extract %slice3A_2976[0] : i32 from vector<1xi32>
      %mul3A_2978 = arith.constant 16 : i32
      %mul3A_2979 = arith.muli %squeeze3A_2977, %mul3A_2978 : i32
      %swap3A_2980 = arith.index_cast %mul3A_2979 : i32 to index
      %swap3A_2981 = tpu.vector_load %arg5[%swap3A_2980] {strides = array<i32>} : memref<256xf32, #tpu.memory_space<vmem>>, vector<16xf32>,
      %swap3A_2982 = vector.shape_cast %swap3A_2981 : vector<16xf32> to vector<16xf32>
      %swap3A_2983 = vector.shape_cast %select_n3A_2975 : vector<16xf32> to vector<16xf32>
      tpu.vector_store %arg5[%swap3A_2980], %swap3A_2983 {add = true, strides = array<i32>} : memref<256xf32, #tpu.memory_space<vmem>>, vector<16xf32>,
      %get3A_2984 = arith.constant 0 : i32
      %get3A_2985 = arith.index_cast %get3A_2984 : i32 to index
      %get3A_2986 = arith.constant 160 : index
      %get3A_2987 = tpu.vector_load %arg4[%get3A_2985, %get3A_2986] {strides = array<i32>} : memref<2x196xi32, #tpu.memory_space<vmem>>, vector<1x16xi32>,
      %get3A_2988 = vector.shape_cast %get3A_2987 : vector<1x16xi32> to vector<16xi32>
      %get3A_2989 = arith.constant 1 : i32
      %get3A_2990 = arith.index_cast %get3A_2989 : i32 to index
      %get3A_2991 = arith.constant 160 : index
      %get3A_2992 = tpu.vector_load %arg4[%get3A_2990, %get3A_2991] {strides = array<i32>} : memref<2x196xi32, #tpu.memory_space<vmem>>, vector<1x16xi32>,
      %get3A_2993 = vector.shape_cast %get3A_2992 : vector<1x16xi32> to vector<16xi32>
      %slice3A_2994 = vector.extract_strided_slice %get3A_2988 {offsets = [0], sizes = [1], strides = [1]} : vector<16xi32> to vector<1xi32>
      %squeeze3A_2995 = vector.extract %slice3A_2994[0] : i32 from vector<1xi32>
      %eq3A_2996 = vector.broadcast %squeeze3A_2995 : i32 to vector<16xi32>
      %eq3A_2997 = arith.cmpi eq, %iota3A, %eq3A_2996 : vector<16xi32>
      %jit3A_2998 = arith.constant 1.000000e+00 : f32
      %jit3A_2999 = arith.constant 0.000000e+00 : f32
      %broadcast_in_dim3A_3000 = vector.broadcast %jit3A_2998 : f32 to vector<16xf32>
      %broadcast_in_dim3A_3001 = vector.broadcast %jit3A_2999 : f32 to vector<16xf32>
      %select_n3A_3002 = arith.select %eq3A_2997, %broadcast_in_dim3A_3000, %broadcast_in_dim3A_3001 : vector<16xi1>, vector<16xf32>
      %slice3A_3003 = vector.extract_strided_slice %get3A_2993 {offsets = [0], sizes = [1], strides = [1]} : vector<16xi32> to vector<1xi32>
      %squeeze3A_3004 = vector.extract %slice3A_3003[0] : i32 from vector<1xi32>
      %mul3A_3005 = arith.constant 16 : i32
      %mul3A_3006 = arith.muli %squeeze3A_3004, %mul3A_3005 : i32
      %swap3A_3007 = arith.index_cast %mul3A_3006 : i32 to index
      %swap3A_3008 = tpu.vector_load %arg5[%swap3A_3007] {strides = array<i32>} : memref<256xf32, #tpu.memory_space<vmem>>, vector<16xf32>,
      %swap3A_3009 = vector.shape_cast %swap3A_3008 : vector<16xf32> to vector<16xf32>
      %swap3A_3010 = vector.shape_cast %select_n3A_3002 : vector<16xf32> to vector<16xf32>
      tpu.vector_store %arg5[%swap3A_3007], %swap3A_3010 {add = true, strides = array<i32>} : memref<256xf32, #tpu.memory_space<vmem>>, vector<16xf32>,
      %slice3A_3011 = vector.extract_strided_slice %get3A_2988 {offsets = [1], sizes = [1], strides = [1]} : vector<16xi32> to vector<1xi32>
      %squeeze3A_3012 = vector.extract %slice3A_3011[0] : i32 from vector<1xi32>
      %eq3A_3013 = vector.broadcast %squeeze3A_3012 : i32 to vector<16xi32>
      %eq3A_3014 = arith.cmpi eq, %iota3A, %eq3A_3013 : vector<16xi32>
      %jit3A_3015 = arith.constant 1.000000e+00 : f32
      %jit3A_3016 = arith.constant 0.000000e+00 : f32
      %broadcast_in_dim3A_3017 = vector.broadcast %jit3A_3015 : f32 to vector<16xf32>
      %broadcast_in_dim3A_3018 = vector.broadcast %jit3A_3016 : f32 to vector<16xf32>
      %select_n3A_3019 = arith.select %eq3A_3014, %broadcast_in_dim3A_3017, %broadcast_in_dim3A_3018 : vector<16xi1>, vector<16xf32>
      %slice3A_3020 = vector.extract_strided_slice %get3A_2993 {offsets = [1], sizes = [1], strides = [1]} : vector<16xi32> to vector<1xi32>
      %squeeze3A_3021 = vector.extract %slice3A_3020[0] : i32 from vector<1xi32>
      %mul3A_3022 = arith.constant 16 : i32
      %mul3A_3023 = arith.muli %squeeze3A_3021, %mul3A_3022 : i32
      %swap3A_3024 = arith.index_cast %mul3A_3023 : i32 to index
      %swap3A_3025 = tpu.vector_load %arg5[%swap3A_3024] {strides = array<i32>} : memref<256xf32, #tpu.memory_space<vmem>>, vector<16xf32>,
      %swap3A_3026 = vector.shape_cast %swap3A_3025 : vector<16xf32> to vector<16xf32>
      %swap3A_3027 = vector.shape_cast %select_n3A_3019 : vector<16xf32> to vector<16xf32>
      tpu.vector_store %arg5[%swap3A_3024], %swap3A_3027 {add = true, strides = array<i32>} : memref<256xf32, #tpu.memory_space<vmem>>, vector<16xf32>,
      %slice3A_3028 = vector.extract_strided_slice %get3A_2988 {offsets = [2], sizes = [1], strides = [1]} : vector<16xi32> to vector<1xi32>
      %squeeze3A_3029 = vector.extract %slice3A_3028[0] : i32 from vector<1xi32>
      %eq3A_3030 = vector.broadcast %squeeze3A_3029 : i32 to vector<16xi32>
      %eq3A_3031 = arith.cmpi eq, %iota3A, %eq3A_3030 : vector<16xi32>
      %jit3A_3032 = arith.constant 1.000000e+00 : f32
      %jit3A_3033 = arith.constant 0.000000e+00 : f32
      %broadcast_in_dim3A_3034 = vector.broadcast %jit3A_3032 : f32 to vector<16xf32>
      %broadcast_in_dim3A_3035 = vector.broadcast %jit3A_3033 : f32 to vector<16xf32>
      %select_n3A_3036 = arith.select %eq3A_3031, %broadcast_in_dim3A_3034, %broadcast_in_dim3A_3035 : vector<16xi1>, vector<16xf32>
      %slice3A_3037 = vector.extract_strided_slice %get3A_2993 {offsets = [2], sizes = [1], strides = [1]} : vector<16xi32> to vector<1xi32>
      %squeeze3A_3038 = vector.extract %slice3A_3037[0] : i32 from vector<1xi32>
      %mul3A_3039 = arith.constant 16 : i32
      %mul3A_3040 = arith.muli %squeeze3A_3038, %mul3A_3039 : i32
      %swap3A_3041 = arith.index_cast %mul3A_3040 : i32 to index
      %swap3A_3042 = tpu.vector_load %arg5[%swap3A_3041] {strides = array<i32>} : memref<256xf32, #tpu.memory_space<vmem>>, vector<16xf32>,
      %swap3A_3043 = vector.shape_cast %swap3A_3042 : vector<16xf32> to vector<16xf32>
      %swap3A_3044 = vector.shape_cast %select_n3A_3036 : vector<16xf32> to vector<16xf32>
      tpu.vector_store %arg5[%swap3A_3041], %swap3A_3044 {add = true, strides = array<i32>} : memref<256xf32, #tpu.memory_space<vmem>>, vector<16xf32>,
      %slice3A_3045 = vector.extract_strided_slice %get3A_2988 {offsets = [3], sizes = [1], strides = [1]} : vector<16xi32> to vector<1xi32>
      %squeeze3A_3046 = vector.extract %slice3A_3045[0] : i32 from vector<1xi32>
      %eq3A_3047 = vector.broadcast %squeeze3A_3046 : i32 to vector<16xi32>
      %eq3A_3048 = arith.cmpi eq, %iota3A, %eq3A_3047 : vector<16xi32>
      %jit3A_3049 = arith.constant 1.000000e+00 : f32
      %jit3A_3050 = arith.constant 0.000000e+00 : f32
      %broadcast_in_dim3A_3051 = vector.broadcast %jit3A_3049 : f32 to vector<16xf32>
      %broadcast_in_dim3A_3052 = vector.broadcast %jit3A_3050 : f32 to vector<16xf32>
      %select_n3A_3053 = arith.select %eq3A_3048, %broadcast_in_dim3A_3051, %broadcast_in_dim3A_3052 : vector<16xi1>, vector<16xf32>
      %slice3A_3054 = vector.extract_strided_slice %get3A_2993 {offsets = [3], sizes = [1], strides = [1]} : vector<16xi32> to vector<1xi32>
      %squeeze3A_3055 = vector.extract %slice3A_3054[0] : i32 from vector<1xi32>
      %mul3A_3056 = arith.constant 16 : i32
      %mul3A_3057 = arith.muli %squeeze3A_3055, %mul3A_3056 : i32
      %swap3A_3058 = arith.index_cast %mul3A_3057 : i32 to index
      %swap3A_3059 = tpu.vector_load %arg5[%swap3A_3058] {strides = array<i32>} : memref<256xf32, #tpu.memory_space<vmem>>, vector<16xf32>,
      %swap3A_3060 = vector.shape_cast %swap3A_3059 : vector<16xf32> to vector<16xf32>
      %swap3A_3061 = vector.shape_cast %select_n3A_3053 : vector<16xf32> to vector<16xf32>
      tpu.vector_store %arg5[%swap3A_3058], %swap3A_3061 {add = true, strides = array<i32>} : memref<256xf32, #tpu.memory_space<vmem>>, vector<16xf32>,
      %slice3A_3062 = vector.extract_strided_slice %get3A_2988 {offsets = [4], sizes = [1], strides = [1]} : vector<16xi32> to vector<1xi32>
      %squeeze3A_3063 = vector.extract %slice3A_3062[0] : i32 from vector<1xi32>
      %eq3A_3064 = vector.broadcast %squeeze3A_3063 : i32 to vector<16xi32>
      %eq3A_3065 = arith.cmpi eq, %iota3A, %eq3A_3064 : vector<16xi32>
      %jit3A_3066 = arith.constant 1.000000e+00 : f32
      %jit3A_3067 = arith.constant 0.000000e+00 : f32
      %broadcast_in_dim3A_3068 = vector.broadcast %jit3A_3066 : f32 to vector<16xf32>
      %broadcast_in_dim3A_3069 = vector.broadcast %jit3A_3067 : f32 to vector<16xf32>
      %select_n3A_3070 = arith.select %eq3A_3065, %broadcast_in_dim3A_3068, %broadcast_in_dim3A_3069 : vector<16xi1>, vector<16xf32>
      %slice3A_3071 = vector.extract_strided_slice %get3A_2993 {offsets = [4], sizes = [1], strides = [1]} : vector<16xi32> to vector<1xi32>
      %squeeze3A_3072 = vector.extract %slice3A_3071[0] : i32 from vector<1xi32>
      %mul3A_3073 = arith.constant 16 : i32
      %mul3A_3074 = arith.muli %squeeze3A_3072, %mul3A_3073 : i32
      %swap3A_3075 = arith.index_cast %mul3A_3074 : i32 to index
      %swap3A_3076 = tpu.vector_load %arg5[%swap3A_3075] {strides = array<i32>} : memref<256xf32, #tpu.memory_space<vmem>>, vector<16xf32>,
      %swap3A_3077 = vector.shape_cast %swap3A_3076 : vector<16xf32> to vector<16xf32>
      %swap3A_3078 = vector.shape_cast %select_n3A_3070 : vector<16xf32> to vector<16xf32>
      tpu.vector_store %arg5[%swap3A_3075], %swap3A_3078 {add = true, strides = array<i32>} : memref<256xf32, #tpu.memory_space<vmem>>, vector<16xf32>,
      %slice3A_3079 = vector.extract_strided_slice %get3A_2988 {offsets = [5], sizes = [1], strides = [1]} : vector<16xi32> to vector<1xi32>
      %squeeze3A_3080 = vector.extract %slice3A_3079[0] : i32 from vector<1xi32>
      %eq3A_3081 = vector.broadcast %squeeze3A_3080 : i32 to vector<16xi32>
      %eq3A_3082 = arith.cmpi eq, %iota3A, %eq3A_3081 : vector<16xi32>
      %jit3A_3083 = arith.constant 1.000000e+00 : f32
      %jit3A_3084 = arith.constant 0.000000e+00 : f32
      %broadcast_in_dim3A_3085 = vector.broadcast %jit3A_3083 : f32 to vector<16xf32>
      %broadcast_in_dim3A_3086 = vector.broadcast %jit3A_3084 : f32 to vector<16xf32>
      %select_n3A_3087 = arith.select %eq3A_3082, %broadcast_in_dim3A_3085, %broadcast_in_dim3A_3086 : vector<16xi1>, vector<16xf32>
      %slice3A_3088 = vector.extract_strided_slice %get3A_2993 {offsets = [5], sizes = [1], strides = [1]} : vector<16xi32> to vector<1xi32>
      %squeeze3A_3089 = vector.extract %slice3A_3088[0] : i32 from vector<1xi32>
      %mul3A_3090 = arith.constant 16 : i32
      %mul3A_3091 = arith.muli %squeeze3A_3089, %mul3A_3090 : i32
      %swap3A_3092 = arith.index_cast %mul3A_3091 : i32 to index
      %swap3A_3093 = tpu.vector_load %arg5[%swap3A_3092] {strides = array<i32>} : memref<256xf32, #tpu.memory_space<vmem>>, vector<16xf32>,
      %swap3A_3094 = vector.shape_cast %swap3A_3093 : vector<16xf32> to vector<16xf32>
      %swap3A_3095 = vector.shape_cast %select_n3A_3087 : vector<16xf32> to vector<16xf32>
      tpu.vector_store %arg5[%swap3A_3092], %swap3A_3095 {add = true, strides = array<i32>} : memref<256xf32, #tpu.memory_space<vmem>>, vector<16xf32>,
      %slice3A_3096 = vector.extract_strided_slice %get3A_2988 {offsets = [6], sizes = [1], strides = [1]} : vector<16xi32> to vector<1xi32>
      %squeeze3A_3097 = vector.extract %slice3A_3096[0] : i32 from vector<1xi32>
      %eq3A_3098 = vector.broadcast %squeeze3A_3097 : i32 to vector<16xi32>
      %eq3A_3099 = arith.cmpi eq, %iota3A, %eq3A_3098 : vector<16xi32>
      %jit3A_3100 = arith.constant 1.000000e+00 : f32
      %jit3A_3101 = arith.constant 0.000000e+00 : f32
      %broadcast_in_dim3A_3102 = vector.broadcast %jit3A_3100 : f32 to vector<16xf32>
      %broadcast_in_dim3A_3103 = vector.broadcast %jit3A_3101 : f32 to vector<16xf32>
      %select_n3A_3104 = arith.select %eq3A_3099, %broadcast_in_dim3A_3102, %broadcast_in_dim3A_3103 : vector<16xi1>, vector<16xf32>
      %slice3A_3105 = vector.extract_strided_slice %get3A_2993 {offsets = [6], sizes = [1], strides = [1]} : vector<16xi32> to vector<1xi32>
      %squeeze3A_3106 = vector.extract %slice3A_3105[0] : i32 from vector<1xi32>
      %mul3A_3107 = arith.constant 16 : i32
      %mul3A_3108 = arith.muli %squeeze3A_3106, %mul3A_3107 : i32
      %swap3A_3109 = arith.index_cast %mul3A_3108 : i32 to index
      %swap3A_3110 = tpu.vector_load %arg5[%swap3A_3109] {strides = array<i32>} : memref<256xf32, #tpu.memory_space<vmem>>, vector<16xf32>,
      %swap3A_3111 = vector.shape_cast %swap3A_3110 : vector<16xf32> to vector<16xf32>
      %swap3A_3112 = vector.shape_cast %select_n3A_3104 : vector<16xf32> to vector<16xf32>
      tpu.vector_store %arg5[%swap3A_3109], %swap3A_3112 {add = true, strides = array<i32>} : memref<256xf32, #tpu.memory_space<vmem>>, vector<16xf32>,
      %slice3A_3113 = vector.extract_strided_slice %get3A_2988 {offsets = [7], sizes = [1], strides = [1]} : vector<16xi32> to vector<1xi32>
      %squeeze3A_3114 = vector.extract %slice3A_3113[0] : i32 from vector<1xi32>
      %eq3A_3115 = vector.broadcast %squeeze3A_3114 : i32 to vector<16xi32>
      %eq3A_3116 = arith.cmpi eq, %iota3A, %eq3A_3115 : vector<16xi32>
      %jit3A_3117 = arith.constant 1.000000e+00 : f32
      %jit3A_3118 = arith.constant 0.000000e+00 : f32
      %broadcast_in_dim3A_3119 = vector.broadcast %jit3A_3117 : f32 to vector<16xf32>
      %broadcast_in_dim3A_3120 = vector.broadcast %jit3A_3118 : f32 to vector<16xf32>
      %select_n3A_3121 = arith.select %eq3A_3116, %broadcast_in_dim3A_3119, %broadcast_in_dim3A_3120 : vector<16xi1>, vector<16xf32>
      %slice3A_3122 = vector.extract_strided_slice %get3A_2993 {offsets = [7], sizes = [1], strides = [1]} : vector<16xi32> to vector<1xi32>
      %squeeze3A_3123 = vector.extract %slice3A_3122[0] : i32 from vector<1xi32>
      %mul3A_3124 = arith.constant 16 : i32
      %mul3A_3125 = arith.muli %squeeze3A_3123, %mul3A_3124 : i32
      %swap3A_3126 = arith.index_cast %mul3A_3125 : i32 to index
      %swap3A_3127 = tpu.vector_load %arg5[%swap3A_3126] {strides = array<i32>} : memref<256xf32, #tpu.memory_space<vmem>>, vector<16xf32>,
      %swap3A_3128 = vector.shape_cast %swap3A_3127 : vector<16xf32> to vector<16xf32>
      %swap3A_3129 = vector.shape_cast %select_n3A_3121 : vector<16xf32> to vector<16xf32>
      tpu.vector_store %arg5[%swap3A_3126], %swap3A_3129 {add = true, strides = array<i32>} : memref<256xf32, #tpu.memory_space<vmem>>, vector<16xf32>,
      %slice3A_3130 = vector.extract_strided_slice %get3A_2988 {offsets = [8], sizes = [1], strides = [1]} : vector<16xi32> to vector<1xi32>
      %squeeze3A_3131 = vector.extract %slice3A_3130[0] : i32 from vector<1xi32>
      %eq3A_3132 = vector.broadcast %squeeze3A_3131 : i32 to vector<16xi32>
      %eq3A_3133 = arith.cmpi eq, %iota3A, %eq3A_3132 : vector<16xi32>
      %jit3A_3134 = arith.constant 1.000000e+00 : f32
      %jit3A_3135 = arith.constant 0.000000e+00 : f32
      %broadcast_in_dim3A_3136 = vector.broadcast %jit3A_3134 : f32 to vector<16xf32>
      %broadcast_in_dim3A_3137 = vector.broadcast %jit3A_3135 : f32 to vector<16xf32>
      %select_n3A_3138 = arith.select %eq3A_3133, %broadcast_in_dim3A_3136, %broadcast_in_dim3A_3137 : vector<16xi1>, vector<16xf32>
      %slice3A_3139 = vector.extract_strided_slice %get3A_2993 {offsets = [8], sizes = [1], strides = [1]} : vector<16xi32> to vector<1xi32>
      %squeeze3A_3140 = vector.extract %slice3A_3139[0] : i32 from vector<1xi32>
      %mul3A_3141 = arith.constant 16 : i32
      %mul3A_3142 = arith.muli %squeeze3A_3140, %mul3A_3141 : i32
      %swap3A_3143 = arith.index_cast %mul3A_3142 : i32 to index
      %swap3A_3144 = tpu.vector_load %arg5[%swap3A_3143] {strides = array<i32>} : memref<256xf32, #tpu.memory_space<vmem>>, vector<16xf32>,
      %swap3A_3145 = vector.shape_cast %swap3A_3144 : vector<16xf32> to vector<16xf32>
      %swap3A_3146 = vector.shape_cast %select_n3A_3138 : vector<16xf32> to vector<16xf32>
      tpu.vector_store %arg5[%swap3A_3143], %swap3A_3146 {add = true, strides = array<i32>} : memref<256xf32, #tpu.memory_space<vmem>>, vector<16xf32>,
      %slice3A_3147 = vector.extract_strided_slice %get3A_2988 {offsets = [9], sizes = [1], strides = [1]} : vector<16xi32> to vector<1xi32>
      %squeeze3A_3148 = vector.extract %slice3A_3147[0] : i32 from vector<1xi32>
      %eq3A_3149 = vector.broadcast %squeeze3A_3148 : i32 to vector<16xi32>
      %eq3A_3150 = arith.cmpi eq, %iota3A, %eq3A_3149 : vector<16xi32>
      %jit3A_3151 = arith.constant 1.000000e+00 : f32
      %jit3A_3152 = arith.constant 0.000000e+00 : f32
      %broadcast_in_dim3A_3153 = vector.broadcast %jit3A_3151 : f32 to vector<16xf32>
      %broadcast_in_dim3A_3154 = vector.broadcast %jit3A_3152 : f32 to vector<16xf32>
      %select_n3A_3155 = arith.select %eq3A_3150, %broadcast_in_dim3A_3153, %broadcast_in_dim3A_3154 : vector<16xi1>, vector<16xf32>
      %slice3A_3156 = vector.extract_strided_slice %get3A_2993 {offsets = [9], sizes = [1], strides = [1]} : vector<16xi32> to vector<1xi32>
      %squeeze3A_3157 = vector.extract %slice3A_3156[0] : i32 from vector<1xi32>
      %mul3A_3158 = arith.constant 16 : i32
      %mul3A_3159 = arith.muli %squeeze3A_3157, %mul3A_3158 : i32
      %swap3A_3160 = arith.index_cast %mul3A_3159 : i32 to index
      %swap3A_3161 = tpu.vector_load %arg5[%swap3A_3160] {strides = array<i32>} : memref<256xf32, #tpu.memory_space<vmem>>, vector<16xf32>,
      %swap3A_3162 = vector.shape_cast %swap3A_3161 : vector<16xf32> to vector<16xf32>
      %swap3A_3163 = vector.shape_cast %select_n3A_3155 : vector<16xf32> to vector<16xf32>
      tpu.vector_store %arg5[%swap3A_3160], %swap3A_3163 {add = true, strides = array<i32>} : memref<256xf32, #tpu.memory_space<vmem>>, vector<16xf32>,
      %slice3A_3164 = vector.extract_strided_slice %get3A_2988 {offsets = [10], sizes = [1], strides = [1]} : vector<16xi32> to vector<1xi32>
      %squeeze3A_3165 = vector.extract %slice3A_3164[0] : i32 from vector<1xi32>
      %eq3A_3166 = vector.broadcast %squeeze3A_3165 : i32 to vector<16xi32>
      %eq3A_3167 = arith.cmpi eq, %iota3A, %eq3A_3166 : vector<16xi32>
      %jit3A_3168 = arith.constant 1.000000e+00 : f32
      %jit3A_3169 = arith.constant 0.000000e+00 : f32
      %broadcast_in_dim3A_3170 = vector.broadcast %jit3A_3168 : f32 to vector<16xf32>
      %broadcast_in_dim3A_3171 = vector.broadcast %jit3A_3169 : f32 to vector<16xf32>
      %select_n3A_3172 = arith.select %eq3A_3167, %broadcast_in_dim3A_3170, %broadcast_in_dim3A_3171 : vector<16xi1>, vector<16xf32>
      %slice3A_3173 = vector.extract_strided_slice %get3A_2993 {offsets = [10], sizes = [1], strides = [1]} : vector<16xi32> to vector<1xi32>
      %squeeze3A_3174 = vector.extract %slice3A_3173[0] : i32 from vector<1xi32>
      %mul3A_3175 = arith.constant 16 : i32
      %mul3A_3176 = arith.muli %squeeze3A_3174, %mul3A_3175 : i32
      %swap3A_3177 = arith.index_cast %mul3A_3176 : i32 to index
      %swap3A_3178 = tpu.vector_load %arg5[%swap3A_3177] {strides = array<i32>} : memref<256xf32, #tpu.memory_space<vmem>>, vector<16xf32>,
      %swap3A_3179 = vector.shape_cast %swap3A_3178 : vector<16xf32> to vector<16xf32>
      %swap3A_3180 = vector.shape_cast %select_n3A_3172 : vector<16xf32> to vector<16xf32>
      tpu.vector_store %arg5[%swap3A_3177], %swap3A_3180 {add = true, strides = array<i32>} : memref<256xf32, #tpu.memory_space<vmem>>, vector<16xf32>,
      %slice3A_3181 = vector.extract_strided_slice %get3A_2988 {offsets = [11], sizes = [1], strides = [1]} : vector<16xi32> to vector<1xi32>
      %squeeze3A_3182 = vector.extract %slice3A_3181[0] : i32 from vector<1xi32>
      %eq3A_3183 = vector.broadcast %squeeze3A_3182 : i32 to vector<16xi32>
      %eq3A_3184 = arith.cmpi eq, %iota3A, %eq3A_3183 : vector<16xi32>
      %jit3A_3185 = arith.constant 1.000000e+00 : f32
      %jit3A_3186 = arith.constant 0.000000e+00 : f32
      %broadcast_in_dim3A_3187 = vector.broadcast %jit3A_3185 : f32 to vector<16xf32>
      %broadcast_in_dim3A_3188 = vector.broadcast %jit3A_3186 : f32 to vector<16xf32>
      %select_n3A_3189 = arith.select %eq3A_3184, %broadcast_in_dim3A_3187, %broadcast_in_dim3A_3188 : vector<16xi1>, vector<16xf32>
      %slice3A_3190 = vector.extract_strided_slice %get3A_2993 {offsets = [11], sizes = [1], strides = [1]} : vector<16xi32> to vector<1xi32>
      %squeeze3A_3191 = vector.extract %slice3A_3190[0] : i32 from vector<1xi32>
      %mul3A_3192 = arith.constant 16 : i32
      %mul3A_3193 = arith.muli %squeeze3A_3191, %mul3A_3192 : i32
      %swap3A_3194 = arith.index_cast %mul3A_3193 : i32 to index
      %swap3A_3195 = tpu.vector_load %arg5[%swap3A_3194] {strides = array<i32>} : memref<256xf32, #tpu.memory_space<vmem>>, vector<16xf32>,
      %swap3A_3196 = vector.shape_cast %swap3A_3195 : vector<16xf32> to vector<16xf32>
      %swap3A_3197 = vector.shape_cast %select_n3A_3189 : vector<16xf32> to vector<16xf32>
      tpu.vector_store %arg5[%swap3A_3194], %swap3A_3197 {add = true, strides = array<i32>} : memref<256xf32, #tpu.memory_space<vmem>>, vector<16xf32>,
      %slice3A_3198 = vector.extract_strided_slice %get3A_2988 {offsets = [12], sizes = [1], strides = [1]} : vector<16xi32> to vector<1xi32>
      %squeeze3A_3199 = vector.extract %slice3A_3198[0] : i32 from vector<1xi32>
      %eq3A_3200 = vector.broadcast %squeeze3A_3199 : i32 to vector<16xi32>
      %eq3A_3201 = arith.cmpi eq, %iota3A, %eq3A_3200 : vector<16xi32>
      %jit3A_3202 = arith.constant 1.000000e+00 : f32
      %jit3A_3203 = arith.constant 0.000000e+00 : f32
      %broadcast_in_dim3A_3204 = vector.broadcast %jit3A_3202 : f32 to vector<16xf32>
      %broadcast_in_dim3A_3205 = vector.broadcast %jit3A_3203 : f32 to vector<16xf32>
      %select_n3A_3206 = arith.select %eq3A_3201, %broadcast_in_dim3A_3204, %broadcast_in_dim3A_3205 : vector<16xi1>, vector<16xf32>
      %slice3A_3207 = vector.extract_strided_slice %get3A_2993 {offsets = [12], sizes = [1], strides = [1]} : vector<16xi32> to vector<1xi32>
      %squeeze3A_3208 = vector.extract %slice3A_3207[0] : i32 from vector<1xi32>
      %mul3A_3209 = arith.constant 16 : i32
      %mul3A_3210 = arith.muli %squeeze3A_3208, %mul3A_3209 : i32
      %swap3A_3211 = arith.index_cast %mul3A_3210 : i32 to index
      %swap3A_3212 = tpu.vector_load %arg5[%swap3A_3211] {strides = array<i32>} : memref<256xf32, #tpu.memory_space<vmem>>, vector<16xf32>,
      %swap3A_3213 = vector.shape_cast %swap3A_3212 : vector<16xf32> to vector<16xf32>
      %swap3A_3214 = vector.shape_cast %select_n3A_3206 : vector<16xf32> to vector<16xf32>
      tpu.vector_store %arg5[%swap3A_3211], %swap3A_3214 {add = true, strides = array<i32>} : memref<256xf32, #tpu.memory_space<vmem>>, vector<16xf32>,
      %slice3A_3215 = vector.extract_strided_slice %get3A_2988 {offsets = [13], sizes = [1], strides = [1]} : vector<16xi32> to vector<1xi32>
      %squeeze3A_3216 = vector.extract %slice3A_3215[0] : i32 from vector<1xi32>
      %eq3A_3217 = vector.broadcast %squeeze3A_3216 : i32 to vector<16xi32>
      %eq3A_3218 = arith.cmpi eq, %iota3A, %eq3A_3217 : vector<16xi32>
      %jit3A_3219 = arith.constant 1.000000e+00 : f32
      %jit3A_3220 = arith.constant 0.000000e+00 : f32
      %broadcast_in_dim3A_3221 = vector.broadcast %jit3A_3219 : f32 to vector<16xf32>
      %broadcast_in_dim3A_3222 = vector.broadcast %jit3A_3220 : f32 to vector<16xf32>
      %select_n3A_3223 = arith.select %eq3A_3218, %broadcast_in_dim3A_3221, %broadcast_in_dim3A_3222 : vector<16xi1>, vector<16xf32>
      %slice3A_3224 = vector.extract_strided_slice %get3A_2993 {offsets = [13], sizes = [1], strides = [1]} : vector<16xi32> to vector<1xi32>
      %squeeze3A_3225 = vector.extract %slice3A_3224[0] : i32 from vector<1xi32>
      %mul3A_3226 = arith.constant 16 : i32
      %mul3A_3227 = arith.muli %squeeze3A_3225, %mul3A_3226 : i32
      %swap3A_3228 = arith.index_cast %mul3A_3227 : i32 to index
      %swap3A_3229 = tpu.vector_load %arg5[%swap3A_3228] {strides = array<i32>} : memref<256xf32, #tpu.memory_space<vmem>>, vector<16xf32>,
      %swap3A_3230 = vector.shape_cast %swap3A_3229 : vector<16xf32> to vector<16xf32>
      %swap3A_3231 = vector.shape_cast %select_n3A_3223 : vector<16xf32> to vector<16xf32>
      tpu.vector_store %arg5[%swap3A_3228], %swap3A_3231 {add = true, strides = array<i32>} : memref<256xf32, #tpu.memory_space<vmem>>, vector<16xf32>,
      %slice3A_3232 = vector.extract_strided_slice %get3A_2988 {offsets = [14], sizes = [1], strides = [1]} : vector<16xi32> to vector<1xi32>
      %squeeze3A_3233 = vector.extract %slice3A_3232[0] : i32 from vector<1xi32>
      %eq3A_3234 = vector.broadcast %squeeze3A_3233 : i32 to vector<16xi32>
      %eq3A_3235 = arith.cmpi eq, %iota3A, %eq3A_3234 : vector<16xi32>
      %jit3A_3236 = arith.constant 1.000000e+00 : f32
      %jit3A_3237 = arith.constant 0.000000e+00 : f32
      %broadcast_in_dim3A_3238 = vector.broadcast %jit3A_3236 : f32 to vector<16xf32>
      %broadcast_in_dim3A_3239 = vector.broadcast %jit3A_3237 : f32 to vector<16xf32>
      %select_n3A_3240 = arith.select %eq3A_3235, %broadcast_in_dim3A_3238, %broadcast_in_dim3A_3239 : vector<16xi1>, vector<16xf32>
      %slice3A_3241 = vector.extract_strided_slice %get3A_2993 {offsets = [14], sizes = [1], strides = [1]} : vector<16xi32> to vector<1xi32>
      %squeeze3A_3242 = vector.extract %slice3A_3241[0] : i32 from vector<1xi32>
      %mul3A_3243 = arith.constant 16 : i32
      %mul3A_3244 = arith.muli %squeeze3A_3242, %mul3A_3243 : i32
      %swap3A_3245 = arith.index_cast %mul3A_3244 : i32 to index
      %swap3A_3246 = tpu.vector_load %arg5[%swap3A_3245] {strides = array<i32>} : memref<256xf32, #tpu.memory_space<vmem>>, vector<16xf32>,
      %swap3A_3247 = vector.shape_cast %swap3A_3246 : vector<16xf32> to vector<16xf32>
      %swap3A_3248 = vector.shape_cast %select_n3A_3240 : vector<16xf32> to vector<16xf32>
      tpu.vector_store %arg5[%swap3A_3245], %swap3A_3248 {add = true, strides = array<i32>} : memref<256xf32, #tpu.memory_space<vmem>>, vector<16xf32>,
      %slice3A_3249 = vector.extract_strided_slice %get3A_2988 {offsets = [15], sizes = [1], strides = [1]} : vector<16xi32> to vector<1xi32>
      %squeeze3A_3250 = vector.extract %slice3A_3249[0] : i32 from vector<1xi32>
      %eq3A_3251 = vector.broadcast %squeeze3A_3250 : i32 to vector<16xi32>
      %eq3A_3252 = arith.cmpi eq, %iota3A, %eq3A_3251 : vector<16xi32>
      %jit3A_3253 = arith.constant 1.000000e+00 : f32
      %jit3A_3254 = arith.constant 0.000000e+00 : f32
      %broadcast_in_dim3A_3255 = vector.broadcast %jit3A_3253 : f32 to vector<16xf32>
      %broadcast_in_dim3A_3256 = vector.broadcast %jit3A_3254 : f32 to vector<16xf32>
      %select_n3A_3257 = arith.select %eq3A_3252, %broadcast_in_dim3A_3255, %broadcast_in_dim3A_3256 : vector<16xi1>, vector<16xf32>
      %slice3A_3258 = vector.extract_strided_slice %get3A_2993 {offsets = [15], sizes = [1], strides = [1]} : vector<16xi32> to vector<1xi32>
      %squeeze3A_3259 = vector.extract %slice3A_3258[0] : i32 from vector<1xi32>
      %mul3A_3260 = arith.constant 16 : i32
      %mul3A_3261 = arith.muli %squeeze3A_3259, %mul3A_3260 : i32
      %swap3A_3262 = arith.index_cast %mul3A_3261 : i32 to index
      %swap3A_3263 = tpu.vector_load %arg5[%swap3A_3262] {strides = array<i32>} : memref<256xf32, #tpu.memory_space<vmem>>, vector<16xf32>,
      %swap3A_3264 = vector.shape_cast %swap3A_3263 : vector<16xf32> to vector<16xf32>
      %swap3A_3265 = vector.shape_cast %select_n3A_3257 : vector<16xf32> to vector<16xf32>
      tpu.vector_store %arg5[%swap3A_3262], %swap3A_3265 {add = true, strides = array<i32>} : memref<256xf32, #tpu.memory_space<vmem>>, vector<16xf32>,
      %get3A_3266 = arith.constant 0 : i32
      %get3A_3267 = arith.index_cast %get3A_3266 : i32 to index
      %get3A_3268 = arith.constant 176 : index
      %get3A_3269 = tpu.vector_load %arg4[%get3A_3267, %get3A_3268] {strides = array<i32>} : memref<2x196xi32, #tpu.memory_space<vmem>>, vector<1x16xi32>,
      %get3A_3270 = vector.shape_cast %get3A_3269 : vector<1x16xi32> to vector<16xi32>
      %get3A_3271 = arith.constant 1 : i32
      %get3A_3272 = arith.index_cast %get3A_3271 : i32 to index
      %get3A_3273 = arith.constant 176 : index
      %get3A_3274 = tpu.vector_load %arg4[%get3A_3272, %get3A_3273] {strides = array<i32>} : memref<2x196xi32, #tpu.memory_space<vmem>>, vector<1x16xi32>,
      %get3A_3275 = vector.shape_cast %get3A_3274 : vector<1x16xi32> to vector<16xi32>
      %slice3A_3276 = vector.extract_strided_slice %get3A_3270 {offsets = [0], sizes = [1], strides = [1]} : vector<16xi32> to vector<1xi32>
      %squeeze3A_3277 = vector.extract %slice3A_3276[0] : i32 from vector<1xi32>
      %eq3A_3278 = vector.broadcast %squeeze3A_3277 : i32 to vector<16xi32>
      %eq3A_3279 = arith.cmpi eq, %iota3A, %eq3A_3278 : vector<16xi32>
      %jit3A_3280 = arith.constant 1.000000e+00 : f32
      %jit3A_3281 = arith.constant 0.000000e+00 : f32
      %broadcast_in_dim3A_3282 = vector.broadcast %jit3A_3280 : f32 to vector<16xf32>
      %broadcast_in_dim3A_3283 = vector.broadcast %jit3A_3281 : f32 to vector<16xf32>
      %select_n3A_3284 = arith.select %eq3A_3279, %broadcast_in_dim3A_3282, %broadcast_in_dim3A_3283 : vector<16xi1>, vector<16xf32>
      %slice3A_3285 = vector.extract_strided_slice %get3A_3275 {offsets = [0], sizes = [1], strides = [1]} : vector<16xi32> to vector<1xi32>
      %squeeze3A_3286 = vector.extract %slice3A_3285[0] : i32 from vector<1xi32>
      %mul3A_3287 = arith.constant 16 : i32
      %mul3A_3288 = arith.muli %squeeze3A_3286, %mul3A_3287 : i32
      %swap3A_3289 = arith.index_cast %mul3A_3288 : i32 to index
      %swap3A_3290 = tpu.vector_load %arg5[%swap3A_3289] {strides = array<i32>} : memref<256xf32, #tpu.memory_space<vmem>>, vector<16xf32>,
      %swap3A_3291 = vector.shape_cast %swap3A_3290 : vector<16xf32> to vector<16xf32>
      %swap3A_3292 = vector.shape_cast %select_n3A_3284 : vector<16xf32> to vector<16xf32>
      tpu.vector_store %arg5[%swap3A_3289], %swap3A_3292 {add = true, strides = array<i32>} : memref<256xf32, #tpu.memory_space<vmem>>, vector<16xf32>,
      %slice3A_3293 = vector.extract_strided_slice %get3A_3270 {offsets = [1], sizes = [1], strides = [1]} : vector<16xi32> to vector<1xi32>
      %squeeze3A_3294 = vector.extract %slice3A_3293[0] : i32 from vector<1xi32>
      %eq3A_3295 = vector.broadcast %squeeze3A_3294 : i32 to vector<16xi32>
      %eq3A_3296 = arith.cmpi eq, %iota3A, %eq3A_3295 : vector<16xi32>
      %jit3A_3297 = arith.constant 1.000000e+00 : f32
      %jit3A_3298 = arith.constant 0.000000e+00 : f32
      %broadcast_in_dim3A_3299 = vector.broadcast %jit3A_3297 : f32 to vector<16xf32>
      %broadcast_in_dim3A_3300 = vector.broadcast %jit3A_3298 : f32 to vector<16xf32>
      %select_n3A_3301 = arith.select %eq3A_3296, %broadcast_in_dim3A_3299, %broadcast_in_dim3A_3300 : vector<16xi1>, vector<16xf32>
      %slice3A_3302 = vector.extract_strided_slice %get3A_3275 {offsets = [1], sizes = [1], strides = [1]} : vector<16xi32> to vector<1xi32>
      %squeeze3A_3303 = vector.extract %slice3A_3302[0] : i32 from vector<1xi32>
      %mul3A_3304 = arith.constant 16 : i32
      %mul3A_3305 = arith.muli %squeeze3A_3303, %mul3A_3304 : i32
      %swap3A_3306 = arith.index_cast %mul3A_3305 : i32 to index
      %swap3A_3307 = tpu.vector_load %arg5[%swap3A_3306] {strides = array<i32>} : memref<256xf32, #tpu.memory_space<vmem>>, vector<16xf32>,
      %swap3A_3308 = vector.shape_cast %swap3A_3307 : vector<16xf32> to vector<16xf32>
      %swap3A_3309 = vector.shape_cast %select_n3A_3301 : vector<16xf32> to vector<16xf32>
      tpu.vector_store %arg5[%swap3A_3306], %swap3A_3309 {add = true, strides = array<i32>} : memref<256xf32, #tpu.memory_space<vmem>>, vector<16xf32>,
      %slice3A_3310 = vector.extract_strided_slice %get3A_3270 {offsets = [2], sizes = [1], strides = [1]} : vector<16xi32> to vector<1xi32>
      %squeeze3A_3311 = vector.extract %slice3A_3310[0] : i32 from vector<1xi32>
      %eq3A_3312 = vector.broadcast %squeeze3A_3311 : i32 to vector<16xi32>
      %eq3A_3313 = arith.cmpi eq, %iota3A, %eq3A_3312 : vector<16xi32>
      %jit3A_3314 = arith.constant 1.000000e+00 : f32
      %jit3A_3315 = arith.constant 0.000000e+00 : f32
      %broadcast_in_dim3A_3316 = vector.broadcast %jit3A_3314 : f32 to vector<16xf32>
      %broadcast_in_dim3A_3317 = vector.broadcast %jit3A_3315 : f32 to vector<16xf32>
      %select_n3A_3318 = arith.select %eq3A_3313, %broadcast_in_dim3A_3316, %broadcast_in_dim3A_3317 : vector<16xi1>, vector<16xf32>
      %slice3A_3319 = vector.extract_strided_slice %get3A_3275 {offsets = [2], sizes = [1], strides = [1]} : vector<16xi32> to vector<1xi32>
      %squeeze3A_3320 = vector.extract %slice3A_3319[0] : i32 from vector<1xi32>
      %mul3A_3321 = arith.constant 16 : i32
      %mul3A_3322 = arith.muli %squeeze3A_3320, %mul3A_3321 : i32
      %swap3A_3323 = arith.index_cast %mul3A_3322 : i32 to index
      %swap3A_3324 = tpu.vector_load %arg5[%swap3A_3323] {strides = array<i32>} : memref<256xf32, #tpu.memory_space<vmem>>, vector<16xf32>,
      %swap3A_3325 = vector.shape_cast %swap3A_3324 : vector<16xf32> to vector<16xf32>
      %swap3A_3326 = vector.shape_cast %select_n3A_3318 : vector<16xf32> to vector<16xf32>
      tpu.vector_store %arg5[%swap3A_3323], %swap3A_3326 {add = true, strides = array<i32>} : memref<256xf32, #tpu.memory_space<vmem>>, vector<16xf32>,
      %slice3A_3327 = vector.extract_strided_slice %get3A_3270 {offsets = [3], sizes = [1], strides = [1]} : vector<16xi32> to vector<1xi32>
      %squeeze3A_3328 = vector.extract %slice3A_3327[0] : i32 from vector<1xi32>
      %eq3A_3329 = vector.broadcast %squeeze3A_3328 : i32 to vector<16xi32>
      %eq3A_3330 = arith.cmpi eq, %iota3A, %eq3A_3329 : vector<16xi32>
      %jit3A_3331 = arith.constant 1.000000e+00 : f32
      %jit3A_3332 = arith.constant 0.000000e+00 : f32
      %broadcast_in_dim3A_3333 = vector.broadcast %jit3A_3331 : f32 to vector<16xf32>
      %broadcast_in_dim3A_3334 = vector.broadcast %jit3A_3332 : f32 to vector<16xf32>
      %select_n3A_3335 = arith.select %eq3A_3330, %broadcast_in_dim3A_3333, %broadcast_in_dim3A_3334 : vector<16xi1>, vector<16xf32>
      %slice3A_3336 = vector.extract_strided_slice %get3A_3275 {offsets = [3], sizes = [1], strides = [1]} : vector<16xi32> to vector<1xi32>
      %squeeze3A_3337 = vector.extract %slice3A_3336[0] : i32 from vector<1xi32>
      %mul3A_3338 = arith.constant 16 : i32
      %mul3A_3339 = arith.muli %squeeze3A_3337, %mul3A_3338 : i32
      %swap3A_3340 = arith.index_cast %mul3A_3339 : i32 to index
      %swap3A_3341 = tpu.vector_load %arg5[%swap3A_3340] {strides = array<i32>} : memref<256xf32, #tpu.memory_space<vmem>>, vector<16xf32>,
      %swap3A_3342 = vector.shape_cast %swap3A_3341 : vector<16xf32> to vector<16xf32>
      %swap3A_3343 = vector.shape_cast %select_n3A_3335 : vector<16xf32> to vector<16xf32>
      tpu.vector_store %arg5[%swap3A_3340], %swap3A_3343 {add = true, strides = array<i32>} : memref<256xf32, #tpu.memory_space<vmem>>, vector<16xf32>,
      %slice3A_3344 = vector.extract_strided_slice %get3A_3270 {offsets = [4], sizes = [1], strides = [1]} : vector<16xi32> to vector<1xi32>
      %squeeze3A_3345 = vector.extract %slice3A_3344[0] : i32 from vector<1xi32>
      %eq3A_3346 = vector.broadcast %squeeze3A_3345 : i32 to vector<16xi32>
      %eq3A_3347 = arith.cmpi eq, %iota3A, %eq3A_3346 : vector<16xi32>
      %jit3A_3348 = arith.constant 1.000000e+00 : f32
      %jit3A_3349 = arith.constant 0.000000e+00 : f32
      %broadcast_in_dim3A_3350 = vector.broadcast %jit3A_3348 : f32 to vector<16xf32>
      %broadcast_in_dim3A_3351 = vector.broadcast %jit3A_3349 : f32 to vector<16xf32>
      %select_n3A_3352 = arith.select %eq3A_3347, %broadcast_in_dim3A_3350, %broadcast_in_dim3A_3351 : vector<16xi1>, vector<16xf32>
      %slice3A_3353 = vector.extract_strided_slice %get3A_3275 {offsets = [4], sizes = [1], strides = [1]} : vector<16xi32> to vector<1xi32>
      %squeeze3A_3354 = vector.extract %slice3A_3353[0] : i32 from vector<1xi32>
      %mul3A_3355 = arith.constant 16 : i32
      %mul3A_3356 = arith.muli %squeeze3A_3354, %mul3A_3355 : i32
      %swap3A_3357 = arith.index_cast %mul3A_3356 : i32 to index
      %swap3A_3358 = tpu.vector_load %arg5[%swap3A_3357] {strides = array<i32>} : memref<256xf32, #tpu.memory_space<vmem>>, vector<16xf32>,
      %swap3A_3359 = vector.shape_cast %swap3A_3358 : vector<16xf32> to vector<16xf32>
      %swap3A_3360 = vector.shape_cast %select_n3A_3352 : vector<16xf32> to vector<16xf32>
      tpu.vector_store %arg5[%swap3A_3357], %swap3A_3360 {add = true, strides = array<i32>} : memref<256xf32, #tpu.memory_space<vmem>>, vector<16xf32>,
      %slice3A_3361 = vector.extract_strided_slice %get3A_3270 {offsets = [5], sizes = [1], strides = [1]} : vector<16xi32> to vector<1xi32>
      %squeeze3A_3362 = vector.extract %slice3A_3361[0] : i32 from vector<1xi32>
      %eq3A_3363 = vector.broadcast %squeeze3A_3362 : i32 to vector<16xi32>
      %eq3A_3364 = arith.cmpi eq, %iota3A, %eq3A_3363 : vector<16xi32>
      %jit3A_3365 = arith.constant 1.000000e+00 : f32
      %jit3A_3366 = arith.constant 0.000000e+00 : f32
      %broadcast_in_dim3A_3367 = vector.broadcast %jit3A_3365 : f32 to vector<16xf32>
      %broadcast_in_dim3A_3368 = vector.broadcast %jit3A_3366 : f32 to vector<16xf32>
      %select_n3A_3369 = arith.select %eq3A_3364, %broadcast_in_dim3A_3367, %broadcast_in_dim3A_3368 : vector<16xi1>, vector<16xf32>
      %slice3A_3370 = vector.extract_strided_slice %get3A_3275 {offsets = [5], sizes = [1], strides = [1]} : vector<16xi32> to vector<1xi32>
      %squeeze3A_3371 = vector.extract %slice3A_3370[0] : i32 from vector<1xi32>
      %mul3A_3372 = arith.constant 16 : i32
      %mul3A_3373 = arith.muli %squeeze3A_3371, %mul3A_3372 : i32
      %swap3A_3374 = arith.index_cast %mul3A_3373 : i32 to index
      %swap3A_3375 = tpu.vector_load %arg5[%swap3A_3374] {strides = array<i32>} : memref<256xf32, #tpu.memory_space<vmem>>, vector<16xf32>,
      %swap3A_3376 = vector.shape_cast %swap3A_3375 : vector<16xf32> to vector<16xf32>
      %swap3A_3377 = vector.shape_cast %select_n3A_3369 : vector<16xf32> to vector<16xf32>
      tpu.vector_store %arg5[%swap3A_3374], %swap3A_3377 {add = true, strides = array<i32>} : memref<256xf32, #tpu.memory_space<vmem>>, vector<16xf32>,
      %slice3A_3378 = vector.extract_strided_slice %get3A_3270 {offsets = [6], sizes = [1], strides = [1]} : vector<16xi32> to vector<1xi32>
      %squeeze3A_3379 = vector.extract %slice3A_3378[0] : i32 from vector<1xi32>
      %eq3A_3380 = vector.broadcast %squeeze3A_3379 : i32 to vector<16xi32>
      %eq3A_3381 = arith.cmpi eq, %iota3A, %eq3A_3380 : vector<16xi32>
      %jit3A_3382 = arith.constant 1.000000e+00 : f32
      %jit3A_3383 = arith.constant 0.000000e+00 : f32
      %broadcast_in_dim3A_3384 = vector.broadcast %jit3A_3382 : f32 to vector<16xf32>
      %broadcast_in_dim3A_3385 = vector.broadcast %jit3A_3383 : f32 to vector<16xf32>
      %select_n3A_3386 = arith.select %eq3A_3381, %broadcast_in_dim3A_3384, %broadcast_in_dim3A_3385 : vector<16xi1>, vector<16xf32>
      %slice3A_3387 = vector.extract_strided_slice %get3A_3275 {offsets = [6], sizes = [1], strides = [1]} : vector<16xi32> to vector<1xi32>
      %squeeze3A_3388 = vector.extract %slice3A_3387[0] : i32 from vector<1xi32>
      %mul3A_3389 = arith.constant 16 : i32
      %mul3A_3390 = arith.muli %squeeze3A_3388, %mul3A_3389 : i32
      %swap3A_3391 = arith.index_cast %mul3A_3390 : i32 to index
      %swap3A_3392 = tpu.vector_load %arg5[%swap3A_3391] {strides = array<i32>} : memref<256xf32, #tpu.memory_space<vmem>>, vector<16xf32>,
      %swap3A_3393 = vector.shape_cast %swap3A_3392 : vector<16xf32> to vector<16xf32>
      %swap3A_3394 = vector.shape_cast %select_n3A_3386 : vector<16xf32> to vector<16xf32>
      tpu.vector_store %arg5[%swap3A_3391], %swap3A_3394 {add = true, strides = array<i32>} : memref<256xf32, #tpu.memory_space<vmem>>, vector<16xf32>,
      %slice3A_3395 = vector.extract_strided_slice %get3A_3270 {offsets = [7], sizes = [1], strides = [1]} : vector<16xi32> to vector<1xi32>
      %squeeze3A_3396 = vector.extract %slice3A_3395[0] : i32 from vector<1xi32>
      %eq3A_3397 = vector.broadcast %squeeze3A_3396 : i32 to vector<16xi32>
      %eq3A_3398 = arith.cmpi eq, %iota3A, %eq3A_3397 : vector<16xi32>
      %jit3A_3399 = arith.constant 1.000000e+00 : f32
      %jit3A_3400 = arith.constant 0.000000e+00 : f32
      %broadcast_in_dim3A_3401 = vector.broadcast %jit3A_3399 : f32 to vector<16xf32>
      %broadcast_in_dim3A_3402 = vector.broadcast %jit3A_3400 : f32 to vector<16xf32>
      %select_n3A_3403 = arith.select %eq3A_3398, %broadcast_in_dim3A_3401, %broadcast_in_dim3A_3402 : vector<16xi1>, vector<16xf32>
      %slice3A_3404 = vector.extract_strided_slice %get3A_3275 {offsets = [7], sizes = [1], strides = [1]} : vector<16xi32> to vector<1xi32>
      %squeeze3A_3405 = vector.extract %slice3A_3404[0] : i32 from vector<1xi32>
      %mul3A_3406 = arith.constant 16 : i32
      %mul3A_3407 = arith.muli %squeeze3A_3405, %mul3A_3406 : i32
      %swap3A_3408 = arith.index_cast %mul3A_3407 : i32 to index
      %swap3A_3409 = tpu.vector_load %arg5[%swap3A_3408] {strides = array<i32>} : memref<256xf32, #tpu.memory_space<vmem>>, vector<16xf32>,
      %swap3A_3410 = vector.shape_cast %swap3A_3409 : vector<16xf32> to vector<16xf32>
      %swap3A_3411 = vector.shape_cast %select_n3A_3403 : vector<16xf32> to vector<16xf32>
      tpu.vector_store %arg5[%swap3A_3408], %swap3A_3411 {add = true, strides = array<i32>} : memref<256xf32, #tpu.memory_space<vmem>>, vector<16xf32>,
      %slice3A_3412 = vector.extract_strided_slice %get3A_3270 {offsets = [8], sizes = [1], strides = [1]} : vector<16xi32> to vector<1xi32>
      %squeeze3A_3413 = vector.extract %slice3A_3412[0] : i32 from vector<1xi32>
      %eq3A_3414 = vector.broadcast %squeeze3A_3413 : i32 to vector<16xi32>
      %eq3A_3415 = arith.cmpi eq, %iota3A, %eq3A_3414 : vector<16xi32>
      %jit3A_3416 = arith.constant 1.000000e+00 : f32
      %jit3A_3417 = arith.constant 0.000000e+00 : f32
      %broadcast_in_dim3A_3418 = vector.broadcast %jit3A_3416 : f32 to vector<16xf32>
      %broadcast_in_dim3A_3419 = vector.broadcast %jit3A_3417 : f32 to vector<16xf32>
      %select_n3A_3420 = arith.select %eq3A_3415, %broadcast_in_dim3A_3418, %broadcast_in_dim3A_3419 : vector<16xi1>, vector<16xf32>
      %slice3A_3421 = vector.extract_strided_slice %get3A_3275 {offsets = [8], sizes = [1], strides = [1]} : vector<16xi32> to vector<1xi32>
      %squeeze3A_3422 = vector.extract %slice3A_3421[0] : i32 from vector<1xi32>
      %mul3A_3423 = arith.constant 16 : i32
      %mul3A_3424 = arith.muli %squeeze3A_3422, %mul3A_3423 : i32
      %swap3A_3425 = arith.index_cast %mul3A_3424 : i32 to index
      %swap3A_3426 = tpu.vector_load %arg5[%swap3A_3425] {strides = array<i32>} : memref<256xf32, #tpu.memory_space<vmem>>, vector<16xf32>,
      %swap3A_3427 = vector.shape_cast %swap3A_3426 : vector<16xf32> to vector<16xf32>
      %swap3A_3428 = vector.shape_cast %select_n3A_3420 : vector<16xf32> to vector<16xf32>
      tpu.vector_store %arg5[%swap3A_3425], %swap3A_3428 {add = true, strides = array<i32>} : memref<256xf32, #tpu.memory_space<vmem>>, vector<16xf32>,
      %slice3A_3429 = vector.extract_strided_slice %get3A_3270 {offsets = [9], sizes = [1], strides = [1]} : vector<16xi32> to vector<1xi32>
      %squeeze3A_3430 = vector.extract %slice3A_3429[0] : i32 from vector<1xi32>
      %eq3A_3431 = vector.broadcast %squeeze3A_3430 : i32 to vector<16xi32>
      %eq3A_3432 = arith.cmpi eq, %iota3A, %eq3A_3431 : vector<16xi32>
      %jit3A_3433 = arith.constant 1.000000e+00 : f32
      %jit3A_3434 = arith.constant 0.000000e+00 : f32
      %broadcast_in_dim3A_3435 = vector.broadcast %jit3A_3433 : f32 to vector<16xf32>
      %broadcast_in_dim3A_3436 = vector.broadcast %jit3A_3434 : f32 to vector<16xf32>
      %select_n3A_3437 = arith.select %eq3A_3432, %broadcast_in_dim3A_3435, %broadcast_in_dim3A_3436 : vector<16xi1>, vector<16xf32>
      %slice3A_3438 = vector.extract_strided_slice %get3A_3275 {offsets = [9], sizes = [1], strides = [1]} : vector<16xi32> to vector<1xi32>
      %squeeze3A_3439 = vector.extract %slice3A_3438[0] : i32 from vector<1xi32>
      %mul3A_3440 = arith.constant 16 : i32
      %mul3A_3441 = arith.muli %squeeze3A_3439, %mul3A_3440 : i32
      %swap3A_3442 = arith.index_cast %mul3A_3441 : i32 to index
      %swap3A_3443 = tpu.vector_load %arg5[%swap3A_3442] {strides = array<i32>} : memref<256xf32, #tpu.memory_space<vmem>>, vector<16xf32>,
      %swap3A_3444 = vector.shape_cast %swap3A_3443 : vector<16xf32> to vector<16xf32>
      %swap3A_3445 = vector.shape_cast %select_n3A_3437 : vector<16xf32> to vector<16xf32>
      tpu.vector_store %arg5[%swap3A_3442], %swap3A_3445 {add = true, strides = array<i32>} : memref<256xf32, #tpu.memory_space<vmem>>, vector<16xf32>,
      %slice3A_3446 = vector.extract_strided_slice %get3A_3270 {offsets = [10], sizes = [1], strides = [1]} : vector<16xi32> to vector<1xi32>
      %squeeze3A_3447 = vector.extract %slice3A_3446[0] : i32 from vector<1xi32>
      %eq3A_3448 = vector.broadcast %squeeze3A_3447 : i32 to vector<16xi32>
      %eq3A_3449 = arith.cmpi eq, %iota3A, %eq3A_3448 : vector<16xi32>
      %jit3A_3450 = arith.constant 1.000000e+00 : f32
      %jit3A_3451 = arith.constant 0.000000e+00 : f32
      %broadcast_in_dim3A_3452 = vector.broadcast %jit3A_3450 : f32 to vector<16xf32>
      %broadcast_in_dim3A_3453 = vector.broadcast %jit3A_3451 : f32 to vector<16xf32>
      %select_n3A_3454 = arith.select %eq3A_3449, %broadcast_in_dim3A_3452, %broadcast_in_dim3A_3453 : vector<16xi1>, vector<16xf32>
      %slice3A_3455 = vector.extract_strided_slice %get3A_3275 {offsets = [10], sizes = [1], strides = [1]} : vector<16xi32> to vector<1xi32>
      %squeeze3A_3456 = vector.extract %slice3A_3455[0] : i32 from vector<1xi32>
      %mul3A_3457 = arith.constant 16 : i32
      %mul3A_3458 = arith.muli %squeeze3A_3456, %mul3A_3457 : i32
      %swap3A_3459 = arith.index_cast %mul3A_3458 : i32 to index
      %swap3A_3460 = tpu.vector_load %arg5[%swap3A_3459] {strides = array<i32>} : memref<256xf32, #tpu.memory_space<vmem>>, vector<16xf32>,
      %swap3A_3461 = vector.shape_cast %swap3A_3460 : vector<16xf32> to vector<16xf32>
      %swap3A_3462 = vector.shape_cast %select_n3A_3454 : vector<16xf32> to vector<16xf32>
      tpu.vector_store %arg5[%swap3A_3459], %swap3A_3462 {add = true, strides = array<i32>} : memref<256xf32, #tpu.memory_space<vmem>>, vector<16xf32>,
      %slice3A_3463 = vector.extract_strided_slice %get3A_3270 {offsets = [11], sizes = [1], strides = [1]} : vector<16xi32> to vector<1xi32>
      %squeeze3A_3464 = vector.extract %slice3A_3463[0] : i32 from vector<1xi32>
      %eq3A_3465 = vector.broadcast %squeeze3A_3464 : i32 to vector<16xi32>
      %eq3A_3466 = arith.cmpi eq, %iota3A, %eq3A_3465 : vector<16xi32>
      %jit3A_3467 = arith.constant 1.000000e+00 : f32
      %jit3A_3468 = arith.constant 0.000000e+00 : f32
      %broadcast_in_dim3A_3469 = vector.broadcast %jit3A_3467 : f32 to vector<16xf32>
      %broadcast_in_dim3A_3470 = vector.broadcast %jit3A_3468 : f32 to vector<16xf32>
      %select_n3A_3471 = arith.select %eq3A_3466, %broadcast_in_dim3A_3469, %broadcast_in_dim3A_3470 : vector<16xi1>, vector<16xf32>
      %slice3A_3472 = vector.extract_strided_slice %get3A_3275 {offsets = [11], sizes = [1], strides = [1]} : vector<16xi32> to vector<1xi32>
      %squeeze3A_3473 = vector.extract %slice3A_3472[0] : i32 from vector<1xi32>
      %mul3A_3474 = arith.constant 16 : i32
      %mul3A_3475 = arith.muli %squeeze3A_3473, %mul3A_3474 : i32
      %swap3A_3476 = arith.index_cast %mul3A_3475 : i32 to index
      %swap3A_3477 = tpu.vector_load %arg5[%swap3A_3476] {strides = array<i32>} : memref<256xf32, #tpu.memory_space<vmem>>, vector<16xf32>,
      %swap3A_3478 = vector.shape_cast %swap3A_3477 : vector<16xf32> to vector<16xf32>
      %swap3A_3479 = vector.shape_cast %select_n3A_3471 : vector<16xf32> to vector<16xf32>
      tpu.vector_store %arg5[%swap3A_3476], %swap3A_3479 {add = true, strides = array<i32>} : memref<256xf32, #tpu.memory_space<vmem>>, vector<16xf32>,
      %slice3A_3480 = vector.extract_strided_slice %get3A_3270 {offsets = [12], sizes = [1], strides = [1]} : vector<16xi32> to vector<1xi32>
      %squeeze3A_3481 = vector.extract %slice3A_3480[0] : i32 from vector<1xi32>
      %eq3A_3482 = vector.broadcast %squeeze3A_3481 : i32 to vector<16xi32>
      %eq3A_3483 = arith.cmpi eq, %iota3A, %eq3A_3482 : vector<16xi32>
      %jit3A_3484 = arith.constant 1.000000e+00 : f32
      %jit3A_3485 = arith.constant 0.000000e+00 : f32
      %broadcast_in_dim3A_3486 = vector.broadcast %jit3A_3484 : f32 to vector<16xf32>
      %broadcast_in_dim3A_3487 = vector.broadcast %jit3A_3485 : f32 to vector<16xf32>
      %select_n3A_3488 = arith.select %eq3A_3483, %broadcast_in_dim3A_3486, %broadcast_in_dim3A_3487 : vector<16xi1>, vector<16xf32>
      %slice3A_3489 = vector.extract_strided_slice %get3A_3275 {offsets = [12], sizes = [1], strides = [1]} : vector<16xi32> to vector<1xi32>
      %squeeze3A_3490 = vector.extract %slice3A_3489[0] : i32 from vector<1xi32>
      %mul3A_3491 = arith.constant 16 : i32
      %mul3A_3492 = arith.muli %squeeze3A_3490, %mul3A_3491 : i32
      %swap3A_3493 = arith.index_cast %mul3A_3492 : i32 to index
      %swap3A_3494 = tpu.vector_load %arg5[%swap3A_3493] {strides = array<i32>} : memref<256xf32, #tpu.memory_space<vmem>>, vector<16xf32>,
      %swap3A_3495 = vector.shape_cast %swap3A_3494 : vector<16xf32> to vector<16xf32>
      %swap3A_3496 = vector.shape_cast %select_n3A_3488 : vector<16xf32> to vector<16xf32>
      tpu.vector_store %arg5[%swap3A_3493], %swap3A_3496 {add = true, strides = array<i32>} : memref<256xf32, #tpu.memory_space<vmem>>, vector<16xf32>,
      %slice3A_3497 = vector.extract_strided_slice %get3A_3270 {offsets = [13], sizes = [1], strides = [1]} : vector<16xi32> to vector<1xi32>
      %squeeze3A_3498 = vector.extract %slice3A_3497[0] : i32 from vector<1xi32>
      %eq3A_3499 = vector.broadcast %squeeze3A_3498 : i32 to vector<16xi32>
      %eq3A_3500 = arith.cmpi eq, %iota3A, %eq3A_3499 : vector<16xi32>
      %jit3A_3501 = arith.constant 1.000000e+00 : f32
      %jit3A_3502 = arith.constant 0.000000e+00 : f32
      %broadcast_in_dim3A_3503 = vector.broadcast %jit3A_3501 : f32 to vector<16xf32>
      %broadcast_in_dim3A_3504 = vector.broadcast %jit3A_3502 : f32 to vector<16xf32>
      %select_n3A_3505 = arith.select %eq3A_3500, %broadcast_in_dim3A_3503, %broadcast_in_dim3A_3504 : vector<16xi1>, vector<16xf32>
      %slice3A_3506 = vector.extract_strided_slice %get3A_3275 {offsets = [13], sizes = [1], strides = [1]} : vector<16xi32> to vector<1xi32>
      %squeeze3A_3507 = vector.extract %slice3A_3506[0] : i32 from vector<1xi32>
      %mul3A_3508 = arith.constant 16 : i32
      %mul3A_3509 = arith.muli %squeeze3A_3507, %mul3A_3508 : i32
      %swap3A_3510 = arith.index_cast %mul3A_3509 : i32 to index
      %swap3A_3511 = tpu.vector_load %arg5[%swap3A_3510] {strides = array<i32>} : memref<256xf32, #tpu.memory_space<vmem>>, vector<16xf32>,
      %swap3A_3512 = vector.shape_cast %swap3A_3511 : vector<16xf32> to vector<16xf32>
      %swap3A_3513 = vector.shape_cast %select_n3A_3505 : vector<16xf32> to vector<16xf32>
      tpu.vector_store %arg5[%swap3A_3510], %swap3A_3513 {add = true, strides = array<i32>} : memref<256xf32, #tpu.memory_space<vmem>>, vector<16xf32>,
      %slice3A_3514 = vector.extract_strided_slice %get3A_3270 {offsets = [14], sizes = [1], strides = [1]} : vector<16xi32> to vector<1xi32>
      %squeeze3A_3515 = vector.extract %slice3A_3514[0] : i32 from vector<1xi32>
      %eq3A_3516 = vector.broadcast %squeeze3A_3515 : i32 to vector<16xi32>
      %eq3A_3517 = arith.cmpi eq, %iota3A, %eq3A_3516 : vector<16xi32>
      %jit3A_3518 = arith.constant 1.000000e+00 : f32
      %jit3A_3519 = arith.constant 0.000000e+00 : f32
      %broadcast_in_dim3A_3520 = vector.broadcast %jit3A_3518 : f32 to vector<16xf32>
      %broadcast_in_dim3A_3521 = vector.broadcast %jit3A_3519 : f32 to vector<16xf32>
      %select_n3A_3522 = arith.select %eq3A_3517, %broadcast_in_dim3A_3520, %broadcast_in_dim3A_3521 : vector<16xi1>, vector<16xf32>
      %slice3A_3523 = vector.extract_strided_slice %get3A_3275 {offsets = [14], sizes = [1], strides = [1]} : vector<16xi32> to vector<1xi32>
      %squeeze3A_3524 = vector.extract %slice3A_3523[0] : i32 from vector<1xi32>
      %mul3A_3525 = arith.constant 16 : i32
      %mul3A_3526 = arith.muli %squeeze3A_3524, %mul3A_3525 : i32
      %swap3A_3527 = arith.index_cast %mul3A_3526 : i32 to index
      %swap3A_3528 = tpu.vector_load %arg5[%swap3A_3527] {strides = array<i32>} : memref<256xf32, #tpu.memory_space<vmem>>, vector<16xf32>,
      %swap3A_3529 = vector.shape_cast %swap3A_3528 : vector<16xf32> to vector<16xf32>
      %swap3A_3530 = vector.shape_cast %select_n3A_3522 : vector<16xf32> to vector<16xf32>
      tpu.vector_store %arg5[%swap3A_3527], %swap3A_3530 {add = true, strides = array<i32>} : memref<256xf32, #tpu.memory_space<vmem>>, vector<16xf32>,
      %slice3A_3531 = vector.extract_strided_slice %get3A_3270 {offsets = [15], sizes = [1], strides = [1]} : vector<16xi32> to vector<1xi32>
      %squeeze3A_3532 = vector.extract %slice3A_3531[0] : i32 from vector<1xi32>
      %eq3A_3533 = vector.broadcast %squeeze3A_3532 : i32 to vector<16xi32>
      %eq3A_3534 = arith.cmpi eq, %iota3A, %eq3A_3533 : vector<16xi32>
      %jit3A_3535 = arith.constant 1.000000e+00 : f32
      %jit3A_3536 = arith.constant 0.000000e+00 : f32
      %broadcast_in_dim3A_3537 = vector.broadcast %jit3A_3535 : f32 to vector<16xf32>
      %broadcast_in_dim3A_3538 = vector.broadcast %jit3A_3536 : f32 to vector<16xf32>
      %select_n3A_3539 = arith.select %eq3A_3534, %broadcast_in_dim3A_3537, %broadcast_in_dim3A_3538 : vector<16xi1>, vector<16xf32>
      %slice3A_3540 = vector.extract_strided_slice %get3A_3275 {offsets = [15], sizes = [1], strides = [1]} : vector<16xi32> to vector<1xi32>
      %squeeze3A_3541 = vector.extract %slice3A_3540[0] : i32 from vector<1xi32>
      %mul3A_3542 = arith.constant 16 : i32
      %mul3A_3543 = arith.muli %squeeze3A_3541, %mul3A_3542 : i32
      %swap3A_3544 = arith.index_cast %mul3A_3543 : i32 to index
      %swap3A_3545 = tpu.vector_load %arg5[%swap3A_3544] {strides = array<i32>} : memref<256xf32, #tpu.memory_space<vmem>>, vector<16xf32>,
      %swap3A_3546 = vector.shape_cast %swap3A_3545 : vector<16xf32> to vector<16xf32>
      %swap3A_3547 = vector.shape_cast %select_n3A_3539 : vector<16xf32> to vector<16xf32>
      tpu.vector_store %arg5[%swap3A_3544], %swap3A_3547 {add = true, strides = array<i32>} : memref<256xf32, #tpu.memory_space<vmem>>, vector<16xf32>,
      %get3A_3548 = arith.constant 0 : i32
      %get3A_3549 = arith.index_cast %get3A_3548 : i32 to index
      %get3A_3550 = arith.constant 180 : index
      %get3A_3551 = tpu.vector_load %arg4[%get3A_3549, %get3A_3550] {strides = array<i32>} : memref<2x196xi32, #tpu.memory_space<vmem>>, vector<1x16xi32>,
      %get3A_3552 = vector.shape_cast %get3A_3551 : vector<1x16xi32> to vector<16xi32>
      %get3A_3553 = arith.constant 1 : i32
      %get3A_3554 = arith.index_cast %get3A_3553 : i32 to index
      %get3A_3555 = arith.constant 180 : index
      %get3A_3556 = tpu.vector_load %arg4[%get3A_3554, %get3A_3555] {strides = array<i32>} : memref<2x196xi32, #tpu.memory_space<vmem>>, vector<1x16xi32>,
      %get3A_3557 = vector.shape_cast %get3A_3556 : vector<1x16xi32> to vector<16xi32>
      %slice3A_3558 = vector.extract_strided_slice %get3A_3552 {offsets = [12], sizes = [1], strides = [1]} : vector<16xi32> to vector<1xi32>
      %squeeze3A_3559 = vector.extract %slice3A_3558[0] : i32 from vector<1xi32>
      %eq3A_3560 = vector.broadcast %squeeze3A_3559 : i32 to vector<16xi32>
      %eq3A_3561 = arith.cmpi eq, %iota3A, %eq3A_3560 : vector<16xi32>
      %jit3A_3562 = arith.constant 1.000000e+00 : f32
      %jit3A_3563 = arith.constant 0.000000e+00 : f32
      %broadcast_in_dim3A_3564 = vector.broadcast %jit3A_3562 : f32 to vector<16xf32>
      %broadcast_in_dim3A_3565 = vector.broadcast %jit3A_3563 : f32 to vector<16xf32>
      %select_n3A_3566 = arith.select %eq3A_3561, %broadcast_in_dim3A_3564, %broadcast_in_dim3A_3565 : vector<16xi1>, vector<16xf32>
      %slice3A_3567 = vector.extract_strided_slice %get3A_3557 {offsets = [12], sizes = [1], strides = [1]} : vector<16xi32> to vector<1xi32>
      %squeeze3A_3568 = vector.extract %slice3A_3567[0] : i32 from vector<1xi32>
      %mul3A_3569 = arith.constant 16 : i32
      %mul3A_3570 = arith.muli %squeeze3A_3568, %mul3A_3569 : i32
      %swap3A_3571 = arith.index_cast %mul3A_3570 : i32 to index
      %swap3A_3572 = tpu.vector_load %arg5[%swap3A_3571] {strides = array<i32>} : memref<256xf32, #tpu.memory_space<vmem>>, vector<16xf32>,
      %swap3A_3573 = vector.shape_cast %swap3A_3572 : vector<16xf32> to vector<16xf32>
      %swap3A_3574 = vector.shape_cast %select_n3A_3566 : vector<16xf32> to vector<16xf32>
      tpu.vector_store %arg5[%swap3A_3571], %swap3A_3574 {add = true, strides = array<i32>} : memref<256xf32, #tpu.memory_space<vmem>>, vector<16xf32>,
      %slice3A_3575 = vector.extract_strided_slice %get3A_3552 {offsets = [13], sizes = [1], strides = [1]} : vector<16xi32> to vector<1xi32>
      %squeeze3A_3576 = vector.extract %slice3A_3575[0] : i32 from vector<1xi32>
      %eq3A_3577 = vector.broadcast %squeeze3A_3576 : i32 to vector<16xi32>
      %eq3A_3578 = arith.cmpi eq, %iota3A, %eq3A_3577 : vector<16xi32>
      %jit3A_3579 = arith.constant 1.000000e+00 : f32
      %jit3A_3580 = arith.constant 0.000000e+00 : f32
      %broadcast_in_dim3A_3581 = vector.broadcast %jit3A_3579 : f32 to vector<16xf32>
      %broadcast_in_dim3A_3582 = vector.broadcast %jit3A_3580 : f32 to vector<16xf32>
      %select_n3A_3583 = arith.select %eq3A_3578, %broadcast_in_dim3A_3581, %broadcast_in_dim3A_3582 : vector<16xi1>, vector<16xf32>
      %slice3A_3584 = vector.extract_strided_slice %get3A_3557 {offsets = [13], sizes = [1], strides = [1]} : vector<16xi32> to vector<1xi32>
      %squeeze3A_3585 = vector.extract %slice3A_3584[0] : i32 from vector<1xi32>
      %mul3A_3586 = arith.constant 16 : i32
      %mul3A_3587 = arith.muli %squeeze3A_3585, %mul3A_3586 : i32
      %swap3A_3588 = arith.index_cast %mul3A_3587 : i32 to index
      %swap3A_3589 = tpu.vector_load %arg5[%swap3A_3588] {strides = array<i32>} : memref<256xf32, #tpu.memory_space<vmem>>, vector<16xf32>,
      %swap3A_3590 = vector.shape_cast %swap3A_3589 : vector<16xf32> to vector<16xf32>
      %swap3A_3591 = vector.shape_cast %select_n3A_3583 : vector<16xf32> to vector<16xf32>
      tpu.vector_store %arg5[%swap3A_3588], %swap3A_3591 {add = true, strides = array<i32>} : memref<256xf32, #tpu.memory_space<vmem>>, vector<16xf32>,
      %slice3A_3592 = vector.extract_strided_slice %get3A_3552 {offsets = [14], sizes = [1], strides = [1]} : vector<16xi32> to vector<1xi32>
      %squeeze3A_3593 = vector.extract %slice3A_3592[0] : i32 from vector<1xi32>
      %eq3A_3594 = vector.broadcast %squeeze3A_3593 : i32 to vector<16xi32>
      %eq3A_3595 = arith.cmpi eq, %iota3A, %eq3A_3594 : vector<16xi32>
      %jit3A_3596 = arith.constant 1.000000e+00 : f32
      %jit3A_3597 = arith.constant 0.000000e+00 : f32
      %broadcast_in_dim3A_3598 = vector.broadcast %jit3A_3596 : f32 to vector<16xf32>
      %broadcast_in_dim3A_3599 = vector.broadcast %jit3A_3597 : f32 to vector<16xf32>
      %select_n3A_3600 = arith.select %eq3A_3595, %broadcast_in_dim3A_3598, %broadcast_in_dim3A_3599 : vector<16xi1>, vector<16xf32>
      %slice3A_3601 = vector.extract_strided_slice %get3A_3557 {offsets = [14], sizes = [1], strides = [1]} : vector<16xi32> to vector<1xi32>
      %squeeze3A_3602 = vector.extract %slice3A_3601[0] : i32 from vector<1xi32>
      %mul3A_3603 = arith.constant 16 : i32
      %mul3A_3604 = arith.muli %squeeze3A_3602, %mul3A_3603 : i32
      %swap3A_3605 = arith.index_cast %mul3A_3604 : i32 to index
      %swap3A_3606 = tpu.vector_load %arg5[%swap3A_3605] {strides = array<i32>} : memref<256xf32, #tpu.memory_space<vmem>>, vector<16xf32>,
      %swap3A_3607 = vector.shape_cast %swap3A_3606 : vector<16xf32> to vector<16xf32>
      %swap3A_3608 = vector.shape_cast %select_n3A_3600 : vector<16xf32> to vector<16xf32>
      tpu.vector_store %arg5[%swap3A_3605], %swap3A_3608 {add = true, strides = array<i32>} : memref<256xf32, #tpu.memory_space<vmem>>, vector<16xf32>,
      %slice3A_3609 = vector.extract_strided_slice %get3A_3552 {offsets = [15], sizes = [1], strides = [1]} : vector<16xi32> to vector<1xi32>
      %squeeze3A_3610 = vector.extract %slice3A_3609[0] : i32 from vector<1xi32>
      %eq3A_3611 = vector.broadcast %squeeze3A_3610 : i32 to vector<16xi32>
      %eq3A_3612 = arith.cmpi eq, %iota3A, %eq3A_3611 : vector<16xi32>
      %jit3A_3613 = arith.constant 1.000000e+00 : f32
      %jit3A_3614 = arith.constant 0.000000e+00 : f32
      %broadcast_in_dim3A_3615 = vector.broadcast %jit3A_3613 : f32 to vector<16xf32>
      %broadcast_in_dim3A_3616 = vector.broadcast %jit3A_3614 : f32 to vector<16xf32>
      %select_n3A_3617 = arith.select %eq3A_3612, %broadcast_in_dim3A_3615, %broadcast_in_dim3A_3616 : vector<16xi1>, vector<16xf32>
      %slice3A_3618 = vector.extract_strided_slice %get3A_3557 {offsets = [15], sizes = [1], strides = [1]} : vector<16xi32> to vector<1xi32>
      %squeeze3A_3619 = vector.extract %slice3A_3618[0] : i32 from vector<1xi32>
      %mul3A_3620 = arith.constant 16 : i32
      %mul3A_3621 = arith.muli %squeeze3A_3619, %mul3A_3620 : i32
      %swap3A_3622 = arith.index_cast %mul3A_3621 : i32 to index
      %swap3A_3623 = tpu.vector_load %arg5[%swap3A_3622] {strides = array<i32>} : memref<256xf32, #tpu.memory_space<vmem>>, vector<16xf32>,
      %swap3A_3624 = vector.shape_cast %swap3A_3623 : vector<16xf32> to vector<16xf32>
      %swap3A_3625 = vector.shape_cast %select_n3A_3617 : vector<16xf32> to vector<16xf32>
      tpu.vector_store %arg5[%swap3A_3622], %swap3A_3625 {add = true, strides = array<i32>} : memref<256xf32, #tpu.memory_space<vmem>>, vector<16xf32>,
      "tpu.region"() ({
        %run_scoped3A = tpu.sem_alloc : memref<!tpu.dma_semaphore, #tpu.memory_space<semaphore_mem>>
        tpu.enqueue_dma source(%arg5 : memref<256xf32, #tpu.memory_space<vmem>>) target(%arg3 : memref<256xf32, #tpu.memory_space<hbm>>) target_semaphore(%run_scoped3A : memref<!tpu.dma_semaphore, #tpu.memory_space<semaphore_mem>>)
        tpu.wait_dma2 semaphore(%run_scoped3A : memref<!tpu.dma_semaphore, #tpu.memory_space<semaphore_mem>>) src(%arg5 : memref<256xf32, #tpu.memory_space<vmem>>) dst(%arg3 : memref<256xf32, #tpu.memory_space<hbm>>)
        tpu.yield
      }) : () -> ()
    } else {
    }
    return
  }
}

module attributes {stable_mosaic.version = 14 : i64} {
  func.func @_body(%arg0: memref<14x24x32xf32, #tpu.memory_space<vmem>>, %arg1: memref<16x16xf32, #tpu.memory_space<vmem>>, %arg2: memref<24x64xf32, #tpu.memory_space<vmem>>, %arg3: memref<64xf32, #tpu.memory_space<vmem>>, %arg4: memref<64xf32, #tpu.memory_space<vmem>>, %arg5: memref<64xf32, #tpu.memory_space<vmem>>, %arg6: memref<24x64xf32, #tpu.memory_space<vmem>>, %arg7: memref<24xf32, #tpu.memory_space<vmem>>, %arg8: memref<24xf32, #tpu.memory_space<vmem>>, %arg9: memref<24xf32, #tpu.memory_space<vmem>>, %arg10: memref<14x24x64xf32, #tpu.memory_space<vmem>>, %arg11: memref<14x64xf32, #tpu.memory_space<vmem>>, %arg12: memref<14x24x64xf32, #tpu.memory_space<vmem>>, %arg13: memref<14x24xf32, #tpu.memory_space<vmem>>, %arg14: memref<14x24x32xf32, #tpu.memory_space<vmem>>) attributes {dimension_semantics = [], scalar_prefetch = 0 : i64, scratch_operands = 0 : i64, tpu.core_type = #tpu.core_type<tc>} {
    %get3A = arith.constant 0 : index
    %get3A_0 = arith.constant 0 : index
    %get3A_1 = vector.load %arg1[%get3A, %get3A_0] : memref<16x16xf32, #tpu.memory_space<vmem>>, vector<14x14xf32>
    %iota3A = tpu.iota {dimensions = array<i32: 0>} : vector<448x1xi32>
    %iota3A_2 = tpu.iota {dimensions = array<i32: 1>} : vector<1x448xi32>
    %jit3A = arith.constant 32 : i32
    %div3A = vector.broadcast %jit3A : i32 to vector<448x1xi32>
    %div3A_3 = arith.divsi %iota3A, %div3A : vector<448x1xi32>
    %sign3A = arith.constant 0 : i32
    %sign3A_4 = vector.broadcast %sign3A : i32 to vector<448x1xi32>
    %sign3A_5 = arith.cmpi sgt, %iota3A, %sign3A_4 : vector<448x1xi32>
    %sign3A_6 = arith.extui %sign3A_5 : vector<448x1xi1> to vector<448x1xi32>
    %sign3A_7 = arith.constant 0 : i32
    %sign3A_8 = vector.broadcast %sign3A_7 : i32 to vector<448x1xi32>
    %sign3A_9 = arith.cmpi slt, %iota3A, %sign3A_8 : vector<448x1xi32>
    %sign3A_10 = arith.extui %sign3A_9 : vector<448x1xi1> to vector<448x1xi32>
    %sign3A_11 = arith.subi %sign3A_6, %sign3A_10 : vector<448x1xi32>
    %sign3A_12 = arith.constant 0 : i32
    %sign3A_13 = arith.cmpi sgt, %jit3A, %sign3A_12 : i32
    %sign3A_14 = arith.extui %sign3A_13 : i1 to i32
    %sign3A_15 = arith.constant 0 : i32
    %sign3A_16 = arith.cmpi slt, %jit3A, %sign3A_15 : i32
    %sign3A_17 = arith.extui %sign3A_16 : i1 to i32
    %sign3A_18 = arith.subi %sign3A_14, %sign3A_17 : i32
    %ne3A = vector.broadcast %sign3A_18 : i32 to vector<448x1xi32>
    %ne3A_19 = arith.cmpi ne, %sign3A_11, %ne3A : vector<448x1xi32>
    %rem3A = vector.broadcast %jit3A : i32 to vector<448x1xi32>
    %rem3A_20 = arith.remsi %iota3A, %rem3A : vector<448x1xi32>
    %ne3A_21 = arith.constant 0 : i32
    %ne3A_22 = vector.broadcast %ne3A_21 : i32 to vector<448x1xi32>
    %ne3A_23 = arith.cmpi ne, %rem3A_20, %ne3A_22 : vector<448x1xi32>
    %and3A = arith.andi %ne3A_19, %ne3A_23 : vector<448x1xi1>
    %sub3A = arith.constant 1 : i32
    %sub3A_24 = vector.broadcast %sub3A : i32 to vector<448x1xi32>
    %sub3A_25 = arith.subi %div3A_3, %sub3A_24 : vector<448x1xi32>
    %select_n3A = arith.select %and3A, %sub3A_25, %div3A_3 : vector<448x1xi1>, vector<448x1xi32>
    %iota3A_26 = tpu.iota {dimensions = array<i32: 1>} : vector<448x14xi32>
    %eq3A = vector.broadcast %select_n3A : vector<448x1xi32> to vector<448x14xi32>
    %eq3A_27 = arith.cmpi eq, %eq3A, %iota3A_26 : vector<448x14xi32>
    %convert_element_type3A = arith.extui %eq3A_27 : vector<448x14xi1> to vector<448x14xi32>
    %convert_element_type3A_28 = arith.sitofp %convert_element_type3A : vector<448x14xi32> to vector<448x14xf32>
    %dot_general3A = arith.constant dense<0.000000e+00> : vector<448x14xf32>
    %dot_general3A_29 = tpu.matmul %convert_element_type3A_28, %get3A_1, %dot_general3A {dimension_numbers = #tpu.dot_dimension_numbers<[1], [0], [0], [1], [0, 0, 1, 1], [], []>, transpose_lhs_hint = false} : vector<448x14xf32>, vector<14x14xf32>, vector<448x14xf32> -> vector<448x14xf32>
    %gt3A = arith.constant 0.000000e+00 : f32
    %gt3A_30 = vector.broadcast %gt3A : f32 to vector<448x14xf32>
    %gt3A_31 = arith.cmpf ogt, %dot_general3A_29, %gt3A_30 : vector<448x14xf32>
    %jit3A_32 = arith.constant 32 : i32
    %eq3A_33 = arith.constant 0 : i32
    %eq3A_34 = arith.cmpi eq, %jit3A_32, %eq3A_33 : i32
    %jit3A_35 = arith.constant 1 : i32
    %select_n3A_36 = arith.select %eq3A_34, %jit3A_35, %jit3A_32 : i32
    %rem3A_37 = vector.broadcast %select_n3A_36 : i32 to vector<448x1xi32>
    %rem3A_38 = arith.remsi %iota3A, %rem3A_37 : vector<448x1xi32>
    %ne3A_39 = arith.constant 0 : i32
    %ne3A_40 = vector.broadcast %ne3A_39 : i32 to vector<448x1xi32>
    %ne3A_41 = arith.cmpi ne, %rem3A_38, %ne3A_40 : vector<448x1xi32>
    %lt3A = arith.constant 0 : i32
    %lt3A_42 = vector.broadcast %lt3A : i32 to vector<448x1xi32>
    %lt3A_43 = arith.cmpi slt, %rem3A_38, %lt3A_42 : vector<448x1xi32>
    %lt3A_44 = arith.constant 0 : i32
    %lt3A_45 = arith.cmpi slt, %select_n3A_36, %lt3A_44 : i32
    %ne3A_46 = vector.broadcast %lt3A_45 : i1 to vector<448x1xi1>
    %ne3A_47 = vector.broadcast %ne3A_46 : vector<448x1xi1> to vector<448x1xi1>
    %ne3A_48 = arith.xori %lt3A_43, %ne3A_47 : vector<448x1xi1>
    %and3A_49 = arith.andi %ne3A_48, %ne3A_41 : vector<448x1xi1>
    %add3A = vector.broadcast %select_n3A_36 : i32 to vector<448x1xi32>
    %add3A_50 = arith.addi %rem3A_38, %add3A : vector<448x1xi32>
    %select_n3A_51 = arith.select %and3A_49, %add3A_50, %rem3A_38 : vector<448x1xi1>, vector<448x1xi32>
    %jit3A_52 = arith.constant 32 : i32
    %eq3A_53 = arith.constant 0 : i32
    %eq3A_54 = arith.cmpi eq, %jit3A_52, %eq3A_53 : i32
    %jit3A_55 = arith.constant 1 : i32
    %select_n3A_56 = arith.select %eq3A_54, %jit3A_55, %jit3A_52 : i32
    %rem3A_57 = vector.broadcast %select_n3A_56 : i32 to vector<1x448xi32>
    %rem3A_58 = arith.remsi %iota3A_2, %rem3A_57 : vector<1x448xi32>
    %ne3A_59 = arith.constant 0 : i32
    %ne3A_60 = vector.broadcast %ne3A_59 : i32 to vector<1x448xi32>
    %ne3A_61 = arith.cmpi ne, %rem3A_58, %ne3A_60 : vector<1x448xi32>
    %lt3A_62 = arith.constant 0 : i32
    %lt3A_63 = vector.broadcast %lt3A_62 : i32 to vector<1x448xi32>
    %lt3A_64 = arith.cmpi slt, %rem3A_58, %lt3A_63 : vector<1x448xi32>
    %lt3A_65 = arith.constant 0 : i32
    %lt3A_66 = arith.cmpi slt, %select_n3A_56, %lt3A_65 : i32
    %ne3A_67 = vector.broadcast %lt3A_66 : i1 to vector<1x448xi1>
    %ne3A_68 = vector.broadcast %ne3A_67 : vector<1x448xi1> to vector<1x448xi1>
    %ne3A_69 = arith.xori %lt3A_64, %ne3A_68 : vector<1x448xi1>
    %and3A_70 = arith.andi %ne3A_69, %ne3A_61 : vector<1x448xi1>
    %add3A_71 = vector.broadcast %select_n3A_56 : i32 to vector<1x448xi32>
    %add3A_72 = arith.addi %rem3A_58, %add3A_71 : vector<1x448xi32>
    %select_n3A_73 = arith.select %and3A_70, %add3A_72, %rem3A_58 : vector<1x448xi1>, vector<1x448xi32>
    %eq3A_74 = vector.broadcast %select_n3A_51 : vector<448x1xi32> to vector<448x448xi32>
    %eq3A_75 = vector.broadcast %select_n3A_73 : vector<1x448xi32> to vector<448x448xi32>
    %eq3A_76 = arith.cmpi eq, %eq3A_74, %eq3A_75 : vector<448x448xi32>
    %convert_element_type3A_77 = arith.extui %eq3A_76 : vector<448x448xi1> to vector<448x448xi32>
    %convert_element_type3A_78 = arith.sitofp %convert_element_type3A_77 : vector<448x448xi32> to vector<448x448xf32>
    %get3A_79 = arith.constant 0 : index
    %get3A_80 = arith.constant 0 : index
    %get3A_81 = arith.constant 0 : index
    %get3A_82 = vector.load %arg0[%get3A_79, %get3A_80, %get3A_81] : memref<14x24x32xf32, #tpu.memory_space<vmem>>, vector<1x24x32xf32>
    %get3A_83 = vector.shape_cast %get3A_82 : vector<1x24x32xf32> to vector<24x32xf32>
    %get3A_84 = arith.constant 1 : index
    %get3A_85 = arith.constant 0 : index
    %get3A_86 = arith.constant 0 : index
    %get3A_87 = vector.load %arg0[%get3A_84, %get3A_85, %get3A_86] : memref<14x24x32xf32, #tpu.memory_space<vmem>>, vector<1x24x32xf32>
    %get3A_88 = vector.shape_cast %get3A_87 : vector<1x24x32xf32> to vector<24x32xf32>
    %get3A_89 = arith.constant 2 : index
    %get3A_90 = arith.constant 0 : index
    %get3A_91 = arith.constant 0 : index
    %get3A_92 = vector.load %arg0[%get3A_89, %get3A_90, %get3A_91] : memref<14x24x32xf32, #tpu.memory_space<vmem>>, vector<1x24x32xf32>
    %get3A_93 = vector.shape_cast %get3A_92 : vector<1x24x32xf32> to vector<24x32xf32>
    %get3A_94 = arith.constant 3 : index
    %get3A_95 = arith.constant 0 : index
    %get3A_96 = arith.constant 0 : index
    %get3A_97 = vector.load %arg0[%get3A_94, %get3A_95, %get3A_96] : memref<14x24x32xf32, #tpu.memory_space<vmem>>, vector<1x24x32xf32>
    %get3A_98 = vector.shape_cast %get3A_97 : vector<1x24x32xf32> to vector<24x32xf32>
    %get3A_99 = arith.constant 4 : index
    %get3A_100 = arith.constant 0 : index
    %get3A_101 = arith.constant 0 : index
    %get3A_102 = vector.load %arg0[%get3A_99, %get3A_100, %get3A_101] : memref<14x24x32xf32, #tpu.memory_space<vmem>>, vector<1x24x32xf32>
    %get3A_103 = vector.shape_cast %get3A_102 : vector<1x24x32xf32> to vector<24x32xf32>
    %get3A_104 = arith.constant 5 : index
    %get3A_105 = arith.constant 0 : index
    %get3A_106 = arith.constant 0 : index
    %get3A_107 = vector.load %arg0[%get3A_104, %get3A_105, %get3A_106] : memref<14x24x32xf32, #tpu.memory_space<vmem>>, vector<1x24x32xf32>
    %get3A_108 = vector.shape_cast %get3A_107 : vector<1x24x32xf32> to vector<24x32xf32>
    %get3A_109 = arith.constant 6 : index
    %get3A_110 = arith.constant 0 : index
    %get3A_111 = arith.constant 0 : index
    %get3A_112 = vector.load %arg0[%get3A_109, %get3A_110, %get3A_111] : memref<14x24x32xf32, #tpu.memory_space<vmem>>, vector<1x24x32xf32>
    %get3A_113 = vector.shape_cast %get3A_112 : vector<1x24x32xf32> to vector<24x32xf32>
    %get3A_114 = arith.constant 7 : index
    %get3A_115 = arith.constant 0 : index
    %get3A_116 = arith.constant 0 : index
    %get3A_117 = vector.load %arg0[%get3A_114, %get3A_115, %get3A_116] : memref<14x24x32xf32, #tpu.memory_space<vmem>>, vector<1x24x32xf32>
    %get3A_118 = vector.shape_cast %get3A_117 : vector<1x24x32xf32> to vector<24x32xf32>
    %get3A_119 = arith.constant 8 : index
    %get3A_120 = arith.constant 0 : index
    %get3A_121 = arith.constant 0 : index
    %get3A_122 = vector.load %arg0[%get3A_119, %get3A_120, %get3A_121] : memref<14x24x32xf32, #tpu.memory_space<vmem>>, vector<1x24x32xf32>
    %get3A_123 = vector.shape_cast %get3A_122 : vector<1x24x32xf32> to vector<24x32xf32>
    %get3A_124 = arith.constant 9 : index
    %get3A_125 = arith.constant 0 : index
    %get3A_126 = arith.constant 0 : index
    %get3A_127 = vector.load %arg0[%get3A_124, %get3A_125, %get3A_126] : memref<14x24x32xf32, #tpu.memory_space<vmem>>, vector<1x24x32xf32>
    %get3A_128 = vector.shape_cast %get3A_127 : vector<1x24x32xf32> to vector<24x32xf32>
    %get3A_129 = arith.constant 10 : index
    %get3A_130 = arith.constant 0 : index
    %get3A_131 = arith.constant 0 : index
    %get3A_132 = vector.load %arg0[%get3A_129, %get3A_130, %get3A_131] : memref<14x24x32xf32, #tpu.memory_space<vmem>>, vector<1x24x32xf32>
    %get3A_133 = vector.shape_cast %get3A_132 : vector<1x24x32xf32> to vector<24x32xf32>
    %get3A_134 = arith.constant 11 : index
    %get3A_135 = arith.constant 0 : index
    %get3A_136 = arith.constant 0 : index
    %get3A_137 = vector.load %arg0[%get3A_134, %get3A_135, %get3A_136] : memref<14x24x32xf32, #tpu.memory_space<vmem>>, vector<1x24x32xf32>
    %get3A_138 = vector.shape_cast %get3A_137 : vector<1x24x32xf32> to vector<24x32xf32>
    %get3A_139 = arith.constant 12 : index
    %get3A_140 = arith.constant 0 : index
    %get3A_141 = arith.constant 0 : index
    %get3A_142 = vector.load %arg0[%get3A_139, %get3A_140, %get3A_141] : memref<14x24x32xf32, #tpu.memory_space<vmem>>, vector<1x24x32xf32>
    %get3A_143 = vector.shape_cast %get3A_142 : vector<1x24x32xf32> to vector<24x32xf32>
    %get3A_144 = arith.constant 13 : index
    %get3A_145 = arith.constant 0 : index
    %get3A_146 = arith.constant 0 : index
    %get3A_147 = vector.load %arg0[%get3A_144, %get3A_145, %get3A_146] : memref<14x24x32xf32, #tpu.memory_space<vmem>>, vector<1x24x32xf32>
    %get3A_148 = vector.shape_cast %get3A_147 : vector<1x24x32xf32> to vector<24x32xf32>
    %concatenate3A = tpu.concatenate %get3A_83, %get3A_88, %get3A_93, %get3A_98, %get3A_103, %get3A_108, %get3A_113, %get3A_118, %get3A_123, %get3A_128, %get3A_133, %get3A_138, %get3A_143, %get3A_148 in 1 : vector<24x32xf32>, vector<24x32xf32>, vector<24x32xf32>, vector<24x32xf32>, vector<24x32xf32>, vector<24x32xf32>, vector<24x32xf32>, vector<24x32xf32>, vector<24x32xf32>, vector<24x32xf32>, vector<24x32xf32>, vector<24x32xf32>, vector<24x32xf32>, vector<24x32xf32> -> vector<24x448xf32>
    %get3A_149 = arith.constant 0 : index
    %get3A_150 = arith.constant 0 : index
    %get3A_151 = vector.load %arg2[%get3A_149, %get3A_150] : memref<24x64xf32, #tpu.memory_space<vmem>>, vector<24x64xf32>
    %dot_general3A_152 = arith.constant dense<0.000000e+00> : vector<448x64xf32>
    %dot_general3A_153 = tpu.matmul %concatenate3A, %get3A_151, %dot_general3A_152 {dimension_numbers = #tpu.dot_dimension_numbers<[0], [0], [1], [1], [0, 1, 1, 1], [], []>, transpose_lhs_hint = false} : vector<24x448xf32>, vector<24x64xf32>, vector<448x64xf32> -> vector<448x64xf32>
    %get3A_154 = arith.constant 0 : index
    %get3A_155 = vector.load %arg3[%get3A_154] : memref<64xf32, #tpu.memory_space<vmem>>, vector<64xf32>
    %reshape3A = vector.shape_cast %get3A_155 : vector<64xf32> to vector<1x64xf32>
    %get3A_156 = arith.constant 0 : index
    %get3A_157 = vector.load %arg4[%get3A_156] : memref<64xf32, #tpu.memory_space<vmem>>, vector<64xf32>
    %reshape3A_158 = vector.shape_cast %get3A_157 : vector<64xf32> to vector<1x64xf32>
    %get3A_159 = arith.constant 0 : index
    %get3A_160 = vector.load %arg5[%get3A_159] : memref<64xf32, #tpu.memory_space<vmem>>, vector<64xf32>
    %reshape3A_161 = vector.shape_cast %get3A_160 : vector<64xf32> to vector<1x64xf32>
    %dot_general3A_162 = arith.constant dense<0.000000e+00> : vector<448x1xf32>
    %dot_general3A_163 = tpu.matmul %dot_general3A_153, %reshape3A_158, %dot_general3A_162 {dimension_numbers = #tpu.dot_dimension_numbers<[1], [1], [0], [0], [0, 0, 1, 0], [], []>, transpose_lhs_hint = false} : vector<448x64xf32>, vector<1x64xf32>, vector<448x1xf32> -> vector<448x1xf32>
    %dot_general3A_164 = arith.constant dense<0.000000e+00> : vector<448x1xf32>
    %dot_general3A_165 = tpu.matmul %dot_general3A_153, %reshape3A, %dot_general3A_164 {dimension_numbers = #tpu.dot_dimension_numbers<[1], [1], [0], [0], [0, 0, 1, 0], [], []>, transpose_lhs_hint = false} : vector<448x64xf32>, vector<1x64xf32>, vector<448x1xf32> -> vector<448x1xf32>
    %mul3A = vector.broadcast %dot_general3A_165 : vector<448x1xf32> to vector<448x14xf32>
    %mul3A_166 = arith.mulf %convert_element_type3A_28, %mul3A : vector<448x14xf32>
    %dot_general3A_167 = arith.constant dense<0.000000e+00> : vector<448x14xf32>
    %dot_general3A_168 = tpu.matmul %convert_element_type3A_78, %mul3A_166, %dot_general3A_167 {dimension_numbers = #tpu.dot_dimension_numbers<[1], [0], [0], [1], [0, 0, 1, 1], [], []>, transpose_lhs_hint = false} : vector<448x448xf32>, vector<448x14xf32>, vector<448x14xf32> -> vector<448x14xf32>
    %add3A_169 = vector.broadcast %dot_general3A_163 : vector<448x1xf32> to vector<448x14xf32>
    %add3A_170 = arith.addf %add3A_169, %dot_general3A_168 : vector<448x14xf32>
    %gt3A_171 = arith.constant 0.000000e+00 : f32
    %gt3A_172 = vector.broadcast %gt3A_171 : f32 to vector<448x14xf32>
    %gt3A_173 = arith.cmpf ogt, %add3A_170, %gt3A_172 : vector<448x14xf32>
    %mul3A_174 = arith.constant 2.000000e-01 : f32
    %mul3A_175 = vector.broadcast %mul3A_174 : f32 to vector<448x14xf32>
    %mul3A_176 = arith.mulf %mul3A_175, %add3A_170 : vector<448x14xf32>
    %select_n3A_177 = arith.select %gt3A_173, %add3A_170, %mul3A_176 : vector<448x14xi1>, vector<448x14xf32>
    %jit3A_178 = arith.constant -1.000000e+30 : f32
    %broadcast_in_dim3A = vector.broadcast %jit3A_178 : f32 to vector<448x14xf32>
    %select_n3A_179 = arith.select %gt3A_31, %select_n3A_177, %broadcast_in_dim3A : vector<448x14xi1>, vector<448x14xf32>
    %reduce_max3A = arith.constant dense<0xFF800000> : vector<448xf32>
    %reduce_max3A_180 = vector.multi_reduction <maximumf>, %select_n3A_179, %reduce_max3A [1] : vector<448x14xf32> to vector<448xf32>
    %broadcast_in_dim3A_181 = vector.shape_cast %reduce_max3A_180 : vector<448xf32> to vector<448x1xf32>
    %sub3A_182 = vector.broadcast %broadcast_in_dim3A_181 : vector<448x1xf32> to vector<448x14xf32>
    %sub3A_183 = arith.subf %select_n3A_177, %sub3A_182 : vector<448x14xf32>
    %exp3A = math.exp %sub3A_183 : vector<448x14xf32>
    %jit3A_184 = arith.constant 0.000000e+00 : f32
    %broadcast_in_dim3A_185 = vector.broadcast %jit3A_184 : f32 to vector<448x14xf32>
    %select_n3A_186 = arith.select %gt3A_31, %exp3A, %broadcast_in_dim3A_185 : vector<448x14xi1>, vector<448x14xf32>
    %mul3A_187 = arith.mulf %select_n3A_186, %dot_general3A_29 : vector<448x14xf32>
    %reduce_sum3A = arith.constant dense<0.000000e+00> : vector<448xf32>
    %reduce_sum3A_188 = vector.multi_reduction <add>, %mul3A_187, %reduce_sum3A [1] : vector<448x14xf32> to vector<448xf32>
    %broadcast_in_dim3A_189 = vector.shape_cast %reduce_sum3A_188 : vector<448xf32> to vector<448x1xf32>
    %add3A_190 = arith.constant 1.000000e-16 : f32
    %add3A_191 = vector.broadcast %add3A_190 : f32 to vector<448x1xf32>
    %add3A_192 = arith.addf %broadcast_in_dim3A_189, %add3A_191 : vector<448x1xf32>
    %dot_general3A_193 = arith.constant dense<0.000000e+00> : vector<448x448xf32>
    %dot_general3A_194 = tpu.matmul %mul3A_187, %convert_element_type3A_28, %dot_general3A_193 {dimension_numbers = #tpu.dot_dimension_numbers<[1], [1], [0], [0], [0, 0, 1, 0], [], []>, transpose_lhs_hint = false} : vector<448x14xf32>, vector<448x14xf32>, vector<448x448xf32> -> vector<448x448xf32>
    %mul3A_195 = arith.mulf %dot_general3A_194, %convert_element_type3A_78 : vector<448x448xf32>
    %dot_general3A_196 = arith.constant dense<0.000000e+00> : vector<448x64xf32>
    %dot_general3A_197 = tpu.matmul %mul3A_195, %dot_general3A_153, %dot_general3A_196 {dimension_numbers = #tpu.dot_dimension_numbers<[1], [0], [0], [1], [0, 0, 1, 1], [], []>, transpose_lhs_hint = false} : vector<448x448xf32>, vector<448x64xf32>, vector<448x64xf32> -> vector<448x64xf32>
    %div3A_198 = vector.broadcast %add3A_192 : vector<448x1xf32> to vector<448x64xf32>
    %div3A_199 = arith.divf %dot_general3A_197, %div3A_198 : vector<448x64xf32>
    %add3A_200 = vector.broadcast %reshape3A_161 : vector<1x64xf32> to vector<448x64xf32>
    %add3A_201 = arith.addf %div3A_199, %add3A_200 : vector<448x64xf32>
    %gt3A_202 = arith.constant 0.000000e+00 : f32
    %gt3A_203 = vector.broadcast %gt3A_202 : f32 to vector<448x64xf32>
    %gt3A_204 = arith.cmpf ogt, %add3A_201, %gt3A_203 : vector<448x64xf32>
    %min3A = arith.constant 0.000000e+00 : f32
    %min3A_205 = vector.broadcast %min3A : f32 to vector<448x64xf32>
    %min3A_206 = arith.minimumf %add3A_201, %min3A_205 : vector<448x64xf32>
    %exp3A_207 = math.exp %min3A_206 : vector<448x64xf32>
    %sub3A_208 = arith.constant 1.000000e+00 : f32
    %sub3A_209 = vector.broadcast %sub3A_208 : f32 to vector<448x64xf32>
    %sub3A_210 = arith.subf %exp3A_207, %sub3A_209 : vector<448x64xf32>
    %select_n3A_211 = arith.select %gt3A_204, %add3A_201, %sub3A_210 : vector<448x64xi1>, vector<448x64xf32>
    %get3A_212 = arith.constant 0 : index
    %get3A_213 = arith.constant 0 : index
    %get3A_214 = vector.load %arg6[%get3A_212, %get3A_213] : memref<24x64xf32, #tpu.memory_space<vmem>>, vector<24x64xf32>
    %dot_general3A_215 = arith.constant dense<0.000000e+00> : vector<448x24xf32>
    %dot_general3A_216 = tpu.matmul %select_n3A_211, %get3A_214, %dot_general3A_215 {dimension_numbers = #tpu.dot_dimension_numbers<[1], [1], [0], [0], [0, 0, 1, 0], [], []>, transpose_lhs_hint = false} : vector<448x64xf32>, vector<24x64xf32>, vector<448x24xf32> -> vector<448x24xf32>
    %get3A_217 = arith.constant 0 : index
    %get3A_218 = vector.load %arg7[%get3A_217] : memref<24xf32, #tpu.memory_space<vmem>>, vector<24xf32>
    %reshape3A_219 = vector.shape_cast %get3A_218 : vector<24xf32> to vector<1x24xf32>
    %get3A_220 = arith.constant 0 : index
    %get3A_221 = vector.load %arg8[%get3A_220] : memref<24xf32, #tpu.memory_space<vmem>>, vector<24xf32>
    %reshape3A_222 = vector.shape_cast %get3A_221 : vector<24xf32> to vector<1x24xf32>
    %get3A_223 = arith.constant 0 : index
    %get3A_224 = vector.load %arg9[%get3A_223] : memref<24xf32, #tpu.memory_space<vmem>>, vector<24xf32>
    %reshape3A_225 = vector.shape_cast %get3A_224 : vector<24xf32> to vector<1x24xf32>
    %dot_general3A_226 = arith.constant dense<0.000000e+00> : vector<448x1xf32>
    %dot_general3A_227 = tpu.matmul %dot_general3A_216, %reshape3A_222, %dot_general3A_226 {dimension_numbers = #tpu.dot_dimension_numbers<[1], [1], [0], [0], [0, 0, 1, 0], [], []>, transpose_lhs_hint = false} : vector<448x24xf32>, vector<1x24xf32>, vector<448x1xf32> -> vector<448x1xf32>
    %dot_general3A_228 = arith.constant dense<0.000000e+00> : vector<448x1xf32>
    %dot_general3A_229 = tpu.matmul %dot_general3A_216, %reshape3A_219, %dot_general3A_228 {dimension_numbers = #tpu.dot_dimension_numbers<[1], [1], [0], [0], [0, 0, 1, 0], [], []>, transpose_lhs_hint = false} : vector<448x24xf32>, vector<1x24xf32>, vector<448x1xf32> -> vector<448x1xf32>
    %mul3A_230 = vector.broadcast %dot_general3A_229 : vector<448x1xf32> to vector<448x14xf32>
    %mul3A_231 = arith.mulf %convert_element_type3A_28, %mul3A_230 : vector<448x14xf32>
    %dot_general3A_232 = arith.constant dense<0.000000e+00> : vector<448x14xf32>
    %dot_general3A_233 = tpu.matmul %convert_element_type3A_78, %mul3A_231, %dot_general3A_232 {dimension_numbers = #tpu.dot_dimension_numbers<[1], [0], [0], [1], [0, 0, 1, 1], [], []>, transpose_lhs_hint = false} : vector<448x448xf32>, vector<448x14xf32>, vector<448x14xf32> -> vector<448x14xf32>
    %add3A_234 = vector.broadcast %dot_general3A_227 : vector<448x1xf32> to vector<448x14xf32>
    %add3A_235 = arith.addf %add3A_234, %dot_general3A_233 : vector<448x14xf32>
    %gt3A_236 = arith.constant 0.000000e+00 : f32
    %gt3A_237 = vector.broadcast %gt3A_236 : f32 to vector<448x14xf32>
    %gt3A_238 = arith.cmpf ogt, %add3A_235, %gt3A_237 : vector<448x14xf32>
    %mul3A_239 = arith.constant 2.000000e-01 : f32
    %mul3A_240 = vector.broadcast %mul3A_239 : f32 to vector<448x14xf32>
    %mul3A_241 = arith.mulf %mul3A_240, %add3A_235 : vector<448x14xf32>
    %select_n3A_242 = arith.select %gt3A_238, %add3A_235, %mul3A_241 : vector<448x14xi1>, vector<448x14xf32>
    %jit3A_243 = arith.constant -1.000000e+30 : f32
    %broadcast_in_dim3A_244 = vector.broadcast %jit3A_243 : f32 to vector<448x14xf32>
    %select_n3A_245 = arith.select %gt3A_31, %select_n3A_242, %broadcast_in_dim3A_244 : vector<448x14xi1>, vector<448x14xf32>
    %reduce_max3A_246 = arith.constant dense<0xFF800000> : vector<448xf32>
    %reduce_max3A_247 = vector.multi_reduction <maximumf>, %select_n3A_245, %reduce_max3A_246 [1] : vector<448x14xf32> to vector<448xf32>
    %broadcast_in_dim3A_248 = vector.shape_cast %reduce_max3A_247 : vector<448xf32> to vector<448x1xf32>
    %sub3A_249 = vector.broadcast %broadcast_in_dim3A_248 : vector<448x1xf32> to vector<448x14xf32>
    %sub3A_250 = arith.subf %select_n3A_242, %sub3A_249 : vector<448x14xf32>
    %exp3A_251 = math.exp %sub3A_250 : vector<448x14xf32>
    %jit3A_252 = arith.constant 0.000000e+00 : f32
    %broadcast_in_dim3A_253 = vector.broadcast %jit3A_252 : f32 to vector<448x14xf32>
    %select_n3A_254 = arith.select %gt3A_31, %exp3A_251, %broadcast_in_dim3A_253 : vector<448x14xi1>, vector<448x14xf32>
    %mul3A_255 = arith.mulf %select_n3A_254, %dot_general3A_29 : vector<448x14xf32>
    %reduce_sum3A_256 = arith.constant dense<0.000000e+00> : vector<448xf32>
    %reduce_sum3A_257 = vector.multi_reduction <add>, %mul3A_255, %reduce_sum3A_256 [1] : vector<448x14xf32> to vector<448xf32>
    %broadcast_in_dim3A_258 = vector.shape_cast %reduce_sum3A_257 : vector<448xf32> to vector<448x1xf32>
    %add3A_259 = arith.constant 1.000000e-16 : f32
    %add3A_260 = vector.broadcast %add3A_259 : f32 to vector<448x1xf32>
    %add3A_261 = arith.addf %broadcast_in_dim3A_258, %add3A_260 : vector<448x1xf32>
    %dot_general3A_262 = arith.constant dense<0.000000e+00> : vector<448x448xf32>
    %dot_general3A_263 = tpu.matmul %mul3A_255, %convert_element_type3A_28, %dot_general3A_262 {dimension_numbers = #tpu.dot_dimension_numbers<[1], [1], [0], [0], [0, 0, 1, 0], [], []>, transpose_lhs_hint = false} : vector<448x14xf32>, vector<448x14xf32>, vector<448x448xf32> -> vector<448x448xf32>
    %mul3A_264 = arith.mulf %dot_general3A_263, %convert_element_type3A_78 : vector<448x448xf32>
    %dot_general3A_265 = arith.constant dense<0.000000e+00> : vector<448x24xf32>
    %dot_general3A_266 = tpu.matmul %mul3A_264, %dot_general3A_216, %dot_general3A_265 {dimension_numbers = #tpu.dot_dimension_numbers<[1], [0], [0], [1], [0, 0, 1, 1], [], []>, transpose_lhs_hint = false} : vector<448x448xf32>, vector<448x24xf32>, vector<448x24xf32> -> vector<448x24xf32>
    %div3A_267 = vector.broadcast %add3A_261 : vector<448x1xf32> to vector<448x24xf32>
    %div3A_268 = arith.divf %dot_general3A_266, %div3A_267 : vector<448x24xf32>
    %add3A_269 = vector.broadcast %reshape3A_225 : vector<1x24xf32> to vector<448x24xf32>
    %add3A_270 = arith.addf %div3A_268, %add3A_269 : vector<448x24xf32>
    %concatenate3A_271 = tpu.concatenate %add3A_270, %add3A_270, %add3A_270, %add3A_270, %add3A_270, %add3A_270, %add3A_270, %add3A_270, %add3A_270, %add3A_270, %add3A_270, %add3A_270, %add3A_270, %add3A_270 in 1 : vector<448x24xf32>, vector<448x24xf32>, vector<448x24xf32>, vector<448x24xf32>, vector<448x24xf32>, vector<448x24xf32>, vector<448x24xf32>, vector<448x24xf32>, vector<448x24xf32>, vector<448x24xf32>, vector<448x24xf32>, vector<448x24xf32>, vector<448x24xf32>, vector<448x24xf32> -> vector<448x336xf32>
    %iota3A_272 = tpu.iota {dimensions = array<i32: 1>} : vector<1x336xi32>
    %jit3A_273 = arith.constant 24 : i32
    %div3A_274 = vector.broadcast %jit3A_273 : i32 to vector<1x336xi32>
    %div3A_275 = arith.divsi %iota3A_272, %div3A_274 : vector<1x336xi32>
    %sign3A_276 = arith.constant 0 : i32
    %sign3A_277 = vector.broadcast %sign3A_276 : i32 to vector<1x336xi32>
    %sign3A_278 = arith.cmpi sgt, %iota3A_272, %sign3A_277 : vector<1x336xi32>
    %sign3A_279 = arith.extui %sign3A_278 : vector<1x336xi1> to vector<1x336xi32>
    %sign3A_280 = arith.constant 0 : i32
    %sign3A_281 = vector.broadcast %sign3A_280 : i32 to vector<1x336xi32>
    %sign3A_282 = arith.cmpi slt, %iota3A_272, %sign3A_281 : vector<1x336xi32>
    %sign3A_283 = arith.extui %sign3A_282 : vector<1x336xi1> to vector<1x336xi32>
    %sign3A_284 = arith.subi %sign3A_279, %sign3A_283 : vector<1x336xi32>
    %sign3A_285 = arith.constant 0 : i32
    %sign3A_286 = arith.cmpi sgt, %jit3A_273, %sign3A_285 : i32
    %sign3A_287 = arith.extui %sign3A_286 : i1 to i32
    %sign3A_288 = arith.constant 0 : i32
    %sign3A_289 = arith.cmpi slt, %jit3A_273, %sign3A_288 : i32
    %sign3A_290 = arith.extui %sign3A_289 : i1 to i32
    %sign3A_291 = arith.subi %sign3A_287, %sign3A_290 : i32
    %ne3A_292 = vector.broadcast %sign3A_291 : i32 to vector<1x336xi32>
    %ne3A_293 = arith.cmpi ne, %sign3A_284, %ne3A_292 : vector<1x336xi32>
    %rem3A_294 = vector.broadcast %jit3A_273 : i32 to vector<1x336xi32>
    %rem3A_295 = arith.remsi %iota3A_272, %rem3A_294 : vector<1x336xi32>
    %ne3A_296 = arith.constant 0 : i32
    %ne3A_297 = vector.broadcast %ne3A_296 : i32 to vector<1x336xi32>
    %ne3A_298 = arith.cmpi ne, %rem3A_295, %ne3A_297 : vector<1x336xi32>
    %and3A_299 = arith.andi %ne3A_293, %ne3A_298 : vector<1x336xi1>
    %sub3A_300 = arith.constant 1 : i32
    %sub3A_301 = vector.broadcast %sub3A_300 : i32 to vector<1x336xi32>
    %sub3A_302 = arith.subi %div3A_275, %sub3A_301 : vector<1x336xi32>
    %select_n3A_303 = arith.select %and3A_299, %sub3A_302, %div3A_275 : vector<1x336xi1>, vector<1x336xi32>
    %eq3A_304 = vector.broadcast %select_n3A : vector<448x1xi32> to vector<448x336xi32>
    %eq3A_305 = vector.broadcast %select_n3A_303 : vector<1x336xi32> to vector<448x336xi32>
    %eq3A_306 = arith.cmpi eq, %eq3A_304, %eq3A_305 : vector<448x336xi32>
    %jit3A_307 = arith.constant 0.000000e+00 : f32
    %broadcast_in_dim3A_308 = vector.broadcast %jit3A_307 : f32 to vector<448x336xf32>
    %select_n3A_309 = arith.select %eq3A_306, %concatenate3A_271, %broadcast_in_dim3A_308 : vector<448x336xi1>, vector<448x336xf32>
    %get3A_310 = arith.constant 0 : index
    %get3A_311 = arith.constant 0 : index
    %get3A_312 = arith.constant 0 : index
    %get3A_313 = vector.load %arg10[%get3A_310, %get3A_311, %get3A_312] : memref<14x24x64xf32, #tpu.memory_space<vmem>>, vector<14x24x64xf32>
    %reshape3A_314 = vector.shape_cast %get3A_313 : vector<14x24x64xf32> to vector<336x64xf32>
    %dot_general3A_315 = arith.constant dense<0.000000e+00> : vector<448x64xf32>
    %dot_general3A_316 = tpu.matmul %select_n3A_309, %reshape3A_314, %dot_general3A_315 {dimension_numbers = #tpu.dot_dimension_numbers<[1], [0], [0], [1], [0, 0, 1, 1], [], []>, transpose_lhs_hint = false} : vector<448x336xf32>, vector<336x64xf32>, vector<448x64xf32> -> vector<448x64xf32>
    %get3A_317 = arith.constant 0 : index
    %get3A_318 = arith.constant 0 : index
    %get3A_319 = vector.load %arg11[%get3A_317, %get3A_318] : memref<14x64xf32, #tpu.memory_space<vmem>>, vector<14x64xf32>
    %dot_general3A_320 = arith.constant dense<0.000000e+00> : vector<448x64xf32>
    %dot_general3A_321 = tpu.matmul %convert_element_type3A_28, %get3A_319, %dot_general3A_320 {dimension_numbers = #tpu.dot_dimension_numbers<[1], [0], [0], [1], [0, 0, 1, 1], [], []>, transpose_lhs_hint = false} : vector<448x14xf32>, vector<14x64xf32>, vector<448x64xf32> -> vector<448x64xf32>
    %add3A_322 = arith.addf %dot_general3A_316, %dot_general3A_321 : vector<448x64xf32>
    %max3A = arith.constant 0.000000e+00 : f32
    %max3A_323 = vector.broadcast %max3A : f32 to vector<448x64xf32>
    %max3A_324 = arith.maximumf %add3A_322, %max3A_323 : vector<448x64xf32>
    %concatenate3A_325 = tpu.concatenate %max3A_324, %max3A_324, %max3A_324, %max3A_324, %max3A_324, %max3A_324, %max3A_324, %max3A_324, %max3A_324, %max3A_324, %max3A_324, %max3A_324, %max3A_324, %max3A_324 in 1 : vector<448x64xf32>, vector<448x64xf32>, vector<448x64xf32>, vector<448x64xf32>, vector<448x64xf32>, vector<448x64xf32>, vector<448x64xf32>, vector<448x64xf32>, vector<448x64xf32>, vector<448x64xf32>, vector<448x64xf32>, vector<448x64xf32>, vector<448x64xf32>, vector<448x64xf32> -> vector<448x896xf32>
    %iota3A_326 = tpu.iota {dimensions = array<i32: 1>} : vector<1x896xi32>
    %jit3A_327 = arith.constant 64 : i32
    %div3A_328 = vector.broadcast %jit3A_327 : i32 to vector<1x896xi32>
    %div3A_329 = arith.divsi %iota3A_326, %div3A_328 : vector<1x896xi32>
    %sign3A_330 = arith.constant 0 : i32
    %sign3A_331 = vector.broadcast %sign3A_330 : i32 to vector<1x896xi32>
    %sign3A_332 = arith.cmpi sgt, %iota3A_326, %sign3A_331 : vector<1x896xi32>
    %sign3A_333 = arith.extui %sign3A_332 : vector<1x896xi1> to vector<1x896xi32>
    %sign3A_334 = arith.constant 0 : i32
    %sign3A_335 = vector.broadcast %sign3A_334 : i32 to vector<1x896xi32>
    %sign3A_336 = arith.cmpi slt, %iota3A_326, %sign3A_335 : vector<1x896xi32>
    %sign3A_337 = arith.extui %sign3A_336 : vector<1x896xi1> to vector<1x896xi32>
    %sign3A_338 = arith.subi %sign3A_333, %sign3A_337 : vector<1x896xi32>
    %sign3A_339 = arith.constant 0 : i32
    %sign3A_340 = arith.cmpi sgt, %jit3A_327, %sign3A_339 : i32
    %sign3A_341 = arith.extui %sign3A_340 : i1 to i32
    %sign3A_342 = arith.constant 0 : i32
    %sign3A_343 = arith.cmpi slt, %jit3A_327, %sign3A_342 : i32
    %sign3A_344 = arith.extui %sign3A_343 : i1 to i32
    %sign3A_345 = arith.subi %sign3A_341, %sign3A_344 : i32
    %ne3A_346 = vector.broadcast %sign3A_345 : i32 to vector<1x896xi32>
    %ne3A_347 = arith.cmpi ne, %sign3A_338, %ne3A_346 : vector<1x896xi32>
    %rem3A_348 = vector.broadcast %jit3A_327 : i32 to vector<1x896xi32>
    %rem3A_349 = arith.remsi %iota3A_326, %rem3A_348 : vector<1x896xi32>
    %ne3A_350 = arith.constant 0 : i32
    %ne3A_351 = vector.broadcast %ne3A_350 : i32 to vector<1x896xi32>
    %ne3A_352 = arith.cmpi ne, %rem3A_349, %ne3A_351 : vector<1x896xi32>
    %and3A_353 = arith.andi %ne3A_347, %ne3A_352 : vector<1x896xi1>
    %sub3A_354 = arith.constant 1 : i32
    %sub3A_355 = vector.broadcast %sub3A_354 : i32 to vector<1x896xi32>
    %sub3A_356 = arith.subi %div3A_329, %sub3A_355 : vector<1x896xi32>
    %select_n3A_357 = arith.select %and3A_353, %sub3A_356, %div3A_329 : vector<1x896xi1>, vector<1x896xi32>
    %eq3A_358 = vector.broadcast %select_n3A : vector<448x1xi32> to vector<448x896xi32>
    %eq3A_359 = vector.broadcast %select_n3A_357 : vector<1x896xi32> to vector<448x896xi32>
    %eq3A_360 = arith.cmpi eq, %eq3A_358, %eq3A_359 : vector<448x896xi32>
    %jit3A_361 = arith.constant 0.000000e+00 : f32
    %broadcast_in_dim3A_362 = vector.broadcast %jit3A_361 : f32 to vector<448x896xf32>
    %select_n3A_363 = arith.select %eq3A_360, %concatenate3A_325, %broadcast_in_dim3A_362 : vector<448x896xi1>, vector<448x896xf32>
    %get3A_364 = arith.constant 0 : index
    %get3A_365 = arith.constant 0 : index
    %get3A_366 = arith.constant 0 : index
    %get3A_367 = vector.load %arg12[%get3A_364, %get3A_365, %get3A_366] : memref<14x24x64xf32, #tpu.memory_space<vmem>>, vector<1x24x64xf32>
    %get3A_368 = vector.shape_cast %get3A_367 : vector<1x24x64xf32> to vector<24x64xf32>
    %get3A_369 = arith.constant 1 : index
    %get3A_370 = arith.constant 0 : index
    %get3A_371 = arith.constant 0 : index
    %get3A_372 = vector.load %arg12[%get3A_369, %get3A_370, %get3A_371] : memref<14x24x64xf32, #tpu.memory_space<vmem>>, vector<1x24x64xf32>
    %get3A_373 = vector.shape_cast %get3A_372 : vector<1x24x64xf32> to vector<24x64xf32>
    %get3A_374 = arith.constant 2 : index
    %get3A_375 = arith.constant 0 : index
    %get3A_376 = arith.constant 0 : index
    %get3A_377 = vector.load %arg12[%get3A_374, %get3A_375, %get3A_376] : memref<14x24x64xf32, #tpu.memory_space<vmem>>, vector<1x24x64xf32>
    %get3A_378 = vector.shape_cast %get3A_377 : vector<1x24x64xf32> to vector<24x64xf32>
    %get3A_379 = arith.constant 3 : index
    %get3A_380 = arith.constant 0 : index
    %get3A_381 = arith.constant 0 : index
    %get3A_382 = vector.load %arg12[%get3A_379, %get3A_380, %get3A_381] : memref<14x24x64xf32, #tpu.memory_space<vmem>>, vector<1x24x64xf32>
    %get3A_383 = vector.shape_cast %get3A_382 : vector<1x24x64xf32> to vector<24x64xf32>
    %get3A_384 = arith.constant 4 : index
    %get3A_385 = arith.constant 0 : index
    %get3A_386 = arith.constant 0 : index
    %get3A_387 = vector.load %arg12[%get3A_384, %get3A_385, %get3A_386] : memref<14x24x64xf32, #tpu.memory_space<vmem>>, vector<1x24x64xf32>
    %get3A_388 = vector.shape_cast %get3A_387 : vector<1x24x64xf32> to vector<24x64xf32>
    %get3A_389 = arith.constant 5 : index
    %get3A_390 = arith.constant 0 : index
    %get3A_391 = arith.constant 0 : index
    %get3A_392 = vector.load %arg12[%get3A_389, %get3A_390, %get3A_391] : memref<14x24x64xf32, #tpu.memory_space<vmem>>, vector<1x24x64xf32>
    %get3A_393 = vector.shape_cast %get3A_392 : vector<1x24x64xf32> to vector<24x64xf32>
    %get3A_394 = arith.constant 6 : index
    %get3A_395 = arith.constant 0 : index
    %get3A_396 = arith.constant 0 : index
    %get3A_397 = vector.load %arg12[%get3A_394, %get3A_395, %get3A_396] : memref<14x24x64xf32, #tpu.memory_space<vmem>>, vector<1x24x64xf32>
    %get3A_398 = vector.shape_cast %get3A_397 : vector<1x24x64xf32> to vector<24x64xf32>
    %get3A_399 = arith.constant 7 : index
    %get3A_400 = arith.constant 0 : index
    %get3A_401 = arith.constant 0 : index
    %get3A_402 = vector.load %arg12[%get3A_399, %get3A_400, %get3A_401] : memref<14x24x64xf32, #tpu.memory_space<vmem>>, vector<1x24x64xf32>
    %get3A_403 = vector.shape_cast %get3A_402 : vector<1x24x64xf32> to vector<24x64xf32>
    %get3A_404 = arith.constant 8 : index
    %get3A_405 = arith.constant 0 : index
    %get3A_406 = arith.constant 0 : index
    %get3A_407 = vector.load %arg12[%get3A_404, %get3A_405, %get3A_406] : memref<14x24x64xf32, #tpu.memory_space<vmem>>, vector<1x24x64xf32>
    %get3A_408 = vector.shape_cast %get3A_407 : vector<1x24x64xf32> to vector<24x64xf32>
    %get3A_409 = arith.constant 9 : index
    %get3A_410 = arith.constant 0 : index
    %get3A_411 = arith.constant 0 : index
    %get3A_412 = vector.load %arg12[%get3A_409, %get3A_410, %get3A_411] : memref<14x24x64xf32, #tpu.memory_space<vmem>>, vector<1x24x64xf32>
    %get3A_413 = vector.shape_cast %get3A_412 : vector<1x24x64xf32> to vector<24x64xf32>
    %get3A_414 = arith.constant 10 : index
    %get3A_415 = arith.constant 0 : index
    %get3A_416 = arith.constant 0 : index
    %get3A_417 = vector.load %arg12[%get3A_414, %get3A_415, %get3A_416] : memref<14x24x64xf32, #tpu.memory_space<vmem>>, vector<1x24x64xf32>
    %get3A_418 = vector.shape_cast %get3A_417 : vector<1x24x64xf32> to vector<24x64xf32>
    %get3A_419 = arith.constant 11 : index
    %get3A_420 = arith.constant 0 : index
    %get3A_421 = arith.constant 0 : index
    %get3A_422 = vector.load %arg12[%get3A_419, %get3A_420, %get3A_421] : memref<14x24x64xf32, #tpu.memory_space<vmem>>, vector<1x24x64xf32>
    %get3A_423 = vector.shape_cast %get3A_422 : vector<1x24x64xf32> to vector<24x64xf32>
    %get3A_424 = arith.constant 12 : index
    %get3A_425 = arith.constant 0 : index
    %get3A_426 = arith.constant 0 : index
    %get3A_427 = vector.load %arg12[%get3A_424, %get3A_425, %get3A_426] : memref<14x24x64xf32, #tpu.memory_space<vmem>>, vector<1x24x64xf32>
    %get3A_428 = vector.shape_cast %get3A_427 : vector<1x24x64xf32> to vector<24x64xf32>
    %get3A_429 = arith.constant 13 : index
    %get3A_430 = arith.constant 0 : index
    %get3A_431 = arith.constant 0 : index
    %get3A_432 = vector.load %arg12[%get3A_429, %get3A_430, %get3A_431] : memref<14x24x64xf32, #tpu.memory_space<vmem>>, vector<1x24x64xf32>
    %get3A_433 = vector.shape_cast %get3A_432 : vector<1x24x64xf32> to vector<24x64xf32>
    %concatenate3A_434 = tpu.concatenate %get3A_368, %get3A_373, %get3A_378, %get3A_383, %get3A_388, %get3A_393, %get3A_398, %get3A_403, %get3A_408, %get3A_413, %get3A_418, %get3A_423, %get3A_428, %get3A_433 in 1 : vector<24x64xf32>, vector<24x64xf32>, vector<24x64xf32>, vector<24x64xf32>, vector<24x64xf32>, vector<24x64xf32>, vector<24x64xf32>, vector<24x64xf32>, vector<24x64xf32>, vector<24x64xf32>, vector<24x64xf32>, vector<24x64xf32>, vector<24x64xf32>, vector<24x64xf32> -> vector<24x896xf32>
    %dot_general3A_435 = arith.constant dense<0.000000e+00> : vector<448x24xf32>
    %dot_general3A_436 = tpu.matmul %select_n3A_363, %concatenate3A_434, %dot_general3A_435 {dimension_numbers = #tpu.dot_dimension_numbers<[1], [1], [0], [0], [0, 0, 1, 0], [], []>, transpose_lhs_hint = false} : vector<448x896xf32>, vector<24x896xf32>, vector<448x24xf32> -> vector<448x24xf32>
    %get3A_437 = arith.constant 0 : index
    %get3A_438 = arith.constant 0 : index
    %get3A_439 = vector.load %arg13[%get3A_437, %get3A_438] : memref<14x24xf32, #tpu.memory_space<vmem>>, vector<14x24xf32>
    %dot_general3A_440 = arith.constant dense<0.000000e+00> : vector<448x24xf32>
    %dot_general3A_441 = tpu.matmul %convert_element_type3A_28, %get3A_439, %dot_general3A_440 {dimension_numbers = #tpu.dot_dimension_numbers<[1], [0], [0], [1], [0, 0, 1, 1], [], []>, transpose_lhs_hint = false} : vector<448x14xf32>, vector<14x24xf32>, vector<448x24xf32> -> vector<448x24xf32>
    %add3A_442 = arith.addf %dot_general3A_436, %dot_general3A_441 : vector<448x24xf32>
    %eq3A_443 = vector.broadcast %iota3A_2 : vector<1x448xi32> to vector<448x448xi32>
    %eq3A_444 = vector.broadcast %iota3A : vector<448x1xi32> to vector<448x448xi32>
    %eq3A_445 = arith.cmpi eq, %eq3A_443, %eq3A_444 : vector<448x448xi32>
    %convert_element_type3A_446 = arith.extui %eq3A_445 : vector<448x448xi1> to vector<448x448xi32>
    %convert_element_type3A_447 = arith.sitofp %convert_element_type3A_446 : vector<448x448xi32> to vector<448x448xf32>
    %dot_general3A_448 = arith.constant dense<0.000000e+00> : vector<24x448xf32>
    %dot_general3A_449 = tpu.matmul %add3A_442, %convert_element_type3A_447, %dot_general3A_448 {dimension_numbers = #tpu.dot_dimension_numbers<[0], [0], [1], [1], [0, 1, 1, 1], [], []>, transpose_lhs_hint = false} : vector<448x24xf32>, vector<448x448xf32>, vector<24x448xf32> -> vector<24x448xf32>
    %slice3A = vector.extract_strided_slice %dot_general3A_449 {offsets = [0, 0], sizes = [24, 32], strides = [1, 1]} : vector<24x448xf32> to vector<24x32xf32>
    %slice3A_450 = vector.extract_strided_slice %dot_general3A_449 {offsets = [0, 32], sizes = [24, 32], strides = [1, 1]} : vector<24x448xf32> to vector<24x32xf32>
    %slice3A_451 = vector.extract_strided_slice %dot_general3A_449 {offsets = [0, 64], sizes = [24, 32], strides = [1, 1]} : vector<24x448xf32> to vector<24x32xf32>
    %slice3A_452 = vector.extract_strided_slice %dot_general3A_449 {offsets = [0, 96], sizes = [24, 32], strides = [1, 1]} : vector<24x448xf32> to vector<24x32xf32>
    %slice3A_453 = vector.extract_strided_slice %dot_general3A_449 {offsets = [0, 128], sizes = [24, 32], strides = [1, 1]} : vector<24x448xf32> to vector<24x32xf32>
    %slice3A_454 = vector.extract_strided_slice %dot_general3A_449 {offsets = [0, 160], sizes = [24, 32], strides = [1, 1]} : vector<24x448xf32> to vector<24x32xf32>
    %slice3A_455 = vector.extract_strided_slice %dot_general3A_449 {offsets = [0, 192], sizes = [24, 32], strides = [1, 1]} : vector<24x448xf32> to vector<24x32xf32>
    %slice3A_456 = vector.extract_strided_slice %dot_general3A_449 {offsets = [0, 224], sizes = [24, 32], strides = [1, 1]} : vector<24x448xf32> to vector<24x32xf32>
    %slice3A_457 = vector.extract_strided_slice %dot_general3A_449 {offsets = [0, 256], sizes = [24, 32], strides = [1, 1]} : vector<24x448xf32> to vector<24x32xf32>
    %slice3A_458 = vector.extract_strided_slice %dot_general3A_449 {offsets = [0, 288], sizes = [24, 32], strides = [1, 1]} : vector<24x448xf32> to vector<24x32xf32>
    %slice3A_459 = vector.extract_strided_slice %dot_general3A_449 {offsets = [0, 320], sizes = [24, 32], strides = [1, 1]} : vector<24x448xf32> to vector<24x32xf32>
    %slice3A_460 = vector.extract_strided_slice %dot_general3A_449 {offsets = [0, 352], sizes = [24, 32], strides = [1, 1]} : vector<24x448xf32> to vector<24x32xf32>
    %slice3A_461 = vector.extract_strided_slice %dot_general3A_449 {offsets = [0, 384], sizes = [24, 32], strides = [1, 1]} : vector<24x448xf32> to vector<24x32xf32>
    %slice3A_462 = vector.extract_strided_slice %dot_general3A_449 {offsets = [0, 416], sizes = [24, 32], strides = [1, 1]} : vector<24x448xf32> to vector<24x32xf32>
    %concatenate3A_463 = tpu.concatenate %slice3A, %slice3A_450, %slice3A_451, %slice3A_452, %slice3A_453, %slice3A_454, %slice3A_455, %slice3A_456, %slice3A_457, %slice3A_458, %slice3A_459, %slice3A_460, %slice3A_461, %slice3A_462 in 0 : vector<24x32xf32>, vector<24x32xf32>, vector<24x32xf32>, vector<24x32xf32>, vector<24x32xf32>, vector<24x32xf32>, vector<24x32xf32>, vector<24x32xf32>, vector<24x32xf32>, vector<24x32xf32>, vector<24x32xf32>, vector<24x32xf32>, vector<24x32xf32>, vector<24x32xf32> -> vector<336x32xf32>
    %reshape3A_464 = vector.shape_cast %concatenate3A_463 : vector<336x32xf32> to vector<14x24x32xf32>
    %swap3A = arith.constant 0 : index
    %swap3A_465 = arith.constant 0 : index
    %swap3A_466 = arith.constant 0 : index
    %swap3A_467 = vector.load %arg14[%swap3A, %swap3A_465, %swap3A_466] : memref<14x24x32xf32, #tpu.memory_space<vmem>>, vector<14x24x32xf32>
    tpu.vector_store %arg14[%swap3A, %swap3A_465, %swap3A_466], %reshape3A_464 {strides = array<i32>} : memref<14x24x32xf32, #tpu.memory_space<vmem>>, vector<14x24x32xf32>,
    return
  }
}

</mosaic_0001>

<sc_bundles>
// kernel: kernel.4.cloned.1.call-start
scs
__scs_entry_jumppad:
0x0: {  	(pc) =	sbr.rel $0x88, $3  }
0x1: {  	(tag) =	ssettag $0x0;
	lr =	simm.s32 $0x1  }
0x2: {  	[smem:$0x3F93] =	sst lr;
	_ =	strace $0xD0000000  }
0x3: {  	_ = 	snop  }
0x4: {  	_ = 	snop  }
0x5: {  	_ = 	snop  }
0x6: {  	_ = 	snop  }
0x7: {  	_ = 	snop  }
__scs_overlays_trampoline_lowered:
0x8: {  	[smem:$0x3FA2] =	sst s0  }
0x9: {  	[smem:$0x3FA3] =	sst s1  }
0xa: {  	[smem:$0x3FA4] =	sst s2  }
0xb: {  	[smem:$0x3FA5] =	sst s3  }
0xc: {  	[smem:$0x3FA6] =	sst s4  }
0xd: {  	[smem:$0x3FA7] =	sst s5  }
0xe: {  	[smem:$0x3FA8] =	sst s6  }
0xf: {  	[smem:$0x3FA9] =	sst s7  }
0x10: {  	[smem:$0x3FAA] =	sst s8  }
0x11: {  	[smem:$0x3FAB] =	sst s9;
	s0 =	simm.s32 @!p0 $0x0  }
0x12: {  	s1 =	sld [smem:$0x3F91];
	s0 =	simm.s32 @p0 $0x1  }
0x13: {  	[smem:$0x3FAC] =	sst s0;
	s0 =	simm.s32 @!p1 $0x0  }
0x14: {  	s2 =	sld [smem:$0x3F90];
	s0 =	simm.s32 @p1 $0x1  }
0x15: {  	[smem:$0x3FAD] =	sst s0;
	s0 =	simm.s32 @!p2 $0x0  }
0x16: {  	s3 =	sld [smem:$0x3FDB];
	s0 =	simm.s32 @p2 $0x1  }
0x17: {  	s4 =	simm.s32 $0x1BF5;
	[smem:$0x3FAF] =	sst s0  }
0x18: {  	s0 =	sld [smem:$0x3F92];
	_ =	swait.ge [sflag:s4], $0x0  }
0x19: {  	s7 =	sld [smem:$0x3F93]  }
0x1a: {  	s8 =	sadd.s32 $0xFFFFE003, lr  }
0x1b: {  	s9 =	sadd.s32 $0xFFFFFEF7, lr;
	s5 =	simm.s32 $0xFFFFFFFF;
	p2 =	slt.u32 s8, $0xFFFFF086  }
0x1c: {  	p1 =	slt.u32 s9, $0xF7A;
	s5 =	simm.s32 @!p2 $0x0  }
0x1d: {  	s5 =	simm.s32 @p1 $0x1;
	p0 =	seq.s32 s7, s2  }
0x1e: {  	s7 =	smul.u32 @!p0 $0xF7A, s2;
	p2 =	seq.s32 @!p0 s5, $0x0  }
0x1f: {  	s9 =	smul.u32 $0xF7A, s1;
	s8 =	simm.s32 @!p0 $0x1BF5;
	p2 =	por !p2, p0  }
0x20: {  	[sflag:s8] =	ssyncset.s32 @!p0 $0xFFFFF086;
	s6 =	sadd.s32 @!p0 s3, s7;
	s7 =	simm.s32 @!p0 $0x108  }
0x21: {  	s3 =	sadd.s32 s3, s9;
	s6 =	sadd.s32 @!p0 $0x88, s6;
	s7 =	simm.s32 @p2 $0x1082  }
0x22: {  	[simem:s7], [sflag:s8] =	dma.local @!p0 [hbm:s6], $0xF7A  }
0x23: {  	s9 =	sor.u32 $0xD0000000, s2;
	s6 =	simm.s32 $0x108;
	_ =	swait.ge @!p0 [sflag:s8], $0x0  }
0x24: {  	s3 =	sadd.s32 $0x88, s3;
	s6 =	simm.s32 @!p1 $0x1082;
	[sflag:s4] =	ssyncset.s32 $0xFFFFF086  }
0x25: {  	[simem:s6], [sflag:s4] =	dma.local [hbm:s3], $0xF7A  }
0x26: {  	[smem:$0x3F93] =	sst s1;
	(tag) =	ssettag s2;
	_ =	strace s9  }
0x27: {  	s1 =	sld [smem:$0x3FA3]  }
0x28: {  	s2 =	sld [smem:$0x3FA4]  }
0x29: {  	s4 =	sld [smem:$0x3FA6]  }
0x2a: {  	p0 =	seq.s32 s5, $0x0;
	s5 =	sld [smem:$0x3FA7]  }
0x2b: {  	s6 =	sld [smem:$0x3FA8]  }
0x2c: {  	s7 =	sld [smem:$0x3FA9]  }
0x2d: {  	s3 =	simm.s32 $0x108;
	s8 =	sld [smem:$0x3FAA]  }
0x2e: {  	s3 =	simm.s32 @!p0 $0x1082;
	s9 =	sld [smem:$0x3FAB]  }
0x2f: {  	lr =	sadd.s32 s0, s3;
	s0 =	sld [smem:$0x3FA2]  }
0x30: {  	s3 =	sld [smem:$0x3FA5]  }
0x31: {  	[smem:$0x3FAE] =	sst s10  }
0x32: {  	s10 =	sld [smem:$0x3FAC];
	_ =	sdelay $0x3  }
0x33: {  	p0 =	seq.s32 s10, $0x1;
	s10 =	sld [smem:$0x3FAE];
	_ =	sdelay $0x3  }
0x34: {  	[smem:$0x3FAE] =	sst s10  }
0x35: {  	s10 =	sld [smem:$0x3FAD];
	_ =	sdelay $0x3  }
0x36: {  	p1 =	seq.s32 s10, $0x1;
	s10 =	sld [smem:$0x3FAE];
	_ =	sdelay $0x3  }
0x37: {  	[smem:$0x3FAE] =	sst s10  }
0x38: {  	s10 =	sld [smem:$0x3FAF]  }
0x39: {  	_ = 	snop;
	(pc) =	sbr.ind lr, $3  }
0x3a: {  	_ = 	snop  }
0x3b: {  	_ = 	snop  }
0x3c: {  	p2 =	seq.s32 s10, $0x1;
	s10 =	sld [smem:$0x3FAE]  }
0x3d: {  	_ =	shalt  }
0x3e: {  	_ =	shalt  }
0x3f: {  	_ =	shalt  }
0x40: {  	_ =	shalt  }
0x41: {  	_ =	shalt  }
0x42: {  	_ =	shalt  }
0x43: {  	_ =	shalt  }
0x44: {  	_ =	shalt  }
0x45: {  	_ =	shalt  }
0x46: {  	_ =	shalt  }
0x47: {  	_ =	shalt  }
0x48: {  	_ =	shalt  }
0x49: {  	_ =	shalt  }
0x4a: {  	_ =	shalt  }
0x4b: {  	_ =	shalt  }
0x4c: {  	_ =	shalt  }
0x4d: {  	_ =	shalt  }
0x4e: {  	_ =	shalt  }
0x4f: {  	_ =	shalt  }
0x50: {  	_ =	shalt  }
0x51: {  	_ =	shalt  }
0x52: {  	_ =	shalt  }
0x53: {  	_ =	shalt  }
0x54: {  	_ =	shalt  }
0x55: {  	_ =	shalt  }
0x56: {  	_ =	shalt  }
0x57: {  	_ =	shalt  }
0x58: {  	_ =	shalt  }
0x59: {  	_ =	shalt  }
0x5a: {  	_ =	shalt  }
0x5b: {  	_ =	shalt  }
0x5c: {  	_ =	shalt  }
0x5d: {  	_ =	shalt  }
0x5e: {  	_ =	shalt  }
0x5f: {  	_ =	shalt  }
0x60: {  	_ =	shalt  }
0x61: {  	_ =	shalt  }
0x62: {  	_ =	shalt  }
0x63: {  	_ =	shalt  }
0x64: {  	_ =	shalt  }
0x65: {  	_ =	shalt  }
0x66: {  	_ =	shalt  }
0x67: {  	_ =	shalt  }
0x68: {  	_ =	shalt  }
0x69: {  	_ =	shalt  }
0x6a: {  	_ =	shalt  }
0x6b: {  	_ =	shalt  }
0x6c: {  	_ =	shalt  }
0x6d: {  	_ =	shalt  }
0x6e: {  	_ =	shalt  }
0x6f: {  	_ =	shalt  }
0x70: {  	_ =	shalt  }
0x71: {  	_ =	shalt  }
0x72: {  	_ =	shalt  }
0x73: {  	_ =	shalt  }
0x74: {  	_ =	shalt  }
0x75: {  	_ =	shalt  }
0x76: {  	_ =	shalt  }
0x77: {  	_ =	shalt  }
0x78: {  	_ =	shalt  }
0x79: {  	_ =	shalt  }
0x7a: {  	_ =	shalt  }
0x7b: {  	_ =	shalt  }
0x7c: {  	_ =	shalt  }
0x7d: {  	_ =	shalt  }
0x7e: {  	_ =	shalt  }
0x7f: {  	_ =	shalt  }
0x80: {  	_ =	shalt  }
0x81: {  	_ =	shalt  }
0x82: {  	_ =	shalt  }
0x83: {  	_ =	shalt  }
0x84: {  	_ =	shalt  }
0x85: {  	_ =	shalt  }
0x86: {  	_ =	shalt  }
0x87: {  	_ =	shalt  }
.Lfunc_end0:
.L_simem_size_0:
called_computation_lowered:
.L_overlay_start_0:
0x88: {  	s2 =	sld [smem:$0x3FD9]  }
0x89: {  	s3 =	sld [smem:$0x3FFE];
	_ =	sdelay $0x1  }
0x8a: {  	s1 =	srdreg.scid  }
0x8b: {  	s0 =	sand.u32 $0x1, s1  }
0x8c: {  	s18 =	sshll.u32 s0, $0xA;
	s2 =	sadd.s32 s3, s2  }
0x8d: {  	s2 =	sadd.s32 s2, s18  }
0x8e: {  	[smem:$0x3FBA] =	sst s2  }
0x8f: {  	_ = 	snop  }
0x90: {  	s2 =	sld [smem:$0x3FC8]  }
0x91: {  	s19 =	sld [smem:$0x3FD0];
	(tm) =	ssettm $0x1  }
0x92: {  	s4 =	sld [smem:$0x3FFB];
	_ =	sdelay $0x3  }
0x93: {  	_ =	strace s4  }
0x94: {  	s4 =	sld [smem:$0x3FFC];
	_ =	sdelay $0x3  }
0x95: {  	_ =	strace s4  }
0x96: {  	s4 =	sld [smem:$0x3FFD];
	_ =	sdelay $0x3  }
0x97: {  	_ =	strace s4  }
0x98: {  	_ =	strace $0x8FFFFFFF  }
0x99: {  	s20 =	sld [smem:$0x3FDB];
	_ =	sdelay $0x1  }
0x9a: {  	s5 =	simm.s32 $_scs_section_size  }
0x9b: {  	s6 =	simm.s32 $_size__tile_overlayer_lowered;
	s7 =	simm.s32 $_tile_overlayer_lowered  }
0x9c: {  	s23 =	simm.s32 $0x1BFF;
	s22 =	sshll.u32 s7, $0x1;
	s4 =	sadd.s32 s5, s20  }
0x9d: {  	s8 =	simm.s32 $0x0;
	s21 =	sshll.u32 s6, $0x1;
	s6 =	sadd.s32 s22, s4  }
0x9e: {  	[timem:s8], [sflag:s23] =	dma.local [hbm:s6], s21  }
0x9f: {  	_ =	swait.ge [sflag:s23], s21  }
0xa0: {  	s5 =	ssub.s32 $0x0, s21;
	[sflag:s23] =	ssyncset.done $0x0  }
0xa1: {  	[sflag:s23] =	ssyncadd.s32 s5;
	_ =	sdelay $0x1  }
0xa2: {  	s24 =	simm.s32 $0x1B8B  }
0xa3: {  	_ =	swait.ge [sflag:s24], $0x1  }
0xa4: {  	[sflag:s24] =	ssyncset.done $0x0  }
0xa5: {  	s25 =	simm.s32 $0x1B8E;
	[sflag:s24] =	ssyncadd.s32 $0xFFFFFFFF  }
0xa6: {  	s26 =	simm.s32 $execute0_lowered;
	[smem:$0x3FD2] =	sst s25  }
0xa7: {  	s5 =	sshll.u32 s26, $0x1;
	_ =	strace $0x80000046;
	[dreg:$0x1] =	wrdreg $0xFFFFFFFF  }
0xa8: {  	s28 =	simm.s32 $_size_execute0_lowered;
	s4 =	sadd.s32 s4, s5;
	[dreg:$0x0] =	wrdreg $0x0  }
0xa9: {  	s5 =	sshll.u32 s28, $0x1;
	[dreg:$0x2] =	wrdreg s4  }
0xaa: {  	[dreg:$0x3] =	wrdreg s5  }
0xab: {  	[dreg:$0x4] =	wrdreg $0xC0  }
0xac: {  	_ =	task [dreg:s8], $0x5FFFF  }
0xad: {  	[dreg:$0x1] =	wrdreg $0xFFFFFFFF  }
0xae: {  	[dreg:$0x0] =	wrdreg $0x60  }
0xaf: {  	[dreg:$0x2] =	wrdreg s2  }
0xb0: {  	[dreg:$0x3] =	wrdreg s19  }
0xb1: {  	[dreg:$0x4] =	wrdreg $0x9  }
0xb2: {  	_ =	task.clear_ibuf [dreg:s8], $0x5FFFF;
	_ =	strace $0x90000046  }
0xb3: {  	s29 =	simm.s32 $0x9;
	_ =	strace $0x80000048  }
0xb4: {  	_ =	swait.ge [sflag:s29], $0x1  }
0xb5: {  	[sflag:s29] =	ssyncadd.s32 $0xFFFFFFFF  }
0xb6: {  	_ =	strace $0x90000048  }
0xb7: {  	_ =	sfence  }
0xb8: {  	s30 =	sld [smem:$0x0];
	_ =	sdelay $0x2  }
0xb9: {  	s31 =	sshll.u32 s1, $0xD;
	s1 =	sshrl.u32 s1, $0x2  }
0xba: {  	s3 =	sand.u32 $0x4000, s31;
	s1 =	sadd.s32 s1, s30  }
0xbb: {  	s0 =	sor.u32 s3, s0;
	s1 =	sshll.u32 s1, $0x11  }
0xbc: {  	s0 =	sor.u32 s1, s0  }
0xbd: {  	s0 =	sadd.s32 $0x8F2B, s0  }
0xbe: {  	[sflag:s0] =	ssyncadd.remote.s32 $0x1  }
0xbf: {  	_ =	sfence.sel $0xFFFF  }
0xc0: {  	[dreg:$0x0] =	wrdreg $0xFFFFFFFF;
	(pc) =	sbr.abs _section_cstart, $3  }
0xc1: {  	[dreg:$0x1] =	wrdreg $0xFFFFFFFF  }
0xc2: {  	_ =	task.clear_ibuf [dreg:s8], $0x2FFFF;
	_ =	strace $0x9FFFFFFF  }
0xc3: {  	(tm) =	ssettm $0x7FFFFFFF  }
tec
execute0_lowered:
.L_overlay_start_1:
0x0: {  	(tag) =	ssettag $0x1  }
0x1: {  	s0 =	rddreg [dreg:$0x0];
	s31 =	srdreg.scid  }
0x2: {  	[dreg:$0x3] =	wrdreg s0;
	s2 =	sand.u32 $0x1, s31;
	s0 =	stileid.u32  }
0x3: {  	s3 =	sor.u32 s0, s2  }
0x4: {  	p0 =	sne.s32 s3, $0x0  }
.Ltmp0:
0x5: {  	_ = 	snop;
	(pc) =	sbr.rel @p0 .LBB2_3-.Ltmp0, $4  }
0x6: {  	_ = 	snop  }
0x7: {  	s1 =	rddreg [dreg:$0x1]  }
0x8: {  	[dreg:$0x4] =	wrdreg s1  }
0x9: {  	s1 =	rddreg [dreg:$0x2];
	_ =	strace $0x80000047  }
0xa: {  	vm0 =	vcmask $0x300;
	v0 =	vimm.f32 $0.0e+00;
	vm1 =	vcmask $0x704  }
0xb: {  	vm4 =	vcmask $0xB08;
	vm5 =	vcmask $0xF0C;
	vm6 =	vcmask $0x1310  }
0xc: {  	vm7 =	vcmask $0x1714;
	vm8 =	vcmask $0x1B18;
	vm9 =	vcmask $0x1F1C  }
0xd: {  	vm10 =	vcmask $0x2320;
	vm11 =	vcmask $0x2724;
	vm12 =	vcmask $0x2B28  }
0xe: {  	vm13 =	vcmask $0x2F2C;
	vm14 =	vcmask $0x3330;
	vm15 =	vcmask $0x3734  }
0xf: {  	v15 =	vlaneseq.u32;
	v1 =	vsel vm0, $0x3F800000, v0;
	v2 =	vsel vm1, $0x3F800000, v0  }
0x10: {  	v3 =	vsel vm4, $0x3F800000, v0;
	v4 =	vsel vm5, $0x3F800000, v0;
	v5 =	vsel vm6, $0x3F800000, v0  }
0x11: {  	s2 =	ssub.s32 $0x2, s2;
	v6 =	vsel vm7, $0x3F800000, v0;
	v7 =	vsel vm8, $0x3F800000, v0;
	v8 =	vsel vm9, $0x3F800000, v0  }
0x12: {  	s5 =	simm.s32 $0x200;
	s4 =	simm.s32 $0x1;
	v9 =	vsel vm10, $0x3F800000, v0;
	s3 =	sshrl.u32 s2, $0x1;
	v10 =	vsel vm11, $0x3F800000, v0;
	v11 =	vsel vm12, $0x3F800000, v0  }
0x13: {  	v12 =	vsel vm13, $0x3F800000, v0;
	v13 =	vsel vm14, $0x3F800000, v0;
	v14 =	vsel vm15, $0x3F800000, v0;
	[dreg:$0x5] =	wrdreg s5;
	s2 =	ssub.s32 s2, s3;
	s3 =	simm.s32 $0x0  }
.LBB2_2:
0x14: {  	s5 =	rddreg [dreg:$0x3]  }
0x15: {  	[tilespmem:s3], [sflag:$0x1] =	stream.linear.gather [hbm4b:s5+s3], $0x200, $0x38;
	[tilespmem:$0x300] =	vst v63  }
0x16: {  	_ =	swait.ge [sflag:s4], $0x200  }
0x17: {  	[sflag:s4] =	ssyncset.done $0x0  }
0x18: {  	[sflag:s4] =	ssyncadd.s32 $0xFFFFFE00  }
0x19: {  	v16 =	vld [tilespmem:$0x80];
	_ =	sdelay $0x4  }
0x1a: {  	v16 =	vshll.u32 v16, $0x6  }
0x1b: {  	v16 =	vshra.s32 v16, $0x2  }
0x1c: {  	v16 =	vadd.s32 $0x200, v16  }
0x1d: {  	(v2sf) =	vpush v16, $0x0  }
0x1e: {  	(v2sf) =	vpush v16, $0x1  }
0x1f: {  	[tilespmem:$0x200] =	vst v1;
	(v2sf) =	vpush v16, $0x2  }
0x20: {  	[tilespmem:$0x210] =	vst v2;
	(v2sf) =	vpush v16, $0x3  }
0x21: {  	[tilespmem:$0x220] =	vst v3;
	(v2sf) =	vpush v16, $0x4  }
0x22: {  	[tilespmem:$0x230] =	vst v4;
	(v2sf) =	vpush v16, $0x5  }
0x23: {  	[tilespmem:$0x240] =	vst v5;
	(v2sf) =	vpush v16, $0x6  }
0x24: {  	v17 =	vld [tilespmem:$0x0];
	[tilespmem:$0x250] =	vst v6;
	(v2sf) =	vpush v16, $0x7  }
0x25: {  	[tilespmem:$0x260] =	vst v7;
	(v2sf) =	vpush v16, $0x8  }
0x26: {  	[tilespmem:$0x270] =	vst v8;
	(v2sf) =	vpush v16, $0x9  }
0x27: {  	[tilespmem:$0x280] =	vst v9;
	(v2sf) =	vpush v16, $0xA  }
0x28: {  	[tilespmem:$0x290] =	vst v10;
	(v2sf) =	vpush v16, $0xB  }
0x29: {  	[tilespmem:$0x2A0] =	vst v11;
	v18 =	vbroadcast v17, $0x0;
	(v2sf) =	vpush v16, $0xC  }
0x2a: {  	[tilespmem:$0x2B0] =	vst v12;
	v28 =	vbroadcast v17, $0x1;
	v20 =	vbroadcast v17, $0x2;
	(v2sf) =	vpush v16, $0xD  }
0x2b: {  	[tilespmem:$0x2C0] =	vst v13;
	v29 =	vbroadcast v17, $0x3;
	vm0 =	veq.s32 v18, v15;
	(v2sf) =	vpush v16, $0xE  }
0x2c: {  	[tilespmem:$0x2D0] =	vst v14;
	vm13 =	veq.s32 v28, v15;
	v19 =	vsel vm0, $0x3F800000, v0;
	s11 =	spop (v2sf);
	(v2sf) =	vpush v16, $0xF  }
0x2d: {  	v30 =	vbroadcast v17, $0x4;
	vm14 =	veq.s32 v20, v15;
	v16 =	vsel vm13, $0x3F800000, v0;
	[tilespmem:s11+$0x0] =	vst.add.f32.msk $0xffff, v19;
	s12 =	spop (v2sf)  }
0x2e: {  	v31 =	vbroadcast v17, $0x5;
	vm15 =	veq.s32 v29, v15;
	[tilespmem:s12+$0x0] =	vst.add.f32.msk $0xffff, v16;
	v16 =	vsel vm14, $0x3F800000, v0;
	s13 =	spop (v2sf)  }
0x2f: {  	v32 =	vbroadcast v17, $0x6;
	vm4 =	veq.s32 v30, v15;
	[tilespmem:s13+$0x0] =	vst.add.f32.msk $0xffff, v16;
	v16 =	vsel vm15, $0x3F800000, v0;
	s14 =	spop (v2sf)  }
0x30: {  	v33 =	vbroadcast v17, $0x7;
	vm5 =	veq.s32 v31, v15;
	[tilespmem:s14+$0x0] =	vst.add.f32.msk $0xffff, v16;
	v16 =	vsel vm4, $0x3F800000, v0;
	s15 =	spop (v2sf)  }
0x31: {  	v34 =	vbroadcast v17, $0x8;
	vm6 =	veq.s32 v32, v15;
	[tilespmem:s15+$0x0] =	vst.add.f32.msk $0xffff, v16;
	v16 =	vsel vm5, $0x3F800000, v0;
	s16 =	spop (v2sf)  }
0x32: {  	v35 =	vbroadcast v17, $0x9;
	vm7 =	veq.s32 v33, v15;
	[tilespmem:s16+$0x0] =	vst.add.f32.msk $0xffff, v16;
	v16 =	vsel vm6, $0x3F800000, v0;
	s17 =	spop (v2sf)  }
0x33: {  	v36 =	vbroadcast v17, $0xA;
	vm8 =	veq.s32 v34, v15;
	[tilespmem:s17+$0x0] =	vst.add.f32.msk $0xffff, v16;
	v16 =	vsel vm7, $0x3F800000, v0;
	s18 =	spop (v2sf)  }
0x34: {  	v37 =	vbroadcast v17, $0xB;
	vm9 =	veq.s32 v35, v15;
	[tilespmem:s18+$0x0] =	vst.add.f32.msk $0xffff, v16;
	v16 =	vsel vm8, $0x3F800000, v0;
	s19 =	spop (v2sf)  }
0x35: {  	v38 =	vbroadcast v17, $0xC;
	vm10 =	veq.s32 v36, v15;
	[tilespmem:s19+$0x0] =	vst.add.f32.msk $0xffff, v16;
	v16 =	vsel vm9, $0x3F800000, v0;
	s20 =	spop (v2sf)  }
0x36: {  	v39 =	vbroadcast v17, $0xD;
	vm11 =	veq.s32 v37, v15;
	[tilespmem:s20+$0x0] =	vst.add.f32.msk $0xffff, v16;
	v16 =	vsel vm10, $0x3F800000, v0;
	s21 =	spop (v2sf)  }
0x37: {  	v40 =	vbroadcast v17, $0xE;
	vm12 =	veq.s32 v38, v15;
	[tilespmem:s21+$0x0] =	vst.add.f32.msk $0xffff, v16;
	v16 =	vsel vm11, $0x3F800000, v0;
	s22 =	spop (v2sf)  }
0x38: {  	v17 =	vbroadcast v17, $0xF;
	vm13 =	veq.s32 v39, v15;
	[tilespmem:s22+$0x0] =	vst.add.f32.msk $0xffff, v16;
	v16 =	vsel vm12, $0x3F800000, v0;
	s23 =	spop (v2sf)  }
0x39: {  	vm14 =	veq.s32 v40, v15;
	[tilespmem:s23+$0x0] =	vst.add.f32.msk $0xffff, v16;
	v16 =	vsel vm13, $0x3F800000, v0;
	s24 =	spop (v2sf)  }
0x3a: {  	vm15 =	veq.s32 v17, v15;
	[tilespmem:s24+$0x0] =	vst.add.f32.msk $0xffff, v16;
	v16 =	vsel vm14, $0x3F800000, v0;
	s25 =	spop (v2sf)  }
0x3b: {  	[tilespmem:s25+$0x0] =	vst.add.f32.msk $0xffff, v16;
	v16 =	vsel vm15, $0x3F800000, v0;
	s26 =	spop (v2sf)  }
0x3c: {  	[tilespmem:s26+$0x0] =	vst.add.f32.msk $0xffff, v16  }
0x3d: {  	v16 =	vld [tilespmem:$0x90];
	_ =	sdelay $0x4  }
0x3e: {  	v16 =	vshll.u32 v16, $0x6  }
0x3f: {  	v16 =	vshra.s32 v16, $0x2  }
0x40: {  	v16 =	vadd.s32 $0x200, v16  }
0x41: {  	(v2sf) =	vpush v16, $0x0  }
0x42: {  	(v2sf) =	vpush v16, $0x1  }
0x43: {  	(v2sf) =	vpush v16, $0x2  }
0x44: {  	(v2sf) =	vpush v16, $0x3  }
0x45: {  	(v2sf) =	vpush v16, $0x4  }
0x46: {  	(v2sf) =	vpush v16, $0x5  }
0x47: {  	(v2sf) =	vpush v16, $0x6  }
0x48: {  	v17 =	vld [tilespmem:$0x10];
	(v2sf) =	vpush v16, $0x7  }
0x49: {  	(v2sf) =	vpush v16, $0x8  }
0x4a: {  	(v2sf) =	vpush v16, $0x9  }
0x4b: {  	(v2sf) =	vpush v16, $0xA  }
0x4c: {  	(v2sf) =	vpush v16, $0xB  }
0x4d: {  	v41 =	vbroadcast v17, $0x0;
	(v2sf) =	vpush v16, $0xC  }
0x4e: {  	v42 =	vbroadcast v17, $0x1;
	v44 =	vbroadcast v17, $0x2;
	(v2sf) =	vpush v16, $0xD  }
0x4f: {  	v45 =	vbroadcast v17, $0x3;
	vm4 =	veq.s32 v41, v15;
	(v2sf) =	vpush v16, $0xE  }
0x50: {  	vm5 =	veq.s32 v42, v15;
	v43 =	vsel vm4, $0x3F800000, v0;
	s28 =	spop (v2sf);
	(v2sf) =	vpush v16, $0xF  }
0x51: {  	v46 =	vbroadcast v17, $0x4;
	vm6 =	veq.s32 v44, v15;
	v16 =	vsel vm5, $0x3F800000, v0;
	[tilespmem:s28+$0x0] =	vst.add.f32.msk $0xffff, v43;
	s29 =	spop (v2sf)  }
0x52: {  	v47 =	vbroadcast v17, $0x5;
	vm7 =	veq.s32 v45, v15;
	[tilespmem:s29+$0x0] =	vst.add.f32.msk $0xffff, v16;
	v16 =	vsel vm6, $0x3F800000, v0;
	s30 =	spop (v2sf)  }
0x53: {  	v48 =	vbroadcast v17, $0x6;
	vm8 =	veq.s32 v46, v15;
	[tilespmem:s30+$0x0] =	vst.add.f32.msk $0xffff, v16;
	v16 =	vsel vm7, $0x3F800000, v0;
	s31 =	spop (v2sf)  }
0x54: {  	v49 =	vbroadcast v17, $0x7;
	vm9 =	veq.s32 v47, v15;
	[tilespmem:s31+$0x0] =	vst.add.f32.msk $0xffff, v16;
	v16 =	vsel vm8, $0x3F800000, v0;
	s6 =	spop (v2sf)  }
0x55: {  	v50 =	vbroadcast v17, $0x8;
	vm10 =	veq.s32 v48, v15;
	[tilespmem:s6+$0x0] =	vst.add.f32.msk $0xffff, v16;
	v16 =	vsel vm9, $0x3F800000, v0;
	s7 =	spop (v2sf)  }
0x56: {  	v51 =	vbroadcast v17, $0x9;
	vm11 =	veq.s32 v49, v15;
	[tilespmem:s7+$0x0] =	vst.add.f32.msk $0xffff, v16;
	v16 =	vsel vm10, $0x3F800000, v0;
	s8 =	spop (v2sf)  }
0x57: {  	v52 =	vbroadcast v17, $0xA;
	vm12 =	veq.s32 v50, v15;
	[tilespmem:s8+$0x0] =	vst.add.f32.msk $0xffff, v16;
	v16 =	vsel vm11, $0x3F800000, v0;
	s9 =	spop (v2sf)  }
0x58: {  	v53 =	vbroadcast v17, $0xB;
	vm13 =	veq.s32 v51, v15;
	[tilespmem:s9+$0x0] =	vst.add.f32.msk $0xffff, v16;
	v16 =	vsel vm12, $0x3F800000, v0;
	s10 =	spop (v2sf)  }
0x59: {  	v54 =	vbroadcast v17, $0xC;
	vm14 =	veq.s32 v52, v15;
	[tilespmem:s10+$0x0] =	vst.add.f32.msk $0xffff, v16;
	v16 =	vsel vm13, $0x3F800000, v0;
	s11 =	spop (v2sf)  }
0x5a: {  	v55 =	vbroadcast v17, $0xD;
	vm15 =	veq.s32 v53, v15;
	[tilespmem:s11+$0x0] =	vst.add.f32.msk $0xffff, v16;
	v16 =	vsel vm14, $0x3F800000, v0;
	s12 =	spop (v2sf)  }
0x5b: {  	v56 =	vbroadcast v17, $0xE;
	vm4 =	veq.s32 v54, v15;
	[tilespmem:s12+$0x0] =	vst.add.f32.msk $0xffff, v16;
	v16 =	vsel vm15, $0x3F800000, v0;
	s13 =	spop (v2sf)  }
0x5c: {  	v17 =	vbroadcast v17, $0xF;
	vm5 =	veq.s32 v55, v15;
	[tilespmem:s13+$0x0] =	vst.add.f32.msk $0xffff, v16;
	v16 =	vsel vm4, $0x3F800000, v0;
	s14 =	spop (v2sf)  }
0x5d: {  	vm6 =	veq.s32 v56, v15;
	[tilespmem:s14+$0x0] =	vst.add.f32.msk $0xffff, v16;
	v16 =	vsel vm5, $0x3F800000, v0;
	s15 =	spop (v2sf)  }
0x5e: {  	vm7 =	veq.s32 v17, v15;
	[tilespmem:s15+$0x0] =	vst.add.f32.msk $0xffff, v16;
	v16 =	vsel vm6, $0x3F800000, v0;
	s16 =	spop (v2sf)  }
0x5f: {  	[tilespmem:s16+$0x0] =	vst.add.f32.msk $0xffff, v16;
	v16 =	vsel vm7, $0x3F800000, v0;
	s17 =	spop (v2sf)  }
0x60: {  	[tilespmem:s17+$0x0] =	vst.add.f32.msk $0xffff, v16  }
0x61: {  	v16 =	vld [tilespmem:$0xA0];
	_ =	sdelay $0x4  }
0x62: {  	v16 =	vshll.u32 v16, $0x6  }
0x63: {  	v16 =	vshra.s32 v16, $0x2  }
0x64: {  	v16 =	vadd.s32 $0x200, v16  }
0x65: {  	(v2sf) =	vpush v16, $0x0  }
0x66: {  	(v2sf) =	vpush v16, $0x1  }
0x67: {  	(v2sf) =	vpush v16, $0x2  }
0x68: {  	(v2sf) =	vpush v16, $0x3  }
0x69: {  	(v2sf) =	vpush v16, $0x4  }
0x6a: {  	(v2sf) =	vpush v16, $0x5;
	_ =	sdelay $0x1  }
0x6b: {  	v17 =	vld [tilespmem:$0x20];
	_ =	sdelay $0x4  }
0x6c: {  	v57 =	vbroadcast v17, $0x0  }
0x6d: {  	v58 =	vbroadcast v17, $0x1  }
0x6e: {  	v59 =	vbroadcast v17, $0x2;
	vm8 =	veq.s32 v57, v15  }
0x6f: {  	v61 =	vbroadcast v17, $0x3;
	vm9 =	veq.s32 v58, v15;
	v60 =	vsel vm8, $0x3F800000, v0;
	s18 =	spop (v2sf)  }
0x70: {  	v63 =	vbroadcast v17, $0x4;
	vm10 =	veq.s32 v59, v15;
	v62 =	vsel vm9, $0x3F800000, v0;
	[tilespmem:s18+$0x0] =	vst.add.f32.msk $0xffff, v60;
	s19 =	spop (v2sf)  }
0x71: {  	v25 =	vbroadcast v17, $0x5;
	vm11 =	veq.s32 v61, v15;
	v24 =	vsel vm10, $0x3F800000, v0;
	[tilespmem:s19+$0x0] =	vst.add.f32.msk $0xffff, v62;
	s20 =	spop (v2sf)  }
0x72: {  	vm12 =	veq.s32 v63, v15;
	v26 =	vsel vm11, $0x3F800000, v0;
	[tilespmem:s20+$0x0] =	vst.add.f32.msk $0xffff, v24;
	s21 =	spop (v2sf)  }
0x73: {  	vm13 =	veq.s32 v25, v15;
	v18 =	vsel vm12, $0x3F800000, v0;
	[tilespmem:s21+$0x0] =	vst.add.f32.msk $0xffff, v26;
	s22 =	spop (v2sf)  }
0x74: {  	v27 =	vsel vm13, $0x3F800000, v0;
	[tilespmem:s22+$0x0] =	vst.add.f32.msk $0xffff, v18;
	s23 =	spop (v2sf)  }
0x75: {  	[tilespmem:s23+$0x0] =	vst.add.f32.msk $0xffff, v27  }
0x76: {  	(v2sf) =	vpush v16, $0x6  }
0x77: {  	(v2sf) =	vpush v16, $0x7  }
0x78: {  	(v2sf) =	vpush v16, $0x8  }
0x79: {  	(v2sf) =	vpush v16, $0x9  }
0x7a: {  	(v2sf) =	vpush v16, $0xA  }
0x7b: {  	(v2sf) =	vpush v16, $0xB  }
0x7c: {  	(v2sf) =	vpush v16, $0xC  }
0x7d: {  	(v2sf) =	vpush v16, $0xD  }
0x7e: {  	(v2sf) =	vpush v16, $0xE  }
0x7f: {  	(v2sf) =	vpush v16, $0xF;
	_ =	sdelay $0x2  }
0x80: {  	v16 =	vbroadcast v17, $0x6  }
0x81: {  	v28 =	vbroadcast v17, $0x7  }
0x82: {  	vm14 =	veq.s32 v16, v15;
	v16 =	vbroadcast v17, $0x8  }
0x83: {  	v30 =	vbroadcast v17, $0x9;
	vm15 =	veq.s32 v28, v15;
	v29 =	vsel vm14, $0x3F800000, v0;
	s5 =	spop (v2sf)  }
0x84: {  	v31 =	vsel vm15, $0x3F800000, v0;
	vm4 =	veq.s32 v16, v15;
	v16 =	vbroadcast v17, $0xA;
	[tilespmem:s5+$0x0] =	vst.add.f32.msk $0xffff, v29;
	s24 =	spop (v2sf)  }
0x85: {  	v33 =	vbroadcast v17, $0xB;
	vm5 =	veq.s32 v30, v15;
	v32 =	vsel vm4, $0x3F800000, v0;
	[tilespmem:s24+$0x0] =	vst.add.f32.msk $0xffff, v31;
	s25 =	spop (v2sf)  }
0x86: {  	v34 =	vsel vm5, $0x3F800000, v0;
	vm6 =	veq.s32 v16, v15;
	v16 =	vbroadcast v17, $0xC;
	[tilespmem:s25+$0x0] =	vst.add.f32.msk $0xffff, v32;
	s26 =	spop (v2sf)  }
0x87: {  	v36 =	vbroadcast v17, $0xD;
	vm7 =	veq.s32 v33, v15;
	v35 =	vsel vm6, $0x3F800000, v0;
	[tilespmem:s26+$0x0] =	vst.add.f32.msk $0xffff, v34;
	s28 =	spop (v2sf)  }
0x88: {  	v37 =	vsel vm7, $0x3F800000, v0;
	vm8 =	veq.s32 v16, v15;
	v16 =	vbroadcast v17, $0xE;
	[tilespmem:s28+$0x0] =	vst.add.f32.msk $0xffff, v35;
	s29 =	spop (v2sf)  }
0x89: {  	vm9 =	veq.s32 v36, v15;
	v17 =	vbroadcast v17, $0xF;
	v38 =	vsel vm8, $0x3F800000, v0;
	[tilespmem:s29+$0x0] =	vst.add.f32.msk $0xffff, v37;
	s30 =	spop (v2sf)  }
0x8a: {  	v18 =	vsel vm9, $0x3F800000, v0;
	vm10 =	veq.s32 v16, v15;
	[tilespmem:s30+$0x0] =	vst.add.f32.msk $0xffff, v38;
	s31 =	spop (v2sf)  }
0x8b: {  	vm11 =	veq.s32 v17, v15;
	v16 =	vsel vm10, $0x3F800000, v0;
	[tilespmem:s31+$0x0] =	vst.add.f32.msk $0xffff, v18;
	s6 =	spop (v2sf)  }
0x8c: {  	[tilespmem:s6+$0x0] =	vst.add.f32.msk $0xffff, v16;
	v16 =	vsel vm11, $0x3F800000, v0;
	s7 =	spop (v2sf)  }
0x8d: {  	[tilespmem:s7+$0x0] =	vst.add.f32.msk $0xffff, v16  }
0x8e: {  	v16 =	vld [tilespmem:$0xB0];
	_ =	sdelay $0x4  }
0x8f: {  	v16 =	vshll.u32 v16, $0x6  }
0x90: {  	v16 =	vshra.s32 v16, $0x2  }
0x91: {  	v16 =	vadd.s32 $0x200, v16  }
0x92: {  	(v2sf) =	vpush v16, $0x0  }
0x93: {  	(v2sf) =	vpush v16, $0x1  }
0x94: {  	(v2sf) =	vpush v16, $0x2  }
0x95: {  	(v2sf) =	vpush v16, $0x3  }
0x96: {  	(v2sf) =	vpush v16, $0x4  }
0x97: {  	(v2sf) =	vpush v16, $0x5  }
0x98: {  	(v2sf) =	vpush v16, $0x6  }
0x99: {  	v17 =	vld [tilespmem:$0x30];
	(v2sf) =	vpush v16, $0x7  }
0x9a: {  	(v2sf) =	vpush v16, $0x8  }
0x9b: {  	(v2sf) =	vpush v16, $0x9  }
0x9c: {  	(v2sf) =	vpush v16, $0xA  }
0x9d: {  	(v2sf) =	vpush v16, $0xB  }
0x9e: {  	v39 =	vbroadcast v17, $0x0;
	v40 =	vbroadcast v17, $0x1;
	(v2sf) =	vpush v16, $0xC  }
0x9f: {  	v42 =	vbroadcast v17, $0x2;
	(v2sf) =	vpush v16, $0xD  }
0xa0: {  	vm12 =	veq.s32 v39, v15;
	vm13 =	veq.s32 v40, v15;
	(v2sf) =	vpush v16, $0xE  }
0xa1: {  	v41 =	vsel vm12, $0x3F800000, v0;
	s8 =	spop (v2sf);
	(v2sf) =	vpush v16, $0xF;
	v16 =	vbroadcast v17, $0x3  }
0xa2: {  	v43 =	vbroadcast v17, $0x4;
	vm14 =	veq.s32 v42, v15;
	v18 =	vsel vm13, $0x3F800000, v0;
	[tilespmem:s8+$0x0] =	vst.add.f32.msk $0xffff, v41;
	s9 =	spop (v2sf)  }
0xa3: {  	v44 =	vsel vm14, $0x3F800000, v0;
	[tilespmem:s9+$0x0] =	vst.add.f32.msk $0xffff, v18;
	s10 =	spop (v2sf);
	vm15 =	veq.s32 v16, v15;
	v16 =	vbroadcast v17, $0x5  }
0xa4: {  	v46 =	vbroadcast v17, $0x6;
	vm4 =	veq.s32 v43, v15;
	[tilespmem:s10+$0x0] =	vst.add.f32.msk $0xffff, v44;
	v45 =	vsel vm15, $0x3F800000, v0;
	s11 =	spop (v2sf)  }
0xa5: {  	v47 =	vsel vm4, $0x3F800000, v0;
	[tilespmem:s11+$0x0] =	vst.add.f32.msk $0xffff, v45;
	s12 =	spop (v2sf);
	vm5 =	veq.s32 v16, v15;
	v16 =	vbroadcast v17, $0x7  }
0xa6: {  	v49 =	vbroadcast v17, $0x8;
	vm6 =	veq.s32 v46, v15;
	[tilespmem:s12+$0x0] =	vst.add.f32.msk $0xffff, v47;
	v48 =	vsel vm5, $0x3F800000, v0;
	s13 =	spop (v2sf)  }
0xa7: {  	v50 =	vsel vm6, $0x3F800000, v0;
	[tilespmem:s13+$0x0] =	vst.add.f32.msk $0xffff, v48;
	s14 =	spop (v2sf);
	vm7 =	veq.s32 v16, v15;
	v16 =	vbroadcast v17, $0x9  }
0xa8: {  	v52 =	vbroadcast v17, $0xA;
	vm8 =	veq.s32 v49, v15;
	[tilespmem:s14+$0x0] =	vst.add.f32.msk $0xffff, v50;
	v51 =	vsel vm7, $0x3F800000, v0;
	s15 =	spop (v2sf)  }
0xa9: {  	v53 =	vsel vm8, $0x3F800000, v0;
	[tilespmem:s15+$0x0] =	vst.add.f32.msk $0xffff, v51;
	s16 =	spop (v2sf);
	vm9 =	veq.s32 v16, v15;
	v16 =	vbroadcast v17, $0xB  }
0xaa: {  	v55 =	vbroadcast v17, $0xC;
	vm10 =	veq.s32 v52, v15;
	[tilespmem:s16+$0x0] =	vst.add.f32.msk $0xffff, v53;
	v54 =	vsel vm9, $0x3F800000, v0;
	s17 =	spop (v2sf)  }
0xab: {  	v56 =	vsel vm10, $0x3F800000, v0;
	[tilespmem:s17+$0x0] =	vst.add.f32.msk $0xffff, v54;
	s18 =	spop (v2sf);
	vm11 =	veq.s32 v16, v15;
	v16 =	vbroadcast v17, $0xD  }
0xac: {  	v58 =	vbroadcast v17, $0xE;
	vm12 =	veq.s32 v55, v15;
	[tilespmem:s18+$0x0] =	vst.add.f32.msk $0xffff, v56;
	v57 =	vsel vm11, $0x3F800000, v0;
	s19 =	spop (v2sf)  }
0xad: {  	v59 =	vsel vm12, $0x3F800000, v0;
	[tilespmem:s19+$0x0] =	vst.add.f32.msk $0xffff, v57;
	s20 =	spop (v2sf);
	vm13 =	veq.s32 v16, v15;
	v16 =	vbroadcast v17, $0xF  }
0xae: {  	vm14 =	veq.s32 v58, v15;
	[tilespmem:s20+$0x0] =	vst.add.f32.msk $0xffff, v59;
	v17 =	vsel vm13, $0x3F800000, v0;
	s21 =	spop (v2sf)  }
0xaf: {  	[tilespmem:s21+$0x0] =	vst.add.f32.msk $0xffff, v17;
	v17 =	vsel vm14, $0x3F800000, v0;
	s22 =	spop (v2sf);
	vm15 =	veq.s32 v16, v15  }
0xb0: {  	[tilespmem:s22+$0x0] =	vst.add.f32.msk $0xffff, v17;
	v16 =	vsel vm15, $0x3F800000, v0;
	s23 =	spop (v2sf)  }
0xb1: {  	[tilespmem:s23+$0x0] =	vst.add.f32.msk $0xffff, v16  }
0xb2: {  	v16 =	vld [tilespmem:$0xC0];
	_ =	sdelay $0x4  }
0xb3: {  	v16 =	vshll.u32 v16, $0x6  }
0xb4: {  	v16 =	vshra.s32 v16, $0x2  }
0xb5: {  	v16 =	vadd.s32 $0x200, v16  }
0xb6: {  	(v2sf) =	vpush v16, $0x0  }
0xb7: {  	(v2sf) =	vpush v16, $0x1  }
0xb8: {  	(v2sf) =	vpush v16, $0x2  }
0xb9: {  	(v2sf) =	vpush v16, $0x3  }
0xba: {  	(v2sf) =	vpush v16, $0x4  }
0xbb: {  	(v2sf) =	vpush v16, $0x5  }
0xbc: {  	(v2sf) =	vpush v16, $0x6  }
0xbd: {  	v17 =	vld [tilespmem:$0x40];
	(v2sf) =	vpush v16, $0x7  }
0xbe: {  	(v2sf) =	vpush v16, $0x8  }
0xbf: {  	(v2sf) =	vpush v16, $0x9  }
0xc0: {  	(v2sf) =	vpush v16, $0xA  }
0xc1: {  	(v2sf) =	vpush v16, $0xB  }
0xc2: {  	v60 =	vbroadcast v17, $0x0;
	v61 =	vbroadcast v17, $0x1;
	(v2sf) =	vpush v16, $0xC  }
0xc3: {  	v63 =	vbroadcast v17, $0x2;
	(v2sf) =	vpush v16, $0xD  }
0xc4: {  	vm4 =	veq.s32 v60, v15;
	vm5 =	veq.s32 v61, v15;
	(v2sf) =	vpush v16, $0xE  }
0xc5: {  	v62 =	vsel vm4, $0x3F800000, v0;
	s24 =	spop (v2sf);
	(v2sf) =	vpush v16, $0xF;
	v16 =	vbroadcast v17, $0x3  }
0xc6: {  	v22 =	vbroadcast v17, $0x4;
	vm6 =	veq.s32 v63, v15;
	v18 =	vsel vm5, $0x3F800000, v0;
	[tilespmem:s24+$0x0] =	vst.add.f32.msk $0xffff, v62;
	s25 =	spop (v2sf)  }
0xc7: {  	v23 =	vsel vm6, $0x3F800000, v0;
	[tilespmem:s25+$0x0] =	vst.add.f32.msk $0xffff, v18;
	s26 =	spop (v2sf);
	vm7 =	veq.s32 v16, v15;
	v16 =	vbroadcast v17, $0x5  }
0xc8: {  	v25 =	vbroadcast v17, $0x6;
	vm8 =	veq.s32 v22, v15;
	[tilespmem:s26+$0x0] =	vst.add.f32.msk $0xffff, v23;
	v24 =	vsel vm7, $0x3F800000, v0;
	s28 =	spop (v2sf)  }
0xc9: {  	v26 =	vsel vm8, $0x3F800000, v0;
	[tilespmem:s28+$0x0] =	vst.add.f32.msk $0xffff, v24;
	s29 =	spop (v2sf);
	vm9 =	veq.s32 v16, v15;
	v16 =	vbroadcast v17, $0x7  }
0xca: {  	v28 =	vbroadcast v17, $0x8;
	vm10 =	veq.s32 v25, v15;
	[tilespmem:s29+$0x0] =	vst.add.f32.msk $0xffff, v26;
	v27 =	vsel vm9, $0x3F800000, v0;
	s30 =	spop (v2sf)  }
0xcb: {  	v29 =	vsel vm10, $0x3F800000, v0;
	[tilespmem:s30+$0x0] =	vst.add.f32.msk $0xffff, v27;
	s31 =	spop (v2sf);
	vm11 =	veq.s32 v16, v15;
	v16 =	vbroadcast v17, $0x9  }
0xcc: {  	v31 =	vbroadcast v17, $0xA;
	vm12 =	veq.s32 v28, v15;
	[tilespmem:s31+$0x0] =	vst.add.f32.msk $0xffff, v29;
	v30 =	vsel vm11, $0x3F800000, v0;
	s6 =	spop (v2sf)  }
0xcd: {  	v32 =	vsel vm12, $0x3F800000, v0;
	[tilespmem:s6+$0x0] =	vst.add.f32.msk $0xffff, v30;
	s7 =	spop (v2sf);
	vm13 =	veq.s32 v16, v15;
	v16 =	vbroadcast v17, $0xB  }
0xce: {  	v34 =	vbroadcast v17, $0xC;
	vm14 =	veq.s32 v31, v15;
	[tilespmem:s7+$0x0] =	vst.add.f32.msk $0xffff, v32;
	v33 =	vsel vm13, $0x3F800000, v0;
	s8 =	spop (v2sf)  }
0xcf: {  	v35 =	vsel vm14, $0x3F800000, v0;
	[tilespmem:s8+$0x0] =	vst.add.f32.msk $0xffff, v33;
	s9 =	spop (v2sf);
	vm15 =	veq.s32 v16, v15;
	v16 =	vbroadcast v17, $0xD  }
0xd0: {  	v37 =	vbroadcast v17, $0xE;
	vm4 =	veq.s32 v34, v15;
	[tilespmem:s9+$0x0] =	vst.add.f32.msk $0xffff, v35;
	v36 =	vsel vm15, $0x3F800000, v0;
	s10 =	spop (v2sf)  }
0xd1: {  	v38 =	vsel vm4, $0x3F800000, v0;
	[tilespmem:s10+$0x0] =	vst.add.f32.msk $0xffff, v36;
	s11 =	spop (v2sf);
	vm5 =	veq.s32 v16, v15;
	v16 =	vbroadcast v17, $0xF  }
0xd2: {  	vm6 =	veq.s32 v37, v15;
	[tilespmem:s11+$0x0] =	vst.add.f32.msk $0xffff, v38;
	v17 =	vsel vm5, $0x3F800000, v0;
	s12 =	spop (v2sf)  }
0xd3: {  	[tilespmem:s12+$0x0] =	vst.add.f32.msk $0xffff, v17;
	v17 =	vsel vm6, $0x3F800000, v0;
	s13 =	spop (v2sf);
	vm7 =	veq.s32 v16, v15  }
0xd4: {  	[tilespmem:s13+$0x0] =	vst.add.f32.msk $0xffff, v17;
	v16 =	vsel vm7, $0x3F800000, v0;
	s14 =	spop (v2sf)  }
0xd5: {  	[tilespmem:s14+$0x0] =	vst.add.f32.msk $0xffff, v16  }
0xd6: {  	v16 =	vld [tilespmem:$0xD0];
	_ =	sdelay $0x4  }
0xd7: {  	v16 =	vshll.u32 v16, $0x6  }
0xd8: {  	v16 =	vshra.s32 v16, $0x2  }
0xd9: {  	v16 =	vadd.s32 $0x200, v16  }
0xda: {  	(v2sf) =	vpush v16, $0x0  }
0xdb: {  	(v2sf) =	vpush v16, $0x1  }
0xdc: {  	(v2sf) =	vpush v16, $0x2  }
0xdd: {  	(v2sf) =	vpush v16, $0x3  }
0xde: {  	(v2sf) =	vpush v16, $0x4  }
0xdf: {  	(v2sf) =	vpush v16, $0x5  }
0xe0: {  	(v2sf) =	vpush v16, $0x6  }
0xe1: {  	v17 =	vld [tilespmem:$0x50];
	(v2sf) =	vpush v16, $0x7  }
0xe2: {  	(v2sf) =	vpush v16, $0x8  }
0xe3: {  	(v2sf) =	vpush v16, $0x9  }
0xe4: {  	(v2sf) =	vpush v16, $0xA  }
0xe5: {  	(v2sf) =	vpush v16, $0xB  }
0xe6: {  	v39 =	vbroadcast v17, $0x0;
	v40 =	vbroadcast v17, $0x1;
	(v2sf) =	vpush v16, $0xC  }
0xe7: {  	v42 =	vbroadcast v17, $0x2;
	(v2sf) =	vpush v16, $0xD  }
0xe8: {  	vm8 =	veq.s32 v39, v15;
	vm9 =	veq.s32 v40, v15;
	(v2sf) =	vpush v16, $0xE  }
0xe9: {  	v41 =	vsel vm8, $0x3F800000, v0;
	s15 =	spop (v2sf);
	(v2sf) =	vpush v16, $0xF;
	v16 =	vbroadcast v17, $0x3  }
0xea: {  	v43 =	vbroadcast v17, $0x4;
	vm10 =	veq.s32 v42, v15;
	v18 =	vsel vm9, $0x3F800000, v0;
	[tilespmem:s15+$0x0] =	vst.add.f32.msk $0xffff, v41;
	s16 =	spop (v2sf)  }
0xeb: {  	v44 =	vsel vm10, $0x3F800000, v0;
	[tilespmem:s16+$0x0] =	vst.add.f32.msk $0xffff, v18;
	s17 =	spop (v2sf);
	vm11 =	veq.s32 v16, v15;
	v16 =	vbroadcast v17, $0x5  }
0xec: {  	v46 =	vbroadcast v17, $0x6;
	vm12 =	veq.s32 v43, v15;
	[tilespmem:s17+$0x0] =	vst.add.f32.msk $0xffff, v44;
	v45 =	vsel vm11, $0x3F800000, v0;
	s18 =	spop (v2sf)  }
0xed: {  	v47 =	vsel vm12, $0x3F800000, v0;
	[tilespmem:s18+$0x0] =	vst.add.f32.msk $0xffff, v45;
	s19 =	spop (v2sf);
	vm13 =	veq.s32 v16, v15;
	v16 =	vbroadcast v17, $0x7  }
0xee: {  	v49 =	vbroadcast v17, $0x8;
	vm14 =	veq.s32 v46, v15;
	[tilespmem:s19+$0x0] =	vst.add.f32.msk $0xffff, v47;
	v48 =	vsel vm13, $0x3F800000, v0;
	s20 =	spop (v2sf)  }
0xef: {  	v50 =	vsel vm14, $0x3F800000, v0;
	[tilespmem:s20+$0x0] =	vst.add.f32.msk $0xffff, v48;
	s21 =	spop (v2sf);
	vm15 =	veq.s32 v16, v15;
	v16 =	vbroadcast v17, $0x9  }
0xf0: {  	v52 =	vbroadcast v17, $0xA;
	vm4 =	veq.s32 v49, v15;
	[tilespmem:s21+$0x0] =	vst.add.f32.msk $0xffff, v50;
	v51 =	vsel vm15, $0x3F800000, v0;
	s22 =	spop (v2sf)  }
0xf1: {  	v53 =	vsel vm4, $0x3F800000, v0;
	[tilespmem:s22+$0x0] =	vst.add.f32.msk $0xffff, v51;
	s23 =	spop (v2sf);
	vm5 =	veq.s32 v16, v15;
	v16 =	vbroadcast v17, $0xB  }
0xf2: {  	v55 =	vbroadcast v17, $0xC;
	vm6 =	veq.s32 v52, v15;
	[tilespmem:s23+$0x0] =	vst.add.f32.msk $0xffff, v53;
	v54 =	vsel vm5, $0x3F800000, v0;
	s24 =	spop (v2sf)  }
0xf3: {  	v56 =	vsel vm6, $0x3F800000, v0;
	[tilespmem:s24+$0x0] =	vst.add.f32.msk $0xffff, v54;
	s25 =	spop (v2sf);
	vm7 =	veq.s32 v16, v15;
	v16 =	vbroadcast v17, $0xD  }
0xf4: {  	v58 =	vbroadcast v17, $0xE;
	vm8 =	veq.s32 v55, v15;
	[tilespmem:s25+$0x0] =	vst.add.f32.msk $0xffff, v56;
	v57 =	vsel vm7, $0x3F800000, v0;
	s26 =	spop (v2sf)  }
0xf5: {  	v59 =	vsel vm8, $0x3F800000, v0;
	[tilespmem:s26+$0x0] =	vst.add.f32.msk $0xffff, v57;
	s28 =	spop (v2sf);
	vm9 =	veq.s32 v16, v15;
	v16 =	vbroadcast v17, $0xF  }
0xf6: {  	vm10 =	veq.s32 v58, v15;
	[tilespmem:s28+$0x0] =	vst.add.f32.msk $0xffff, v59;
	v17 =	vsel vm9, $0x3F800000, v0;
	s29 =	spop (v2sf)  }
0xf7: {  	[tilespmem:s29+$0x0] =	vst.add.f32.msk $0xffff, v17;
	v17 =	vsel vm10, $0x3F800000, v0;
	s30 =	spop (v2sf);
	vm11 =	veq.s32 v16, v15  }
0xf8: {  	[tilespmem:s30+$0x0] =	vst.add.f32.msk $0xffff, v17;
	v16 =	vsel vm11, $0x3F800000, v0;
	s31 =	spop (v2sf)  }
0xf9: {  	[tilespmem:s31+$0x0] =	vst.add.f32.msk $0xffff, v16  }
0xfa: {  	v16 =	vld [tilespmem:$0xE0];
	_ =	sdelay $0x4  }
0xfb: {  	v16 =	vshll.u32 v16, $0x6  }
0xfc: {  	v16 =	vshra.s32 v16, $0x2  }
0xfd: {  	v16 =	vadd.s32 $0x200, v16  }
0xfe: {  	(v2sf) =	vpush v16, $0x0  }
0xff: {  	(v2sf) =	vpush v16, $0x1  }
0x100: {  	(v2sf) =	vpush v16, $0x2  }
0x101: {  	(v2sf) =	vpush v16, $0x3  }
0x102: {  	(v2sf) =	vpush v16, $0x4  }
0x103: {  	(v2sf) =	vpush v16, $0x5  }
0x104: {  	(v2sf) =	vpush v16, $0x6  }
0x105: {  	v17 =	vld [tilespmem:$0x60];
	(v2sf) =	vpush v16, $0x7  }
0x106: {  	(v2sf) =	vpush v16, $0x8  }
0x107: {  	(v2sf) =	vpush v16, $0x9  }
0x108: {  	(v2sf) =	vpush v16, $0xA  }
0x109: {  	(v2sf) =	vpush v16, $0xB  }
0x10a: {  	v60 =	vbroadcast v17, $0x0;
	v61 =	vbroadcast v17, $0x1;
	(v2sf) =	vpush v16, $0xC  }
0x10b: {  	v63 =	vbroadcast v17, $0x2;
	(v2sf) =	vpush v16, $0xD  }
0x10c: {  	vm12 =	veq.s32 v60, v15;
	vm13 =	veq.s32 v61, v15;
	(v2sf) =	vpush v16, $0xE  }
0x10d: {  	v62 =	vsel vm12, $0x3F800000, v0;
	s6 =	spop (v2sf);
	(v2sf) =	vpush v16, $0xF;
	v16 =	vbroadcast v17, $0x3  }
0x10e: {  	v22 =	vbroadcast v17, $0x4;
	vm14 =	veq.s32 v63, v15;
	v18 =	vsel vm13, $0x3F800000, v0;
	[tilespmem:s6+$0x0] =	vst.add.f32.msk $0xffff, v62;
	s7 =	spop (v2sf)  }
0x10f: {  	v23 =	vsel vm14, $0x3F800000, v0;
	[tilespmem:s7+$0x0] =	vst.add.f32.msk $0xffff, v18;
	s8 =	spop (v2sf);
	vm15 =	veq.s32 v16, v15;
	v16 =	vbroadcast v17, $0x5  }
0x110: {  	v25 =	vbroadcast v17, $0x6;
	vm4 =	veq.s32 v22, v15;
	[tilespmem:s8+$0x0] =	vst.add.f32.msk $0xffff, v23;
	v24 =	vsel vm15, $0x3F800000, v0;
	s9 =	spop (v2sf)  }
0x111: {  	v26 =	vsel vm4, $0x3F800000, v0;
	[tilespmem:s9+$0x0] =	vst.add.f32.msk $0xffff, v24;
	s10 =	spop (v2sf);
	vm5 =	veq.s32 v16, v15;
	v16 =	vbroadcast v17, $0x7  }
0x112: {  	v28 =	vbroadcast v17, $0x8;
	vm6 =	veq.s32 v25, v15;
	[tilespmem:s10+$0x0] =	vst.add.f32.msk $0xffff, v26;
	v27 =	vsel vm5, $0x3F800000, v0;
	s11 =	spop (v2sf)  }
0x113: {  	v29 =	vsel vm6, $0x3F800000, v0;
	[tilespmem:s11+$0x0] =	vst.add.f32.msk $0xffff, v27;
	s12 =	spop (v2sf);
	vm7 =	veq.s32 v16, v15;
	v16 =	vbroadcast v17, $0x9  }
0x114: {  	v31 =	vbroadcast v17, $0xA;
	vm8 =	veq.s32 v28, v15;
	[tilespmem:s12+$0x0] =	vst.add.f32.msk $0xffff, v29;
	v30 =	vsel vm7, $0x3F800000, v0;
	s13 =	spop (v2sf)  }
0x115: {  	v32 =	vsel vm8, $0x3F800000, v0;
	[tilespmem:s13+$0x0] =	vst.add.f32.msk $0xffff, v30;
	s14 =	spop (v2sf);
	vm9 =	veq.s32 v16, v15;
	v16 =	vbroadcast v17, $0xB  }
0x116: {  	v34 =	vbroadcast v17, $0xC;
	vm10 =	veq.s32 v31, v15;
	[tilespmem:s14+$0x0] =	vst.add.f32.msk $0xffff, v32;
	v33 =	vsel vm9, $0x3F800000, v0;
	s15 =	spop (v2sf)  }
0x117: {  	v35 =	vsel vm10, $0x3F800000, v0;
	[tilespmem:s15+$0x0] =	vst.add.f32.msk $0xffff, v33;
	s16 =	spop (v2sf);
	vm11 =	veq.s32 v16, v15;
	v16 =	vbroadcast v17, $0xD  }
0x118: {  	v37 =	vbroadcast v17, $0xE;
	vm12 =	veq.s32 v34, v15;
	[tilespmem:s16+$0x0] =	vst.add.f32.msk $0xffff, v35;
	v36 =	vsel vm11, $0x3F800000, v0;
	s17 =	spop (v2sf)  }
0x119: {  	v38 =	vsel vm12, $0x3F800000, v0;
	[tilespmem:s17+$0x0] =	vst.add.f32.msk $0xffff, v36;
	s18 =	spop (v2sf);
	vm13 =	veq.s32 v16, v15;
	v16 =	vbroadcast v17, $0xF  }
0x11a: {  	vm14 =	veq.s32 v37, v15;
	[tilespmem:s18+$0x0] =	vst.add.f32.msk $0xffff, v38;
	v17 =	vsel vm13, $0x3F800000, v0;
	s19 =	spop (v2sf)  }
0x11b: {  	[tilespmem:s19+$0x0] =	vst.add.f32.msk $0xffff, v17;
	v17 =	vsel vm14, $0x3F800000, v0;
	s20 =	spop (v2sf);
	vm15 =	veq.s32 v16, v15  }
0x11c: {  	[tilespmem:s20+$0x0] =	vst.add.f32.msk $0xffff, v17;
	v16 =	vsel vm15, $0x3F800000, v0;
	s21 =	spop (v2sf)  }
0x11d: {  	[tilespmem:s21+$0x0] =	vst.add.f32.msk $0xffff, v16  }
0x11e: {  	v16 =	vld [tilespmem:$0xF0];
	_ =	sdelay $0x4  }
0x11f: {  	v16 =	vshll.u32 v16, $0x6  }
0x120: {  	v16 =	vshra.s32 v16, $0x2  }
0x121: {  	v16 =	vadd.s32 $0x200, v16  }
0x122: {  	(v2sf) =	vpush v16, $0x0  }
0x123: {  	(v2sf) =	vpush v16, $0x1  }
0x124: {  	(v2sf) =	vpush v16, $0x2  }
0x125: {  	(v2sf) =	vpush v16, $0x3  }
0x126: {  	(v2sf) =	vpush v16, $0x4  }
0x127: {  	(v2sf) =	vpush v16, $0x5  }
0x128: {  	(v2sf) =	vpush v16, $0x6  }
0x129: {  	v17 =	vld [tilespmem:$0x70];
	(v2sf) =	vpush v16, $0x7  }
0x12a: {  	(v2sf) =	vpush v16, $0x8  }
0x12b: {  	(v2sf) =	vpush v16, $0x9  }
0x12c: {  	(v2sf) =	vpush v16, $0xA  }
0x12d: {  	(v2sf) =	vpush v16, $0xB  }
0x12e: {  	v39 =	vbroadcast v17, $0x0;
	v40 =	vbroadcast v17, $0x1;
	(v2sf) =	vpush v16, $0xC  }
0x12f: {  	v42 =	vbroadcast v17, $0x2;
	(v2sf) =	vpush v16, $0xD  }
0x130: {  	vm4 =	veq.s32 v39, v15;
	vm5 =	veq.s32 v40, v15;
	(v2sf) =	vpush v16, $0xE  }
0x131: {  	v41 =	vsel vm4, $0x3F800000, v0;
	s22 =	spop (v2sf);
	(v2sf) =	vpush v16, $0xF;
	v16 =	vbroadcast v17, $0x3  }
0x132: {  	v43 =	vbroadcast v17, $0x4;
	vm6 =	veq.s32 v42, v15;
	v18 =	vsel vm5, $0x3F800000, v0;
	[tilespmem:s22+$0x0] =	vst.add.f32.msk $0xffff, v41;
	s23 =	spop (v2sf)  }
0x133: {  	v44 =	vsel vm6, $0x3F800000, v0;
	[tilespmem:s23+$0x0] =	vst.add.f32.msk $0xffff, v18;
	s24 =	spop (v2sf);
	vm7 =	veq.s32 v16, v15;
	v16 =	vbroadcast v17, $0x5  }
0x134: {  	v46 =	vbroadcast v17, $0x6;
	vm8 =	veq.s32 v43, v15;
	[tilespmem:s24+$0x0] =	vst.add.f32.msk $0xffff, v44;
	v45 =	vsel vm7, $0x3F800000, v0;
	s25 =	spop (v2sf)  }
0x135: {  	v47 =	vsel vm8, $0x3F800000, v0;
	[tilespmem:s25+$0x0] =	vst.add.f32.msk $0xffff, v45;
	s26 =	spop (v2sf);
	vm9 =	veq.s32 v16, v15;
	v16 =	vbroadcast v17, $0x7  }
0x136: {  	v49 =	vbroadcast v17, $0x8;
	vm10 =	veq.s32 v46, v15;
	[tilespmem:s26+$0x0] =	vst.add.f32.msk $0xffff, v47;
	v48 =	vsel vm9, $0x3F800000, v0;
	s28 =	spop (v2sf)  }
0x137: {  	v50 =	vsel vm10, $0x3F800000, v0;
	[tilespmem:s28+$0x0] =	vst.add.f32.msk $0xffff, v48;
	s29 =	spop (v2sf);
	vm11 =	veq.s32 v16, v15;
	v16 =	vbroadcast v17, $0x9  }
0x138: {  	v52 =	vbroadcast v17, $0xA;
	vm12 =	veq.s32 v49, v15;
	[tilespmem:s29+$0x0] =	vst.add.f32.msk $0xffff, v50;
	v51 =	vsel vm11, $0x3F800000, v0;
	s30 =	spop (v2sf)  }
0x139: {  	v53 =	vsel vm12, $0x3F800000, v0;
	[tilespmem:s30+$0x0] =	vst.add.f32.msk $0xffff, v51;
	s31 =	spop (v2sf);
	vm13 =	veq.s32 v16, v15;
	v16 =	vbroadcast v17, $0xB  }
0x13a: {  	v55 =	vbroadcast v17, $0xC;
	vm14 =	veq.s32 v52, v15;
	[tilespmem:s31+$0x0] =	vst.add.f32.msk $0xffff, v53;
	v54 =	vsel vm13, $0x3F800000, v0;
	s6 =	spop (v2sf)  }
0x13b: {  	v56 =	vsel vm14, $0x3F800000, v0;
	[tilespmem:s6+$0x0] =	vst.add.f32.msk $0xffff, v54;
	s7 =	spop (v2sf);
	vm15 =	veq.s32 v16, v15;
	v16 =	vbroadcast v17, $0xD  }
0x13c: {  	v58 =	vbroadcast v17, $0xE;
	vm4 =	veq.s32 v55, v15;
	[tilespmem:s7+$0x0] =	vst.add.f32.msk $0xffff, v56;
	v57 =	vsel vm15, $0x3F800000, v0;
	s8 =	spop (v2sf)  }
0x13d: {  	v59 =	vsel vm4, $0x3F800000, v0;
	[tilespmem:s8+$0x0] =	vst.add.f32.msk $0xffff, v57;
	s9 =	spop (v2sf);
	vm5 =	veq.s32 v16, v15;
	v16 =	vbroadcast v17, $0xF  }
0x13e: {  	vm6 =	veq.s32 v58, v15;
	[tilespmem:s9+$0x0] =	vst.add.f32.msk $0xffff, v59;
	v17 =	vsel vm5, $0x3F800000, v0;
	s10 =	spop (v2sf)  }
0x13f: {  	[tilespmem:s10+$0x0] =	vst.add.f32.msk $0xffff, v17;
	v17 =	vsel vm6, $0x3F800000, v0;
	s11 =	spop (v2sf);
	vm7 =	veq.s32 v16, v15  }
0x140: {  	[tilespmem:s11+$0x0] =	vst.add.f32.msk $0xffff, v17;
	v16 =	vsel vm7, $0x3F800000, v0;
	s12 =	spop (v2sf)  }
0x141: {  	[tilespmem:s12+$0x0] =	vst.add.f32.msk $0xffff, v16  }
0x142: {  	v16 =	vld [tilespmem:$0x180];
	_ =	sdelay $0x4  }
0x143: {  	v16 =	vshll.u32 v16, $0x6  }
0x144: {  	v16 =	vshra.s32 v16, $0x2  }
0x145: {  	v16 =	vadd.s32 $0x200, v16  }
0x146: {  	(v2sf) =	vpush v16, $0x0  }
0x147: {  	(v2sf) =	vpush v16, $0x1  }
0x148: {  	(v2sf) =	vpush v16, $0x2  }
0x149: {  	(v2sf) =	vpush v16, $0x3  }
0x14a: {  	(v2sf) =	vpush v16, $0x4  }
0x14b: {  	(v2sf) =	vpush v16, $0x5  }
0x14c: {  	(v2sf) =	vpush v16, $0x6  }
0x14d: {  	v17 =	vld [tilespmem:$0x100];
	(v2sf) =	vpush v16, $0x7  }
0x14e: {  	(v2sf) =	vpush v16, $0x8  }
0x14f: {  	(v2sf) =	vpush v16, $0x9  }
0x150: {  	(v2sf) =	vpush v16, $0xA  }
0x151: {  	(v2sf) =	vpush v16, $0xB  }
0x152: {  	v60 =	vbroadcast v17, $0x0;
	v61 =	vbroadcast v17, $0x1;
	(v2sf) =	vpush v16, $0xC  }
0x153: {  	v63 =	vbroadcast v17, $0x2;
	(v2sf) =	vpush v16, $0xD  }
0x154: {  	vm8 =	veq.s32 v60, v15;
	vm9 =	veq.s32 v61, v15;
	(v2sf) =	vpush v16, $0xE  }
0x155: {  	v62 =	vsel vm8, $0x3F800000, v0;
	s13 =	spop (v2sf);
	(v2sf) =	vpush v16, $0xF;
	v16 =	vbroadcast v17, $0x3  }
0x156: {  	v22 =	vbroadcast v17, $0x4;
	vm10 =	veq.s32 v63, v15;
	v18 =	vsel vm9, $0x3F800000, v0;
	[tilespmem:s13+$0x0] =	vst.add.f32.msk $0xffff, v62;
	s14 =	spop (v2sf)  }
0x157: {  	v23 =	vsel vm10, $0x3F800000, v0;
	[tilespmem:s14+$0x0] =	vst.add.f32.msk $0xffff, v18;
	s15 =	spop (v2sf);
	vm11 =	veq.s32 v16, v15;
	v16 =	vbroadcast v17, $0x5  }
0x158: {  	v25 =	vbroadcast v17, $0x6;
	vm12 =	veq.s32 v22, v15;
	[tilespmem:s15+$0x0] =	vst.add.f32.msk $0xffff, v23;
	v24 =	vsel vm11, $0x3F800000, v0;
	s16 =	spop (v2sf)  }
0x159: {  	v26 =	vsel vm12, $0x3F800000, v0;
	[tilespmem:s16+$0x0] =	vst.add.f32.msk $0xffff, v24;
	s17 =	spop (v2sf);
	vm13 =	veq.s32 v16, v15;
	v16 =	vbroadcast v17, $0x7  }
0x15a: {  	v28 =	vbroadcast v17, $0x8;
	vm14 =	veq.s32 v25, v15;
	[tilespmem:s17+$0x0] =	vst.add.f32.msk $0xffff, v26;
	v27 =	vsel vm13, $0x3F800000, v0;
	s18 =	spop (v2sf)  }
0x15b: {  	v29 =	vsel vm14, $0x3F800000, v0;
	[tilespmem:s18+$0x0] =	vst.add.f32.msk $0xffff, v27;
	s19 =	spop (v2sf);
	vm15 =	veq.s32 v16, v15;
	v16 =	vbroadcast v17, $0x9  }
0x15c: {  	v31 =	vbroadcast v17, $0xA;
	vm4 =	veq.s32 v28, v15;
	[tilespmem:s19+$0x0] =	vst.add.f32.msk $0xffff, v29;
	v30 =	vsel vm15, $0x3F800000, v0;
	s20 =	spop (v2sf)  }
0x15d: {  	v32 =	vsel vm4, $0x3F800000, v0;
	[tilespmem:s20+$0x0] =	vst.add.f32.msk $0xffff, v30;
	s21 =	spop (v2sf);
	vm5 =	veq.s32 v16, v15;
	v16 =	vbroadcast v17, $0xB  }
0x15e: {  	v34 =	vbroadcast v17, $0xC;
	vm6 =	veq.s32 v31, v15;
	[tilespmem:s21+$0x0] =	vst.add.f32.msk $0xffff, v32;
	v33 =	vsel vm5, $0x3F800000, v0;
	s22 =	spop (v2sf)  }
0x15f: {  	v35 =	vsel vm6, $0x3F800000, v0;
	[tilespmem:s22+$0x0] =	vst.add.f32.msk $0xffff, v33;
	s23 =	spop (v2sf);
	vm7 =	veq.s32 v16, v15;
	v16 =	vbroadcast v17, $0xD  }
0x160: {  	v37 =	vbroadcast v17, $0xE;
	vm8 =	veq.s32 v34, v15;
	[tilespmem:s23+$0x0] =	vst.add.f32.msk $0xffff, v35;
	v36 =	vsel vm7, $0x3F800000, v0;
	s24 =	spop (v2sf)  }
0x161: {  	v38 =	vsel vm8, $0x3F800000, v0;
	[tilespmem:s24+$0x0] =	vst.add.f32.msk $0xffff, v36;
	s25 =	spop (v2sf);
	vm9 =	veq.s32 v16, v15;
	v16 =	vbroadcast v17, $0xF  }
0x162: {  	vm10 =	veq.s32 v37, v15;
	[tilespmem:s25+$0x0] =	vst.add.f32.msk $0xffff, v38;
	v17 =	vsel vm9, $0x3F800000, v0;
	s26 =	spop (v2sf)  }
0x163: {  	[tilespmem:s26+$0x0] =	vst.add.f32.msk $0xffff, v17;
	v17 =	vsel vm10, $0x3F800000, v0;
	s28 =	spop (v2sf);
	vm11 =	veq.s32 v16, v15  }
0x164: {  	[tilespmem:s28+$0x0] =	vst.add.f32.msk $0xffff, v17;
	v16 =	vsel vm11, $0x3F800000, v0;
	s29 =	spop (v2sf)  }
0x165: {  	[tilespmem:s29+$0x0] =	vst.add.f32.msk $0xffff, v16  }
0x166: {  	v16 =	vld [tilespmem:$0x190];
	_ =	sdelay $0x4  }
0x167: {  	v16 =	vshll.u32 v16, $0x6  }
0x168: {  	v16 =	vshra.s32 v16, $0x2  }
0x169: {  	v16 =	vadd.s32 $0x200, v16  }
0x16a: {  	(v2sf) =	vpush v16, $0x0  }
0x16b: {  	(v2sf) =	vpush v16, $0x1  }
0x16c: {  	(v2sf) =	vpush v16, $0x2  }
0x16d: {  	(v2sf) =	vpush v16, $0x3  }
0x16e: {  	(v2sf) =	vpush v16, $0x4  }
0x16f: {  	(v2sf) =	vpush v16, $0x5  }
0x170: {  	(v2sf) =	vpush v16, $0x6  }
0x171: {  	v17 =	vld [tilespmem:$0x110];
	(v2sf) =	vpush v16, $0x7  }
0x172: {  	(v2sf) =	vpush v16, $0x8  }
0x173: {  	(v2sf) =	vpush v16, $0x9  }
0x174: {  	(v2sf) =	vpush v16, $0xA  }
0x175: {  	(v2sf) =	vpush v16, $0xB  }
0x176: {  	v39 =	vbroadcast v17, $0x0;
	v40 =	vbroadcast v17, $0x1;
	(v2sf) =	vpush v16, $0xC  }
0x177: {  	v42 =	vbroadcast v17, $0x2;
	(v2sf) =	vpush v16, $0xD  }
0x178: {  	vm12 =	veq.s32 v39, v15;
	vm13 =	veq.s32 v40, v15;
	(v2sf) =	vpush v16, $0xE  }
0x179: {  	v41 =	vsel vm12, $0x3F800000, v0;
	s30 =	spop (v2sf);
	(v2sf) =	vpush v16, $0xF;
	v16 =	vbroadcast v17, $0x3  }
0x17a: {  	v43 =	vbroadcast v17, $0x4;
	vm14 =	veq.s32 v42, v15;
	v18 =	vsel vm13, $0x3F800000, v0;
	[tilespmem:s30+$0x0] =	vst.add.f32.msk $0xffff, v41;
	s31 =	spop (v2sf)  }
0x17b: {  	v44 =	vsel vm14, $0x3F800000, v0;
	[tilespmem:s31+$0x0] =	vst.add.f32.msk $0xffff, v18;
	s6 =	spop (v2sf);
	vm15 =	veq.s32 v16, v15;
	v16 =	vbroadcast v17, $0x5  }
0x17c: {  	v46 =	vbroadcast v17, $0x6;
	vm4 =	veq.s32 v43, v15;
	[tilespmem:s6+$0x0] =	vst.add.f32.msk $0xffff, v44;
	v45 =	vsel vm15, $0x3F800000, v0;
	s7 =	spop (v2sf)  }
0x17d: {  	v47 =	vsel vm4, $0x3F800000, v0;
	[tilespmem:s7+$0x0] =	vst.add.f32.msk $0xffff, v45;
	s8 =	spop (v2sf);
	vm5 =	veq.s32 v16, v15;
	v16 =	vbroadcast v17, $0x7  }
0x17e: {  	v49 =	vbroadcast v17, $0x8;
	vm6 =	veq.s32 v46, v15;
	[tilespmem:s8+$0x0] =	vst.add.f32.msk $0xffff, v47;
	v48 =	vsel vm5, $0x3F800000, v0;
	s9 =	spop (v2sf)  }
0x17f: {  	v50 =	vsel vm6, $0x3F800000, v0;
	[tilespmem:s9+$0x0] =	vst.add.f32.msk $0xffff, v48;
	s10 =	spop (v2sf);
	vm7 =	veq.s32 v16, v15;
	v16 =	vbroadcast v17, $0x9  }
0x180: {  	v52 =	vbroadcast v17, $0xA;
	vm8 =	veq.s32 v49, v15;
	[tilespmem:s10+$0x0] =	vst.add.f32.msk $0xffff, v50;
	v51 =	vsel vm7, $0x3F800000, v0;
	s11 =	spop (v2sf)  }
0x181: {  	v53 =	vsel vm8, $0x3F800000, v0;
	[tilespmem:s11+$0x0] =	vst.add.f32.msk $0xffff, v51;
	s12 =	spop (v2sf);
	vm9 =	veq.s32 v16, v15;
	v16 =	vbroadcast v17, $0xB  }
0x182: {  	v55 =	vbroadcast v17, $0xC;
	vm10 =	veq.s32 v52, v15;
	[tilespmem:s12+$0x0] =	vst.add.f32.msk $0xffff, v53;
	v54 =	vsel vm9, $0x3F800000, v0;
	s13 =	spop (v2sf)  }
0x183: {  	v56 =	vsel vm10, $0x3F800000, v0;
	[tilespmem:s13+$0x0] =	vst.add.f32.msk $0xffff, v54;
	s14 =	spop (v2sf);
	vm11 =	veq.s32 v16, v15;
	v16 =	vbroadcast v17, $0xD  }
0x184: {  	v58 =	vbroadcast v17, $0xE;
	vm12 =	veq.s32 v55, v15;
	[tilespmem:s14+$0x0] =	vst.add.f32.msk $0xffff, v56;
	v57 =	vsel vm11, $0x3F800000, v0;
	s15 =	spop (v2sf)  }
0x185: {  	v59 =	vsel vm12, $0x3F800000, v0;
	[tilespmem:s15+$0x0] =	vst.add.f32.msk $0xffff, v57;
	s16 =	spop (v2sf);
	vm13 =	veq.s32 v16, v15;
	v16 =	vbroadcast v17, $0xF  }
0x186: {  	vm14 =	veq.s32 v58, v15;
	[tilespmem:s16+$0x0] =	vst.add.f32.msk $0xffff, v59;
	v17 =	vsel vm13, $0x3F800000, v0;
	s17 =	spop (v2sf)  }
0x187: {  	[tilespmem:s17+$0x0] =	vst.add.f32.msk $0xffff, v17;
	v17 =	vsel vm14, $0x3F800000, v0;
	s18 =	spop (v2sf);
	vm15 =	veq.s32 v16, v15  }
0x188: {  	[tilespmem:s18+$0x0] =	vst.add.f32.msk $0xffff, v17;
	v16 =	vsel vm15, $0x3F800000, v0;
	s19 =	spop (v2sf)  }
0x189: {  	[tilespmem:s19+$0x0] =	vst.add.f32.msk $0xffff, v16  }
0x18a: {  	v16 =	vld [tilespmem:$0x1A0];
	_ =	sdelay $0x4  }
0x18b: {  	v16 =	vshll.u32 v16, $0x6  }
0x18c: {  	v16 =	vshra.s32 v16, $0x2  }
0x18d: {  	v16 =	vadd.s32 $0x200, v16  }
0x18e: {  	(v2sf) =	vpush v16, $0x0  }
0x18f: {  	(v2sf) =	vpush v16, $0x1  }
0x190: {  	(v2sf) =	vpush v16, $0x2  }
0x191: {  	(v2sf) =	vpush v16, $0x3  }
0x192: {  	(v2sf) =	vpush v16, $0x4  }
0x193: {  	(v2sf) =	vpush v16, $0x5  }
0x194: {  	(v2sf) =	vpush v16, $0x6  }
0x195: {  	v17 =	vld [tilespmem:$0x120];
	(v2sf) =	vpush v16, $0x7  }
0x196: {  	(v2sf) =	vpush v16, $0x8  }
0x197: {  	(v2sf) =	vpush v16, $0x9  }
0x198: {  	(v2sf) =	vpush v16, $0xA  }
0x199: {  	(v2sf) =	vpush v16, $0xB  }
0x19a: {  	v60 =	vbroadcast v17, $0x0;
	v61 =	vbroadcast v17, $0x1;
	(v2sf) =	vpush v16, $0xC  }
0x19b: {  	v63 =	vbroadcast v17, $0x2;
	(v2sf) =	vpush v16, $0xD  }
0x19c: {  	vm4 =	veq.s32 v60, v15;
	vm5 =	veq.s32 v61, v15;
	(v2sf) =	vpush v16, $0xE  }
0x19d: {  	v62 =	vsel vm4, $0x3F800000, v0;
	s20 =	spop (v2sf);
	(v2sf) =	vpush v16, $0xF;
	v16 =	vbroadcast v17, $0x3  }
0x19e: {  	v24 =	vbroadcast v17, $0x4;
	vm6 =	veq.s32 v63, v15;
	v18 =	vsel vm5, $0x3F800000, v0;
	[tilespmem:s20+$0x0] =	vst.add.f32.msk $0xffff, v62;
	s21 =	spop (v2sf)  }
0x19f: {  	v25 =	vsel vm6, $0x3F800000, v0;
	[tilespmem:s21+$0x0] =	vst.add.f32.msk $0xffff, v18;
	s22 =	spop (v2sf);
	vm7 =	veq.s32 v16, v15;
	v16 =	vbroadcast v17, $0x5  }
0x1a0: {  	v27 =	vbroadcast v17, $0x6;
	vm8 =	veq.s32 v24, v15;
	[tilespmem:s22+$0x0] =	vst.add.f32.msk $0xffff, v25;
	v26 =	vsel vm7, $0x3F800000, v0;
	s23 =	spop (v2sf)  }
0x1a1: {  	v28 =	vsel vm8, $0x3F800000, v0;
	[tilespmem:s23+$0x0] =	vst.add.f32.msk $0xffff, v26;
	s24 =	spop (v2sf);
	vm9 =	veq.s32 v16, v15;
	v16 =	vbroadcast v17, $0x7  }
0x1a2: {  	v30 =	vbroadcast v17, $0x8;
	vm10 =	veq.s32 v27, v15;
	[tilespmem:s24+$0x0] =	vst.add.f32.msk $0xffff, v28;
	v29 =	vsel vm9, $0x3F800000, v0;
	s25 =	spop (v2sf)  }
0x1a3: {  	v31 =	vsel vm10, $0x3F800000, v0;
	[tilespmem:s25+$0x0] =	vst.add.f32.msk $0xffff, v29;
	s26 =	spop (v2sf);
	vm11 =	veq.s32 v16, v15;
	v16 =	vbroadcast v17, $0x9  }
0x1a4: {  	v33 =	vbroadcast v17, $0xA;
	vm12 =	veq.s32 v30, v15;
	[tilespmem:s26+$0x0] =	vst.add.f32.msk $0xffff, v31;
	v32 =	vsel vm11, $0x3F800000, v0;
	s28 =	spop (v2sf)  }
0x1a5: {  	v34 =	vsel vm12, $0x3F800000, v0;
	[tilespmem:s28+$0x0] =	vst.add.f32.msk $0xffff, v32;
	s29 =	spop (v2sf);
	vm13 =	veq.s32 v16, v15;
	v16 =	vbroadcast v17, $0xB  }
0x1a6: {  	v36 =	vbroadcast v17, $0xC;
	vm14 =	veq.s32 v33, v15;
	[tilespmem:s29+$0x0] =	vst.add.f32.msk $0xffff, v34;
	v35 =	vsel vm13, $0x3F800000, v0;
	s30 =	spop (v2sf)  }
0x1a7: {  	v37 =	vsel vm14, $0x3F800000, v0;
	[tilespmem:s30+$0x0] =	vst.add.f32.msk $0xffff, v35;
	s31 =	spop (v2sf);
	vm15 =	veq.s32 v16, v15;
	v16 =	vbroadcast v17, $0xD  }
0x1a8: {  	v39 =	vbroadcast v17, $0xE;
	vm4 =	veq.s32 v36, v15;
	[tilespmem:s31+$0x0] =	vst.add.f32.msk $0xffff, v37;
	v38 =	vsel vm15, $0x3F800000, v0;
	s6 =	spop (v2sf)  }
0x1a9: {  	v40 =	vsel vm4, $0x3F800000, v0;
	[tilespmem:s6+$0x0] =	vst.add.f32.msk $0xffff, v38;
	s7 =	spop (v2sf);
	vm5 =	veq.s32 v16, v15;
	v16 =	vbroadcast v17, $0xF  }
0x1aa: {  	vm6 =	veq.s32 v39, v15;
	[tilespmem:s7+$0x0] =	vst.add.f32.msk $0xffff, v40;
	v17 =	vsel vm5, $0x3F800000, v0;
	s8 =	spop (v2sf)  }
0x1ab: {  	[tilespmem:s8+$0x0] =	vst.add.f32.msk $0xffff, v17;
	v17 =	vsel vm6, $0x3F800000, v0;
	s9 =	spop (v2sf);
	vm7 =	veq.s32 v16, v15  }
0x1ac: {  	[tilespmem:s9+$0x0] =	vst.add.f32.msk $0xffff, v17;
	v16 =	vsel vm7, $0x3F800000, v0;
	s10 =	spop (v2sf)  }
0x1ad: {  	[tilespmem:s10+$0x0] =	vst.add.f32.msk $0xffff, v16  }
0x1ae: {  	v16 =	vld [tilespmem:$0x1B0];
	_ =	sdelay $0x4  }
0x1af: {  	v16 =	vshll.u32 v16, $0x6  }
0x1b0: {  	v16 =	vshra.s32 v16, $0x2  }
0x1b1: {  	v16 =	vadd.s32 $0x200, v16  }
0x1b2: {  	(v2sf) =	vpush v16, $0x0  }
0x1b3: {  	(v2sf) =	vpush v16, $0x1  }
0x1b4: {  	(v2sf) =	vpush v16, $0x2  }
0x1b5: {  	(v2sf) =	vpush v16, $0x3  }
0x1b6: {  	(v2sf) =	vpush v16, $0x4  }
0x1b7: {  	(v2sf) =	vpush v16, $0x5  }
0x1b8: {  	(v2sf) =	vpush v16, $0x6  }
0x1b9: {  	v17 =	vld [tilespmem:$0x130];
	(v2sf) =	vpush v16, $0x7  }
0x1ba: {  	(v2sf) =	vpush v16, $0x8  }
0x1bb: {  	(v2sf) =	vpush v16, $0x9  }
0x1bc: {  	(v2sf) =	vpush v16, $0xA  }
0x1bd: {  	(v2sf) =	vpush v16, $0xB  }
0x1be: {  	v41 =	vbroadcast v17, $0x0;
	v42 =	vbroadcast v17, $0x1;
	(v2sf) =	vpush v16, $0xC  }
0x1bf: {  	v44 =	vbroadcast v17, $0x2;
	(v2sf) =	vpush v16, $0xD  }
0x1c0: {  	vm8 =	veq.s32 v41, v15;
	vm9 =	veq.s32 v42, v15;
	(v2sf) =	vpush v16, $0xE  }
0x1c1: {  	v43 =	vsel vm8, $0x3F800000, v0;
	s11 =	spop (v2sf);
	(v2sf) =	vpush v16, $0xF;
	v16 =	vbroadcast v17, $0x3  }
0x1c2: {  	v45 =	vbroadcast v17, $0x4;
	vm10 =	veq.s32 v44, v15;
	v18 =	vsel vm9, $0x3F800000, v0;
	s6 =	spop (v2sf);
	[tilespmem:s11+$0x0] =	vst.add.f32.msk $0xffff, v43  }
0x1c3: {  	v46 =	vsel vm10, $0x3F800000, v0;
	s12 =	spop (v2sf);
	[tilespmem:s6+$0x0] =	vst.add.f32.msk $0xffff, v18;
	vm11 =	veq.s32 v16, v15;
	v16 =	vbroadcast v17, $0x5  }
0x1c4: {  	v48 =	vbroadcast v17, $0x6;
	vm12 =	veq.s32 v45, v15;
	s13 =	spop (v2sf);
	[tilespmem:s12+$0x0] =	vst.add.f32.msk $0xffff, v46;
	v47 =	vsel vm11, $0x3F800000, v0  }
0x1c5: {  	v49 =	vsel vm12, $0x3F800000, v0;
	s14 =	spop (v2sf);
	[tilespmem:s13+$0x0] =	vst.add.f32.msk $0xffff, v47;
	vm13 =	veq.s32 v16, v15;
	v16 =	vbroadcast v17, $0x7  }
0x1c6: {  	v51 =	vbroadcast v17, $0x8;
	vm14 =	veq.s32 v48, v15;
	s15 =	spop (v2sf);
	[tilespmem:s14+$0x0] =	vst.add.f32.msk $0xffff, v49;
	v50 =	vsel vm13, $0x3F800000, v0  }
0x1c7: {  	v52 =	vsel vm14, $0x3F800000, v0;
	s16 =	spop (v2sf);
	[tilespmem:s15+$0x0] =	vst.add.f32.msk $0xffff, v50;
	vm15 =	veq.s32 v16, v15;
	v16 =	vbroadcast v17, $0x9  }
0x1c8: {  	v54 =	vbroadcast v17, $0xA;
	vm4 =	veq.s32 v51, v15;
	s17 =	spop (v2sf);
	[tilespmem:s16+$0x0] =	vst.add.f32.msk $0xffff, v52;
	v53 =	vsel vm15, $0x3F800000, v0  }
0x1c9: {  	v55 =	vsel vm4, $0x3F800000, v0;
	s18 =	spop (v2sf);
	[tilespmem:s17+$0x0] =	vst.add.f32.msk $0xffff, v53;
	vm5 =	veq.s32 v16, v15;
	v16 =	vbroadcast v17, $0xB  }
0x1ca: {  	v57 =	vbroadcast v17, $0xC;
	vm6 =	veq.s32 v54, v15;
	s19 =	spop (v2sf);
	[tilespmem:s18+$0x0] =	vst.add.f32.msk $0xffff, v55;
	v56 =	vsel vm5, $0x3F800000, v0  }
0x1cb: {  	v58 =	vsel vm6, $0x3F800000, v0;
	s20 =	spop (v2sf);
	[tilespmem:s19+$0x0] =	vst.add.f32.msk $0xffff, v56;
	vm7 =	veq.s32 v16, v15;
	v16 =	vbroadcast v17, $0xD  }
0x1cc: {  	v60 =	vbroadcast v17, $0xE;
	vm8 =	veq.s32 v57, v15;
	s21 =	spop (v2sf);
	[tilespmem:s20+$0x0] =	vst.add.f32.msk $0xffff, v58;
	v59 =	vsel vm7, $0x3F800000, v0  }
0x1cd: {  	v61 =	vsel vm8, $0x3F800000, v0;
	[tilespmem:s21+$0x0] =	vst.add.f32.msk $0xffff, v59;
	s22 =	spop (v2sf);
	vm9 =	veq.s32 v16, v15;
	v16 =	vbroadcast v17, $0xF  }
0x1ce: {  	vm10 =	veq.s32 v60, v15;
	[tilespmem:s22+$0x0] =	vst.add.f32.msk $0xffff, v61;
	v17 =	vsel vm9, $0x3F800000, v0;
	s23 =	spop (v2sf)  }
0x1cf: {  	[tilespmem:s23+$0x0] =	vst.add.f32.msk $0xffff, v17;
	v17 =	vsel vm10, $0x3F800000, v0;
	s24 =	spop (v2sf);
	vm11 =	veq.s32 v16, v15  }
0x1d0: {  	[tilespmem:s24+$0x0] =	vst.add.f32.msk $0xffff, v17;
	v16 =	vsel vm11, $0x3F800000, v0;
	s25 =	spop (v2sf)  }
0x1d1: {  	[tilespmem:s25+$0x0] =	vst.add.f32.msk $0xffff, v16  }
0x1d2: {  	v16 =	vld.msk [tilespmem:$0x1C0], $0xf;
	_ =	sdelay $0x4  }
0x1d3: {  	v16 =	vshll.u32 v16, $0x6  }
0x1d4: {  	v16 =	vshra.s32 v16, $0x2  }
0x1d5: {  	v16 =	vadd.s32 $0x200, v16  }
0x1d6: {  	(v2sf) =	vpush v16, $0x0  }
0x1d7: {  	(v2sf) =	vpush v16, $0x1  }
0x1d8: {  	(v2sf) =	vpush v16, $0x2  }
0x1d9: {  	(v2sf) =	vpush v16, $0x3;
	_ =	sdelay $0x3  }
0x1da: {  	v16 =	vld.msk [tilespmem:$0x140], $0xf;
	_ =	sdelay $0x4  }
0x1db: {  	v17 =	vbroadcast v16, $0x0  }
0x1dc: {  	v62 =	vbroadcast v16, $0x1  }
0x1dd: {  	vm12 =	veq.s32 v17, v15;
	v17 =	vbroadcast v16, $0x2  }
0x1de: {  	vm13 =	veq.s32 v62, v15;
	v16 =	vbroadcast v16, $0x3;
	v63 =	vsel vm12, $0x3F800000, v0;
	s26 =	spop (v2sf)  }
0x1df: {  	v18 =	vsel vm13, $0x3F800000, v0;
	vm14 =	veq.s32 v17, v15;
	s28 =	spop (v2sf);
	[tilespmem:s26+$0x0] =	vst.add.f32.msk $0xffff, v63  }
0x1e0: {  	vm15 =	veq.s32 v16, v15;
	v17 =	vsel vm14, $0x3F800000, v0;
	s7 =	spop (v2sf);
	[tilespmem:s28+$0x0] =	vst.add.f32.msk $0xffff, v18  }
0x1e1: {  	p0 =	sne.s32 s2, $0x1;
	s29 =	rddreg [dreg:$0x4];
	v16 =	vsel vm15, $0x3F800000, v0;
	[tilespmem:s7+$0x0] =	vst.add.f32.msk $0xffff, v17;
	s31 =	spop (v2sf)  }
.Ltmp1:
0x1e2: {  	s30 =	rddreg [dreg:$0x5];
	[tilespmem:s31+$0x0] =	vst.add.f32.msk $0xffff, v16;
	(pc) =	sbr.rel @p0 .LBB2_2-.Ltmp1, $4  }
0x1e3: {  	[hbm4b:s29+s3] =	stream.linear.scatter [tilespmem:s30], [sflag:$0x1], $0x100, $0x38;
	[tilespmem:$0x300] =	vst v63  }
0x1e4: {  	_ =	swait.ge [sflag:s4], $0x100  }
0x1e5: {  	[sflag:s4] =	ssyncset.done $0x0  }
0x1e6: {  	s2 =	sadd.s32 $0xFFFFFFFF, s2;
	[sflag:s4] =	ssyncadd.s32 $0xFFFFFF00  }
.LBB2_3:
0x1e7: {  	_ =	sfence.sel $0x180000  }
0x1e8: {  	[bflag:$0x0] =	sbarrier.arrive $0xFFFF  }
0x1e9: {  	p0 =	sne.s32 s0, $0x0;
	_ =	strace $0x90000047  }
0x1ea: {  	s0 =	sadd.s32 @!p0 $0x100000, s1;
	[bflag:$0x2] =	sbarrier.arrive $0xFFFF  }
0x1eb: {  	[sflag:s0] =	ssyncadd.tile.s32 @!p0 $0x1;
	_ =	shalt  }
.Lfunc_end2:
_tile_overlayer_lowered:
.L_overlay_start_2:
0x1ec: {  	(tag) =	ssettag $0x2  }
0x1ed: {  	s0 =	rddreg [dreg:$0x0];
	s2 =	stileid.u32  }
0x1ee: {  	s1 =	rddreg [dreg:$0x1];
	p0 =	sne.s32 s2, $0x0  }
0x1ef: {  	s3 =	rddreg [dreg:$0x2];
	[bflag:$0x3] =	sbarrier.arrive $0xFFFF;
	s2 =	simm.s32 @!p0 $0x1C01  }
0x1f0: {  	[timem:s3], [sflag:s2] =	dma.local @!p0 [hbm:s0], s1  }
0x1f1: {  	s0 =	simm.s32 @!p0 $0x1  }
0x1f2: {  	_ =	swait.ge @!p0 [sflag:s0], s1  }
0x1f3: {  	s1 =	ssub.s32 @!p0 $0x0, s1;
	[sflag:s0] =	ssyncset.done @!p0 $0x0  }
0x1f4: {  	[sflag:s0] =	ssyncadd.s32 @!p0 s1  }
0x1f5: {  	[bflag:$0x3] =	sbarrier.arrive $0xFFFF  }
0x1f6: {  	_ =	shalt  }

</sc_bundles>
